<compile_context>
chip_gen: v7x
topology: tpu7x:2x2x1
jax: 0.10.2.dev20260603
libtpu: 0.0.44.dev20260713+nightly
codegen_flags: <defaults>
</compile_context>

<pallas_src>
import functools
import math

import jax
import jax.numpy as jnp
from jax import lax
from jax.experimental import pallas as pl
from jax.experimental.pallas import tpu as pltpu
from jax.experimental.pallas import tpu_sc as plsc

D_MODEL = 128
SCALE = math.sqrt(float(D_MODEL))

NUM_CORES = 2
NUM_SUBCORES = 16
NUM_WORKERS = NUM_CORES * NUM_SUBCORES
LANES = 16

B_TOTAL = 1024 * 200
B_PER_W = B_TOTAL // NUM_WORKERS
IDX_COLS = 128
IDX_ROWS_PER_W = B_PER_W // IDX_COLS

CHUNK = 128
NCHUNK = B_PER_W // CHUNK
RING = 5
AHEAD = 3
UNROLL_ROWS = 4


def _emb_kernel(idx_hbm, table_hbm, out_hbm, idx_v, *rest):
    bufs = rest[0:RING]
    gsems = rest[RING:2 * RING]
    wsems = rest[2 * RING:3 * RING]

    wid = lax.axis_index("s") * NUM_CORES + lax.axis_index("c")

    pltpu.sync_copy(idx_hbm.at[wid], idx_v)

    out_chunk0 = wid * NCHUNK

    def gather(g, b):
        return pltpu.make_async_copy(table_hbm.at[idx_v.at[g]], bufs[b],
                                     gsems[b])

    def write(g, b):
        row0 = (out_chunk0 + g) * CHUNK
        return pltpu.make_async_copy(bufs[b], out_hbm.at[pl.ds(row0, CHUNK)],
                                     wsems[b])

    def scale(buf):
        def row_body(i, c):
            for r in range(UNROLL_ROWS):
                row = i * UNROLL_ROWS + r
                for j in range(D_MODEL // LANES):
                    sl = pl.ds(j * LANES, LANES)
                    buf[row, sl] = buf[row, sl] * SCALE
            return c

        lax.fori_loop(0, CHUNK // UNROLL_ROWS, row_body, 0)

    def chunk_body(g, slot, with_start, with_drain):
        nslot = (slot + AHEAD) % RING
        if with_drain:
            write(g - (RING - AHEAD), nslot).wait()
        if with_start:
            gather(g + AHEAD, nslot).start()
        gather(g, slot).wait()
        scale(bufs[slot])
        write(g, slot).start()

    for c in range(AHEAD):
        gather(c, c % RING).start()

    for g in range(RING - AHEAD):
        chunk_body(g, g % RING, with_start=True, with_drain=False)

    g0 = RING - AHEAD
    steady = NCHUNK - (RING - AHEAD) - AHEAD
    rounds, leftover = divmod(steady, RING)

    def outer(t, carry):
        for b in range(RING):
            g = g0 + t * RING + b
            chunk_body(g, (g0 + b) % RING, with_start=True, with_drain=True)
        return carry

    lax.fori_loop(0, rounds, outer, 0)

    for i in range(leftover):
        g = g0 + rounds * RING + i
        chunk_body(g, g % RING, with_start=True, with_drain=True)

    for g in range(NCHUNK - AHEAD, NCHUNK):
        chunk_body(g, g % RING, with_start=False, with_drain=False)

    for g in range(NCHUNK - RING, NCHUNK):
        write(g, g % RING).wait()


@functools.partial(jax.jit, static_argnames=())
def kernel(x, table):
    idx3d = x.reshape(NUM_WORKERS, IDX_ROWS_PER_W, IDX_COLS)
    mesh = plsc.VectorSubcoreMesh(core_axis_name="c", subcore_axis_name="s")
    out = pl.kernel(
        _emb_kernel,
        mesh=mesh,
        out_type=jax.ShapeDtypeStruct((B_TOTAL, D_MODEL), jnp.float32),
        scratch_types=(
            [pltpu.VMEM((IDX_ROWS_PER_W, IDX_COLS), jnp.int32)]
            + [pltpu.VMEM((CHUNK, D_MODEL), jnp.float32) for _ in range(RING)]
            + [pltpu.SemaphoreType.DMA for _ in range(2 * RING)]
        ),
    )(idx3d, table)
    return out.reshape(x.shape[0], x.shape[1], D_MODEL)

# --- scband reference (transcript-rebuilt; emitter-appended) ---
"""Pipeline reference for scband-input-embeddings-20813411516709 (READ-ONLY COPY).

The authoritative reference and input builder live on the scoring server;
editing this copy changes nothing except your own understanding.
"""

import jax, jax.numpy as jnp
import numpy as np
import math

D_MODEL = 128
VOCAB_SIZE = 100000
PAD_IDX = 0

def setup_inputs(seed: int = 0) -> dict:
    key = jax.random.key(seed)
    k_idx, k_tab = jax.random.split(key)
    x = jax.random.randint(k_idx, (1024, 200), 0, VOCAB_SIZE, dtype=jnp.int32)
    # nn.Embedding weight ~ N(0,1); padding_idx row is zeroed at init
    table = jax.random.normal(k_tab, (VOCAB_SIZE, D_MODEL), dtype=jnp.float32)
    table = table.at[PAD_IDX].set(0.0)
    return {"x": x, "table": table}

def reference(x, table):
    # Faithful to nn.Embedding(padding_idx=pad_idx): the pad row embeds to zeros.
    t = table.at[PAD_IDX].set(0.0)
    emb = jnp.take(t, x, axis=0)  # gather: [B, L, d_model]
    return emb * math.sqrt(D_MODEL)

if __name__ == "__main__":
    import jax
    _d = setup_inputs()
    print(jax.jit(kernel)(*tuple(_d.values())))

</pallas_src>

<mosaic_0001>
#map = affine_map<(d0, d1) -> (0, 0, 0)>
#map1 = affine_map<(d0, d1) -> (0, 0)>
module attributes {stable_mosaic.version = 14 : i64} {
  func.func @_emb_kernel(%arg0: i32, %arg1: i32, %arg2: memref<32x50x128xi32, #tpu.memory_space<hbm>>, %arg3: memref<100000x128xf32, #tpu.memory_space<hbm>>, %arg4: memref<204800x128xf32, #tpu.memory_space<hbm>>, %arg5: memref<50x128xi32, #tpu.memory_space<vmem>>, %arg6: memref<128x128xf32, #tpu.memory_space<vmem>>, %arg7: memref<128x128xf32, #tpu.memory_space<vmem>>, %arg8: memref<128x128xf32, #tpu.memory_space<vmem>>, %arg9: memref<128x128xf32, #tpu.memory_space<vmem>>, %arg10: memref<128x128xf32, #tpu.memory_space<vmem>>, %arg11: memref<!tpu.dma_semaphore, #tpu.memory_space<semaphore_mem>>, %arg12: memref<!tpu.dma_semaphore, #tpu.memory_space<semaphore_mem>>, %arg13: memref<!tpu.dma_semaphore, #tpu.memory_space<semaphore_mem>>, %arg14: memref<!tpu.dma_semaphore, #tpu.memory_space<semaphore_mem>>, %arg15: memref<!tpu.dma_semaphore, #tpu.memory_space<semaphore_mem>>, %arg16: memref<!tpu.dma_semaphore, #tpu.memory_space<semaphore_mem>>, %arg17: memref<!tpu.dma_semaphore, #tpu.memory_space<semaphore_mem>>, %arg18: memref<!tpu.dma_semaphore, #tpu.memory_space<semaphore_mem>>, %arg19: memref<!tpu.dma_semaphore, #tpu.memory_space<semaphore_mem>>, %arg20: memref<!tpu.dma_semaphore, #tpu.memory_space<semaphore_mem>>) attributes {dimension_semantics = [#tpu.dimension_semantics<core_parallel>, #tpu.dimension_semantics<subcore_parallel>], iteration_bounds = array<i64: 2, 16>, scalar_prefetch = 0 : i64, scratch_operands = 16 : i64, tpu.core_type = #tpu.core_type<sc_vector_subcore>, window_params = [{transform_indices = #map}, {transform_indices = #map1}, {transform_indices = #map1}]} {
    %mul3A = arith.constant 2 : i32
    %mul3A_0 = arith.muli %arg1, %mul3A : i32
    %add3A = arith.addi %mul3A_0, %arg0 : i32
    "tpu.region"() ({
      %run_scoped3A = tpu.sem_alloc : memref<!tpu.dma_semaphore, #tpu.memory_space<semaphore_mem>>
      %dma_start3A_186 = arith.constant 0 : i32
      %dma_start3A_187 = arith.constant 0 : i32
      %dma_start3A_188 = tpu.memref_slice %arg2[%add3A, %dma_start3A_186, %dma_start3A_187] : memref<32x50x128xi32, #tpu.memory_space<hbm>> -> memref<1x50x128xi32, #tpu.memory_space<hbm>>
      %dma_start3A_189 = tpu.memref_squeeze %dma_start3A_188 : memref<1x50x128xi32, #tpu.memory_space<hbm>> -> memref<50x128xi32, #tpu.memory_space<hbm>>
      %dma_start3A_190 = arith.constant 0 : i32
      %dma_start3A_191 = arith.constant 0 : i32
      %dma_start3A_192 = tpu.memref_slice %arg2[%add3A, %dma_start3A_190, %dma_start3A_191] : memref<32x50x128xi32, #tpu.memory_space<hbm>> -> memref<1x50x128xi32, #tpu.memory_space<hbm>>
      %dma_start3A_193 = tpu.memref_squeeze %dma_start3A_192 : memref<1x50x128xi32, #tpu.memory_space<hbm>> -> memref<50x128xi32, #tpu.memory_space<hbm>>
      tpu.enqueue_dma source(%dma_start3A_193 : memref<50x128xi32, #tpu.memory_space<hbm>>) target(%arg5 : memref<50x128xi32, #tpu.memory_space<vmem>>) target_semaphore(%run_scoped3A : memref<!tpu.dma_semaphore, #tpu.memory_space<semaphore_mem>>)
      %dma_wait3A_194 = arith.constant 0 : i32
      %dma_wait3A_195 = arith.constant 0 : i32
      %dma_wait3A_196 = tpu.memref_slice %arg2[%add3A, %dma_wait3A_194, %dma_wait3A_195] : memref<32x50x128xi32, #tpu.memory_space<hbm>> -> memref<1x50x128xi32, #tpu.memory_space<hbm>>
      %dma_wait3A_197 = tpu.memref_squeeze %dma_wait3A_196 : memref<1x50x128xi32, #tpu.memory_space<hbm>> -> memref<50x128xi32, #tpu.memory_space<hbm>>
      %dma_wait3A_198 = arith.constant 0 : i32
      %dma_wait3A_199 = arith.constant 0 : i32
      %dma_wait3A_200 = tpu.memref_slice %arg2[%add3A, %dma_wait3A_198, %dma_wait3A_199] : memref<32x50x128xi32, #tpu.memory_space<hbm>> -> memref<1x50x128xi32, #tpu.memory_space<hbm>>
      %dma_wait3A_201 = tpu.memref_squeeze %dma_wait3A_200 : memref<1x50x128xi32, #tpu.memory_space<hbm>> -> memref<50x128xi32, #tpu.memory_space<hbm>>
      tpu.wait_dma2 semaphore(%run_scoped3A : memref<!tpu.dma_semaphore, #tpu.memory_space<semaphore_mem>>) src(%dma_wait3A_201 : memref<50x128xi32, #tpu.memory_space<hbm>>) dst(%arg5 : memref<50x128xi32, #tpu.memory_space<vmem>>)
      tpu.yield
    }) : () -> ()
    %mul3A_1 = arith.constant 50 : i32
    %mul3A_2 = arith.muli %add3A, %mul3A_1 : i32
    %dma_start3A = arith.constant 0 : i32
    %dma_start3A_3 = arith.constant 0 : i32
    %dma_start3A_4 = tpu.memref_slice %arg5[%dma_start3A, %dma_start3A_3] : memref<50x128xi32, #tpu.memory_space<vmem>> -> memref<1x128xi32, #tpu.memory_space<vmem>>
    %dma_start3A_5 = tpu.memref_squeeze %dma_start3A_4 : memref<1x128xi32, #tpu.memory_space<vmem>> -> memref<128xi32, #tpu.memory_space<vmem>>
    %dma_start3A_6 = arith.constant 0 : i32
    %dma_start3A_7 = arith.constant 0 : i32
    %dma_start3A_8 = tpu.memref_slice %arg3[%dma_start3A_6, %dma_start3A_7] : memref<100000x128xf32, #tpu.memory_space<hbm>> -> memref<100000x128xf32, #tpu.memory_space<hbm>>
    tpu.enqueue_indirect_dma source(%dma_start3A_8 : memref<100000x128xf32, #tpu.memory_space<hbm>>) target(%arg6 : memref<128x128xf32, #tpu.memory_space<vmem>>) offsets(%dma_start3A_5 : memref<128xi32, #tpu.memory_space<vmem>>) semaphore(%arg11 : memref<!tpu.dma_semaphore, #tpu.memory_space<semaphore_mem>>)
    %dma_start3A_9 = arith.constant 1 : i32
    %dma_start3A_10 = arith.constant 0 : i32
    %dma_start3A_11 = tpu.memref_slice %arg5[%dma_start3A_9, %dma_start3A_10] : memref<50x128xi32, #tpu.memory_space<vmem>> -> memref<1x128xi32, #tpu.memory_space<vmem>>
    %dma_start3A_12 = tpu.memref_squeeze %dma_start3A_11 : memref<1x128xi32, #tpu.memory_space<vmem>> -> memref<128xi32, #tpu.memory_space<vmem>>
    %dma_start3A_13 = arith.constant 0 : i32
    %dma_start3A_14 = arith.constant 0 : i32
    %dma_start3A_15 = tpu.memref_slice %arg3[%dma_start3A_13, %dma_start3A_14] : memref<100000x128xf32, #tpu.memory_space<hbm>> -> memref<100000x128xf32, #tpu.memory_space<hbm>>
    tpu.enqueue_indirect_dma source(%dma_start3A_15 : memref<100000x128xf32, #tpu.memory_space<hbm>>) target(%arg7 : memref<128x128xf32, #tpu.memory_space<vmem>>) offsets(%dma_start3A_12 : memref<128xi32, #tpu.memory_space<vmem>>) semaphore(%arg12 : memref<!tpu.dma_semaphore, #tpu.memory_space<semaphore_mem>>)
    %dma_start3A_16 = arith.constant 2 : i32
    %dma_start3A_17 = arith.constant 0 : i32
    %dma_start3A_18 = tpu.memref_slice %arg5[%dma_start3A_16, %dma_start3A_17] : memref<50x128xi32, #tpu.memory_space<vmem>> -> memref<1x128xi32, #tpu.memory_space<vmem>>
    %dma_start3A_19 = tpu.memref_squeeze %dma_start3A_18 : memref<1x128xi32, #tpu.memory_space<vmem>> -> memref<128xi32, #tpu.memory_space<vmem>>
    %dma_start3A_20 = arith.constant 0 : i32
    %dma_start3A_21 = arith.constant 0 : i32
    %dma_start3A_22 = tpu.memref_slice %arg3[%dma_start3A_20, %dma_start3A_21] : memref<100000x128xf32, #tpu.memory_space<hbm>> -> memref<100000x128xf32, #tpu.memory_space<hbm>>
    tpu.enqueue_indirect_dma source(%dma_start3A_22 : memref<100000x128xf32, #tpu.memory_space<hbm>>) target(%arg8 : memref<128x128xf32, #tpu.memory_space<vmem>>) offsets(%dma_start3A_19 : memref<128xi32, #tpu.memory_space<vmem>>) semaphore(%arg13 : memref<!tpu.dma_semaphore, #tpu.memory_space<semaphore_mem>>)
    %dma_start3A_23 = arith.constant 3 : i32
    %dma_start3A_24 = arith.constant 0 : i32
    %dma_start3A_25 = tpu.memref_slice %arg5[%dma_start3A_23, %dma_start3A_24] : memref<50x128xi32, #tpu.memory_space<vmem>> -> memref<1x128xi32, #tpu.memory_space<vmem>>
    %dma_start3A_26 = tpu.memref_squeeze %dma_start3A_25 : memref<1x128xi32, #tpu.memory_space<vmem>> -> memref<128xi32, #tpu.memory_space<vmem>>
    %dma_start3A_27 = arith.constant 0 : i32
    %dma_start3A_28 = arith.constant 0 : i32
    %dma_start3A_29 = tpu.memref_slice %arg3[%dma_start3A_27, %dma_start3A_28] : memref<100000x128xf32, #tpu.memory_space<hbm>> -> memref<100000x128xf32, #tpu.memory_space<hbm>>
    tpu.enqueue_indirect_dma source(%dma_start3A_29 : memref<100000x128xf32, #tpu.memory_space<hbm>>) target(%arg9 : memref<128x128xf32, #tpu.memory_space<vmem>>) offsets(%dma_start3A_26 : memref<128xi32, #tpu.memory_space<vmem>>) semaphore(%arg14 : memref<!tpu.dma_semaphore, #tpu.memory_space<semaphore_mem>>)
    %dma_wait3A = arith.constant 0 : i32
    %dma_wait3A_30 = arith.constant 0 : i32
    %dma_wait3A_31 = tpu.memref_slice %arg5[%dma_wait3A, %dma_wait3A_30] : memref<50x128xi32, #tpu.memory_space<vmem>> -> memref<1x128xi32, #tpu.memory_space<vmem>>
    %dma_wait3A_32 = tpu.memref_squeeze %dma_wait3A_31 : memref<1x128xi32, #tpu.memory_space<vmem>> -> memref<128xi32, #tpu.memory_space<vmem>>
    %dma_wait3A_33 = arith.constant 0 : i32
    %dma_wait3A_34 = arith.constant 0 : i32
    %dma_wait3A_35 = tpu.memref_slice %arg3[%dma_wait3A_33, %dma_wait3A_34] : memref<100000x128xf32, #tpu.memory_space<hbm>> -> memref<100000x128xf32, #tpu.memory_space<hbm>>
    tpu.wait_indirect_dma semaphore(%arg11 : memref<!tpu.dma_semaphore, #tpu.memory_space<semaphore_mem>>) src(%dma_wait3A_35 : memref<100000x128xf32, #tpu.memory_space<hbm>>) dst(%arg6 : memref<128x128xf32, #tpu.memory_space<vmem>>)
    %scan3A = arith.constant 0 : i32
    %scan3A_36 = arith.constant 0 : i32
    %scan3A_37 = arith.constant 32 : i32
    %scan3A_38 = arith.addi %scan3A_36, %scan3A_37 : i32
    %scan3A_39 = arith.constant 1 : i32
    scf.for %scan3A_186 = %scan3A_36 to %scan3A_38 step %scan3A_39  : i32 {
      %mul3A_187 = arith.constant 4 : i32
      %mul3A_188 = arith.muli %scan3A_186, %mul3A_187 : i32
      %add3A_189 = arith.constant 0 : i32
      %add3A_190 = arith.addi %mul3A_188, %add3A_189 : i32
      %get3A = arith.index_cast %add3A_190 : i32 to index
      %get3A_191 = arith.constant 0 : index
      %get3A_192 = tpu.vector_load %arg6[%get3A, %get3A_191] {strides = array<i32>} : memref<128x128xf32, #tpu.memory_space<vmem>>, vector<1x16xf32>,
      %get3A_193 = vector.shape_cast %get3A_192 : vector<1x16xf32> to vector<16xf32>
      %mul3A_194 = arith.constant 11.3137083 : f32
      %mul3A_195 = vector.broadcast %mul3A_194 : f32 to vector<16xf32>
      %mul3A_196 = arith.mulf %get3A_193, %mul3A_195 : vector<16xf32>
      %swap3A = arith.index_cast %add3A_190 : i32 to index
      %swap3A_197 = arith.constant 0 : index
      %swap3A_198 = tpu.vector_load %arg6[%swap3A, %swap3A_197] {strides = array<i32>} : memref<128x128xf32, #tpu.memory_space<vmem>>, vector<1x16xf32>,
      %swap3A_199 = vector.shape_cast %swap3A_198 : vector<1x16xf32> to vector<16xf32>
      %swap3A_200 = vector.shape_cast %mul3A_196 : vector<16xf32> to vector<1x16xf32>
      tpu.vector_store %arg6[%swap3A, %swap3A_197], %swap3A_200 {strides = array<i32>} : memref<128x128xf32, #tpu.memory_space<vmem>>, vector<1x16xf32>,
      %get3A_201 = arith.index_cast %add3A_190 : i32 to index
      %get3A_202 = arith.constant 16 : index
      %get3A_203 = tpu.vector_load %arg6[%get3A_201, %get3A_202] {strides = array<i32>} : memref<128x128xf32, #tpu.memory_space<vmem>>, vector<1x16xf32>,
      %get3A_204 = vector.shape_cast %get3A_203 : vector<1x16xf32> to vector<16xf32>
      %mul3A_205 = arith.constant 11.3137083 : f32
      %mul3A_206 = vector.broadcast %mul3A_205 : f32 to vector<16xf32>
      %mul3A_207 = arith.mulf %get3A_204, %mul3A_206 : vector<16xf32>
      %swap3A_208 = arith.index_cast %add3A_190 : i32 to index
      %swap3A_209 = arith.constant 16 : index
      %swap3A_210 = tpu.vector_load %arg6[%swap3A_208, %swap3A_209] {strides = array<i32>} : memref<128x128xf32, #tpu.memory_space<vmem>>, vector<1x16xf32>,
      %swap3A_211 = vector.shape_cast %swap3A_210 : vector<1x16xf32> to vector<16xf32>
      %swap3A_212 = vector.shape_cast %mul3A_207 : vector<16xf32> to vector<1x16xf32>
      tpu.vector_store %arg6[%swap3A_208, %swap3A_209], %swap3A_212 {strides = array<i32>} : memref<128x128xf32, #tpu.memory_space<vmem>>, vector<1x16xf32>,
      %get3A_213 = arith.index_cast %add3A_190 : i32 to index
      %get3A_214 = arith.constant 32 : index
      %get3A_215 = tpu.vector_load %arg6[%get3A_213, %get3A_214] {strides = array<i32>} : memref<128x128xf32, #tpu.memory_space<vmem>>, vector<1x16xf32>,
      %get3A_216 = vector.shape_cast %get3A_215 : vector<1x16xf32> to vector<16xf32>
      %mul3A_217 = arith.constant 11.3137083 : f32
      %mul3A_218 = vector.broadcast %mul3A_217 : f32 to vector<16xf32>
      %mul3A_219 = arith.mulf %get3A_216, %mul3A_218 : vector<16xf32>
      %swap3A_220 = arith.index_cast %add3A_190 : i32 to index
      %swap3A_221 = arith.constant 32 : index
      %swap3A_222 = tpu.vector_load %arg6[%swap3A_220, %swap3A_221] {strides = array<i32>} : memref<128x128xf32, #tpu.memory_space<vmem>>, vector<1x16xf32>,
      %swap3A_223 = vector.shape_cast %swap3A_222 : vector<1x16xf32> to vector<16xf32>
      %swap3A_224 = vector.shape_cast %mul3A_219 : vector<16xf32> to vector<1x16xf32>
      tpu.vector_store %arg6[%swap3A_220, %swap3A_221], %swap3A_224 {strides = array<i32>} : memref<128x128xf32, #tpu.memory_space<vmem>>, vector<1x16xf32>,
      %get3A_225 = arith.index_cast %add3A_190 : i32 to index
      %get3A_226 = arith.constant 48 : index
      %get3A_227 = tpu.vector_load %arg6[%get3A_225, %get3A_226] {strides = array<i32>} : memref<128x128xf32, #tpu.memory_space<vmem>>, vector<1x16xf32>,
      %get3A_228 = vector.shape_cast %get3A_227 : vector<1x16xf32> to vector<16xf32>
      %mul3A_229 = arith.constant 11.3137083 : f32
      %mul3A_230 = vector.broadcast %mul3A_229 : f32 to vector<16xf32>
      %mul3A_231 = arith.mulf %get3A_228, %mul3A_230 : vector<16xf32>
      %swap3A_232 = arith.index_cast %add3A_190 : i32 to index
      %swap3A_233 = arith.constant 48 : index
      %swap3A_234 = tpu.vector_load %arg6[%swap3A_232, %swap3A_233] {strides = array<i32>} : memref<128x128xf32, #tpu.memory_space<vmem>>, vector<1x16xf32>,
      %swap3A_235 = vector.shape_cast %swap3A_234 : vector<1x16xf32> to vector<16xf32>
      %swap3A_236 = vector.shape_cast %mul3A_231 : vector<16xf32> to vector<1x16xf32>
      tpu.vector_store %arg6[%swap3A_232, %swap3A_233], %swap3A_236 {strides = array<i32>} : memref<128x128xf32, #tpu.memory_space<vmem>>, vector<1x16xf32>,
      %get3A_237 = arith.index_cast %add3A_190 : i32 to index
      %get3A_238 = arith.constant 64 : index
      %get3A_239 = tpu.vector_load %arg6[%get3A_237, %get3A_238] {strides = array<i32>} : memref<128x128xf32, #tpu.memory_space<vmem>>, vector<1x16xf32>,
      %get3A_240 = vector.shape_cast %get3A_239 : vector<1x16xf32> to vector<16xf32>
      %mul3A_241 = arith.constant 11.3137083 : f32
      %mul3A_242 = vector.broadcast %mul3A_241 : f32 to vector<16xf32>
      %mul3A_243 = arith.mulf %get3A_240, %mul3A_242 : vector<16xf32>
      %swap3A_244 = arith.index_cast %add3A_190 : i32 to index
      %swap3A_245 = arith.constant 64 : index
      %swap3A_246 = tpu.vector_load %arg6[%swap3A_244, %swap3A_245] {strides = array<i32>} : memref<128x128xf32, #tpu.memory_space<vmem>>, vector<1x16xf32>,
      %swap3A_247 = vector.shape_cast %swap3A_246 : vector<1x16xf32> to vector<16xf32>
      %swap3A_248 = vector.shape_cast %mul3A_243 : vector<16xf32> to vector<1x16xf32>
      tpu.vector_store %arg6[%swap3A_244, %swap3A_245], %swap3A_248 {strides = array<i32>} : memref<128x128xf32, #tpu.memory_space<vmem>>, vector<1x16xf32>,
      %get3A_249 = arith.index_cast %add3A_190 : i32 to index
      %get3A_250 = arith.constant 80 : index
      %get3A_251 = tpu.vector_load %arg6[%get3A_249, %get3A_250] {strides = array<i32>} : memref<128x128xf32, #tpu.memory_space<vmem>>, vector<1x16xf32>,
      %get3A_252 = vector.shape_cast %get3A_251 : vector<1x16xf32> to vector<16xf32>
      %mul3A_253 = arith.constant 11.3137083 : f32
      %mul3A_254 = vector.broadcast %mul3A_253 : f32 to vector<16xf32>
      %mul3A_255 = arith.mulf %get3A_252, %mul3A_254 : vector<16xf32>
      %swap3A_256 = arith.index_cast %add3A_190 : i32 to index
      %swap3A_257 = arith.constant 80 : index
      %swap3A_258 = tpu.vector_load %arg6[%swap3A_256, %swap3A_257] {strides = array<i32>} : memref<128x128xf32, #tpu.memory_space<vmem>>, vector<1x16xf32>,
      %swap3A_259 = vector.shape_cast %swap3A_258 : vector<1x16xf32> to vector<16xf32>
      %swap3A_260 = vector.shape_cast %mul3A_255 : vector<16xf32> to vector<1x16xf32>
      tpu.vector_store %arg6[%swap3A_256, %swap3A_257], %swap3A_260 {strides = array<i32>} : memref<128x128xf32, #tpu.memory_space<vmem>>, vector<1x16xf32>,
      %get3A_261 = arith.index_cast %add3A_190 : i32 to index
      %get3A_262 = arith.constant 96 : index
      %get3A_263 = tpu.vector_load %arg6[%get3A_261, %get3A_262] {strides = array<i32>} : memref<128x128xf32, #tpu.memory_space<vmem>>, vector<1x16xf32>,
      %get3A_264 = vector.shape_cast %get3A_263 : vector<1x16xf32> to vector<16xf32>
      %mul3A_265 = arith.constant 11.3137083 : f32
      %mul3A_266 = vector.broadcast %mul3A_265 : f32 to vector<16xf32>
      %mul3A_267 = arith.mulf %get3A_264, %mul3A_266 : vector<16xf32>
      %swap3A_268 = arith.index_cast %add3A_190 : i32 to index
      %swap3A_269 = arith.constant 96 : index
      %swap3A_270 = tpu.vector_load %arg6[%swap3A_268, %swap3A_269] {strides = array<i32>} : memref<128x128xf32, #tpu.memory_space<vmem>>, vector<1x16xf32>,
      %swap3A_271 = vector.shape_cast %swap3A_270 : vector<1x16xf32> to vector<16xf32>
      %swap3A_272 = vector.shape_cast %mul3A_267 : vector<16xf32> to vector<1x16xf32>
      tpu.vector_store %arg6[%swap3A_268, %swap3A_269], %swap3A_272 {strides = array<i32>} : memref<128x128xf32, #tpu.memory_space<vmem>>, vector<1x16xf32>,
      %get3A_273 = arith.index_cast %add3A_190 : i32 to index
      %get3A_274 = arith.constant 112 : index
      %get3A_275 = tpu.vector_load %arg6[%get3A_273, %get3A_274] {strides = array<i32>} : memref<128x128xf32, #tpu.memory_space<vmem>>, vector<1x16xf32>,
      %get3A_276 = vector.shape_cast %get3A_275 : vector<1x16xf32> to vector<16xf32>
      %mul3A_277 = arith.constant 11.3137083 : f32
      %mul3A_278 = vector.broadcast %mul3A_277 : f32 to vector<16xf32>
      %mul3A_279 = arith.mulf %get3A_276, %mul3A_278 : vector<16xf32>
      %swap3A_280 = arith.index_cast %add3A_190 : i32 to index
      %swap3A_281 = arith.constant 112 : index
      %swap3A_282 = tpu.vector_load %arg6[%swap3A_280, %swap3A_281] {strides = array<i32>} : memref<128x128xf32, #tpu.memory_space<vmem>>, vector<1x16xf32>,
      %swap3A_283 = vector.shape_cast %swap3A_282 : vector<1x16xf32> to vector<16xf32>
      %swap3A_284 = vector.shape_cast %mul3A_279 : vector<16xf32> to vector<1x16xf32>
      tpu.vector_store %arg6[%swap3A_280, %swap3A_281], %swap3A_284 {strides = array<i32>} : memref<128x128xf32, #tpu.memory_space<vmem>>, vector<1x16xf32>,
      %mul3A_285 = arith.constant 4 : i32
      %mul3A_286 = arith.muli %scan3A_186, %mul3A_285 : i32
      %add3A_287 = arith.constant 1 : i32
      %add3A_288 = arith.addi %mul3A_286, %add3A_287 : i32
      %get3A_289 = arith.index_cast %add3A_288 : i32 to index
      %get3A_290 = arith.constant 0 : index
      %get3A_291 = tpu.vector_load %arg6[%get3A_289, %get3A_290] {strides = array<i32>} : memref<128x128xf32, #tpu.memory_space<vmem>>, vector<1x16xf32>,
      %get3A_292 = vector.shape_cast %get3A_291 : vector<1x16xf32> to vector<16xf32>
      %mul3A_293 = arith.constant 11.3137083 : f32
      %mul3A_294 = vector.broadcast %mul3A_293 : f32 to vector<16xf32>
      %mul3A_295 = arith.mulf %get3A_292, %mul3A_294 : vector<16xf32>
      %swap3A_296 = arith.index_cast %add3A_288 : i32 to index
      %swap3A_297 = arith.constant 0 : index
      %swap3A_298 = tpu.vector_load %arg6[%swap3A_296, %swap3A_297] {strides = array<i32>} : memref<128x128xf32, #tpu.memory_space<vmem>>, vector<1x16xf32>,
      %swap3A_299 = vector.shape_cast %swap3A_298 : vector<1x16xf32> to vector<16xf32>
      %swap3A_300 = vector.shape_cast %mul3A_295 : vector<16xf32> to vector<1x16xf32>
      tpu.vector_store %arg6[%swap3A_296, %swap3A_297], %swap3A_300 {strides = array<i32>} : memref<128x128xf32, #tpu.memory_space<vmem>>, vector<1x16xf32>,
      %get3A_301 = arith.index_cast %add3A_288 : i32 to index
      %get3A_302 = arith.constant 16 : index
      %get3A_303 = tpu.vector_load %arg6[%get3A_301, %get3A_302] {strides = array<i32>} : memref<128x128xf32, #tpu.memory_space<vmem>>, vector<1x16xf32>,
      %get3A_304 = vector.shape_cast %get3A_303 : vector<1x16xf32> to vector<16xf32>
      %mul3A_305 = arith.constant 11.3137083 : f32
      %mul3A_306 = vector.broadcast %mul3A_305 : f32 to vector<16xf32>
      %mul3A_307 = arith.mulf %get3A_304, %mul3A_306 : vector<16xf32>
      %swap3A_308 = arith.index_cast %add3A_288 : i32 to index
      %swap3A_309 = arith.constant 16 : index
      %swap3A_310 = tpu.vector_load %arg6[%swap3A_308, %swap3A_309] {strides = array<i32>} : memref<128x128xf32, #tpu.memory_space<vmem>>, vector<1x16xf32>,
      %swap3A_311 = vector.shape_cast %swap3A_310 : vector<1x16xf32> to vector<16xf32>
      %swap3A_312 = vector.shape_cast %mul3A_307 : vector<16xf32> to vector<1x16xf32>
      tpu.vector_store %arg6[%swap3A_308, %swap3A_309], %swap3A_312 {strides = array<i32>} : memref<128x128xf32, #tpu.memory_space<vmem>>, vector<1x16xf32>,
      %get3A_313 = arith.index_cast %add3A_288 : i32 to index
      %get3A_314 = arith.constant 32 : index
      %get3A_315 = tpu.vector_load %arg6[%get3A_313, %get3A_314] {strides = array<i32>} : memref<128x128xf32, #tpu.memory_space<vmem>>, vector<1x16xf32>,
      %get3A_316 = vector.shape_cast %get3A_315 : vector<1x16xf32> to vector<16xf32>
      %mul3A_317 = arith.constant 11.3137083 : f32
      %mul3A_318 = vector.broadcast %mul3A_317 : f32 to vector<16xf32>
      %mul3A_319 = arith.mulf %get3A_316, %mul3A_318 : vector<16xf32>
      %swap3A_320 = arith.index_cast %add3A_288 : i32 to index
      %swap3A_321 = arith.constant 32 : index
      %swap3A_322 = tpu.vector_load %arg6[%swap3A_320, %swap3A_321] {strides = array<i32>} : memref<128x128xf32, #tpu.memory_space<vmem>>, vector<1x16xf32>,
      %swap3A_323 = vector.shape_cast %swap3A_322 : vector<1x16xf32> to vector<16xf32>
      %swap3A_324 = vector.shape_cast %mul3A_319 : vector<16xf32> to vector<1x16xf32>
      tpu.vector_store %arg6[%swap3A_320, %swap3A_321], %swap3A_324 {strides = array<i32>} : memref<128x128xf32, #tpu.memory_space<vmem>>, vector<1x16xf32>,
      %get3A_325 = arith.index_cast %add3A_288 : i32 to index
      %get3A_326 = arith.constant 48 : index
      %get3A_327 = tpu.vector_load %arg6[%get3A_325, %get3A_326] {strides = array<i32>} : memref<128x128xf32, #tpu.memory_space<vmem>>, vector<1x16xf32>,
      %get3A_328 = vector.shape_cast %get3A_327 : vector<1x16xf32> to vector<16xf32>
      %mul3A_329 = arith.constant 11.3137083 : f32
      %mul3A_330 = vector.broadcast %mul3A_329 : f32 to vector<16xf32>
      %mul3A_331 = arith.mulf %get3A_328, %mul3A_330 : vector<16xf32>
      %swap3A_332 = arith.index_cast %add3A_288 : i32 to index
      %swap3A_333 = arith.constant 48 : index
      %swap3A_334 = tpu.vector_load %arg6[%swap3A_332, %swap3A_333] {strides = array<i32>} : memref<128x128xf32, #tpu.memory_space<vmem>>, vector<1x16xf32>,
      %swap3A_335 = vector.shape_cast %swap3A_334 : vector<1x16xf32> to vector<16xf32>
      %swap3A_336 = vector.shape_cast %mul3A_331 : vector<16xf32> to vector<1x16xf32>
      tpu.vector_store %arg6[%swap3A_332, %swap3A_333], %swap3A_336 {strides = array<i32>} : memref<128x128xf32, #tpu.memory_space<vmem>>, vector<1x16xf32>,
      %get3A_337 = arith.index_cast %add3A_288 : i32 to index
      %get3A_338 = arith.constant 64 : index
      %get3A_339 = tpu.vector_load %arg6[%get3A_337, %get3A_338] {strides = array<i32>} : memref<128x128xf32, #tpu.memory_space<vmem>>, vector<1x16xf32>,
      %get3A_340 = vector.shape_cast %get3A_339 : vector<1x16xf32> to vector<16xf32>
      %mul3A_341 = arith.constant 11.3137083 : f32
      %mul3A_342 = vector.broadcast %mul3A_341 : f32 to vector<16xf32>
      %mul3A_343 = arith.mulf %get3A_340, %mul3A_342 : vector<16xf32>
      %swap3A_344 = arith.index_cast %add3A_288 : i32 to index
      %swap3A_345 = arith.constant 64 : index
      %swap3A_346 = tpu.vector_load %arg6[%swap3A_344, %swap3A_345] {strides = array<i32>} : memref<128x128xf32, #tpu.memory_space<vmem>>, vector<1x16xf32>,
      %swap3A_347 = vector.shape_cast %swap3A_346 : vector<1x16xf32> to vector<16xf32>
      %swap3A_348 = vector.shape_cast %mul3A_343 : vector<16xf32> to vector<1x16xf32>
      tpu.vector_store %arg6[%swap3A_344, %swap3A_345], %swap3A_348 {strides = array<i32>} : memref<128x128xf32, #tpu.memory_space<vmem>>, vector<1x16xf32>,
      %get3A_349 = arith.index_cast %add3A_288 : i32 to index
      %get3A_350 = arith.constant 80 : index
      %get3A_351 = tpu.vector_load %arg6[%get3A_349, %get3A_350] {strides = array<i32>} : memref<128x128xf32, #tpu.memory_space<vmem>>, vector<1x16xf32>,
      %get3A_352 = vector.shape_cast %get3A_351 : vector<1x16xf32> to vector<16xf32>
      %mul3A_353 = arith.constant 11.3137083 : f32
      %mul3A_354 = vector.broadcast %mul3A_353 : f32 to vector<16xf32>
      %mul3A_355 = arith.mulf %get3A_352, %mul3A_354 : vector<16xf32>
      %swap3A_356 = arith.index_cast %add3A_288 : i32 to index
      %swap3A_357 = arith.constant 80 : index
      %swap3A_358 = tpu.vector_load %arg6[%swap3A_356, %swap3A_357] {strides = array<i32>} : memref<128x128xf32, #tpu.memory_space<vmem>>, vector<1x16xf32>,
      %swap3A_359 = vector.shape_cast %swap3A_358 : vector<1x16xf32> to vector<16xf32>
      %swap3A_360 = vector.shape_cast %mul3A_355 : vector<16xf32> to vector<1x16xf32>
      tpu.vector_store %arg6[%swap3A_356, %swap3A_357], %swap3A_360 {strides = array<i32>} : memref<128x128xf32, #tpu.memory_space<vmem>>, vector<1x16xf32>,
      %get3A_361 = arith.index_cast %add3A_288 : i32 to index
      %get3A_362 = arith.constant 96 : index
      %get3A_363 = tpu.vector_load %arg6[%get3A_361, %get3A_362] {strides = array<i32>} : memref<128x128xf32, #tpu.memory_space<vmem>>, vector<1x16xf32>,
      %get3A_364 = vector.shape_cast %get3A_363 : vector<1x16xf32> to vector<16xf32>
      %mul3A_365 = arith.constant 11.3137083 : f32
      %mul3A_366 = vector.broadcast %mul3A_365 : f32 to vector<16xf32>
      %mul3A_367 = arith.mulf %get3A_364, %mul3A_366 : vector<16xf32>
      %swap3A_368 = arith.index_cast %add3A_288 : i32 to index
      %swap3A_369 = arith.constant 96 : index
      %swap3A_370 = tpu.vector_load %arg6[%swap3A_368, %swap3A_369] {strides = array<i32>} : memref<128x128xf32, #tpu.memory_space<vmem>>, vector<1x16xf32>,
      %swap3A_371 = vector.shape_cast %swap3A_370 : vector<1x16xf32> to vector<16xf32>
      %swap3A_372 = vector.shape_cast %mul3A_367 : vector<16xf32> to vector<1x16xf32>
      tpu.vector_store %arg6[%swap3A_368, %swap3A_369], %swap3A_372 {strides = array<i32>} : memref<128x128xf32, #tpu.memory_space<vmem>>, vector<1x16xf32>,
      %get3A_373 = arith.index_cast %add3A_288 : i32 to index
      %get3A_374 = arith.constant 112 : index
      %get3A_375 = tpu.vector_load %arg6[%get3A_373, %get3A_374] {strides = array<i32>} : memref<128x128xf32, #tpu.memory_space<vmem>>, vector<1x16xf32>,
      %get3A_376 = vector.shape_cast %get3A_375 : vector<1x16xf32> to vector<16xf32>
      %mul3A_377 = arith.constant 11.3137083 : f32
      %mul3A_378 = vector.broadcast %mul3A_377 : f32 to vector<16xf32>
      %mul3A_379 = arith.mulf %get3A_376, %mul3A_378 : vector<16xf32>
      %swap3A_380 = arith.index_cast %add3A_288 : i32 to index
      %swap3A_381 = arith.constant 112 : index
      %swap3A_382 = tpu.vector_load %arg6[%swap3A_380, %swap3A_381] {strides = array<i32>} : memref<128x128xf32, #tpu.memory_space<vmem>>, vector<1x16xf32>,
      %swap3A_383 = vector.shape_cast %swap3A_382 : vector<1x16xf32> to vector<16xf32>
      %swap3A_384 = vector.shape_cast %mul3A_379 : vector<16xf32> to vector<1x16xf32>
      tpu.vector_store %arg6[%swap3A_380, %swap3A_381], %swap3A_384 {strides = array<i32>} : memref<128x128xf32, #tpu.memory_space<vmem>>, vector<1x16xf32>,
      %mul3A_385 = arith.constant 4 : i32
      %mul3A_386 = arith.muli %scan3A_186, %mul3A_385 : i32
      %add3A_387 = arith.constant 2 : i32
      %add3A_388 = arith.addi %mul3A_386, %add3A_387 : i32
      %get3A_389 = arith.index_cast %add3A_388 : i32 to index
      %get3A_390 = arith.constant 0 : index
      %get3A_391 = tpu.vector_load %arg6[%get3A_389, %get3A_390] {strides = array<i32>} : memref<128x128xf32, #tpu.memory_space<vmem>>, vector<1x16xf32>,
      %get3A_392 = vector.shape_cast %get3A_391 : vector<1x16xf32> to vector<16xf32>
      %mul3A_393 = arith.constant 11.3137083 : f32
      %mul3A_394 = vector.broadcast %mul3A_393 : f32 to vector<16xf32>
      %mul3A_395 = arith.mulf %get3A_392, %mul3A_394 : vector<16xf32>
      %swap3A_396 = arith.index_cast %add3A_388 : i32 to index
      %swap3A_397 = arith.constant 0 : index
      %swap3A_398 = tpu.vector_load %arg6[%swap3A_396, %swap3A_397] {strides = array<i32>} : memref<128x128xf32, #tpu.memory_space<vmem>>, vector<1x16xf32>,
      %swap3A_399 = vector.shape_cast %swap3A_398 : vector<1x16xf32> to vector<16xf32>
      %swap3A_400 = vector.shape_cast %mul3A_395 : vector<16xf32> to vector<1x16xf32>
      tpu.vector_store %arg6[%swap3A_396, %swap3A_397], %swap3A_400 {strides = array<i32>} : memref<128x128xf32, #tpu.memory_space<vmem>>, vector<1x16xf32>,
      %get3A_401 = arith.index_cast %add3A_388 : i32 to index
      %get3A_402 = arith.constant 16 : index
      %get3A_403 = tpu.vector_load %arg6[%get3A_401, %get3A_402] {strides = array<i32>} : memref<128x128xf32, #tpu.memory_space<vmem>>, vector<1x16xf32>,
      %get3A_404 = vector.shape_cast %get3A_403 : vector<1x16xf32> to vector<16xf32>
      %mul3A_405 = arith.constant 11.3137083 : f32
      %mul3A_406 = vector.broadcast %mul3A_405 : f32 to vector<16xf32>
      %mul3A_407 = arith.mulf %get3A_404, %mul3A_406 : vector<16xf32>
      %swap3A_408 = arith.index_cast %add3A_388 : i32 to index
      %swap3A_409 = arith.constant 16 : index
      %swap3A_410 = tpu.vector_load %arg6[%swap3A_408, %swap3A_409] {strides = array<i32>} : memref<128x128xf32, #tpu.memory_space<vmem>>, vector<1x16xf32>,
      %swap3A_411 = vector.shape_cast %swap3A_410 : vector<1x16xf32> to vector<16xf32>
      %swap3A_412 = vector.shape_cast %mul3A_407 : vector<16xf32> to vector<1x16xf32>
      tpu.vector_store %arg6[%swap3A_408, %swap3A_409], %swap3A_412 {strides = array<i32>} : memref<128x128xf32, #tpu.memory_space<vmem>>, vector<1x16xf32>,
      %get3A_413 = arith.index_cast %add3A_388 : i32 to index
      %get3A_414 = arith.constant 32 : index
      %get3A_415 = tpu.vector_load %arg6[%get3A_413, %get3A_414] {strides = array<i32>} : memref<128x128xf32, #tpu.memory_space<vmem>>, vector<1x16xf32>,
      %get3A_416 = vector.shape_cast %get3A_415 : vector<1x16xf32> to vector<16xf32>
      %mul3A_417 = arith.constant 11.3137083 : f32
      %mul3A_418 = vector.broadcast %mul3A_417 : f32 to vector<16xf32>
      %mul3A_419 = arith.mulf %get3A_416, %mul3A_418 : vector<16xf32>
      %swap3A_420 = arith.index_cast %add3A_388 : i32 to index
      %swap3A_421 = arith.constant 32 : index
      %swap3A_422 = tpu.vector_load %arg6[%swap3A_420, %swap3A_421] {strides = array<i32>} : memref<128x128xf32, #tpu.memory_space<vmem>>, vector<1x16xf32>,
      %swap3A_423 = vector.shape_cast %swap3A_422 : vector<1x16xf32> to vector<16xf32>
      %swap3A_424 = vector.shape_cast %mul3A_419 : vector<16xf32> to vector<1x16xf32>
      tpu.vector_store %arg6[%swap3A_420, %swap3A_421], %swap3A_424 {strides = array<i32>} : memref<128x128xf32, #tpu.memory_space<vmem>>, vector<1x16xf32>,
      %get3A_425 = arith.index_cast %add3A_388 : i32 to index
      %get3A_426 = arith.constant 48 : index
      %get3A_427 = tpu.vector_load %arg6[%get3A_425, %get3A_426] {strides = array<i32>} : memref<128x128xf32, #tpu.memory_space<vmem>>, vector<1x16xf32>,
      %get3A_428 = vector.shape_cast %get3A_427 : vector<1x16xf32> to vector<16xf32>
      %mul3A_429 = arith.constant 11.3137083 : f32
      %mul3A_430 = vector.broadcast %mul3A_429 : f32 to vector<16xf32>
      %mul3A_431 = arith.mulf %get3A_428, %mul3A_430 : vector<16xf32>
      %swap3A_432 = arith.index_cast %add3A_388 : i32 to index
      %swap3A_433 = arith.constant 48 : index
      %swap3A_434 = tpu.vector_load %arg6[%swap3A_432, %swap3A_433] {strides = array<i32>} : memref<128x128xf32, #tpu.memory_space<vmem>>, vector<1x16xf32>,
      %swap3A_435 = vector.shape_cast %swap3A_434 : vector<1x16xf32> to vector<16xf32>
      %swap3A_436 = vector.shape_cast %mul3A_431 : vector<16xf32> to vector<1x16xf32>
      tpu.vector_store %arg6[%swap3A_432, %swap3A_433], %swap3A_436 {strides = array<i32>} : memref<128x128xf32, #tpu.memory_space<vmem>>, vector<1x16xf32>,
      %get3A_437 = arith.index_cast %add3A_388 : i32 to index
      %get3A_438 = arith.constant 64 : index
      %get3A_439 = tpu.vector_load %arg6[%get3A_437, %get3A_438] {strides = array<i32>} : memref<128x128xf32, #tpu.memory_space<vmem>>, vector<1x16xf32>,
      %get3A_440 = vector.shape_cast %get3A_439 : vector<1x16xf32> to vector<16xf32>
      %mul3A_441 = arith.constant 11.3137083 : f32
      %mul3A_442 = vector.broadcast %mul3A_441 : f32 to vector<16xf32>
      %mul3A_443 = arith.mulf %get3A_440, %mul3A_442 : vector<16xf32>
      %swap3A_444 = arith.index_cast %add3A_388 : i32 to index
      %swap3A_445 = arith.constant 64 : index
      %swap3A_446 = tpu.vector_load %arg6[%swap3A_444, %swap3A_445] {strides = array<i32>} : memref<128x128xf32, #tpu.memory_space<vmem>>, vector<1x16xf32>,
      %swap3A_447 = vector.shape_cast %swap3A_446 : vector<1x16xf32> to vector<16xf32>
      %swap3A_448 = vector.shape_cast %mul3A_443 : vector<16xf32> to vector<1x16xf32>
      tpu.vector_store %arg6[%swap3A_444, %swap3A_445], %swap3A_448 {strides = array<i32>} : memref<128x128xf32, #tpu.memory_space<vmem>>, vector<1x16xf32>,
      %get3A_449 = arith.index_cast %add3A_388 : i32 to index
      %get3A_450 = arith.constant 80 : index
      %get3A_451 = tpu.vector_load %arg6[%get3A_449, %get3A_450] {strides = array<i32>} : memref<128x128xf32, #tpu.memory_space<vmem>>, vector<1x16xf32>,
      %get3A_452 = vector.shape_cast %get3A_451 : vector<1x16xf32> to vector<16xf32>
      %mul3A_453 = arith.constant 11.3137083 : f32
      %mul3A_454 = vector.broadcast %mul3A_453 : f32 to vector<16xf32>
      %mul3A_455 = arith.mulf %get3A_452, %mul3A_454 : vector<16xf32>
      %swap3A_456 = arith.index_cast %add3A_388 : i32 to index
      %swap3A_457 = arith.constant 80 : index
      %swap3A_458 = tpu.vector_load %arg6[%swap3A_456, %swap3A_457] {strides = array<i32>} : memref<128x128xf32, #tpu.memory_space<vmem>>, vector<1x16xf32>,
      %swap3A_459 = vector.shape_cast %swap3A_458 : vector<1x16xf32> to vector<16xf32>
      %swap3A_460 = vector.shape_cast %mul3A_455 : vector<16xf32> to vector<1x16xf32>
      tpu.vector_store %arg6[%swap3A_456, %swap3A_457], %swap3A_460 {strides = array<i32>} : memref<128x128xf32, #tpu.memory_space<vmem>>, vector<1x16xf32>,
      %get3A_461 = arith.index_cast %add3A_388 : i32 to index
      %get3A_462 = arith.constant 96 : index
      %get3A_463 = tpu.vector_load %arg6[%get3A_461, %get3A_462] {strides = array<i32>} : memref<128x128xf32, #tpu.memory_space<vmem>>, vector<1x16xf32>,
      %get3A_464 = vector.shape_cast %get3A_463 : vector<1x16xf32> to vector<16xf32>
      %mul3A_465 = arith.constant 11.3137083 : f32
      %mul3A_466 = vector.broadcast %mul3A_465 : f32 to vector<16xf32>
      %mul3A_467 = arith.mulf %get3A_464, %mul3A_466 : vector<16xf32>
      %swap3A_468 = arith.index_cast %add3A_388 : i32 to index
      %swap3A_469 = arith.constant 96 : index
      %swap3A_470 = tpu.vector_load %arg6[%swap3A_468, %swap3A_469] {strides = array<i32>} : memref<128x128xf32, #tpu.memory_space<vmem>>, vector<1x16xf32>,
      %swap3A_471 = vector.shape_cast %swap3A_470 : vector<1x16xf32> to vector<16xf32>
      %swap3A_472 = vector.shape_cast %mul3A_467 : vector<16xf32> to vector<1x16xf32>
      tpu.vector_store %arg6[%swap3A_468, %swap3A_469], %swap3A_472 {strides = array<i32>} : memref<128x128xf32, #tpu.memory_space<vmem>>, vector<1x16xf32>,
      %get3A_473 = arith.index_cast %add3A_388 : i32 to index
      %get3A_474 = arith.constant 112 : index
      %get3A_475 = tpu.vector_load %arg6[%get3A_473, %get3A_474] {strides = array<i32>} : memref<128x128xf32, #tpu.memory_space<vmem>>, vector<1x16xf32>,
      %get3A_476 = vector.shape_cast %get3A_475 : vector<1x16xf32> to vector<16xf32>
      %mul3A_477 = arith.constant 11.3137083 : f32
      %mul3A_478 = vector.broadcast %mul3A_477 : f32 to vector<16xf32>
      %mul3A_479 = arith.mulf %get3A_476, %mul3A_478 : vector<16xf32>
      %swap3A_480 = arith.index_cast %add3A_388 : i32 to index
      %swap3A_481 = arith.constant 112 : index
      %swap3A_482 = tpu.vector_load %arg6[%swap3A_480, %swap3A_481] {strides = array<i32>} : memref<128x128xf32, #tpu.memory_space<vmem>>, vector<1x16xf32>,
      %swap3A_483 = vector.shape_cast %swap3A_482 : vector<1x16xf32> to vector<16xf32>
      %swap3A_484 = vector.shape_cast %mul3A_479 : vector<16xf32> to vector<1x16xf32>
      tpu.vector_store %arg6[%swap3A_480, %swap3A_481], %swap3A_484 {strides = array<i32>} : memref<128x128xf32, #tpu.memory_space<vmem>>, vector<1x16xf32>,
      %mul3A_485 = arith.constant 4 : i32
      %mul3A_486 = arith.muli %scan3A_186, %mul3A_485 : i32
      %add3A_487 = arith.constant 3 : i32
      %add3A_488 = arith.addi %mul3A_486, %add3A_487 : i32
      %get3A_489 = arith.index_cast %add3A_488 : i32 to index
      %get3A_490 = arith.constant 0 : index
      %get3A_491 = tpu.vector_load %arg6[%get3A_489, %get3A_490] {strides = array<i32>} : memref<128x128xf32, #tpu.memory_space<vmem>>, vector<1x16xf32>,
      %get3A_492 = vector.shape_cast %get3A_491 : vector<1x16xf32> to vector<16xf32>
      %mul3A_493 = arith.constant 11.3137083 : f32
      %mul3A_494 = vector.broadcast %mul3A_493 : f32 to vector<16xf32>
      %mul3A_495 = arith.mulf %get3A_492, %mul3A_494 : vector<16xf32>
      %swap3A_496 = arith.index_cast %add3A_488 : i32 to index
      %swap3A_497 = arith.constant 0 : index
      %swap3A_498 = tpu.vector_load %arg6[%swap3A_496, %swap3A_497] {strides = array<i32>} : memref<128x128xf32, #tpu.memory_space<vmem>>, vector<1x16xf32>,
      %swap3A_499 = vector.shape_cast %swap3A_498 : vector<1x16xf32> to vector<16xf32>
      %swap3A_500 = vector.shape_cast %mul3A_495 : vector<16xf32> to vector<1x16xf32>
      tpu.vector_store %arg6[%swap3A_496, %swap3A_497], %swap3A_500 {strides = array<i32>} : memref<128x128xf32, #tpu.memory_space<vmem>>, vector<1x16xf32>,
      %get3A_501 = arith.index_cast %add3A_488 : i32 to index
      %get3A_502 = arith.constant 16 : index
      %get3A_503 = tpu.vector_load %arg6[%get3A_501, %get3A_502] {strides = array<i32>} : memref<128x128xf32, #tpu.memory_space<vmem>>, vector<1x16xf32>,
      %get3A_504 = vector.shape_cast %get3A_503 : vector<1x16xf32> to vector<16xf32>
      %mul3A_505 = arith.constant 11.3137083 : f32
      %mul3A_506 = vector.broadcast %mul3A_505 : f32 to vector<16xf32>
      %mul3A_507 = arith.mulf %get3A_504, %mul3A_506 : vector<16xf32>
      %swap3A_508 = arith.index_cast %add3A_488 : i32 to index
      %swap3A_509 = arith.constant 16 : index
      %swap3A_510 = tpu.vector_load %arg6[%swap3A_508, %swap3A_509] {strides = array<i32>} : memref<128x128xf32, #tpu.memory_space<vmem>>, vector<1x16xf32>,
      %swap3A_511 = vector.shape_cast %swap3A_510 : vector<1x16xf32> to vector<16xf32>
      %swap3A_512 = vector.shape_cast %mul3A_507 : vector<16xf32> to vector<1x16xf32>
      tpu.vector_store %arg6[%swap3A_508, %swap3A_509], %swap3A_512 {strides = array<i32>} : memref<128x128xf32, #tpu.memory_space<vmem>>, vector<1x16xf32>,
      %get3A_513 = arith.index_cast %add3A_488 : i32 to index
      %get3A_514 = arith.constant 32 : index
      %get3A_515 = tpu.vector_load %arg6[%get3A_513, %get3A_514] {strides = array<i32>} : memref<128x128xf32, #tpu.memory_space<vmem>>, vector<1x16xf32>,
      %get3A_516 = vector.shape_cast %get3A_515 : vector<1x16xf32> to vector<16xf32>
      %mul3A_517 = arith.constant 11.3137083 : f32
      %mul3A_518 = vector.broadcast %mul3A_517 : f32 to vector<16xf32>
      %mul3A_519 = arith.mulf %get3A_516, %mul3A_518 : vector<16xf32>
      %swap3A_520 = arith.index_cast %add3A_488 : i32 to index
      %swap3A_521 = arith.constant 32 : index
      %swap3A_522 = tpu.vector_load %arg6[%swap3A_520, %swap3A_521] {strides = array<i32>} : memref<128x128xf32, #tpu.memory_space<vmem>>, vector<1x16xf32>,
      %swap3A_523 = vector.shape_cast %swap3A_522 : vector<1x16xf32> to vector<16xf32>
      %swap3A_524 = vector.shape_cast %mul3A_519 : vector<16xf32> to vector<1x16xf32>
      tpu.vector_store %arg6[%swap3A_520, %swap3A_521], %swap3A_524 {strides = array<i32>} : memref<128x128xf32, #tpu.memory_space<vmem>>, vector<1x16xf32>,
      %get3A_525 = arith.index_cast %add3A_488 : i32 to index
      %get3A_526 = arith.constant 48 : index
      %get3A_527 = tpu.vector_load %arg6[%get3A_525, %get3A_526] {strides = array<i32>} : memref<128x128xf32, #tpu.memory_space<vmem>>, vector<1x16xf32>,
      %get3A_528 = vector.shape_cast %get3A_527 : vector<1x16xf32> to vector<16xf32>
      %mul3A_529 = arith.constant 11.3137083 : f32
      %mul3A_530 = vector.broadcast %mul3A_529 : f32 to vector<16xf32>
      %mul3A_531 = arith.mulf %get3A_528, %mul3A_530 : vector<16xf32>
      %swap3A_532 = arith.index_cast %add3A_488 : i32 to index
      %swap3A_533 = arith.constant 48 : index
      %swap3A_534 = tpu.vector_load %arg6[%swap3A_532, %swap3A_533] {strides = array<i32>} : memref<128x128xf32, #tpu.memory_space<vmem>>, vector<1x16xf32>,
      %swap3A_535 = vector.shape_cast %swap3A_534 : vector<1x16xf32> to vector<16xf32>
      %swap3A_536 = vector.shape_cast %mul3A_531 : vector<16xf32> to vector<1x16xf32>
      tpu.vector_store %arg6[%swap3A_532, %swap3A_533], %swap3A_536 {strides = array<i32>} : memref<128x128xf32, #tpu.memory_space<vmem>>, vector<1x16xf32>,
      %get3A_537 = arith.index_cast %add3A_488 : i32 to index
      %get3A_538 = arith.constant 64 : index
      %get3A_539 = tpu.vector_load %arg6[%get3A_537, %get3A_538] {strides = array<i32>} : memref<128x128xf32, #tpu.memory_space<vmem>>, vector<1x16xf32>,
      %get3A_540 = vector.shape_cast %get3A_539 : vector<1x16xf32> to vector<16xf32>
      %mul3A_541 = arith.constant 11.3137083 : f32
      %mul3A_542 = vector.broadcast %mul3A_541 : f32 to vector<16xf32>
      %mul3A_543 = arith.mulf %get3A_540, %mul3A_542 : vector<16xf32>
      %swap3A_544 = arith.index_cast %add3A_488 : i32 to index
      %swap3A_545 = arith.constant 64 : index
      %swap3A_546 = tpu.vector_load %arg6[%swap3A_544, %swap3A_545] {strides = array<i32>} : memref<128x128xf32, #tpu.memory_space<vmem>>, vector<1x16xf32>,
      %swap3A_547 = vector.shape_cast %swap3A_546 : vector<1x16xf32> to vector<16xf32>
      %swap3A_548 = vector.shape_cast %mul3A_543 : vector<16xf32> to vector<1x16xf32>
      tpu.vector_store %arg6[%swap3A_544, %swap3A_545], %swap3A_548 {strides = array<i32>} : memref<128x128xf32, #tpu.memory_space<vmem>>, vector<1x16xf32>,
      %get3A_549 = arith.index_cast %add3A_488 : i32 to index
      %get3A_550 = arith.constant 80 : index
      %get3A_551 = tpu.vector_load %arg6[%get3A_549, %get3A_550] {strides = array<i32>} : memref<128x128xf32, #tpu.memory_space<vmem>>, vector<1x16xf32>,
      %get3A_552 = vector.shape_cast %get3A_551 : vector<1x16xf32> to vector<16xf32>
      %mul3A_553 = arith.constant 11.3137083 : f32
      %mul3A_554 = vector.broadcast %mul3A_553 : f32 to vector<16xf32>
      %mul3A_555 = arith.mulf %get3A_552, %mul3A_554 : vector<16xf32>
      %swap3A_556 = arith.index_cast %add3A_488 : i32 to index
      %swap3A_557 = arith.constant 80 : index
      %swap3A_558 = tpu.vector_load %arg6[%swap3A_556, %swap3A_557] {strides = array<i32>} : memref<128x128xf32, #tpu.memory_space<vmem>>, vector<1x16xf32>,
      %swap3A_559 = vector.shape_cast %swap3A_558 : vector<1x16xf32> to vector<16xf32>
      %swap3A_560 = vector.shape_cast %mul3A_555 : vector<16xf32> to vector<1x16xf32>
      tpu.vector_store %arg6[%swap3A_556, %swap3A_557], %swap3A_560 {strides = array<i32>} : memref<128x128xf32, #tpu.memory_space<vmem>>, vector<1x16xf32>,
      %get3A_561 = arith.index_cast %add3A_488 : i32 to index
      %get3A_562 = arith.constant 96 : index
      %get3A_563 = tpu.vector_load %arg6[%get3A_561, %get3A_562] {strides = array<i32>} : memref<128x128xf32, #tpu.memory_space<vmem>>, vector<1x16xf32>,
      %get3A_564 = vector.shape_cast %get3A_563 : vector<1x16xf32> to vector<16xf32>
      %mul3A_565 = arith.constant 11.3137083 : f32
      %mul3A_566 = vector.broadcast %mul3A_565 : f32 to vector<16xf32>
      %mul3A_567 = arith.mulf %get3A_564, %mul3A_566 : vector<16xf32>
      %swap3A_568 = arith.index_cast %add3A_488 : i32 to index
      %swap3A_569 = arith.constant 96 : index
      %swap3A_570 = tpu.vector_load %arg6[%swap3A_568, %swap3A_569] {strides = array<i32>} : memref<128x128xf32, #tpu.memory_space<vmem>>, vector<1x16xf32>,
      %swap3A_571 = vector.shape_cast %swap3A_570 : vector<1x16xf32> to vector<16xf32>
      %swap3A_572 = vector.shape_cast %mul3A_567 : vector<16xf32> to vector<1x16xf32>
      tpu.vector_store %arg6[%swap3A_568, %swap3A_569], %swap3A_572 {strides = array<i32>} : memref<128x128xf32, #tpu.memory_space<vmem>>, vector<1x16xf32>,
      %get3A_573 = arith.index_cast %add3A_488 : i32 to index
      %get3A_574 = arith.constant 112 : index
      %get3A_575 = tpu.vector_load %arg6[%get3A_573, %get3A_574] {strides = array<i32>} : memref<128x128xf32, #tpu.memory_space<vmem>>, vector<1x16xf32>,
      %get3A_576 = vector.shape_cast %get3A_575 : vector<1x16xf32> to vector<16xf32>
      %mul3A_577 = arith.constant 11.3137083 : f32
      %mul3A_578 = vector.broadcast %mul3A_577 : f32 to vector<16xf32>
      %mul3A_579 = arith.mulf %get3A_576, %mul3A_578 : vector<16xf32>
      %swap3A_580 = arith.index_cast %add3A_488 : i32 to index
      %swap3A_581 = arith.constant 112 : index
      %swap3A_582 = tpu.vector_load %arg6[%swap3A_580, %swap3A_581] {strides = array<i32>} : memref<128x128xf32, #tpu.memory_space<vmem>>, vector<1x16xf32>,
      %swap3A_583 = vector.shape_cast %swap3A_582 : vector<1x16xf32> to vector<16xf32>
      %swap3A_584 = vector.shape_cast %mul3A_579 : vector<16xf32> to vector<1x16xf32>
      tpu.vector_store %arg6[%swap3A_580, %swap3A_581], %swap3A_584 {strides = array<i32>} : memref<128x128xf32, #tpu.memory_space<vmem>>, vector<1x16xf32>,
    }
    %scan3A_40 = arith.constant 32 : i32
    %add3A_41 = arith.constant 0 : i32
    %add3A_42 = arith.addi %mul3A_2, %add3A_41 : i32
    %mul3A_43 = arith.constant 128 : i32
    %mul3A_44 = arith.muli %add3A_42, %mul3A_43 : i32
    %dma_start3A_45 = arith.constant 0 : i32
    %dma_start3A_46 = tpu.memref_slice %arg4[%mul3A_44, %dma_start3A_45] : memref<204800x128xf32, #tpu.memory_space<hbm>> -> memref<128x128xf32, #tpu.memory_space<hbm>>
    %dma_start3A_47 = arith.constant 0 : i32
    %dma_start3A_48 = tpu.memref_slice %arg4[%mul3A_44, %dma_start3A_47] : memref<204800x128xf32, #tpu.memory_space<hbm>> -> memref<128x128xf32, #tpu.memory_space<hbm>>
    tpu.enqueue_dma source(%arg6 : memref<128x128xf32, #tpu.memory_space<vmem>>) target(%dma_start3A_48 : memref<128x128xf32, #tpu.memory_space<hbm>>) target_semaphore(%arg16 : memref<!tpu.dma_semaphore, #tpu.memory_space<semaphore_mem>>)
    %dma_start3A_49 = arith.constant 4 : i32
    %dma_start3A_50 = arith.constant 0 : i32
    %dma_start3A_51 = tpu.memref_slice %arg5[%dma_start3A_49, %dma_start3A_50] : memref<50x128xi32, #tpu.memory_space<vmem>> -> memref<1x128xi32, #tpu.memory_space<vmem>>
    %dma_start3A_52 = tpu.memref_squeeze %dma_start3A_51 : memref<1x128xi32, #tpu.memory_space<vmem>> -> memref<128xi32, #tpu.memory_space<vmem>>
    %dma_start3A_53 = arith.constant 0 : i32
    %dma_start3A_54 = arith.constant 0 : i32
    %dma_start3A_55 = tpu.memref_slice %arg3[%dma_start3A_53, %dma_start3A_54] : memref<100000x128xf32, #tpu.memory_space<hbm>> -> memref<100000x128xf32, #tpu.memory_space<hbm>>
    tpu.enqueue_indirect_dma source(%dma_start3A_55 : memref<100000x128xf32, #tpu.memory_space<hbm>>) target(%arg10 : memref<128x128xf32, #tpu.memory_space<vmem>>) offsets(%dma_start3A_52 : memref<128xi32, #tpu.memory_space<vmem>>) semaphore(%arg15 : memref<!tpu.dma_semaphore, #tpu.memory_space<semaphore_mem>>)
    %dma_wait3A_56 = arith.constant 1 : i32
    %dma_wait3A_57 = arith.constant 0 : i32
    %dma_wait3A_58 = tpu.memref_slice %arg5[%dma_wait3A_56, %dma_wait3A_57] : memref<50x128xi32, #tpu.memory_space<vmem>> -> memref<1x128xi32, #tpu.memory_space<vmem>>
    %dma_wait3A_59 = tpu.memref_squeeze %dma_wait3A_58 : memref<1x128xi32, #tpu.memory_space<vmem>> -> memref<128xi32, #tpu.memory_space<vmem>>
    %dma_wait3A_60 = arith.constant 0 : i32
    %dma_wait3A_61 = arith.constant 0 : i32
    %dma_wait3A_62 = tpu.memref_slice %arg3[%dma_wait3A_60, %dma_wait3A_61] : memref<100000x128xf32, #tpu.memory_space<hbm>> -> memref<100000x128xf32, #tpu.memory_space<hbm>>
    tpu.wait_indirect_dma semaphore(%arg12 : memref<!tpu.dma_semaphore, #tpu.memory_space<semaphore_mem>>) src(%dma_wait3A_62 : memref<100000x128xf32, #tpu.memory_space<hbm>>) dst(%arg7 : memref<128x128xf32, #tpu.memory_space<vmem>>)
    %scan3A_63 = arith.constant 0 : i32
    %scan3A_64 = arith.constant 0 : i32
    %scan3A_65 = arith.constant 32 : i32
    %scan3A_66 = arith.addi %scan3A_64, %scan3A_65 : i32
    %scan3A_67 = arith.constant 1 : i32
    scf.for %scan3A_186 = %scan3A_64 to %scan3A_66 step %scan3A_67  : i32 {
      %mul3A_187 = arith.constant 4 : i32
      %mul3A_188 = arith.muli %scan3A_186, %mul3A_187 : i32
      %add3A_189 = arith.constant 0 : i32
      %add3A_190 = arith.addi %mul3A_188, %add3A_189 : i32
      %get3A = arith.index_cast %add3A_190 : i32 to index
      %get3A_191 = arith.constant 0 : index
      %get3A_192 = tpu.vector_load %arg7[%get3A, %get3A_191] {strides = array<i32>} : memref<128x128xf32, #tpu.memory_space<vmem>>, vector<1x16xf32>,
      %get3A_193 = vector.shape_cast %get3A_192 : vector<1x16xf32> to vector<16xf32>
      %mul3A_194 = arith.constant 11.3137083 : f32
      %mul3A_195 = vector.broadcast %mul3A_194 : f32 to vector<16xf32>
      %mul3A_196 = arith.mulf %get3A_193, %mul3A_195 : vector<16xf32>
      %swap3A = arith.index_cast %add3A_190 : i32 to index
      %swap3A_197 = arith.constant 0 : index
      %swap3A_198 = tpu.vector_load %arg7[%swap3A, %swap3A_197] {strides = array<i32>} : memref<128x128xf32, #tpu.memory_space<vmem>>, vector<1x16xf32>,
      %swap3A_199 = vector.shape_cast %swap3A_198 : vector<1x16xf32> to vector<16xf32>
      %swap3A_200 = vector.shape_cast %mul3A_196 : vector<16xf32> to vector<1x16xf32>
      tpu.vector_store %arg7[%swap3A, %swap3A_197], %swap3A_200 {strides = array<i32>} : memref<128x128xf32, #tpu.memory_space<vmem>>, vector<1x16xf32>,
      %get3A_201 = arith.index_cast %add3A_190 : i32 to index
      %get3A_202 = arith.constant 16 : index
      %get3A_203 = tpu.vector_load %arg7[%get3A_201, %get3A_202] {strides = array<i32>} : memref<128x128xf32, #tpu.memory_space<vmem>>, vector<1x16xf32>,
      %get3A_204 = vector.shape_cast %get3A_203 : vector<1x16xf32> to vector<16xf32>
      %mul3A_205 = arith.constant 11.3137083 : f32
      %mul3A_206 = vector.broadcast %mul3A_205 : f32 to vector<16xf32>
      %mul3A_207 = arith.mulf %get3A_204, %mul3A_206 : vector<16xf32>
      %swap3A_208 = arith.index_cast %add3A_190 : i32 to index
      %swap3A_209 = arith.constant 16 : index
      %swap3A_210 = tpu.vector_load %arg7[%swap3A_208, %swap3A_209] {strides = array<i32>} : memref<128x128xf32, #tpu.memory_space<vmem>>, vector<1x16xf32>,
      %swap3A_211 = vector.shape_cast %swap3A_210 : vector<1x16xf32> to vector<16xf32>
      %swap3A_212 = vector.shape_cast %mul3A_207 : vector<16xf32> to vector<1x16xf32>
      tpu.vector_store %arg7[%swap3A_208, %swap3A_209], %swap3A_212 {strides = array<i32>} : memref<128x128xf32, #tpu.memory_space<vmem>>, vector<1x16xf32>,
      %get3A_213 = arith.index_cast %add3A_190 : i32 to index
      %get3A_214 = arith.constant 32 : index
      %get3A_215 = tpu.vector_load %arg7[%get3A_213, %get3A_214] {strides = array<i32>} : memref<128x128xf32, #tpu.memory_space<vmem>>, vector<1x16xf32>,
      %get3A_216 = vector.shape_cast %get3A_215 : vector<1x16xf32> to vector<16xf32>
      %mul3A_217 = arith.constant 11.3137083 : f32
      %mul3A_218 = vector.broadcast %mul3A_217 : f32 to vector<16xf32>
      %mul3A_219 = arith.mulf %get3A_216, %mul3A_218 : vector<16xf32>
      %swap3A_220 = arith.index_cast %add3A_190 : i32 to index
      %swap3A_221 = arith.constant 32 : index
      %swap3A_222 = tpu.vector_load %arg7[%swap3A_220, %swap3A_221] {strides = array<i32>} : memref<128x128xf32, #tpu.memory_space<vmem>>, vector<1x16xf32>,
      %swap3A_223 = vector.shape_cast %swap3A_222 : vector<1x16xf32> to vector<16xf32>
      %swap3A_224 = vector.shape_cast %mul3A_219 : vector<16xf32> to vector<1x16xf32>
      tpu.vector_store %arg7[%swap3A_220, %swap3A_221], %swap3A_224 {strides = array<i32>} : memref<128x128xf32, #tpu.memory_space<vmem>>, vector<1x16xf32>,
      %get3A_225 = arith.index_cast %add3A_190 : i32 to index
      %get3A_226 = arith.constant 48 : index
      %get3A_227 = tpu.vector_load %arg7[%get3A_225, %get3A_226] {strides = array<i32>} : memref<128x128xf32, #tpu.memory_space<vmem>>, vector<1x16xf32>,
      %get3A_228 = vector.shape_cast %get3A_227 : vector<1x16xf32> to vector<16xf32>
      %mul3A_229 = arith.constant 11.3137083 : f32
      %mul3A_230 = vector.broadcast %mul3A_229 : f32 to vector<16xf32>
      %mul3A_231 = arith.mulf %get3A_228, %mul3A_230 : vector<16xf32>
      %swap3A_232 = arith.index_cast %add3A_190 : i32 to index
      %swap3A_233 = arith.constant 48 : index
      %swap3A_234 = tpu.vector_load %arg7[%swap3A_232, %swap3A_233] {strides = array<i32>} : memref<128x128xf32, #tpu.memory_space<vmem>>, vector<1x16xf32>,
      %swap3A_235 = vector.shape_cast %swap3A_234 : vector<1x16xf32> to vector<16xf32>
      %swap3A_236 = vector.shape_cast %mul3A_231 : vector<16xf32> to vector<1x16xf32>
      tpu.vector_store %arg7[%swap3A_232, %swap3A_233], %swap3A_236 {strides = array<i32>} : memref<128x128xf32, #tpu.memory_space<vmem>>, vector<1x16xf32>,
      %get3A_237 = arith.index_cast %add3A_190 : i32 to index
      %get3A_238 = arith.constant 64 : index
      %get3A_239 = tpu.vector_load %arg7[%get3A_237, %get3A_238] {strides = array<i32>} : memref<128x128xf32, #tpu.memory_space<vmem>>, vector<1x16xf32>,
      %get3A_240 = vector.shape_cast %get3A_239 : vector<1x16xf32> to vector<16xf32>
      %mul3A_241 = arith.constant 11.3137083 : f32
      %mul3A_242 = vector.broadcast %mul3A_241 : f32 to vector<16xf32>
      %mul3A_243 = arith.mulf %get3A_240, %mul3A_242 : vector<16xf32>
      %swap3A_244 = arith.index_cast %add3A_190 : i32 to index
      %swap3A_245 = arith.constant 64 : index
      %swap3A_246 = tpu.vector_load %arg7[%swap3A_244, %swap3A_245] {strides = array<i32>} : memref<128x128xf32, #tpu.memory_space<vmem>>, vector<1x16xf32>,
      %swap3A_247 = vector.shape_cast %swap3A_246 : vector<1x16xf32> to vector<16xf32>
      %swap3A_248 = vector.shape_cast %mul3A_243 : vector<16xf32> to vector<1x16xf32>
      tpu.vector_store %arg7[%swap3A_244, %swap3A_245], %swap3A_248 {strides = array<i32>} : memref<128x128xf32, #tpu.memory_space<vmem>>, vector<1x16xf32>,
      %get3A_249 = arith.index_cast %add3A_190 : i32 to index
      %get3A_250 = arith.constant 80 : index
      %get3A_251 = tpu.vector_load %arg7[%get3A_249, %get3A_250] {strides = array<i32>} : memref<128x128xf32, #tpu.memory_space<vmem>>, vector<1x16xf32>,
      %get3A_252 = vector.shape_cast %get3A_251 : vector<1x16xf32> to vector<16xf32>
      %mul3A_253 = arith.constant 11.3137083 : f32
      %mul3A_254 = vector.broadcast %mul3A_253 : f32 to vector<16xf32>
      %mul3A_255 = arith.mulf %get3A_252, %mul3A_254 : vector<16xf32>
      %swap3A_256 = arith.index_cast %add3A_190 : i32 to index
      %swap3A_257 = arith.constant 80 : index
      %swap3A_258 = tpu.vector_load %arg7[%swap3A_256, %swap3A_257] {strides = array<i32>} : memref<128x128xf32, #tpu.memory_space<vmem>>, vector<1x16xf32>,
      %swap3A_259 = vector.shape_cast %swap3A_258 : vector<1x16xf32> to vector<16xf32>
      %swap3A_260 = vector.shape_cast %mul3A_255 : vector<16xf32> to vector<1x16xf32>
      tpu.vector_store %arg7[%swap3A_256, %swap3A_257], %swap3A_260 {strides = array<i32>} : memref<128x128xf32, #tpu.memory_space<vmem>>, vector<1x16xf32>,
      %get3A_261 = arith.index_cast %add3A_190 : i32 to index
      %get3A_262 = arith.constant 96 : index
      %get3A_263 = tpu.vector_load %arg7[%get3A_261, %get3A_262] {strides = array<i32>} : memref<128x128xf32, #tpu.memory_space<vmem>>, vector<1x16xf32>,
      %get3A_264 = vector.shape_cast %get3A_263 : vector<1x16xf32> to vector<16xf32>
      %mul3A_265 = arith.constant 11.3137083 : f32
      %mul3A_266 = vector.broadcast %mul3A_265 : f32 to vector<16xf32>
      %mul3A_267 = arith.mulf %get3A_264, %mul3A_266 : vector<16xf32>
      %swap3A_268 = arith.index_cast %add3A_190 : i32 to index
      %swap3A_269 = arith.constant 96 : index
      %swap3A_270 = tpu.vector_load %arg7[%swap3A_268, %swap3A_269] {strides = array<i32>} : memref<128x128xf32, #tpu.memory_space<vmem>>, vector<1x16xf32>,
      %swap3A_271 = vector.shape_cast %swap3A_270 : vector<1x16xf32> to vector<16xf32>
      %swap3A_272 = vector.shape_cast %mul3A_267 : vector<16xf32> to vector<1x16xf32>
      tpu.vector_store %arg7[%swap3A_268, %swap3A_269], %swap3A_272 {strides = array<i32>} : memref<128x128xf32, #tpu.memory_space<vmem>>, vector<1x16xf32>,
      %get3A_273 = arith.index_cast %add3A_190 : i32 to index
      %get3A_274 = arith.constant 112 : index
      %get3A_275 = tpu.vector_load %arg7[%get3A_273, %get3A_274] {strides = array<i32>} : memref<128x128xf32, #tpu.memory_space<vmem>>, vector<1x16xf32>,
      %get3A_276 = vector.shape_cast %get3A_275 : vector<1x16xf32> to vector<16xf32>
      %mul3A_277 = arith.constant 11.3137083 : f32
      %mul3A_278 = vector.broadcast %mul3A_277 : f32 to vector<16xf32>
      %mul3A_279 = arith.mulf %get3A_276, %mul3A_278 : vector<16xf32>
      %swap3A_280 = arith.index_cast %add3A_190 : i32 to index
      %swap3A_281 = arith.constant 112 : index
      %swap3A_282 = tpu.vector_load %arg7[%swap3A_280, %swap3A_281] {strides = array<i32>} : memref<128x128xf32, #tpu.memory_space<vmem>>, vector<1x16xf32>,
      %swap3A_283 = vector.shape_cast %swap3A_282 : vector<1x16xf32> to vector<16xf32>
      %swap3A_284 = vector.shape_cast %mul3A_279 : vector<16xf32> to vector<1x16xf32>
      tpu.vector_store %arg7[%swap3A_280, %swap3A_281], %swap3A_284 {strides = array<i32>} : memref<128x128xf32, #tpu.memory_space<vmem>>, vector<1x16xf32>,
      %mul3A_285 = arith.constant 4 : i32
      %mul3A_286 = arith.muli %scan3A_186, %mul3A_285 : i32
      %add3A_287 = arith.constant 1 : i32
      %add3A_288 = arith.addi %mul3A_286, %add3A_287 : i32
      %get3A_289 = arith.index_cast %add3A_288 : i32 to index
      %get3A_290 = arith.constant 0 : index
      %get3A_291 = tpu.vector_load %arg7[%get3A_289, %get3A_290] {strides = array<i32>} : memref<128x128xf32, #tpu.memory_space<vmem>>, vector<1x16xf32>,
      %get3A_292 = vector.shape_cast %get3A_291 : vector<1x16xf32> to vector<16xf32>
      %mul3A_293 = arith.constant 11.3137083 : f32
      %mul3A_294 = vector.broadcast %mul3A_293 : f32 to vector<16xf32>
      %mul3A_295 = arith.mulf %get3A_292, %mul3A_294 : vector<16xf32>
      %swap3A_296 = arith.index_cast %add3A_288 : i32 to index
      %swap3A_297 = arith.constant 0 : index
      %swap3A_298 = tpu.vector_load %arg7[%swap3A_296, %swap3A_297] {strides = array<i32>} : memref<128x128xf32, #tpu.memory_space<vmem>>, vector<1x16xf32>,
      %swap3A_299 = vector.shape_cast %swap3A_298 : vector<1x16xf32> to vector<16xf32>
      %swap3A_300 = vector.shape_cast %mul3A_295 : vector<16xf32> to vector<1x16xf32>
      tpu.vector_store %arg7[%swap3A_296, %swap3A_297], %swap3A_300 {strides = array<i32>} : memref<128x128xf32, #tpu.memory_space<vmem>>, vector<1x16xf32>,
      %get3A_301 = arith.index_cast %add3A_288 : i32 to index
      %get3A_302 = arith.constant 16 : index
      %get3A_303 = tpu.vector_load %arg7[%get3A_301, %get3A_302] {strides = array<i32>} : memref<128x128xf32, #tpu.memory_space<vmem>>, vector<1x16xf32>,
      %get3A_304 = vector.shape_cast %get3A_303 : vector<1x16xf32> to vector<16xf32>
      %mul3A_305 = arith.constant 11.3137083 : f32
      %mul3A_306 = vector.broadcast %mul3A_305 : f32 to vector<16xf32>
      %mul3A_307 = arith.mulf %get3A_304, %mul3A_306 : vector<16xf32>
      %swap3A_308 = arith.index_cast %add3A_288 : i32 to index
      %swap3A_309 = arith.constant 16 : index
      %swap3A_310 = tpu.vector_load %arg7[%swap3A_308, %swap3A_309] {strides = array<i32>} : memref<128x128xf32, #tpu.memory_space<vmem>>, vector<1x16xf32>,
      %swap3A_311 = vector.shape_cast %swap3A_310 : vector<1x16xf32> to vector<16xf32>
      %swap3A_312 = vector.shape_cast %mul3A_307 : vector<16xf32> to vector<1x16xf32>
      tpu.vector_store %arg7[%swap3A_308, %swap3A_309], %swap3A_312 {strides = array<i32>} : memref<128x128xf32, #tpu.memory_space<vmem>>, vector<1x16xf32>,
      %get3A_313 = arith.index_cast %add3A_288 : i32 to index
      %get3A_314 = arith.constant 32 : index
      %get3A_315 = tpu.vector_load %arg7[%get3A_313, %get3A_314] {strides = array<i32>} : memref<128x128xf32, #tpu.memory_space<vmem>>, vector<1x16xf32>,
      %get3A_316 = vector.shape_cast %get3A_315 : vector<1x16xf32> to vector<16xf32>
      %mul3A_317 = arith.constant 11.3137083 : f32
      %mul3A_318 = vector.broadcast %mul3A_317 : f32 to vector<16xf32>
      %mul3A_319 = arith.mulf %get3A_316, %mul3A_318 : vector<16xf32>
      %swap3A_320 = arith.index_cast %add3A_288 : i32 to index
      %swap3A_321 = arith.constant 32 : index
      %swap3A_322 = tpu.vector_load %arg7[%swap3A_320, %swap3A_321] {strides = array<i32>} : memref<128x128xf32, #tpu.memory_space<vmem>>, vector<1x16xf32>,
      %swap3A_323 = vector.shape_cast %swap3A_322 : vector<1x16xf32> to vector<16xf32>
      %swap3A_324 = vector.shape_cast %mul3A_319 : vector<16xf32> to vector<1x16xf32>
      tpu.vector_store %arg7[%swap3A_320, %swap3A_321], %swap3A_324 {strides = array<i32>} : memref<128x128xf32, #tpu.memory_space<vmem>>, vector<1x16xf32>,
      %get3A_325 = arith.index_cast %add3A_288 : i32 to index
      %get3A_326 = arith.constant 48 : index
      %get3A_327 = tpu.vector_load %arg7[%get3A_325, %get3A_326] {strides = array<i32>} : memref<128x128xf32, #tpu.memory_space<vmem>>, vector<1x16xf32>,
      %get3A_328 = vector.shape_cast %get3A_327 : vector<1x16xf32> to vector<16xf32>
      %mul3A_329 = arith.constant 11.3137083 : f32
      %mul3A_330 = vector.broadcast %mul3A_329 : f32 to vector<16xf32>
      %mul3A_331 = arith.mulf %get3A_328, %mul3A_330 : vector<16xf32>
      %swap3A_332 = arith.index_cast %add3A_288 : i32 to index
      %swap3A_333 = arith.constant 48 : index
      %swap3A_334 = tpu.vector_load %arg7[%swap3A_332, %swap3A_333] {strides = array<i32>} : memref<128x128xf32, #tpu.memory_space<vmem>>, vector<1x16xf32>,
      %swap3A_335 = vector.shape_cast %swap3A_334 : vector<1x16xf32> to vector<16xf32>
      %swap3A_336 = vector.shape_cast %mul3A_331 : vector<16xf32> to vector<1x16xf32>
      tpu.vector_store %arg7[%swap3A_332, %swap3A_333], %swap3A_336 {strides = array<i32>} : memref<128x128xf32, #tpu.memory_space<vmem>>, vector<1x16xf32>,
      %get3A_337 = arith.index_cast %add3A_288 : i32 to index
      %get3A_338 = arith.constant 64 : index
      %get3A_339 = tpu.vector_load %arg7[%get3A_337, %get3A_338] {strides = array<i32>} : memref<128x128xf32, #tpu.memory_space<vmem>>, vector<1x16xf32>,
      %get3A_340 = vector.shape_cast %get3A_339 : vector<1x16xf32> to vector<16xf32>
      %mul3A_341 = arith.constant 11.3137083 : f32
      %mul3A_342 = vector.broadcast %mul3A_341 : f32 to vector<16xf32>
      %mul3A_343 = arith.mulf %get3A_340, %mul3A_342 : vector<16xf32>
      %swap3A_344 = arith.index_cast %add3A_288 : i32 to index
      %swap3A_345 = arith.constant 64 : index
      %swap3A_346 = tpu.vector_load %arg7[%swap3A_344, %swap3A_345] {strides = array<i32>} : memref<128x128xf32, #tpu.memory_space<vmem>>, vector<1x16xf32>,
      %swap3A_347 = vector.shape_cast %swap3A_346 : vector<1x16xf32> to vector<16xf32>
      %swap3A_348 = vector.shape_cast %mul3A_343 : vector<16xf32> to vector<1x16xf32>
      tpu.vector_store %arg7[%swap3A_344, %swap3A_345], %swap3A_348 {strides = array<i32>} : memref<128x128xf32, #tpu.memory_space<vmem>>, vector<1x16xf32>,
      %get3A_349 = arith.index_cast %add3A_288 : i32 to index
      %get3A_350 = arith.constant 80 : index
      %get3A_351 = tpu.vector_load %arg7[%get3A_349, %get3A_350] {strides = array<i32>} : memref<128x128xf32, #tpu.memory_space<vmem>>, vector<1x16xf32>,
      %get3A_352 = vector.shape_cast %get3A_351 : vector<1x16xf32> to vector<16xf32>
      %mul3A_353 = arith.constant 11.3137083 : f32
      %mul3A_354 = vector.broadcast %mul3A_353 : f32 to vector<16xf32>
      %mul3A_355 = arith.mulf %get3A_352, %mul3A_354 : vector<16xf32>
      %swap3A_356 = arith.index_cast %add3A_288 : i32 to index
      %swap3A_357 = arith.constant 80 : index
      %swap3A_358 = tpu.vector_load %arg7[%swap3A_356, %swap3A_357] {strides = array<i32>} : memref<128x128xf32, #tpu.memory_space<vmem>>, vector<1x16xf32>,
      %swap3A_359 = vector.shape_cast %swap3A_358 : vector<1x16xf32> to vector<16xf32>
      %swap3A_360 = vector.shape_cast %mul3A_355 : vector<16xf32> to vector<1x16xf32>
      tpu.vector_store %arg7[%swap3A_356, %swap3A_357], %swap3A_360 {strides = array<i32>} : memref<128x128xf32, #tpu.memory_space<vmem>>, vector<1x16xf32>,
      %get3A_361 = arith.index_cast %add3A_288 : i32 to index
      %get3A_362 = arith.constant 96 : index
      %get3A_363 = tpu.vector_load %arg7[%get3A_361, %get3A_362] {strides = array<i32>} : memref<128x128xf32, #tpu.memory_space<vmem>>, vector<1x16xf32>,
      %get3A_364 = vector.shape_cast %get3A_363 : vector<1x16xf32> to vector<16xf32>
      %mul3A_365 = arith.constant 11.3137083 : f32
      %mul3A_366 = vector.broadcast %mul3A_365 : f32 to vector<16xf32>
      %mul3A_367 = arith.mulf %get3A_364, %mul3A_366 : vector<16xf32>
      %swap3A_368 = arith.index_cast %add3A_288 : i32 to index
      %swap3A_369 = arith.constant 96 : index
      %swap3A_370 = tpu.vector_load %arg7[%swap3A_368, %swap3A_369] {strides = array<i32>} : memref<128x128xf32, #tpu.memory_space<vmem>>, vector<1x16xf32>,
      %swap3A_371 = vector.shape_cast %swap3A_370 : vector<1x16xf32> to vector<16xf32>
      %swap3A_372 = vector.shape_cast %mul3A_367 : vector<16xf32> to vector<1x16xf32>
      tpu.vector_store %arg7[%swap3A_368, %swap3A_369], %swap3A_372 {strides = array<i32>} : memref<128x128xf32, #tpu.memory_space<vmem>>, vector<1x16xf32>,
      %get3A_373 = arith.index_cast %add3A_288 : i32 to index
      %get3A_374 = arith.constant 112 : index
      %get3A_375 = tpu.vector_load %arg7[%get3A_373, %get3A_374] {strides = array<i32>} : memref<128x128xf32, #tpu.memory_space<vmem>>, vector<1x16xf32>,
      %get3A_376 = vector.shape_cast %get3A_375 : vector<1x16xf32> to vector<16xf32>
      %mul3A_377 = arith.constant 11.3137083 : f32
      %mul3A_378 = vector.broadcast %mul3A_377 : f32 to vector<16xf32>
      %mul3A_379 = arith.mulf %get3A_376, %mul3A_378 : vector<16xf32>
      %swap3A_380 = arith.index_cast %add3A_288 : i32 to index
      %swap3A_381 = arith.constant 112 : index
      %swap3A_382 = tpu.vector_load %arg7[%swap3A_380, %swap3A_381] {strides = array<i32>} : memref<128x128xf32, #tpu.memory_space<vmem>>, vector<1x16xf32>,
      %swap3A_383 = vector.shape_cast %swap3A_382 : vector<1x16xf32> to vector<16xf32>
      %swap3A_384 = vector.shape_cast %mul3A_379 : vector<16xf32> to vector<1x16xf32>
      tpu.vector_store %arg7[%swap3A_380, %swap3A_381], %swap3A_384 {strides = array<i32>} : memref<128x128xf32, #tpu.memory_space<vmem>>, vector<1x16xf32>,
      %mul3A_385 = arith.constant 4 : i32
      %mul3A_386 = arith.muli %scan3A_186, %mul3A_385 : i32
      %add3A_387 = arith.constant 2 : i32
      %add3A_388 = arith.addi %mul3A_386, %add3A_387 : i32
      %get3A_389 = arith.index_cast %add3A_388 : i32 to index
      %get3A_390 = arith.constant 0 : index
      %get3A_391 = tpu.vector_load %arg7[%get3A_389, %get3A_390] {strides = array<i32>} : memref<128x128xf32, #tpu.memory_space<vmem>>, vector<1x16xf32>,
      %get3A_392 = vector.shape_cast %get3A_391 : vector<1x16xf32> to vector<16xf32>
      %mul3A_393 = arith.constant 11.3137083 : f32
      %mul3A_394 = vector.broadcast %mul3A_393 : f32 to vector<16xf32>
      %mul3A_395 = arith.mulf %get3A_392, %mul3A_394 : vector<16xf32>
      %swap3A_396 = arith.index_cast %add3A_388 : i32 to index
      %swap3A_397 = arith.constant 0 : index
      %swap3A_398 = tpu.vector_load %arg7[%swap3A_396, %swap3A_397] {strides = array<i32>} : memref<128x128xf32, #tpu.memory_space<vmem>>, vector<1x16xf32>,
      %swap3A_399 = vector.shape_cast %swap3A_398 : vector<1x16xf32> to vector<16xf32>
      %swap3A_400 = vector.shape_cast %mul3A_395 : vector<16xf32> to vector<1x16xf32>
      tpu.vector_store %arg7[%swap3A_396, %swap3A_397], %swap3A_400 {strides = array<i32>} : memref<128x128xf32, #tpu.memory_space<vmem>>, vector<1x16xf32>,
      %get3A_401 = arith.index_cast %add3A_388 : i32 to index
      %get3A_402 = arith.constant 16 : index
      %get3A_403 = tpu.vector_load %arg7[%get3A_401, %get3A_402] {strides = array<i32>} : memref<128x128xf32, #tpu.memory_space<vmem>>, vector<1x16xf32>,
      %get3A_404 = vector.shape_cast %get3A_403 : vector<1x16xf32> to vector<16xf32>
      %mul3A_405 = arith.constant 11.3137083 : f32
      %mul3A_406 = vector.broadcast %mul3A_405 : f32 to vector<16xf32>
      %mul3A_407 = arith.mulf %get3A_404, %mul3A_406 : vector<16xf32>
      %swap3A_408 = arith.index_cast %add3A_388 : i32 to index
      %swap3A_409 = arith.constant 16 : index
      %swap3A_410 = tpu.vector_load %arg7[%swap3A_408, %swap3A_409] {strides = array<i32>} : memref<128x128xf32, #tpu.memory_space<vmem>>, vector<1x16xf32>,
      %swap3A_411 = vector.shape_cast %swap3A_410 : vector<1x16xf32> to vector<16xf32>
      %swap3A_412 = vector.shape_cast %mul3A_407 : vector<16xf32> to vector<1x16xf32>
      tpu.vector_store %arg7[%swap3A_408, %swap3A_409], %swap3A_412 {strides = array<i32>} : memref<128x128xf32, #tpu.memory_space<vmem>>, vector<1x16xf32>,
      %get3A_413 = arith.index_cast %add3A_388 : i32 to index
      %get3A_414 = arith.constant 32 : index
      %get3A_415 = tpu.vector_load %arg7[%get3A_413, %get3A_414] {strides = array<i32>} : memref<128x128xf32, #tpu.memory_space<vmem>>, vector<1x16xf32>,
      %get3A_416 = vector.shape_cast %get3A_415 : vector<1x16xf32> to vector<16xf32>
      %mul3A_417 = arith.constant 11.3137083 : f32
      %mul3A_418 = vector.broadcast %mul3A_417 : f32 to vector<16xf32>
      %mul3A_419 = arith.mulf %get3A_416, %mul3A_418 : vector<16xf32>
      %swap3A_420 = arith.index_cast %add3A_388 : i32 to index
      %swap3A_421 = arith.constant 32 : index
      %swap3A_422 = tpu.vector_load %arg7[%swap3A_420, %swap3A_421] {strides = array<i32>} : memref<128x128xf32, #tpu.memory_space<vmem>>, vector<1x16xf32>,
      %swap3A_423 = vector.shape_cast %swap3A_422 : vector<1x16xf32> to vector<16xf32>
      %swap3A_424 = vector.shape_cast %mul3A_419 : vector<16xf32> to vector<1x16xf32>
      tpu.vector_store %arg7[%swap3A_420, %swap3A_421], %swap3A_424 {strides = array<i32>} : memref<128x128xf32, #tpu.memory_space<vmem>>, vector<1x16xf32>,
      %get3A_425 = arith.index_cast %add3A_388 : i32 to index
      %get3A_426 = arith.constant 48 : index
      %get3A_427 = tpu.vector_load %arg7[%get3A_425, %get3A_426] {strides = array<i32>} : memref<128x128xf32, #tpu.memory_space<vmem>>, vector<1x16xf32>,
      %get3A_428 = vector.shape_cast %get3A_427 : vector<1x16xf32> to vector<16xf32>
      %mul3A_429 = arith.constant 11.3137083 : f32
      %mul3A_430 = vector.broadcast %mul3A_429 : f32 to vector<16xf32>
      %mul3A_431 = arith.mulf %get3A_428, %mul3A_430 : vector<16xf32>
      %swap3A_432 = arith.index_cast %add3A_388 : i32 to index
      %swap3A_433 = arith.constant 48 : index
      %swap3A_434 = tpu.vector_load %arg7[%swap3A_432, %swap3A_433] {strides = array<i32>} : memref<128x128xf32, #tpu.memory_space<vmem>>, vector<1x16xf32>,
      %swap3A_435 = vector.shape_cast %swap3A_434 : vector<1x16xf32> to vector<16xf32>
      %swap3A_436 = vector.shape_cast %mul3A_431 : vector<16xf32> to vector<1x16xf32>
      tpu.vector_store %arg7[%swap3A_432, %swap3A_433], %swap3A_436 {strides = array<i32>} : memref<128x128xf32, #tpu.memory_space<vmem>>, vector<1x16xf32>,
      %get3A_437 = arith.index_cast %add3A_388 : i32 to index
      %get3A_438 = arith.constant 64 : index
      %get3A_439 = tpu.vector_load %arg7[%get3A_437, %get3A_438] {strides = array<i32>} : memref<128x128xf32, #tpu.memory_space<vmem>>, vector<1x16xf32>,
      %get3A_440 = vector.shape_cast %get3A_439 : vector<1x16xf32> to vector<16xf32>
      %mul3A_441 = arith.constant 11.3137083 : f32
      %mul3A_442 = vector.broadcast %mul3A_441 : f32 to vector<16xf32>
      %mul3A_443 = arith.mulf %get3A_440, %mul3A_442 : vector<16xf32>
      %swap3A_444 = arith.index_cast %add3A_388 : i32 to index
      %swap3A_445 = arith.constant 64 : index
      %swap3A_446 = tpu.vector_load %arg7[%swap3A_444, %swap3A_445] {strides = array<i32>} : memref<128x128xf32, #tpu.memory_space<vmem>>, vector<1x16xf32>,
      %swap3A_447 = vector.shape_cast %swap3A_446 : vector<1x16xf32> to vector<16xf32>
      %swap3A_448 = vector.shape_cast %mul3A_443 : vector<16xf32> to vector<1x16xf32>
      tpu.vector_store %arg7[%swap3A_444, %swap3A_445], %swap3A_448 {strides = array<i32>} : memref<128x128xf32, #tpu.memory_space<vmem>>, vector<1x16xf32>,
      %get3A_449 = arith.index_cast %add3A_388 : i32 to index
      %get3A_450 = arith.constant 80 : index
      %get3A_451 = tpu.vector_load %arg7[%get3A_449, %get3A_450] {strides = array<i32>} : memref<128x128xf32, #tpu.memory_space<vmem>>, vector<1x16xf32>,
      %get3A_452 = vector.shape_cast %get3A_451 : vector<1x16xf32> to vector<16xf32>
      %mul3A_453 = arith.constant 11.3137083 : f32
      %mul3A_454 = vector.broadcast %mul3A_453 : f32 to vector<16xf32>
      %mul3A_455 = arith.mulf %get3A_452, %mul3A_454 : vector<16xf32>
      %swap3A_456 = arith.index_cast %add3A_388 : i32 to index
      %swap3A_457 = arith.constant 80 : index
      %swap3A_458 = tpu.vector_load %arg7[%swap3A_456, %swap3A_457] {strides = array<i32>} : memref<128x128xf32, #tpu.memory_space<vmem>>, vector<1x16xf32>,
      %swap3A_459 = vector.shape_cast %swap3A_458 : vector<1x16xf32> to vector<16xf32>
      %swap3A_460 = vector.shape_cast %mul3A_455 : vector<16xf32> to vector<1x16xf32>
      tpu.vector_store %arg7[%swap3A_456, %swap3A_457], %swap3A_460 {strides = array<i32>} : memref<128x128xf32, #tpu.memory_space<vmem>>, vector<1x16xf32>,
      %get3A_461 = arith.index_cast %add3A_388 : i32 to index
      %get3A_462 = arith.constant 96 : index
      %get3A_463 = tpu.vector_load %arg7[%get3A_461, %get3A_462] {strides = array<i32>} : memref<128x128xf32, #tpu.memory_space<vmem>>, vector<1x16xf32>,
      %get3A_464 = vector.shape_cast %get3A_463 : vector<1x16xf32> to vector<16xf32>
      %mul3A_465 = arith.constant 11.3137083 : f32
      %mul3A_466 = vector.broadcast %mul3A_465 : f32 to vector<16xf32>
      %mul3A_467 = arith.mulf %get3A_464, %mul3A_466 : vector<16xf32>
      %swap3A_468 = arith.index_cast %add3A_388 : i32 to index
      %swap3A_469 = arith.constant 96 : index
      %swap3A_470 = tpu.vector_load %arg7[%swap3A_468, %swap3A_469] {strides = array<i32>} : memref<128x128xf32, #tpu.memory_space<vmem>>, vector<1x16xf32>,
      %swap3A_471 = vector.shape_cast %swap3A_470 : vector<1x16xf32> to vector<16xf32>
      %swap3A_472 = vector.shape_cast %mul3A_467 : vector<16xf32> to vector<1x16xf32>
      tpu.vector_store %arg7[%swap3A_468, %swap3A_469], %swap3A_472 {strides = array<i32>} : memref<128x128xf32, #tpu.memory_space<vmem>>, vector<1x16xf32>,
      %get3A_473 = arith.index_cast %add3A_388 : i32 to index
      %get3A_474 = arith.constant 112 : index
      %get3A_475 = tpu.vector_load %arg7[%get3A_473, %get3A_474] {strides = array<i32>} : memref<128x128xf32, #tpu.memory_space<vmem>>, vector<1x16xf32>,
      %get3A_476 = vector.shape_cast %get3A_475 : vector<1x16xf32> to vector<16xf32>
      %mul3A_477 = arith.constant 11.3137083 : f32
      %mul3A_478 = vector.broadcast %mul3A_477 : f32 to vector<16xf32>
      %mul3A_479 = arith.mulf %get3A_476, %mul3A_478 : vector<16xf32>
      %swap3A_480 = arith.index_cast %add3A_388 : i32 to index
      %swap3A_481 = arith.constant 112 : index
      %swap3A_482 = tpu.vector_load %arg7[%swap3A_480, %swap3A_481] {strides = array<i32>} : memref<128x128xf32, #tpu.memory_space<vmem>>, vector<1x16xf32>,
      %swap3A_483 = vector.shape_cast %swap3A_482 : vector<1x16xf32> to vector<16xf32>
      %swap3A_484 = vector.shape_cast %mul3A_479 : vector<16xf32> to vector<1x16xf32>
      tpu.vector_store %arg7[%swap3A_480, %swap3A_481], %swap3A_484 {strides = array<i32>} : memref<128x128xf32, #tpu.memory_space<vmem>>, vector<1x16xf32>,
      %mul3A_485 = arith.constant 4 : i32
      %mul3A_486 = arith.muli %scan3A_186, %mul3A_485 : i32
      %add3A_487 = arith.constant 3 : i32
      %add3A_488 = arith.addi %mul3A_486, %add3A_487 : i32
      %get3A_489 = arith.index_cast %add3A_488 : i32 to index
      %get3A_490 = arith.constant 0 : index
      %get3A_491 = tpu.vector_load %arg7[%get3A_489, %get3A_490] {strides = array<i32>} : memref<128x128xf32, #tpu.memory_space<vmem>>, vector<1x16xf32>,
      %get3A_492 = vector.shape_cast %get3A_491 : vector<1x16xf32> to vector<16xf32>
      %mul3A_493 = arith.constant 11.3137083 : f32
      %mul3A_494 = vector.broadcast %mul3A_493 : f32 to vector<16xf32>
      %mul3A_495 = arith.mulf %get3A_492, %mul3A_494 : vector<16xf32>
      %swap3A_496 = arith.index_cast %add3A_488 : i32 to index
      %swap3A_497 = arith.constant 0 : index
      %swap3A_498 = tpu.vector_load %arg7[%swap3A_496, %swap3A_497] {strides = array<i32>} : memref<128x128xf32, #tpu.memory_space<vmem>>, vector<1x16xf32>,
      %swap3A_499 = vector.shape_cast %swap3A_498 : vector<1x16xf32> to vector<16xf32>
      %swap3A_500 = vector.shape_cast %mul3A_495 : vector<16xf32> to vector<1x16xf32>
      tpu.vector_store %arg7[%swap3A_496, %swap3A_497], %swap3A_500 {strides = array<i32>} : memref<128x128xf32, #tpu.memory_space<vmem>>, vector<1x16xf32>,
      %get3A_501 = arith.index_cast %add3A_488 : i32 to index
      %get3A_502 = arith.constant 16 : index
      %get3A_503 = tpu.vector_load %arg7[%get3A_501, %get3A_502] {strides = array<i32>} : memref<128x128xf32, #tpu.memory_space<vmem>>, vector<1x16xf32>,
      %get3A_504 = vector.shape_cast %get3A_503 : vector<1x16xf32> to vector<16xf32>
      %mul3A_505 = arith.constant 11.3137083 : f32
      %mul3A_506 = vector.broadcast %mul3A_505 : f32 to vector<16xf32>
      %mul3A_507 = arith.mulf %get3A_504, %mul3A_506 : vector<16xf32>
      %swap3A_508 = arith.index_cast %add3A_488 : i32 to index
      %swap3A_509 = arith.constant 16 : index
      %swap3A_510 = tpu.vector_load %arg7[%swap3A_508, %swap3A_509] {strides = array<i32>} : memref<128x128xf32, #tpu.memory_space<vmem>>, vector<1x16xf32>,
      %swap3A_511 = vector.shape_cast %swap3A_510 : vector<1x16xf32> to vector<16xf32>
      %swap3A_512 = vector.shape_cast %mul3A_507 : vector<16xf32> to vector<1x16xf32>
      tpu.vector_store %arg7[%swap3A_508, %swap3A_509], %swap3A_512 {strides = array<i32>} : memref<128x128xf32, #tpu.memory_space<vmem>>, vector<1x16xf32>,
      %get3A_513 = arith.index_cast %add3A_488 : i32 to index
      %get3A_514 = arith.constant 32 : index
      %get3A_515 = tpu.vector_load %arg7[%get3A_513, %get3A_514] {strides = array<i32>} : memref<128x128xf32, #tpu.memory_space<vmem>>, vector<1x16xf32>,
      %get3A_516 = vector.shape_cast %get3A_515 : vector<1x16xf32> to vector<16xf32>
      %mul3A_517 = arith.constant 11.3137083 : f32
      %mul3A_518 = vector.broadcast %mul3A_517 : f32 to vector<16xf32>
      %mul3A_519 = arith.mulf %get3A_516, %mul3A_518 : vector<16xf32>
      %swap3A_520 = arith.index_cast %add3A_488 : i32 to index
      %swap3A_521 = arith.constant 32 : index
      %swap3A_522 = tpu.vector_load %arg7[%swap3A_520, %swap3A_521] {strides = array<i32>} : memref<128x128xf32, #tpu.memory_space<vmem>>, vector<1x16xf32>,
      %swap3A_523 = vector.shape_cast %swap3A_522 : vector<1x16xf32> to vector<16xf32>
      %swap3A_524 = vector.shape_cast %mul3A_519 : vector<16xf32> to vector<1x16xf32>
      tpu.vector_store %arg7[%swap3A_520, %swap3A_521], %swap3A_524 {strides = array<i32>} : memref<128x128xf32, #tpu.memory_space<vmem>>, vector<1x16xf32>,
      %get3A_525 = arith.index_cast %add3A_488 : i32 to index
      %get3A_526 = arith.constant 48 : index
      %get3A_527 = tpu.vector_load %arg7[%get3A_525, %get3A_526] {strides = array<i32>} : memref<128x128xf32, #tpu.memory_space<vmem>>, vector<1x16xf32>,
      %get3A_528 = vector.shape_cast %get3A_527 : vector<1x16xf32> to vector<16xf32>
      %mul3A_529 = arith.constant 11.3137083 : f32
      %mul3A_530 = vector.broadcast %mul3A_529 : f32 to vector<16xf32>
      %mul3A_531 = arith.mulf %get3A_528, %mul3A_530 : vector<16xf32>
      %swap3A_532 = arith.index_cast %add3A_488 : i32 to index
      %swap3A_533 = arith.constant 48 : index
      %swap3A_534 = tpu.vector_load %arg7[%swap3A_532, %swap3A_533] {strides = array<i32>} : memref<128x128xf32, #tpu.memory_space<vmem>>, vector<1x16xf32>,
      %swap3A_535 = vector.shape_cast %swap3A_534 : vector<1x16xf32> to vector<16xf32>
      %swap3A_536 = vector.shape_cast %mul3A_531 : vector<16xf32> to vector<1x16xf32>
      tpu.vector_store %arg7[%swap3A_532, %swap3A_533], %swap3A_536 {strides = array<i32>} : memref<128x128xf32, #tpu.memory_space<vmem>>, vector<1x16xf32>,
      %get3A_537 = arith.index_cast %add3A_488 : i32 to index
      %get3A_538 = arith.constant 64 : index
      %get3A_539 = tpu.vector_load %arg7[%get3A_537, %get3A_538] {strides = array<i32>} : memref<128x128xf32, #tpu.memory_space<vmem>>, vector<1x16xf32>,
      %get3A_540 = vector.shape_cast %get3A_539 : vector<1x16xf32> to vector<16xf32>
      %mul3A_541 = arith.constant 11.3137083 : f32
      %mul3A_542 = vector.broadcast %mul3A_541 : f32 to vector<16xf32>
      %mul3A_543 = arith.mulf %get3A_540, %mul3A_542 : vector<16xf32>
      %swap3A_544 = arith.index_cast %add3A_488 : i32 to index
      %swap3A_545 = arith.constant 64 : index
      %swap3A_546 = tpu.vector_load %arg7[%swap3A_544, %swap3A_545] {strides = array<i32>} : memref<128x128xf32, #tpu.memory_space<vmem>>, vector<1x16xf32>,
      %swap3A_547 = vector.shape_cast %swap3A_546 : vector<1x16xf32> to vector<16xf32>
      %swap3A_548 = vector.shape_cast %mul3A_543 : vector<16xf32> to vector<1x16xf32>
      tpu.vector_store %arg7[%swap3A_544, %swap3A_545], %swap3A_548 {strides = array<i32>} : memref<128x128xf32, #tpu.memory_space<vmem>>, vector<1x16xf32>,
      %get3A_549 = arith.index_cast %add3A_488 : i32 to index
      %get3A_550 = arith.constant 80 : index
      %get3A_551 = tpu.vector_load %arg7[%get3A_549, %get3A_550] {strides = array<i32>} : memref<128x128xf32, #tpu.memory_space<vmem>>, vector<1x16xf32>,
      %get3A_552 = vector.shape_cast %get3A_551 : vector<1x16xf32> to vector<16xf32>
      %mul3A_553 = arith.constant 11.3137083 : f32
      %mul3A_554 = vector.broadcast %mul3A_553 : f32 to vector<16xf32>
      %mul3A_555 = arith.mulf %get3A_552, %mul3A_554 : vector<16xf32>
      %swap3A_556 = arith.index_cast %add3A_488 : i32 to index
      %swap3A_557 = arith.constant 80 : index
      %swap3A_558 = tpu.vector_load %arg7[%swap3A_556, %swap3A_557] {strides = array<i32>} : memref<128x128xf32, #tpu.memory_space<vmem>>, vector<1x16xf32>,
      %swap3A_559 = vector.shape_cast %swap3A_558 : vector<1x16xf32> to vector<16xf32>
      %swap3A_560 = vector.shape_cast %mul3A_555 : vector<16xf32> to vector<1x16xf32>
      tpu.vector_store %arg7[%swap3A_556, %swap3A_557], %swap3A_560 {strides = array<i32>} : memref<128x128xf32, #tpu.memory_space<vmem>>, vector<1x16xf32>,
      %get3A_561 = arith.index_cast %add3A_488 : i32 to index
      %get3A_562 = arith.constant 96 : index
      %get3A_563 = tpu.vector_load %arg7[%get3A_561, %get3A_562] {strides = array<i32>} : memref<128x128xf32, #tpu.memory_space<vmem>>, vector<1x16xf32>,
      %get3A_564 = vector.shape_cast %get3A_563 : vector<1x16xf32> to vector<16xf32>
      %mul3A_565 = arith.constant 11.3137083 : f32
      %mul3A_566 = vector.broadcast %mul3A_565 : f32 to vector<16xf32>
      %mul3A_567 = arith.mulf %get3A_564, %mul3A_566 : vector<16xf32>
      %swap3A_568 = arith.index_cast %add3A_488 : i32 to index
      %swap3A_569 = arith.constant 96 : index
      %swap3A_570 = tpu.vector_load %arg7[%swap3A_568, %swap3A_569] {strides = array<i32>} : memref<128x128xf32, #tpu.memory_space<vmem>>, vector<1x16xf32>,
      %swap3A_571 = vector.shape_cast %swap3A_570 : vector<1x16xf32> to vector<16xf32>
      %swap3A_572 = vector.shape_cast %mul3A_567 : vector<16xf32> to vector<1x16xf32>
      tpu.vector_store %arg7[%swap3A_568, %swap3A_569], %swap3A_572 {strides = array<i32>} : memref<128x128xf32, #tpu.memory_space<vmem>>, vector<1x16xf32>,
      %get3A_573 = arith.index_cast %add3A_488 : i32 to index
      %get3A_574 = arith.constant 112 : index
      %get3A_575 = tpu.vector_load %arg7[%get3A_573, %get3A_574] {strides = array<i32>} : memref<128x128xf32, #tpu.memory_space<vmem>>, vector<1x16xf32>,
      %get3A_576 = vector.shape_cast %get3A_575 : vector<1x16xf32> to vector<16xf32>
      %mul3A_577 = arith.constant 11.3137083 : f32
      %mul3A_578 = vector.broadcast %mul3A_577 : f32 to vector<16xf32>
      %mul3A_579 = arith.mulf %get3A_576, %mul3A_578 : vector<16xf32>
      %swap3A_580 = arith.index_cast %add3A_488 : i32 to index
      %swap3A_581 = arith.constant 112 : index
      %swap3A_582 = tpu.vector_load %arg7[%swap3A_580, %swap3A_581] {strides = array<i32>} : memref<128x128xf32, #tpu.memory_space<vmem>>, vector<1x16xf32>,
      %swap3A_583 = vector.shape_cast %swap3A_582 : vector<1x16xf32> to vector<16xf32>
      %swap3A_584 = vector.shape_cast %mul3A_579 : vector<16xf32> to vector<1x16xf32>
      tpu.vector_store %arg7[%swap3A_580, %swap3A_581], %swap3A_584 {strides = array<i32>} : memref<128x128xf32, #tpu.memory_space<vmem>>, vector<1x16xf32>,
    }
    %scan3A_68 = arith.constant 32 : i32
    %add3A_69 = arith.constant 1 : i32
    %add3A_70 = arith.addi %mul3A_2, %add3A_69 : i32
    %mul3A_71 = arith.constant 128 : i32
    %mul3A_72 = arith.muli %add3A_70, %mul3A_71 : i32
    %dma_start3A_73 = arith.constant 0 : i32
    %dma_start3A_74 = tpu.memref_slice %arg4[%mul3A_72, %dma_start3A_73] : memref<204800x128xf32, #tpu.memory_space<hbm>> -> memref<128x128xf32, #tpu.memory_space<hbm>>
    %dma_start3A_75 = arith.constant 0 : i32
    %dma_start3A_76 = tpu.memref_slice %arg4[%mul3A_72, %dma_start3A_75] : memref<204800x128xf32, #tpu.memory_space<hbm>> -> memref<128x128xf32, #tpu.memory_space<hbm>>
    tpu.enqueue_dma source(%arg7 : memref<128x128xf32, #tpu.memory_space<vmem>>) target(%dma_start3A_76 : memref<128x128xf32, #tpu.memory_space<hbm>>) target_semaphore(%arg17 : memref<!tpu.dma_semaphore, #tpu.memory_space<semaphore_mem>>)
    %scan3A_77 = arith.constant 0 : i32
    %scan3A_78 = arith.constant 0 : i32
    %scan3A_79 = arith.constant 9 : i32
    %scan3A_80 = arith.addi %scan3A_78, %scan3A_79 : i32
    %scan3A_81 = arith.constant 1 : i32
    scf.for %scan3A_186 = %scan3A_78 to %scan3A_80 step %scan3A_81  : i32 {
      %mul3A_187 = arith.constant 5 : i32
      %mul3A_188 = arith.muli %scan3A_186, %mul3A_187 : i32
      %add3A_189 = arith.constant 2 : i32
      %add3A_190 = arith.addi %add3A_189, %mul3A_188 : i32
      %add3A_191 = arith.constant 0 : i32
      %add3A_192 = arith.addi %add3A_190, %add3A_191 : i32
      %sub3A = arith.constant 2 : i32
      %sub3A_193 = arith.subi %add3A_192, %sub3A : i32
      %add3A_194 = arith.addi %mul3A_2, %sub3A_193 : i32
      %mul3A_195 = arith.constant 128 : i32
      %mul3A_196 = arith.muli %add3A_194, %mul3A_195 : i32
      %dma_wait3A_197 = arith.constant 0 : i32
      %dma_wait3A_198 = tpu.memref_slice %arg4[%mul3A_196, %dma_wait3A_197] : memref<204800x128xf32, #tpu.memory_space<hbm>> -> memref<128x128xf32, #tpu.memory_space<hbm>>
      %dma_wait3A_199 = arith.constant 0 : i32
      %dma_wait3A_200 = tpu.memref_slice %arg4[%mul3A_196, %dma_wait3A_199] : memref<204800x128xf32, #tpu.memory_space<hbm>> -> memref<128x128xf32, #tpu.memory_space<hbm>>
      tpu.wait_dma2 semaphore(%arg16 : memref<!tpu.dma_semaphore, #tpu.memory_space<semaphore_mem>>) src(%arg6 : memref<128x128xf32, #tpu.memory_space<vmem>>) dst(%dma_wait3A_200 : memref<128x128xf32, #tpu.memory_space<hbm>>)
      %add3A_201 = arith.constant 3 : i32
      %add3A_202 = arith.addi %add3A_192, %add3A_201 : i32
      %dma_start3A_203 = arith.constant 0 : i32
      %dma_start3A_204 = tpu.memref_slice %arg5[%add3A_202, %dma_start3A_203] : memref<50x128xi32, #tpu.memory_space<vmem>> -> memref<1x128xi32, #tpu.memory_space<vmem>>
      %dma_start3A_205 = tpu.memref_squeeze %dma_start3A_204 : memref<1x128xi32, #tpu.memory_space<vmem>> -> memref<128xi32, #tpu.memory_space<vmem>>
      %dma_start3A_206 = arith.constant 0 : i32
      %dma_start3A_207 = arith.constant 0 : i32
      %dma_start3A_208 = tpu.memref_slice %arg3[%dma_start3A_206, %dma_start3A_207] : memref<100000x128xf32, #tpu.memory_space<hbm>> -> memref<100000x128xf32, #tpu.memory_space<hbm>>
      tpu.enqueue_indirect_dma source(%dma_start3A_208 : memref<100000x128xf32, #tpu.memory_space<hbm>>) target(%arg6 : memref<128x128xf32, #tpu.memory_space<vmem>>) offsets(%dma_start3A_205 : memref<128xi32, #tpu.memory_space<vmem>>) semaphore(%arg11 : memref<!tpu.dma_semaphore, #tpu.memory_space<semaphore_mem>>)
      %dma_wait3A_209 = arith.constant 0 : i32
      %dma_wait3A_210 = tpu.memref_slice %arg5[%add3A_192, %dma_wait3A_209] : memref<50x128xi32, #tpu.memory_space<vmem>> -> memref<1x128xi32, #tpu.memory_space<vmem>>
      %dma_wait3A_211 = tpu.memref_squeeze %dma_wait3A_210 : memref<1x128xi32, #tpu.memory_space<vmem>> -> memref<128xi32, #tpu.memory_space<vmem>>
      %dma_wait3A_212 = arith.constant 0 : i32
      %dma_wait3A_213 = arith.constant 0 : i32
      %dma_wait3A_214 = tpu.memref_slice %arg3[%dma_wait3A_212, %dma_wait3A_213] : memref<100000x128xf32, #tpu.memory_space<hbm>> -> memref<100000x128xf32, #tpu.memory_space<hbm>>
      tpu.wait_indirect_dma semaphore(%arg13 : memref<!tpu.dma_semaphore, #tpu.memory_space<semaphore_mem>>) src(%dma_wait3A_214 : memref<100000x128xf32, #tpu.memory_space<hbm>>) dst(%arg8 : memref<128x128xf32, #tpu.memory_space<vmem>>)
      %scan3A_215 = arith.constant 0 : i32
      %scan3A_216 = arith.constant 0 : i32
      %scan3A_217 = arith.constant 32 : i32
      %scan3A_218 = arith.addi %scan3A_216, %scan3A_217 : i32
      %scan3A_219 = arith.constant 1 : i32
      scf.for %scan3A_396 = %scan3A_216 to %scan3A_218 step %scan3A_219  : i32 {
        %mul3A_397 = arith.constant 4 : i32
        %mul3A_398 = arith.muli %scan3A_396, %mul3A_397 : i32
        %add3A_399 = arith.constant 0 : i32
        %add3A_400 = arith.addi %mul3A_398, %add3A_399 : i32
        %get3A = arith.index_cast %add3A_400 : i32 to index
        %get3A_401 = arith.constant 0 : index
        %get3A_402 = tpu.vector_load %arg8[%get3A, %get3A_401] {strides = array<i32>} : memref<128x128xf32, #tpu.memory_space<vmem>>, vector<1x16xf32>,
        %get3A_403 = vector.shape_cast %get3A_402 : vector<1x16xf32> to vector<16xf32>
        %mul3A_404 = arith.constant 11.3137083 : f32
        %mul3A_405 = vector.broadcast %mul3A_404 : f32 to vector<16xf32>
        %mul3A_406 = arith.mulf %get3A_403, %mul3A_405 : vector<16xf32>
        %swap3A = arith.index_cast %add3A_400 : i32 to index
        %swap3A_407 = arith.constant 0 : index
        %swap3A_408 = tpu.vector_load %arg8[%swap3A, %swap3A_407] {strides = array<i32>} : memref<128x128xf32, #tpu.memory_space<vmem>>, vector<1x16xf32>,
        %swap3A_409 = vector.shape_cast %swap3A_408 : vector<1x16xf32> to vector<16xf32>
        %swap3A_410 = vector.shape_cast %mul3A_406 : vector<16xf32> to vector<1x16xf32>
        tpu.vector_store %arg8[%swap3A, %swap3A_407], %swap3A_410 {strides = array<i32>} : memref<128x128xf32, #tpu.memory_space<vmem>>, vector<1x16xf32>,
        %get3A_411 = arith.index_cast %add3A_400 : i32 to index
        %get3A_412 = arith.constant 16 : index
        %get3A_413 = tpu.vector_load %arg8[%get3A_411, %get3A_412] {strides = array<i32>} : memref<128x128xf32, #tpu.memory_space<vmem>>, vector<1x16xf32>,
        %get3A_414 = vector.shape_cast %get3A_413 : vector<1x16xf32> to vector<16xf32>
        %mul3A_415 = arith.constant 11.3137083 : f32
        %mul3A_416 = vector.broadcast %mul3A_415 : f32 to vector<16xf32>
        %mul3A_417 = arith.mulf %get3A_414, %mul3A_416 : vector<16xf32>
        %swap3A_418 = arith.index_cast %add3A_400 : i32 to index
        %swap3A_419 = arith.constant 16 : index
        %swap3A_420 = tpu.vector_load %arg8[%swap3A_418, %swap3A_419] {strides = array<i32>} : memref<128x128xf32, #tpu.memory_space<vmem>>, vector<1x16xf32>,
        %swap3A_421 = vector.shape_cast %swap3A_420 : vector<1x16xf32> to vector<16xf32>
        %swap3A_422 = vector.shape_cast %mul3A_417 : vector<16xf32> to vector<1x16xf32>
        tpu.vector_store %arg8[%swap3A_418, %swap3A_419], %swap3A_422 {strides = array<i32>} : memref<128x128xf32, #tpu.memory_space<vmem>>, vector<1x16xf32>,
        %get3A_423 = arith.index_cast %add3A_400 : i32 to index
        %get3A_424 = arith.constant 32 : index
        %get3A_425 = tpu.vector_load %arg8[%get3A_423, %get3A_424] {strides = array<i32>} : memref<128x128xf32, #tpu.memory_space<vmem>>, vector<1x16xf32>,
        %get3A_426 = vector.shape_cast %get3A_425 : vector<1x16xf32> to vector<16xf32>
        %mul3A_427 = arith.constant 11.3137083 : f32
        %mul3A_428 = vector.broadcast %mul3A_427 : f32 to vector<16xf32>
        %mul3A_429 = arith.mulf %get3A_426, %mul3A_428 : vector<16xf32>
        %swap3A_430 = arith.index_cast %add3A_400 : i32 to index
        %swap3A_431 = arith.constant 32 : index
        %swap3A_432 = tpu.vector_load %arg8[%swap3A_430, %swap3A_431] {strides = array<i32>} : memref<128x128xf32, #tpu.memory_space<vmem>>, vector<1x16xf32>,
        %swap3A_433 = vector.shape_cast %swap3A_432 : vector<1x16xf32> to vector<16xf32>
        %swap3A_434 = vector.shape_cast %mul3A_429 : vector<16xf32> to vector<1x16xf32>
        tpu.vector_store %arg8[%swap3A_430, %swap3A_431], %swap3A_434 {strides = array<i32>} : memref<128x128xf32, #tpu.memory_space<vmem>>, vector<1x16xf32>,
        %get3A_435 = arith.index_cast %add3A_400 : i32 to index
        %get3A_436 = arith.constant 48 : index
        %get3A_437 = tpu.vector_load %arg8[%get3A_435, %get3A_436] {strides = array<i32>} : memref<128x128xf32, #tpu.memory_space<vmem>>, vector<1x16xf32>,
        %get3A_438 = vector.shape_cast %get3A_437 : vector<1x16xf32> to vector<16xf32>
        %mul3A_439 = arith.constant 11.3137083 : f32
        %mul3A_440 = vector.broadcast %mul3A_439 : f32 to vector<16xf32>
        %mul3A_441 = arith.mulf %get3A_438, %mul3A_440 : vector<16xf32>
        %swap3A_442 = arith.index_cast %add3A_400 : i32 to index
        %swap3A_443 = arith.constant 48 : index
        %swap3A_444 = tpu.vector_load %arg8[%swap3A_442, %swap3A_443] {strides = array<i32>} : memref<128x128xf32, #tpu.memory_space<vmem>>, vector<1x16xf32>,
        %swap3A_445 = vector.shape_cast %swap3A_444 : vector<1x16xf32> to vector<16xf32>
        %swap3A_446 = vector.shape_cast %mul3A_441 : vector<16xf32> to vector<1x16xf32>
        tpu.vector_store %arg8[%swap3A_442, %swap3A_443], %swap3A_446 {strides = array<i32>} : memref<128x128xf32, #tpu.memory_space<vmem>>, vector<1x16xf32>,
        %get3A_447 = arith.index_cast %add3A_400 : i32 to index
        %get3A_448 = arith.constant 64 : index
        %get3A_449 = tpu.vector_load %arg8[%get3A_447, %get3A_448] {strides = array<i32>} : memref<128x128xf32, #tpu.memory_space<vmem>>, vector<1x16xf32>,
        %get3A_450 = vector.shape_cast %get3A_449 : vector<1x16xf32> to vector<16xf32>
        %mul3A_451 = arith.constant 11.3137083 : f32
        %mul3A_452 = vector.broadcast %mul3A_451 : f32 to vector<16xf32>
        %mul3A_453 = arith.mulf %get3A_450, %mul3A_452 : vector<16xf32>
        %swap3A_454 = arith.index_cast %add3A_400 : i32 to index
        %swap3A_455 = arith.constant 64 : index
        %swap3A_456 = tpu.vector_load %arg8[%swap3A_454, %swap3A_455] {strides = array<i32>} : memref<128x128xf32, #tpu.memory_space<vmem>>, vector<1x16xf32>,
        %swap3A_457 = vector.shape_cast %swap3A_456 : vector<1x16xf32> to vector<16xf32>
        %swap3A_458 = vector.shape_cast %mul3A_453 : vector<16xf32> to vector<1x16xf32>
        tpu.vector_store %arg8[%swap3A_454, %swap3A_455], %swap3A_458 {strides = array<i32>} : memref<128x128xf32, #tpu.memory_space<vmem>>, vector<1x16xf32>,
        %get3A_459 = arith.index_cast %add3A_400 : i32 to index
        %get3A_460 = arith.constant 80 : index
        %get3A_461 = tpu.vector_load %arg8[%get3A_459, %get3A_460] {strides = array<i32>} : memref<128x128xf32, #tpu.memory_space<vmem>>, vector<1x16xf32>,
        %get3A_462 = vector.shape_cast %get3A_461 : vector<1x16xf32> to vector<16xf32>
        %mul3A_463 = arith.constant 11.3137083 : f32
        %mul3A_464 = vector.broadcast %mul3A_463 : f32 to vector<16xf32>
        %mul3A_465 = arith.mulf %get3A_462, %mul3A_464 : vector<16xf32>
        %swap3A_466 = arith.index_cast %add3A_400 : i32 to index
        %swap3A_467 = arith.constant 80 : index
        %swap3A_468 = tpu.vector_load %arg8[%swap3A_466, %swap3A_467] {strides = array<i32>} : memref<128x128xf32, #tpu.memory_space<vmem>>, vector<1x16xf32>,
        %swap3A_469 = vector.shape_cast %swap3A_468 : vector<1x16xf32> to vector<16xf32>
        %swap3A_470 = vector.shape_cast %mul3A_465 : vector<16xf32> to vector<1x16xf32>
        tpu.vector_store %arg8[%swap3A_466, %swap3A_467], %swap3A_470 {strides = array<i32>} : memref<128x128xf32, #tpu.memory_space<vmem>>, vector<1x16xf32>,
        %get3A_471 = arith.index_cast %add3A_400 : i32 to index
        %get3A_472 = arith.constant 96 : index
        %get3A_473 = tpu.vector_load %arg8[%get3A_471, %get3A_472] {strides = array<i32>} : memref<128x128xf32, #tpu.memory_space<vmem>>, vector<1x16xf32>,
        %get3A_474 = vector.shape_cast %get3A_473 : vector<1x16xf32> to vector<16xf32>
        %mul3A_475 = arith.constant 11.3137083 : f32
        %mul3A_476 = vector.broadcast %mul3A_475 : f32 to vector<16xf32>
        %mul3A_477 = arith.mulf %get3A_474, %mul3A_476 : vector<16xf32>
        %swap3A_478 = arith.index_cast %add3A_400 : i32 to index
        %swap3A_479 = arith.constant 96 : index
        %swap3A_480 = tpu.vector_load %arg8[%swap3A_478, %swap3A_479] {strides = array<i32>} : memref<128x128xf32, #tpu.memory_space<vmem>>, vector<1x16xf32>,
        %swap3A_481 = vector.shape_cast %swap3A_480 : vector<1x16xf32> to vector<16xf32>
        %swap3A_482 = vector.shape_cast %mul3A_477 : vector<16xf32> to vector<1x16xf32>
        tpu.vector_store %arg8[%swap3A_478, %swap3A_479], %swap3A_482 {strides = array<i32>} : memref<128x128xf32, #tpu.memory_space<vmem>>, vector<1x16xf32>,
        %get3A_483 = arith.index_cast %add3A_400 : i32 to index
        %get3A_484 = arith.constant 112 : index
        %get3A_485 = tpu.vector_load %arg8[%get3A_483, %get3A_484] {strides = array<i32>} : memref<128x128xf32, #tpu.memory_space<vmem>>, vector<1x16xf32>,
        %get3A_486 = vector.shape_cast %get3A_485 : vector<1x16xf32> to vector<16xf32>
        %mul3A_487 = arith.constant 11.3137083 : f32
        %mul3A_488 = vector.broadcast %mul3A_487 : f32 to vector<16xf32>
        %mul3A_489 = arith.mulf %get3A_486, %mul3A_488 : vector<16xf32>
        %swap3A_490 = arith.index_cast %add3A_400 : i32 to index
        %swap3A_491 = arith.constant 112 : index
        %swap3A_492 = tpu.vector_load %arg8[%swap3A_490, %swap3A_491] {strides = array<i32>} : memref<128x128xf32, #tpu.memory_space<vmem>>, vector<1x16xf32>,
        %swap3A_493 = vector.shape_cast %swap3A_492 : vector<1x16xf32> to vector<16xf32>
        %swap3A_494 = vector.shape_cast %mul3A_489 : vector<16xf32> to vector<1x16xf32>
        tpu.vector_store %arg8[%swap3A_490, %swap3A_491], %swap3A_494 {strides = array<i32>} : memref<128x128xf32, #tpu.memory_space<vmem>>, vector<1x16xf32>,
        %mul3A_495 = arith.constant 4 : i32
        %mul3A_496 = arith.muli %scan3A_396, %mul3A_495 : i32
        %add3A_497 = arith.constant 1 : i32
        %add3A_498 = arith.addi %mul3A_496, %add3A_497 : i32
        %get3A_499 = arith.index_cast %add3A_498 : i32 to index
        %get3A_500 = arith.constant 0 : index
        %get3A_501 = tpu.vector_load %arg8[%get3A_499, %get3A_500] {strides = array<i32>} : memref<128x128xf32, #tpu.memory_space<vmem>>, vector<1x16xf32>,
        %get3A_502 = vector.shape_cast %get3A_501 : vector<1x16xf32> to vector<16xf32>
        %mul3A_503 = arith.constant 11.3137083 : f32
        %mul3A_504 = vector.broadcast %mul3A_503 : f32 to vector<16xf32>
        %mul3A_505 = arith.mulf %get3A_502, %mul3A_504 : vector<16xf32>
        %swap3A_506 = arith.index_cast %add3A_498 : i32 to index
        %swap3A_507 = arith.constant 0 : index
        %swap3A_508 = tpu.vector_load %arg8[%swap3A_506, %swap3A_507] {strides = array<i32>} : memref<128x128xf32, #tpu.memory_space<vmem>>, vector<1x16xf32>,
        %swap3A_509 = vector.shape_cast %swap3A_508 : vector<1x16xf32> to vector<16xf32>
        %swap3A_510 = vector.shape_cast %mul3A_505 : vector<16xf32> to vector<1x16xf32>
        tpu.vector_store %arg8[%swap3A_506, %swap3A_507], %swap3A_510 {strides = array<i32>} : memref<128x128xf32, #tpu.memory_space<vmem>>, vector<1x16xf32>,
        %get3A_511 = arith.index_cast %add3A_498 : i32 to index
        %get3A_512 = arith.constant 16 : index
        %get3A_513 = tpu.vector_load %arg8[%get3A_511, %get3A_512] {strides = array<i32>} : memref<128x128xf32, #tpu.memory_space<vmem>>, vector<1x16xf32>,
        %get3A_514 = vector.shape_cast %get3A_513 : vector<1x16xf32> to vector<16xf32>
        %mul3A_515 = arith.constant 11.3137083 : f32
        %mul3A_516 = vector.broadcast %mul3A_515 : f32 to vector<16xf32>
        %mul3A_517 = arith.mulf %get3A_514, %mul3A_516 : vector<16xf32>
        %swap3A_518 = arith.index_cast %add3A_498 : i32 to index
        %swap3A_519 = arith.constant 16 : index
        %swap3A_520 = tpu.vector_load %arg8[%swap3A_518, %swap3A_519] {strides = array<i32>} : memref<128x128xf32, #tpu.memory_space<vmem>>, vector<1x16xf32>,
        %swap3A_521 = vector.shape_cast %swap3A_520 : vector<1x16xf32> to vector<16xf32>
        %swap3A_522 = vector.shape_cast %mul3A_517 : vector<16xf32> to vector<1x16xf32>
        tpu.vector_store %arg8[%swap3A_518, %swap3A_519], %swap3A_522 {strides = array<i32>} : memref<128x128xf32, #tpu.memory_space<vmem>>, vector<1x16xf32>,
        %get3A_523 = arith.index_cast %add3A_498 : i32 to index
        %get3A_524 = arith.constant 32 : index
        %get3A_525 = tpu.vector_load %arg8[%get3A_523, %get3A_524] {strides = array<i32>} : memref<128x128xf32, #tpu.memory_space<vmem>>, vector<1x16xf32>,
        %get3A_526 = vector.shape_cast %get3A_525 : vector<1x16xf32> to vector<16xf32>
        %mul3A_527 = arith.constant 11.3137083 : f32
        %mul3A_528 = vector.broadcast %mul3A_527 : f32 to vector<16xf32>
        %mul3A_529 = arith.mulf %get3A_526, %mul3A_528 : vector<16xf32>
        %swap3A_530 = arith.index_cast %add3A_498 : i32 to index
        %swap3A_531 = arith.constant 32 : index
        %swap3A_532 = tpu.vector_load %arg8[%swap3A_530, %swap3A_531] {strides = array<i32>} : memref<128x128xf32, #tpu.memory_space<vmem>>, vector<1x16xf32>,
        %swap3A_533 = vector.shape_cast %swap3A_532 : vector<1x16xf32> to vector<16xf32>
        %swap3A_534 = vector.shape_cast %mul3A_529 : vector<16xf32> to vector<1x16xf32>
        tpu.vector_store %arg8[%swap3A_530, %swap3A_531], %swap3A_534 {strides = array<i32>} : memref<128x128xf32, #tpu.memory_space<vmem>>, vector<1x16xf32>,
        %get3A_535 = arith.index_cast %add3A_498 : i32 to index
        %get3A_536 = arith.constant 48 : index
        %get3A_537 = tpu.vector_load %arg8[%get3A_535, %get3A_536] {strides = array<i32>} : memref<128x128xf32, #tpu.memory_space<vmem>>, vector<1x16xf32>,
        %get3A_538 = vector.shape_cast %get3A_537 : vector<1x16xf32> to vector<16xf32>
        %mul3A_539 = arith.constant 11.3137083 : f32
        %mul3A_540 = vector.broadcast %mul3A_539 : f32 to vector<16xf32>
        %mul3A_541 = arith.mulf %get3A_538, %mul3A_540 : vector<16xf32>
        %swap3A_542 = arith.index_cast %add3A_498 : i32 to index
        %swap3A_543 = arith.constant 48 : index
        %swap3A_544 = tpu.vector_load %arg8[%swap3A_542, %swap3A_543] {strides = array<i32>} : memref<128x128xf32, #tpu.memory_space<vmem>>, vector<1x16xf32>,
        %swap3A_545 = vector.shape_cast %swap3A_544 : vector<1x16xf32> to vector<16xf32>
        %swap3A_546 = vector.shape_cast %mul3A_541 : vector<16xf32> to vector<1x16xf32>
        tpu.vector_store %arg8[%swap3A_542, %swap3A_543], %swap3A_546 {strides = array<i32>} : memref<128x128xf32, #tpu.memory_space<vmem>>, vector<1x16xf32>,
        %get3A_547 = arith.index_cast %add3A_498 : i32 to index
        %get3A_548 = arith.constant 64 : index
        %get3A_549 = tpu.vector_load %arg8[%get3A_547, %get3A_548] {strides = array<i32>} : memref<128x128xf32, #tpu.memory_space<vmem>>, vector<1x16xf32>,
        %get3A_550 = vector.shape_cast %get3A_549 : vector<1x16xf32> to vector<16xf32>
        %mul3A_551 = arith.constant 11.3137083 : f32
        %mul3A_552 = vector.broadcast %mul3A_551 : f32 to vector<16xf32>
        %mul3A_553 = arith.mulf %get3A_550, %mul3A_552 : vector<16xf32>
        %swap3A_554 = arith.index_cast %add3A_498 : i32 to index
        %swap3A_555 = arith.constant 64 : index
        %swap3A_556 = tpu.vector_load %arg8[%swap3A_554, %swap3A_555] {strides = array<i32>} : memref<128x128xf32, #tpu.memory_space<vmem>>, vector<1x16xf32>,
        %swap3A_557 = vector.shape_cast %swap3A_556 : vector<1x16xf32> to vector<16xf32>
        %swap3A_558 = vector.shape_cast %mul3A_553 : vector<16xf32> to vector<1x16xf32>
        tpu.vector_store %arg8[%swap3A_554, %swap3A_555], %swap3A_558 {strides = array<i32>} : memref<128x128xf32, #tpu.memory_space<vmem>>, vector<1x16xf32>,
        %get3A_559 = arith.index_cast %add3A_498 : i32 to index
        %get3A_560 = arith.constant 80 : index
        %get3A_561 = tpu.vector_load %arg8[%get3A_559, %get3A_560] {strides = array<i32>} : memref<128x128xf32, #tpu.memory_space<vmem>>, vector<1x16xf32>,
        %get3A_562 = vector.shape_cast %get3A_561 : vector<1x16xf32> to vector<16xf32>
        %mul3A_563 = arith.constant 11.3137083 : f32
        %mul3A_564 = vector.broadcast %mul3A_563 : f32 to vector<16xf32>
        %mul3A_565 = arith.mulf %get3A_562, %mul3A_564 : vector<16xf32>
        %swap3A_566 = arith.index_cast %add3A_498 : i32 to index
        %swap3A_567 = arith.constant 80 : index
        %swap3A_568 = tpu.vector_load %arg8[%swap3A_566, %swap3A_567] {strides = array<i32>} : memref<128x128xf32, #tpu.memory_space<vmem>>, vector<1x16xf32>,
        %swap3A_569 = vector.shape_cast %swap3A_568 : vector<1x16xf32> to vector<16xf32>
        %swap3A_570 = vector.shape_cast %mul3A_565 : vector<16xf32> to vector<1x16xf32>
        tpu.vector_store %arg8[%swap3A_566, %swap3A_567], %swap3A_570 {strides = array<i32>} : memref<128x128xf32, #tpu.memory_space<vmem>>, vector<1x16xf32>,
        %get3A_571 = arith.index_cast %add3A_498 : i32 to index
        %get3A_572 = arith.constant 96 : index
        %get3A_573 = tpu.vector_load %arg8[%get3A_571, %get3A_572] {strides = array<i32>} : memref<128x128xf32, #tpu.memory_space<vmem>>, vector<1x16xf32>,
        %get3A_574 = vector.shape_cast %get3A_573 : vector<1x16xf32> to vector<16xf32>
        %mul3A_575 = arith.constant 11.3137083 : f32
        %mul3A_576 = vector.broadcast %mul3A_575 : f32 to vector<16xf32>
        %mul3A_577 = arith.mulf %get3A_574, %mul3A_576 : vector<16xf32>
        %swap3A_578 = arith.index_cast %add3A_498 : i32 to index
        %swap3A_579 = arith.constant 96 : index
        %swap3A_580 = tpu.vector_load %arg8[%swap3A_578, %swap3A_579] {strides = array<i32>} : memref<128x128xf32, #tpu.memory_space<vmem>>, vector<1x16xf32>,
        %swap3A_581 = vector.shape_cast %swap3A_580 : vector<1x16xf32> to vector<16xf32>
        %swap3A_582 = vector.shape_cast %mul3A_577 : vector<16xf32> to vector<1x16xf32>
        tpu.vector_store %arg8[%swap3A_578, %swap3A_579], %swap3A_582 {strides = array<i32>} : memref<128x128xf32, #tpu.memory_space<vmem>>, vector<1x16xf32>,
        %get3A_583 = arith.index_cast %add3A_498 : i32 to index
        %get3A_584 = arith.constant 112 : index
        %get3A_585 = tpu.vector_load %arg8[%get3A_583, %get3A_584] {strides = array<i32>} : memref<128x128xf32, #tpu.memory_space<vmem>>, vector<1x16xf32>,
        %get3A_586 = vector.shape_cast %get3A_585 : vector<1x16xf32> to vector<16xf32>
        %mul3A_587 = arith.constant 11.3137083 : f32
        %mul3A_588 = vector.broadcast %mul3A_587 : f32 to vector<16xf32>
        %mul3A_589 = arith.mulf %get3A_586, %mul3A_588 : vector<16xf32>
        %swap3A_590 = arith.index_cast %add3A_498 : i32 to index
        %swap3A_591 = arith.constant 112 : index
        %swap3A_592 = tpu.vector_load %arg8[%swap3A_590, %swap3A_591] {strides = array<i32>} : memref<128x128xf32, #tpu.memory_space<vmem>>, vector<1x16xf32>,
        %swap3A_593 = vector.shape_cast %swap3A_592 : vector<1x16xf32> to vector<16xf32>
        %swap3A_594 = vector.shape_cast %mul3A_589 : vector<16xf32> to vector<1x16xf32>
        tpu.vector_store %arg8[%swap3A_590, %swap3A_591], %swap3A_594 {strides = array<i32>} : memref<128x128xf32, #tpu.memory_space<vmem>>, vector<1x16xf32>,
        %mul3A_595 = arith.constant 4 : i32
        %mul3A_596 = arith.muli %scan3A_396, %mul3A_595 : i32
        %add3A_597 = arith.constant 2 : i32
        %add3A_598 = arith.addi %mul3A_596, %add3A_597 : i32
        %get3A_599 = arith.index_cast %add3A_598 : i32 to index
        %get3A_600 = arith.constant 0 : index
        %get3A_601 = tpu.vector_load %arg8[%get3A_599, %get3A_600] {strides = array<i32>} : memref<128x128xf32, #tpu.memory_space<vmem>>, vector<1x16xf32>,
        %get3A_602 = vector.shape_cast %get3A_601 : vector<1x16xf32> to vector<16xf32>
        %mul3A_603 = arith.constant 11.3137083 : f32
        %mul3A_604 = vector.broadcast %mul3A_603 : f32 to vector<16xf32>
        %mul3A_605 = arith.mulf %get3A_602, %mul3A_604 : vector<16xf32>
        %swap3A_606 = arith.index_cast %add3A_598 : i32 to index
        %swap3A_607 = arith.constant 0 : index
        %swap3A_608 = tpu.vector_load %arg8[%swap3A_606, %swap3A_607] {strides = array<i32>} : memref<128x128xf32, #tpu.memory_space<vmem>>, vector<1x16xf32>,
        %swap3A_609 = vector.shape_cast %swap3A_608 : vector<1x16xf32> to vector<16xf32>
        %swap3A_610 = vector.shape_cast %mul3A_605 : vector<16xf32> to vector<1x16xf32>
        tpu.vector_store %arg8[%swap3A_606, %swap3A_607], %swap3A_610 {strides = array<i32>} : memref<128x128xf32, #tpu.memory_space<vmem>>, vector<1x16xf32>,
        %get3A_611 = arith.index_cast %add3A_598 : i32 to index
        %get3A_612 = arith.constant 16 : index
        %get3A_613 = tpu.vector_load %arg8[%get3A_611, %get3A_612] {strides = array<i32>} : memref<128x128xf32, #tpu.memory_space<vmem>>, vector<1x16xf32>,
        %get3A_614 = vector.shape_cast %get3A_613 : vector<1x16xf32> to vector<16xf32>
        %mul3A_615 = arith.constant 11.3137083 : f32
        %mul3A_616 = vector.broadcast %mul3A_615 : f32 to vector<16xf32>
        %mul3A_617 = arith.mulf %get3A_614, %mul3A_616 : vector<16xf32>
        %swap3A_618 = arith.index_cast %add3A_598 : i32 to index
        %swap3A_619 = arith.constant 16 : index
        %swap3A_620 = tpu.vector_load %arg8[%swap3A_618, %swap3A_619] {strides = array<i32>} : memref<128x128xf32, #tpu.memory_space<vmem>>, vector<1x16xf32>,
        %swap3A_621 = vector.shape_cast %swap3A_620 : vector<1x16xf32> to vector<16xf32>
        %swap3A_622 = vector.shape_cast %mul3A_617 : vector<16xf32> to vector<1x16xf32>
        tpu.vector_store %arg8[%swap3A_618, %swap3A_619], %swap3A_622 {strides = array<i32>} : memref<128x128xf32, #tpu.memory_space<vmem>>, vector<1x16xf32>,
        %get3A_623 = arith.index_cast %add3A_598 : i32 to index
        %get3A_624 = arith.constant 32 : index
        %get3A_625 = tpu.vector_load %arg8[%get3A_623, %get3A_624] {strides = array<i32>} : memref<128x128xf32, #tpu.memory_space<vmem>>, vector<1x16xf32>,
        %get3A_626 = vector.shape_cast %get3A_625 : vector<1x16xf32> to vector<16xf32>
        %mul3A_627 = arith.constant 11.3137083 : f32
        %mul3A_628 = vector.broadcast %mul3A_627 : f32 to vector<16xf32>
        %mul3A_629 = arith.mulf %get3A_626, %mul3A_628 : vector<16xf32>
        %swap3A_630 = arith.index_cast %add3A_598 : i32 to index
        %swap3A_631 = arith.constant 32 : index
        %swap3A_632 = tpu.vector_load %arg8[%swap3A_630, %swap3A_631] {strides = array<i32>} : memref<128x128xf32, #tpu.memory_space<vmem>>, vector<1x16xf32>,
        %swap3A_633 = vector.shape_cast %swap3A_632 : vector<1x16xf32> to vector<16xf32>
        %swap3A_634 = vector.shape_cast %mul3A_629 : vector<16xf32> to vector<1x16xf32>
        tpu.vector_store %arg8[%swap3A_630, %swap3A_631], %swap3A_634 {strides = array<i32>} : memref<128x128xf32, #tpu.memory_space<vmem>>, vector<1x16xf32>,
        %get3A_635 = arith.index_cast %add3A_598 : i32 to index
        %get3A_636 = arith.constant 48 : index
        %get3A_637 = tpu.vector_load %arg8[%get3A_635, %get3A_636] {strides = array<i32>} : memref<128x128xf32, #tpu.memory_space<vmem>>, vector<1x16xf32>,
        %get3A_638 = vector.shape_cast %get3A_637 : vector<1x16xf32> to vector<16xf32>
        %mul3A_639 = arith.constant 11.3137083 : f32
        %mul3A_640 = vector.broadcast %mul3A_639 : f32 to vector<16xf32>
        %mul3A_641 = arith.mulf %get3A_638, %mul3A_640 : vector<16xf32>
        %swap3A_642 = arith.index_cast %add3A_598 : i32 to index
        %swap3A_643 = arith.constant 48 : index
        %swap3A_644 = tpu.vector_load %arg8[%swap3A_642, %swap3A_643] {strides = array<i32>} : memref<128x128xf32, #tpu.memory_space<vmem>>, vector<1x16xf32>,
        %swap3A_645 = vector.shape_cast %swap3A_644 : vector<1x16xf32> to vector<16xf32>
        %swap3A_646 = vector.shape_cast %mul3A_641 : vector<16xf32> to vector<1x16xf32>
        tpu.vector_store %arg8[%swap3A_642, %swap3A_643], %swap3A_646 {strides = array<i32>} : memref<128x128xf32, #tpu.memory_space<vmem>>, vector<1x16xf32>,
        %get3A_647 = arith.index_cast %add3A_598 : i32 to index
        %get3A_648 = arith.constant 64 : index
        %get3A_649 = tpu.vector_load %arg8[%get3A_647, %get3A_648] {strides = array<i32>} : memref<128x128xf32, #tpu.memory_space<vmem>>, vector<1x16xf32>,
        %get3A_650 = vector.shape_cast %get3A_649 : vector<1x16xf32> to vector<16xf32>
        %mul3A_651 = arith.constant 11.3137083 : f32
        %mul3A_652 = vector.broadcast %mul3A_651 : f32 to vector<16xf32>
        %mul3A_653 = arith.mulf %get3A_650, %mul3A_652 : vector<16xf32>
        %swap3A_654 = arith.index_cast %add3A_598 : i32 to index
        %swap3A_655 = arith.constant 64 : index
        %swap3A_656 = tpu.vector_load %arg8[%swap3A_654, %swap3A_655] {strides = array<i32>} : memref<128x128xf32, #tpu.memory_space<vmem>>, vector<1x16xf32>,
        %swap3A_657 = vector.shape_cast %swap3A_656 : vector<1x16xf32> to vector<16xf32>
        %swap3A_658 = vector.shape_cast %mul3A_653 : vector<16xf32> to vector<1x16xf32>
        tpu.vector_store %arg8[%swap3A_654, %swap3A_655], %swap3A_658 {strides = array<i32>} : memref<128x128xf32, #tpu.memory_space<vmem>>, vector<1x16xf32>,
        %get3A_659 = arith.index_cast %add3A_598 : i32 to index
        %get3A_660 = arith.constant 80 : index
        %get3A_661 = tpu.vector_load %arg8[%get3A_659, %get3A_660] {strides = array<i32>} : memref<128x128xf32, #tpu.memory_space<vmem>>, vector<1x16xf32>,
        %get3A_662 = vector.shape_cast %get3A_661 : vector<1x16xf32> to vector<16xf32>
        %mul3A_663 = arith.constant 11.3137083 : f32
        %mul3A_664 = vector.broadcast %mul3A_663 : f32 to vector<16xf32>
        %mul3A_665 = arith.mulf %get3A_662, %mul3A_664 : vector<16xf32>
        %swap3A_666 = arith.index_cast %add3A_598 : i32 to index
        %swap3A_667 = arith.constant 80 : index
        %swap3A_668 = tpu.vector_load %arg8[%swap3A_666, %swap3A_667] {strides = array<i32>} : memref<128x128xf32, #tpu.memory_space<vmem>>, vector<1x16xf32>,
        %swap3A_669 = vector.shape_cast %swap3A_668 : vector<1x16xf32> to vector<16xf32>
        %swap3A_670 = vector.shape_cast %mul3A_665 : vector<16xf32> to vector<1x16xf32>
        tpu.vector_store %arg8[%swap3A_666, %swap3A_667], %swap3A_670 {strides = array<i32>} : memref<128x128xf32, #tpu.memory_space<vmem>>, vector<1x16xf32>,
        %get3A_671 = arith.index_cast %add3A_598 : i32 to index
        %get3A_672 = arith.constant 96 : index
        %get3A_673 = tpu.vector_load %arg8[%get3A_671, %get3A_672] {strides = array<i32>} : memref<128x128xf32, #tpu.memory_space<vmem>>, vector<1x16xf32>,
        %get3A_674 = vector.shape_cast %get3A_673 : vector<1x16xf32> to vector<16xf32>
        %mul3A_675 = arith.constant 11.3137083 : f32
        %mul3A_676 = vector.broadcast %mul3A_675 : f32 to vector<16xf32>
        %mul3A_677 = arith.mulf %get3A_674, %mul3A_676 : vector<16xf32>
        %swap3A_678 = arith.index_cast %add3A_598 : i32 to index
        %swap3A_679 = arith.constant 96 : index
        %swap3A_680 = tpu.vector_load %arg8[%swap3A_678, %swap3A_679] {strides = array<i32>} : memref<128x128xf32, #tpu.memory_space<vmem>>, vector<1x16xf32>,
        %swap3A_681 = vector.shape_cast %swap3A_680 : vector<1x16xf32> to vector<16xf32>
        %swap3A_682 = vector.shape_cast %mul3A_677 : vector<16xf32> to vector<1x16xf32>
        tpu.vector_store %arg8[%swap3A_678, %swap3A_679], %swap3A_682 {strides = array<i32>} : memref<128x128xf32, #tpu.memory_space<vmem>>, vector<1x16xf32>,
        %get3A_683 = arith.index_cast %add3A_598 : i32 to index
        %get3A_684 = arith.constant 112 : index
        %get3A_685 = tpu.vector_load %arg8[%get3A_683, %get3A_684] {strides = array<i32>} : memref<128x128xf32, #tpu.memory_space<vmem>>, vector<1x16xf32>,
        %get3A_686 = vector.shape_cast %get3A_685 : vector<1x16xf32> to vector<16xf32>
        %mul3A_687 = arith.constant 11.3137083 : f32
        %mul3A_688 = vector.broadcast %mul3A_687 : f32 to vector<16xf32>
        %mul3A_689 = arith.mulf %get3A_686, %mul3A_688 : vector<16xf32>
        %swap3A_690 = arith.index_cast %add3A_598 : i32 to index
        %swap3A_691 = arith.constant 112 : index
        %swap3A_692 = tpu.vector_load %arg8[%swap3A_690, %swap3A_691] {strides = array<i32>} : memref<128x128xf32, #tpu.memory_space<vmem>>, vector<1x16xf32>,
        %swap3A_693 = vector.shape_cast %swap3A_692 : vector<1x16xf32> to vector<16xf32>
        %swap3A_694 = vector.shape_cast %mul3A_689 : vector<16xf32> to vector<1x16xf32>
        tpu.vector_store %arg8[%swap3A_690, %swap3A_691], %swap3A_694 {strides = array<i32>} : memref<128x128xf32, #tpu.memory_space<vmem>>, vector<1x16xf32>,
        %mul3A_695 = arith.constant 4 : i32
        %mul3A_696 = arith.muli %scan3A_396, %mul3A_695 : i32
        %add3A_697 = arith.constant 3 : i32
        %add3A_698 = arith.addi %mul3A_696, %add3A_697 : i32
        %get3A_699 = arith.index_cast %add3A_698 : i32 to index
        %get3A_700 = arith.constant 0 : index
        %get3A_701 = tpu.vector_load %arg8[%get3A_699, %get3A_700] {strides = array<i32>} : memref<128x128xf32, #tpu.memory_space<vmem>>, vector<1x16xf32>,
        %get3A_702 = vector.shape_cast %get3A_701 : vector<1x16xf32> to vector<16xf32>
        %mul3A_703 = arith.constant 11.3137083 : f32
        %mul3A_704 = vector.broadcast %mul3A_703 : f32 to vector<16xf32>
        %mul3A_705 = arith.mulf %get3A_702, %mul3A_704 : vector<16xf32>
        %swap3A_706 = arith.index_cast %add3A_698 : i32 to index
        %swap3A_707 = arith.constant 0 : index
        %swap3A_708 = tpu.vector_load %arg8[%swap3A_706, %swap3A_707] {strides = array<i32>} : memref<128x128xf32, #tpu.memory_space<vmem>>, vector<1x16xf32>,
        %swap3A_709 = vector.shape_cast %swap3A_708 : vector<1x16xf32> to vector<16xf32>
        %swap3A_710 = vector.shape_cast %mul3A_705 : vector<16xf32> to vector<1x16xf32>
        tpu.vector_store %arg8[%swap3A_706, %swap3A_707], %swap3A_710 {strides = array<i32>} : memref<128x128xf32, #tpu.memory_space<vmem>>, vector<1x16xf32>,
        %get3A_711 = arith.index_cast %add3A_698 : i32 to index
        %get3A_712 = arith.constant 16 : index
        %get3A_713 = tpu.vector_load %arg8[%get3A_711, %get3A_712] {strides = array<i32>} : memref<128x128xf32, #tpu.memory_space<vmem>>, vector<1x16xf32>,
        %get3A_714 = vector.shape_cast %get3A_713 : vector<1x16xf32> to vector<16xf32>
        %mul3A_715 = arith.constant 11.3137083 : f32
        %mul3A_716 = vector.broadcast %mul3A_715 : f32 to vector<16xf32>
        %mul3A_717 = arith.mulf %get3A_714, %mul3A_716 : vector<16xf32>
        %swap3A_718 = arith.index_cast %add3A_698 : i32 to index
        %swap3A_719 = arith.constant 16 : index
        %swap3A_720 = tpu.vector_load %arg8[%swap3A_718, %swap3A_719] {strides = array<i32>} : memref<128x128xf32, #tpu.memory_space<vmem>>, vector<1x16xf32>,
        %swap3A_721 = vector.shape_cast %swap3A_720 : vector<1x16xf32> to vector<16xf32>
        %swap3A_722 = vector.shape_cast %mul3A_717 : vector<16xf32> to vector<1x16xf32>
        tpu.vector_store %arg8[%swap3A_718, %swap3A_719], %swap3A_722 {strides = array<i32>} : memref<128x128xf32, #tpu.memory_space<vmem>>, vector<1x16xf32>,
        %get3A_723 = arith.index_cast %add3A_698 : i32 to index
        %get3A_724 = arith.constant 32 : index
        %get3A_725 = tpu.vector_load %arg8[%get3A_723, %get3A_724] {strides = array<i32>} : memref<128x128xf32, #tpu.memory_space<vmem>>, vector<1x16xf32>,
        %get3A_726 = vector.shape_cast %get3A_725 : vector<1x16xf32> to vector<16xf32>
        %mul3A_727 = arith.constant 11.3137083 : f32
        %mul3A_728 = vector.broadcast %mul3A_727 : f32 to vector<16xf32>
        %mul3A_729 = arith.mulf %get3A_726, %mul3A_728 : vector<16xf32>
        %swap3A_730 = arith.index_cast %add3A_698 : i32 to index
        %swap3A_731 = arith.constant 32 : index
        %swap3A_732 = tpu.vector_load %arg8[%swap3A_730, %swap3A_731] {strides = array<i32>} : memref<128x128xf32, #tpu.memory_space<vmem>>, vector<1x16xf32>,
        %swap3A_733 = vector.shape_cast %swap3A_732 : vector<1x16xf32> to vector<16xf32>
        %swap3A_734 = vector.shape_cast %mul3A_729 : vector<16xf32> to vector<1x16xf32>
        tpu.vector_store %arg8[%swap3A_730, %swap3A_731], %swap3A_734 {strides = array<i32>} : memref<128x128xf32, #tpu.memory_space<vmem>>, vector<1x16xf32>,
        %get3A_735 = arith.index_cast %add3A_698 : i32 to index
        %get3A_736 = arith.constant 48 : index
        %get3A_737 = tpu.vector_load %arg8[%get3A_735, %get3A_736] {strides = array<i32>} : memref<128x128xf32, #tpu.memory_space<vmem>>, vector<1x16xf32>,
        %get3A_738 = vector.shape_cast %get3A_737 : vector<1x16xf32> to vector<16xf32>
        %mul3A_739 = arith.constant 11.3137083 : f32
        %mul3A_740 = vector.broadcast %mul3A_739 : f32 to vector<16xf32>
        %mul3A_741 = arith.mulf %get3A_738, %mul3A_740 : vector<16xf32>
        %swap3A_742 = arith.index_cast %add3A_698 : i32 to index
        %swap3A_743 = arith.constant 48 : index
        %swap3A_744 = tpu.vector_load %arg8[%swap3A_742, %swap3A_743] {strides = array<i32>} : memref<128x128xf32, #tpu.memory_space<vmem>>, vector<1x16xf32>,
        %swap3A_745 = vector.shape_cast %swap3A_744 : vector<1x16xf32> to vector<16xf32>
        %swap3A_746 = vector.shape_cast %mul3A_741 : vector<16xf32> to vector<1x16xf32>
        tpu.vector_store %arg8[%swap3A_742, %swap3A_743], %swap3A_746 {strides = array<i32>} : memref<128x128xf32, #tpu.memory_space<vmem>>, vector<1x16xf32>,
        %get3A_747 = arith.index_cast %add3A_698 : i32 to index
        %get3A_748 = arith.constant 64 : index
        %get3A_749 = tpu.vector_load %arg8[%get3A_747, %get3A_748] {strides = array<i32>} : memref<128x128xf32, #tpu.memory_space<vmem>>, vector<1x16xf32>,
        %get3A_750 = vector.shape_cast %get3A_749 : vector<1x16xf32> to vector<16xf32>
        %mul3A_751 = arith.constant 11.3137083 : f32
        %mul3A_752 = vector.broadcast %mul3A_751 : f32 to vector<16xf32>
        %mul3A_753 = arith.mulf %get3A_750, %mul3A_752 : vector<16xf32>
        %swap3A_754 = arith.index_cast %add3A_698 : i32 to index
        %swap3A_755 = arith.constant 64 : index
        %swap3A_756 = tpu.vector_load %arg8[%swap3A_754, %swap3A_755] {strides = array<i32>} : memref<128x128xf32, #tpu.memory_space<vmem>>, vector<1x16xf32>,
        %swap3A_757 = vector.shape_cast %swap3A_756 : vector<1x16xf32> to vector<16xf32>
        %swap3A_758 = vector.shape_cast %mul3A_753 : vector<16xf32> to vector<1x16xf32>
        tpu.vector_store %arg8[%swap3A_754, %swap3A_755], %swap3A_758 {strides = array<i32>} : memref<128x128xf32, #tpu.memory_space<vmem>>, vector<1x16xf32>,
        %get3A_759 = arith.index_cast %add3A_698 : i32 to index
        %get3A_760 = arith.constant 80 : index
        %get3A_761 = tpu.vector_load %arg8[%get3A_759, %get3A_760] {strides = array<i32>} : memref<128x128xf32, #tpu.memory_space<vmem>>, vector<1x16xf32>,
        %get3A_762 = vector.shape_cast %get3A_761 : vector<1x16xf32> to vector<16xf32>
        %mul3A_763 = arith.constant 11.3137083 : f32
        %mul3A_764 = vector.broadcast %mul3A_763 : f32 to vector<16xf32>
        %mul3A_765 = arith.mulf %get3A_762, %mul3A_764 : vector<16xf32>
        %swap3A_766 = arith.index_cast %add3A_698 : i32 to index
        %swap3A_767 = arith.constant 80 : index
        %swap3A_768 = tpu.vector_load %arg8[%swap3A_766, %swap3A_767] {strides = array<i32>} : memref<128x128xf32, #tpu.memory_space<vmem>>, vector<1x16xf32>,
        %swap3A_769 = vector.shape_cast %swap3A_768 : vector<1x16xf32> to vector<16xf32>
        %swap3A_770 = vector.shape_cast %mul3A_765 : vector<16xf32> to vector<1x16xf32>
        tpu.vector_store %arg8[%swap3A_766, %swap3A_767], %swap3A_770 {strides = array<i32>} : memref<128x128xf32, #tpu.memory_space<vmem>>, vector<1x16xf32>,
        %get3A_771 = arith.index_cast %add3A_698 : i32 to index
        %get3A_772 = arith.constant 96 : index
        %get3A_773 = tpu.vector_load %arg8[%get3A_771, %get3A_772] {strides = array<i32>} : memref<128x128xf32, #tpu.memory_space<vmem>>, vector<1x16xf32>,
        %get3A_774 = vector.shape_cast %get3A_773 : vector<1x16xf32> to vector<16xf32>
        %mul3A_775 = arith.constant 11.3137083 : f32
        %mul3A_776 = vector.broadcast %mul3A_775 : f32 to vector<16xf32>
        %mul3A_777 = arith.mulf %get3A_774, %mul3A_776 : vector<16xf32>
        %swap3A_778 = arith.index_cast %add3A_698 : i32 to index
        %swap3A_779 = arith.constant 96 : index
        %swap3A_780 = tpu.vector_load %arg8[%swap3A_778, %swap3A_779] {strides = array<i32>} : memref<128x128xf32, #tpu.memory_space<vmem>>, vector<1x16xf32>,
        %swap3A_781 = vector.shape_cast %swap3A_780 : vector<1x16xf32> to vector<16xf32>
        %swap3A_782 = vector.shape_cast %mul3A_777 : vector<16xf32> to vector<1x16xf32>
        tpu.vector_store %arg8[%swap3A_778, %swap3A_779], %swap3A_782 {strides = array<i32>} : memref<128x128xf32, #tpu.memory_space<vmem>>, vector<1x16xf32>,
        %get3A_783 = arith.index_cast %add3A_698 : i32 to index
        %get3A_784 = arith.constant 112 : index
        %get3A_785 = tpu.vector_load %arg8[%get3A_783, %get3A_784] {strides = array<i32>} : memref<128x128xf32, #tpu.memory_space<vmem>>, vector<1x16xf32>,
        %get3A_786 = vector.shape_cast %get3A_785 : vector<1x16xf32> to vector<16xf32>
        %mul3A_787 = arith.constant 11.3137083 : f32
        %mul3A_788 = vector.broadcast %mul3A_787 : f32 to vector<16xf32>
        %mul3A_789 = arith.mulf %get3A_786, %mul3A_788 : vector<16xf32>
        %swap3A_790 = arith.index_cast %add3A_698 : i32 to index
        %swap3A_791 = arith.constant 112 : index
        %swap3A_792 = tpu.vector_load %arg8[%swap3A_790, %swap3A_791] {strides = array<i32>} : memref<128x128xf32, #tpu.memory_space<vmem>>, vector<1x16xf32>,
        %swap3A_793 = vector.shape_cast %swap3A_792 : vector<1x16xf32> to vector<16xf32>
        %swap3A_794 = vector.shape_cast %mul3A_789 : vector<16xf32> to vector<1x16xf32>
        tpu.vector_store %arg8[%swap3A_790, %swap3A_791], %swap3A_794 {strides = array<i32>} : memref<128x128xf32, #tpu.memory_space<vmem>>, vector<1x16xf32>,
      }
      %scan3A_220 = arith.constant 32 : i32
      %add3A_221 = arith.addi %mul3A_2, %add3A_192 : i32
      %mul3A_222 = arith.constant 128 : i32
      %mul3A_223 = arith.muli %add3A_221, %mul3A_222 : i32
      %dma_start3A_224 = arith.constant 0 : i32
      %dma_start3A_225 = tpu.memref_slice %arg4[%mul3A_223, %dma_start3A_224] : memref<204800x128xf32, #tpu.memory_space<hbm>> -> memref<128x128xf32, #tpu.memory_space<hbm>>
      %dma_start3A_226 = arith.constant 0 : i32
      %dma_start3A_227 = tpu.memref_slice %arg4[%mul3A_223, %dma_start3A_226] : memref<204800x128xf32, #tpu.memory_space<hbm>> -> memref<128x128xf32, #tpu.memory_space<hbm>>
      tpu.enqueue_dma source(%arg8 : memref<128x128xf32, #tpu.memory_space<vmem>>) target(%dma_start3A_227 : memref<128x128xf32, #tpu.memory_space<hbm>>) target_semaphore(%arg18 : memref<!tpu.dma_semaphore, #tpu.memory_space<semaphore_mem>>)
      %mul3A_228 = arith.constant 5 : i32
      %mul3A_229 = arith.muli %scan3A_186, %mul3A_228 : i32
      %add3A_230 = arith.constant 2 : i32
      %add3A_231 = arith.addi %add3A_230, %mul3A_229 : i32
      %add3A_232 = arith.constant 1 : i32
      %add3A_233 = arith.addi %add3A_231, %add3A_232 : i32
      %sub3A_234 = arith.constant 2 : i32
      %sub3A_235 = arith.subi %add3A_233, %sub3A_234 : i32
      %add3A_236 = arith.addi %mul3A_2, %sub3A_235 : i32
      %mul3A_237 = arith.constant 128 : i32
      %mul3A_238 = arith.muli %add3A_236, %mul3A_237 : i32
      %dma_wait3A_239 = arith.constant 0 : i32
      %dma_wait3A_240 = tpu.memref_slice %arg4[%mul3A_238, %dma_wait3A_239] : memref<204800x128xf32, #tpu.memory_space<hbm>> -> memref<128x128xf32, #tpu.memory_space<hbm>>
      %dma_wait3A_241 = arith.constant 0 : i32
      %dma_wait3A_242 = tpu.memref_slice %arg4[%mul3A_238, %dma_wait3A_241] : memref<204800x128xf32, #tpu.memory_space<hbm>> -> memref<128x128xf32, #tpu.memory_space<hbm>>
      tpu.wait_dma2 semaphore(%arg17 : memref<!tpu.dma_semaphore, #tpu.memory_space<semaphore_mem>>) src(%arg7 : memref<128x128xf32, #tpu.memory_space<vmem>>) dst(%dma_wait3A_242 : memref<128x128xf32, #tpu.memory_space<hbm>>)
      %add3A_243 = arith.constant 3 : i32
      %add3A_244 = arith.addi %add3A_233, %add3A_243 : i32
      %dma_start3A_245 = arith.constant 0 : i32
      %dma_start3A_246 = tpu.memref_slice %arg5[%add3A_244, %dma_start3A_245] : memref<50x128xi32, #tpu.memory_space<vmem>> -> memref<1x128xi32, #tpu.memory_space<vmem>>
      %dma_start3A_247 = tpu.memref_squeeze %dma_start3A_246 : memref<1x128xi32, #tpu.memory_space<vmem>> -> memref<128xi32, #tpu.memory_space<vmem>>
      %dma_start3A_248 = arith.constant 0 : i32
      %dma_start3A_249 = arith.constant 0 : i32
      %dma_start3A_250 = tpu.memref_slice %arg3[%dma_start3A_248, %dma_start3A_249] : memref<100000x128xf32, #tpu.memory_space<hbm>> -> memref<100000x128xf32, #tpu.memory_space<hbm>>
      tpu.enqueue_indirect_dma source(%dma_start3A_250 : memref<100000x128xf32, #tpu.memory_space<hbm>>) target(%arg7 : memref<128x128xf32, #tpu.memory_space<vmem>>) offsets(%dma_start3A_247 : memref<128xi32, #tpu.memory_space<vmem>>) semaphore(%arg12 : memref<!tpu.dma_semaphore, #tpu.memory_space<semaphore_mem>>)
      %dma_wait3A_251 = arith.constant 0 : i32
      %dma_wait3A_252 = tpu.memref_slice %arg5[%add3A_233, %dma_wait3A_251] : memref<50x128xi32, #tpu.memory_space<vmem>> -> memref<1x128xi32, #tpu.memory_space<vmem>>
      %dma_wait3A_253 = tpu.memref_squeeze %dma_wait3A_252 : memref<1x128xi32, #tpu.memory_space<vmem>> -> memref<128xi32, #tpu.memory_space<vmem>>
      %dma_wait3A_254 = arith.constant 0 : i32
      %dma_wait3A_255 = arith.constant 0 : i32
      %dma_wait3A_256 = tpu.memref_slice %arg3[%dma_wait3A_254, %dma_wait3A_255] : memref<100000x128xf32, #tpu.memory_space<hbm>> -> memref<100000x128xf32, #tpu.memory_space<hbm>>
      tpu.wait_indirect_dma semaphore(%arg14 : memref<!tpu.dma_semaphore, #tpu.memory_space<semaphore_mem>>) src(%dma_wait3A_256 : memref<100000x128xf32, #tpu.memory_space<hbm>>) dst(%arg9 : memref<128x128xf32, #tpu.memory_space<vmem>>)
      %scan3A_257 = arith.constant 0 : i32
      %scan3A_258 = arith.constant 0 : i32
      %scan3A_259 = arith.constant 32 : i32
      %scan3A_260 = arith.addi %scan3A_258, %scan3A_259 : i32
      %scan3A_261 = arith.constant 1 : i32
      scf.for %scan3A_396 = %scan3A_258 to %scan3A_260 step %scan3A_261  : i32 {
        %mul3A_397 = arith.constant 4 : i32
        %mul3A_398 = arith.muli %scan3A_396, %mul3A_397 : i32
        %add3A_399 = arith.constant 0 : i32
        %add3A_400 = arith.addi %mul3A_398, %add3A_399 : i32
        %get3A = arith.index_cast %add3A_400 : i32 to index
        %get3A_401 = arith.constant 0 : index
        %get3A_402 = tpu.vector_load %arg9[%get3A, %get3A_401] {strides = array<i32>} : memref<128x128xf32, #tpu.memory_space<vmem>>, vector<1x16xf32>,
        %get3A_403 = vector.shape_cast %get3A_402 : vector<1x16xf32> to vector<16xf32>
        %mul3A_404 = arith.constant 11.3137083 : f32
        %mul3A_405 = vector.broadcast %mul3A_404 : f32 to vector<16xf32>
        %mul3A_406 = arith.mulf %get3A_403, %mul3A_405 : vector<16xf32>
        %swap3A = arith.index_cast %add3A_400 : i32 to index
        %swap3A_407 = arith.constant 0 : index
        %swap3A_408 = tpu.vector_load %arg9[%swap3A, %swap3A_407] {strides = array<i32>} : memref<128x128xf32, #tpu.memory_space<vmem>>, vector<1x16xf32>,
        %swap3A_409 = vector.shape_cast %swap3A_408 : vector<1x16xf32> to vector<16xf32>
        %swap3A_410 = vector.shape_cast %mul3A_406 : vector<16xf32> to vector<1x16xf32>
        tpu.vector_store %arg9[%swap3A, %swap3A_407], %swap3A_410 {strides = array<i32>} : memref<128x128xf32, #tpu.memory_space<vmem>>, vector<1x16xf32>,
        %get3A_411 = arith.index_cast %add3A_400 : i32 to index
        %get3A_412 = arith.constant 16 : index
        %get3A_413 = tpu.vector_load %arg9[%get3A_411, %get3A_412] {strides = array<i32>} : memref<128x128xf32, #tpu.memory_space<vmem>>, vector<1x16xf32>,
        %get3A_414 = vector.shape_cast %get3A_413 : vector<1x16xf32> to vector<16xf32>
        %mul3A_415 = arith.constant 11.3137083 : f32
        %mul3A_416 = vector.broadcast %mul3A_415 : f32 to vector<16xf32>
        %mul3A_417 = arith.mulf %get3A_414, %mul3A_416 : vector<16xf32>
        %swap3A_418 = arith.index_cast %add3A_400 : i32 to index
        %swap3A_419 = arith.constant 16 : index
        %swap3A_420 = tpu.vector_load %arg9[%swap3A_418, %swap3A_419] {strides = array<i32>} : memref<128x128xf32, #tpu.memory_space<vmem>>, vector<1x16xf32>,
        %swap3A_421 = vector.shape_cast %swap3A_420 : vector<1x16xf32> to vector<16xf32>
        %swap3A_422 = vector.shape_cast %mul3A_417 : vector<16xf32> to vector<1x16xf32>
        tpu.vector_store %arg9[%swap3A_418, %swap3A_419], %swap3A_422 {strides = array<i32>} : memref<128x128xf32, #tpu.memory_space<vmem>>, vector<1x16xf32>,
        %get3A_423 = arith.index_cast %add3A_400 : i32 to index
        %get3A_424 = arith.constant 32 : index
        %get3A_425 = tpu.vector_load %arg9[%get3A_423, %get3A_424] {strides = array<i32>} : memref<128x128xf32, #tpu.memory_space<vmem>>, vector<1x16xf32>,
        %get3A_426 = vector.shape_cast %get3A_425 : vector<1x16xf32> to vector<16xf32>
        %mul3A_427 = arith.constant 11.3137083 : f32
        %mul3A_428 = vector.broadcast %mul3A_427 : f32 to vector<16xf32>
        %mul3A_429 = arith.mulf %get3A_426, %mul3A_428 : vector<16xf32>
        %swap3A_430 = arith.index_cast %add3A_400 : i32 to index
        %swap3A_431 = arith.constant 32 : index
        %swap3A_432 = tpu.vector_load %arg9[%swap3A_430, %swap3A_431] {strides = array<i32>} : memref<128x128xf32, #tpu.memory_space<vmem>>, vector<1x16xf32>,
        %swap3A_433 = vector.shape_cast %swap3A_432 : vector<1x16xf32> to vector<16xf32>
        %swap3A_434 = vector.shape_cast %mul3A_429 : vector<16xf32> to vector<1x16xf32>
        tpu.vector_store %arg9[%swap3A_430, %swap3A_431], %swap3A_434 {strides = array<i32>} : memref<128x128xf32, #tpu.memory_space<vmem>>, vector<1x16xf32>,
        %get3A_435 = arith.index_cast %add3A_400 : i32 to index
        %get3A_436 = arith.constant 48 : index
        %get3A_437 = tpu.vector_load %arg9[%get3A_435, %get3A_436] {strides = array<i32>} : memref<128x128xf32, #tpu.memory_space<vmem>>, vector<1x16xf32>,
        %get3A_438 = vector.shape_cast %get3A_437 : vector<1x16xf32> to vector<16xf32>
        %mul3A_439 = arith.constant 11.3137083 : f32
        %mul3A_440 = vector.broadcast %mul3A_439 : f32 to vector<16xf32>
        %mul3A_441 = arith.mulf %get3A_438, %mul3A_440 : vector<16xf32>
        %swap3A_442 = arith.index_cast %add3A_400 : i32 to index
        %swap3A_443 = arith.constant 48 : index
        %swap3A_444 = tpu.vector_load %arg9[%swap3A_442, %swap3A_443] {strides = array<i32>} : memref<128x128xf32, #tpu.memory_space<vmem>>, vector<1x16xf32>,
        %swap3A_445 = vector.shape_cast %swap3A_444 : vector<1x16xf32> to vector<16xf32>
        %swap3A_446 = vector.shape_cast %mul3A_441 : vector<16xf32> to vector<1x16xf32>
        tpu.vector_store %arg9[%swap3A_442, %swap3A_443], %swap3A_446 {strides = array<i32>} : memref<128x128xf32, #tpu.memory_space<vmem>>, vector<1x16xf32>,
        %get3A_447 = arith.index_cast %add3A_400 : i32 to index
        %get3A_448 = arith.constant 64 : index
        %get3A_449 = tpu.vector_load %arg9[%get3A_447, %get3A_448] {strides = array<i32>} : memref<128x128xf32, #tpu.memory_space<vmem>>, vector<1x16xf32>,
        %get3A_450 = vector.shape_cast %get3A_449 : vector<1x16xf32> to vector<16xf32>
        %mul3A_451 = arith.constant 11.3137083 : f32
        %mul3A_452 = vector.broadcast %mul3A_451 : f32 to vector<16xf32>
        %mul3A_453 = arith.mulf %get3A_450, %mul3A_452 : vector<16xf32>
        %swap3A_454 = arith.index_cast %add3A_400 : i32 to index
        %swap3A_455 = arith.constant 64 : index
        %swap3A_456 = tpu.vector_load %arg9[%swap3A_454, %swap3A_455] {strides = array<i32>} : memref<128x128xf32, #tpu.memory_space<vmem>>, vector<1x16xf32>,
        %swap3A_457 = vector.shape_cast %swap3A_456 : vector<1x16xf32> to vector<16xf32>
        %swap3A_458 = vector.shape_cast %mul3A_453 : vector<16xf32> to vector<1x16xf32>
        tpu.vector_store %arg9[%swap3A_454, %swap3A_455], %swap3A_458 {strides = array<i32>} : memref<128x128xf32, #tpu.memory_space<vmem>>, vector<1x16xf32>,
        %get3A_459 = arith.index_cast %add3A_400 : i32 to index
        %get3A_460 = arith.constant 80 : index
        %get3A_461 = tpu.vector_load %arg9[%get3A_459, %get3A_460] {strides = array<i32>} : memref<128x128xf32, #tpu.memory_space<vmem>>, vector<1x16xf32>,
        %get3A_462 = vector.shape_cast %get3A_461 : vector<1x16xf32> to vector<16xf32>
        %mul3A_463 = arith.constant 11.3137083 : f32
        %mul3A_464 = vector.broadcast %mul3A_463 : f32 to vector<16xf32>
        %mul3A_465 = arith.mulf %get3A_462, %mul3A_464 : vector<16xf32>
        %swap3A_466 = arith.index_cast %add3A_400 : i32 to index
        %swap3A_467 = arith.constant 80 : index
        %swap3A_468 = tpu.vector_load %arg9[%swap3A_466, %swap3A_467] {strides = array<i32>} : memref<128x128xf32, #tpu.memory_space<vmem>>, vector<1x16xf32>,
        %swap3A_469 = vector.shape_cast %swap3A_468 : vector<1x16xf32> to vector<16xf32>
        %swap3A_470 = vector.shape_cast %mul3A_465 : vector<16xf32> to vector<1x16xf32>
        tpu.vector_store %arg9[%swap3A_466, %swap3A_467], %swap3A_470 {strides = array<i32>} : memref<128x128xf32, #tpu.memory_space<vmem>>, vector<1x16xf32>,
        %get3A_471 = arith.index_cast %add3A_400 : i32 to index
        %get3A_472 = arith.constant 96 : index
        %get3A_473 = tpu.vector_load %arg9[%get3A_471, %get3A_472] {strides = array<i32>} : memref<128x128xf32, #tpu.memory_space<vmem>>, vector<1x16xf32>,
        %get3A_474 = vector.shape_cast %get3A_473 : vector<1x16xf32> to vector<16xf32>
        %mul3A_475 = arith.constant 11.3137083 : f32
        %mul3A_476 = vector.broadcast %mul3A_475 : f32 to vector<16xf32>
        %mul3A_477 = arith.mulf %get3A_474, %mul3A_476 : vector<16xf32>
        %swap3A_478 = arith.index_cast %add3A_400 : i32 to index
        %swap3A_479 = arith.constant 96 : index
        %swap3A_480 = tpu.vector_load %arg9[%swap3A_478, %swap3A_479] {strides = array<i32>} : memref<128x128xf32, #tpu.memory_space<vmem>>, vector<1x16xf32>,
        %swap3A_481 = vector.shape_cast %swap3A_480 : vector<1x16xf32> to vector<16xf32>
        %swap3A_482 = vector.shape_cast %mul3A_477 : vector<16xf32> to vector<1x16xf32>
        tpu.vector_store %arg9[%swap3A_478, %swap3A_479], %swap3A_482 {strides = array<i32>} : memref<128x128xf32, #tpu.memory_space<vmem>>, vector<1x16xf32>,
        %get3A_483 = arith.index_cast %add3A_400 : i32 to index
        %get3A_484 = arith.constant 112 : index
        %get3A_485 = tpu.vector_load %arg9[%get3A_483, %get3A_484] {strides = array<i32>} : memref<128x128xf32, #tpu.memory_space<vmem>>, vector<1x16xf32>,
        %get3A_486 = vector.shape_cast %get3A_485 : vector<1x16xf32> to vector<16xf32>
        %mul3A_487 = arith.constant 11.3137083 : f32
        %mul3A_488 = vector.broadcast %mul3A_487 : f32 to vector<16xf32>
        %mul3A_489 = arith.mulf %get3A_486, %mul3A_488 : vector<16xf32>
        %swap3A_490 = arith.index_cast %add3A_400 : i32 to index
        %swap3A_491 = arith.constant 112 : index
        %swap3A_492 = tpu.vector_load %arg9[%swap3A_490, %swap3A_491] {strides = array<i32>} : memref<128x128xf32, #tpu.memory_space<vmem>>, vector<1x16xf32>,
        %swap3A_493 = vector.shape_cast %swap3A_492 : vector<1x16xf32> to vector<16xf32>
        %swap3A_494 = vector.shape_cast %mul3A_489 : vector<16xf32> to vector<1x16xf32>
        tpu.vector_store %arg9[%swap3A_490, %swap3A_491], %swap3A_494 {strides = array<i32>} : memref<128x128xf32, #tpu.memory_space<vmem>>, vector<1x16xf32>,
        %mul3A_495 = arith.constant 4 : i32
        %mul3A_496 = arith.muli %scan3A_396, %mul3A_495 : i32
        %add3A_497 = arith.constant 1 : i32
        %add3A_498 = arith.addi %mul3A_496, %add3A_497 : i32
        %get3A_499 = arith.index_cast %add3A_498 : i32 to index
        %get3A_500 = arith.constant 0 : index
        %get3A_501 = tpu.vector_load %arg9[%get3A_499, %get3A_500] {strides = array<i32>} : memref<128x128xf32, #tpu.memory_space<vmem>>, vector<1x16xf32>,
        %get3A_502 = vector.shape_cast %get3A_501 : vector<1x16xf32> to vector<16xf32>
        %mul3A_503 = arith.constant 11.3137083 : f32
        %mul3A_504 = vector.broadcast %mul3A_503 : f32 to vector<16xf32>
        %mul3A_505 = arith.mulf %get3A_502, %mul3A_504 : vector<16xf32>
        %swap3A_506 = arith.index_cast %add3A_498 : i32 to index
        %swap3A_507 = arith.constant 0 : index
        %swap3A_508 = tpu.vector_load %arg9[%swap3A_506, %swap3A_507] {strides = array<i32>} : memref<128x128xf32, #tpu.memory_space<vmem>>, vector<1x16xf32>,
        %swap3A_509 = vector.shape_cast %swap3A_508 : vector<1x16xf32> to vector<16xf32>
        %swap3A_510 = vector.shape_cast %mul3A_505 : vector<16xf32> to vector<1x16xf32>
        tpu.vector_store %arg9[%swap3A_506, %swap3A_507], %swap3A_510 {strides = array<i32>} : memref<128x128xf32, #tpu.memory_space<vmem>>, vector<1x16xf32>,
        %get3A_511 = arith.index_cast %add3A_498 : i32 to index
        %get3A_512 = arith.constant 16 : index
        %get3A_513 = tpu.vector_load %arg9[%get3A_511, %get3A_512] {strides = array<i32>} : memref<128x128xf32, #tpu.memory_space<vmem>>, vector<1x16xf32>,
        %get3A_514 = vector.shape_cast %get3A_513 : vector<1x16xf32> to vector<16xf32>
        %mul3A_515 = arith.constant 11.3137083 : f32
        %mul3A_516 = vector.broadcast %mul3A_515 : f32 to vector<16xf32>
        %mul3A_517 = arith.mulf %get3A_514, %mul3A_516 : vector<16xf32>
        %swap3A_518 = arith.index_cast %add3A_498 : i32 to index
        %swap3A_519 = arith.constant 16 : index
        %swap3A_520 = tpu.vector_load %arg9[%swap3A_518, %swap3A_519] {strides = array<i32>} : memref<128x128xf32, #tpu.memory_space<vmem>>, vector<1x16xf32>,
        %swap3A_521 = vector.shape_cast %swap3A_520 : vector<1x16xf32> to vector<16xf32>
        %swap3A_522 = vector.shape_cast %mul3A_517 : vector<16xf32> to vector<1x16xf32>
        tpu.vector_store %arg9[%swap3A_518, %swap3A_519], %swap3A_522 {strides = array<i32>} : memref<128x128xf32, #tpu.memory_space<vmem>>, vector<1x16xf32>,
        %get3A_523 = arith.index_cast %add3A_498 : i32 to index
        %get3A_524 = arith.constant 32 : index
        %get3A_525 = tpu.vector_load %arg9[%get3A_523, %get3A_524] {strides = array<i32>} : memref<128x128xf32, #tpu.memory_space<vmem>>, vector<1x16xf32>,
        %get3A_526 = vector.shape_cast %get3A_525 : vector<1x16xf32> to vector<16xf32>
        %mul3A_527 = arith.constant 11.3137083 : f32
        %mul3A_528 = vector.broadcast %mul3A_527 : f32 to vector<16xf32>
        %mul3A_529 = arith.mulf %get3A_526, %mul3A_528 : vector<16xf32>
        %swap3A_530 = arith.index_cast %add3A_498 : i32 to index
        %swap3A_531 = arith.constant 32 : index
        %swap3A_532 = tpu.vector_load %arg9[%swap3A_530, %swap3A_531] {strides = array<i32>} : memref<128x128xf32, #tpu.memory_space<vmem>>, vector<1x16xf32>,
        %swap3A_533 = vector.shape_cast %swap3A_532 : vector<1x16xf32> to vector<16xf32>
        %swap3A_534 = vector.shape_cast %mul3A_529 : vector<16xf32> to vector<1x16xf32>
        tpu.vector_store %arg9[%swap3A_530, %swap3A_531], %swap3A_534 {strides = array<i32>} : memref<128x128xf32, #tpu.memory_space<vmem>>, vector<1x16xf32>,
        %get3A_535 = arith.index_cast %add3A_498 : i32 to index
        %get3A_536 = arith.constant 48 : index
        %get3A_537 = tpu.vector_load %arg9[%get3A_535, %get3A_536] {strides = array<i32>} : memref<128x128xf32, #tpu.memory_space<vmem>>, vector<1x16xf32>,
        %get3A_538 = vector.shape_cast %get3A_537 : vector<1x16xf32> to vector<16xf32>
        %mul3A_539 = arith.constant 11.3137083 : f32
        %mul3A_540 = vector.broadcast %mul3A_539 : f32 to vector<16xf32>
        %mul3A_541 = arith.mulf %get3A_538, %mul3A_540 : vector<16xf32>
        %swap3A_542 = arith.index_cast %add3A_498 : i32 to index
        %swap3A_543 = arith.constant 48 : index
        %swap3A_544 = tpu.vector_load %arg9[%swap3A_542, %swap3A_543] {strides = array<i32>} : memref<128x128xf32, #tpu.memory_space<vmem>>, vector<1x16xf32>,
        %swap3A_545 = vector.shape_cast %swap3A_544 : vector<1x16xf32> to vector<16xf32>
        %swap3A_546 = vector.shape_cast %mul3A_541 : vector<16xf32> to vector<1x16xf32>
        tpu.vector_store %arg9[%swap3A_542, %swap3A_543], %swap3A_546 {strides = array<i32>} : memref<128x128xf32, #tpu.memory_space<vmem>>, vector<1x16xf32>,
        %get3A_547 = arith.index_cast %add3A_498 : i32 to index
        %get3A_548 = arith.constant 64 : index
        %get3A_549 = tpu.vector_load %arg9[%get3A_547, %get3A_548] {strides = array<i32>} : memref<128x128xf32, #tpu.memory_space<vmem>>, vector<1x16xf32>,
        %get3A_550 = vector.shape_cast %get3A_549 : vector<1x16xf32> to vector<16xf32>
        %mul3A_551 = arith.constant 11.3137083 : f32
        %mul3A_552 = vector.broadcast %mul3A_551 : f32 to vector<16xf32>
        %mul3A_553 = arith.mulf %get3A_550, %mul3A_552 : vector<16xf32>
        %swap3A_554 = arith.index_cast %add3A_498 : i32 to index
        %swap3A_555 = arith.constant 64 : index
        %swap3A_556 = tpu.vector_load %arg9[%swap3A_554, %swap3A_555] {strides = array<i32>} : memref<128x128xf32, #tpu.memory_space<vmem>>, vector<1x16xf32>,
        %swap3A_557 = vector.shape_cast %swap3A_556 : vector<1x16xf32> to vector<16xf32>
        %swap3A_558 = vector.shape_cast %mul3A_553 : vector<16xf32> to vector<1x16xf32>
        tpu.vector_store %arg9[%swap3A_554, %swap3A_555], %swap3A_558 {strides = array<i32>} : memref<128x128xf32, #tpu.memory_space<vmem>>, vector<1x16xf32>,
        %get3A_559 = arith.index_cast %add3A_498 : i32 to index
        %get3A_560 = arith.constant 80 : index
        %get3A_561 = tpu.vector_load %arg9[%get3A_559, %get3A_560] {strides = array<i32>} : memref<128x128xf32, #tpu.memory_space<vmem>>, vector<1x16xf32>,
        %get3A_562 = vector.shape_cast %get3A_561 : vector<1x16xf32> to vector<16xf32>
        %mul3A_563 = arith.constant 11.3137083 : f32
        %mul3A_564 = vector.broadcast %mul3A_563 : f32 to vector<16xf32>
        %mul3A_565 = arith.mulf %get3A_562, %mul3A_564 : vector<16xf32>
        %swap3A_566 = arith.index_cast %add3A_498 : i32 to index
        %swap3A_567 = arith.constant 80 : index
        %swap3A_568 = tpu.vector_load %arg9[%swap3A_566, %swap3A_567] {strides = array<i32>} : memref<128x128xf32, #tpu.memory_space<vmem>>, vector<1x16xf32>,
        %swap3A_569 = vector.shape_cast %swap3A_568 : vector<1x16xf32> to vector<16xf32>
        %swap3A_570 = vector.shape_cast %mul3A_565 : vector<16xf32> to vector<1x16xf32>
        tpu.vector_store %arg9[%swap3A_566, %swap3A_567], %swap3A_570 {strides = array<i32>} : memref<128x128xf32, #tpu.memory_space<vmem>>, vector<1x16xf32>,
        %get3A_571 = arith.index_cast %add3A_498 : i32 to index
        %get3A_572 = arith.constant 96 : index
        %get3A_573 = tpu.vector_load %arg9[%get3A_571, %get3A_572] {strides = array<i32>} : memref<128x128xf32, #tpu.memory_space<vmem>>, vector<1x16xf32>,
        %get3A_574 = vector.shape_cast %get3A_573 : vector<1x16xf32> to vector<16xf32>
        %mul3A_575 = arith.constant 11.3137083 : f32
        %mul3A_576 = vector.broadcast %mul3A_575 : f32 to vector<16xf32>
        %mul3A_577 = arith.mulf %get3A_574, %mul3A_576 : vector<16xf32>
        %swap3A_578 = arith.index_cast %add3A_498 : i32 to index
        %swap3A_579 = arith.constant 96 : index
        %swap3A_580 = tpu.vector_load %arg9[%swap3A_578, %swap3A_579] {strides = array<i32>} : memref<128x128xf32, #tpu.memory_space<vmem>>, vector<1x16xf32>,
        %swap3A_581 = vector.shape_cast %swap3A_580 : vector<1x16xf32> to vector<16xf32>
        %swap3A_582 = vector.shape_cast %mul3A_577 : vector<16xf32> to vector<1x16xf32>
        tpu.vector_store %arg9[%swap3A_578, %swap3A_579], %swap3A_582 {strides = array<i32>} : memref<128x128xf32, #tpu.memory_space<vmem>>, vector<1x16xf32>,
        %get3A_583 = arith.index_cast %add3A_498 : i32 to index
        %get3A_584 = arith.constant 112 : index
        %get3A_585 = tpu.vector_load %arg9[%get3A_583, %get3A_584] {strides = array<i32>} : memref<128x128xf32, #tpu.memory_space<vmem>>, vector<1x16xf32>,
        %get3A_586 = vector.shape_cast %get3A_585 : vector<1x16xf32> to vector<16xf32>
        %mul3A_587 = arith.constant 11.3137083 : f32
        %mul3A_588 = vector.broadcast %mul3A_587 : f32 to vector<16xf32>
        %mul3A_589 = arith.mulf %get3A_586, %mul3A_588 : vector<16xf32>
        %swap3A_590 = arith.index_cast %add3A_498 : i32 to index
        %swap3A_591 = arith.constant 112 : index
        %swap3A_592 = tpu.vector_load %arg9[%swap3A_590, %swap3A_591] {strides = array<i32>} : memref<128x128xf32, #tpu.memory_space<vmem>>, vector<1x16xf32>,
        %swap3A_593 = vector.shape_cast %swap3A_592 : vector<1x16xf32> to vector<16xf32>
        %swap3A_594 = vector.shape_cast %mul3A_589 : vector<16xf32> to vector<1x16xf32>
        tpu.vector_store %arg9[%swap3A_590, %swap3A_591], %swap3A_594 {strides = array<i32>} : memref<128x128xf32, #tpu.memory_space<vmem>>, vector<1x16xf32>,
        %mul3A_595 = arith.constant 4 : i32
        %mul3A_596 = arith.muli %scan3A_396, %mul3A_595 : i32
        %add3A_597 = arith.constant 2 : i32
        %add3A_598 = arith.addi %mul3A_596, %add3A_597 : i32
        %get3A_599 = arith.index_cast %add3A_598 : i32 to index
        %get3A_600 = arith.constant 0 : index
        %get3A_601 = tpu.vector_load %arg9[%get3A_599, %get3A_600] {strides = array<i32>} : memref<128x128xf32, #tpu.memory_space<vmem>>, vector<1x16xf32>,
        %get3A_602 = vector.shape_cast %get3A_601 : vector<1x16xf32> to vector<16xf32>
        %mul3A_603 = arith.constant 11.3137083 : f32
        %mul3A_604 = vector.broadcast %mul3A_603 : f32 to vector<16xf32>
        %mul3A_605 = arith.mulf %get3A_602, %mul3A_604 : vector<16xf32>
        %swap3A_606 = arith.index_cast %add3A_598 : i32 to index
        %swap3A_607 = arith.constant 0 : index
        %swap3A_608 = tpu.vector_load %arg9[%swap3A_606, %swap3A_607] {strides = array<i32>} : memref<128x128xf32, #tpu.memory_space<vmem>>, vector<1x16xf32>,
        %swap3A_609 = vector.shape_cast %swap3A_608 : vector<1x16xf32> to vector<16xf32>
        %swap3A_610 = vector.shape_cast %mul3A_605 : vector<16xf32> to vector<1x16xf32>
        tpu.vector_store %arg9[%swap3A_606, %swap3A_607], %swap3A_610 {strides = array<i32>} : memref<128x128xf32, #tpu.memory_space<vmem>>, vector<1x16xf32>,
        %get3A_611 = arith.index_cast %add3A_598 : i32 to index
        %get3A_612 = arith.constant 16 : index
        %get3A_613 = tpu.vector_load %arg9[%get3A_611, %get3A_612] {strides = array<i32>} : memref<128x128xf32, #tpu.memory_space<vmem>>, vector<1x16xf32>,
        %get3A_614 = vector.shape_cast %get3A_613 : vector<1x16xf32> to vector<16xf32>
        %mul3A_615 = arith.constant 11.3137083 : f32
        %mul3A_616 = vector.broadcast %mul3A_615 : f32 to vector<16xf32>
        %mul3A_617 = arith.mulf %get3A_614, %mul3A_616 : vector<16xf32>
        %swap3A_618 = arith.index_cast %add3A_598 : i32 to index
        %swap3A_619 = arith.constant 16 : index
        %swap3A_620 = tpu.vector_load %arg9[%swap3A_618, %swap3A_619] {strides = array<i32>} : memref<128x128xf32, #tpu.memory_space<vmem>>, vector<1x16xf32>,
        %swap3A_621 = vector.shape_cast %swap3A_620 : vector<1x16xf32> to vector<16xf32>
        %swap3A_622 = vector.shape_cast %mul3A_617 : vector<16xf32> to vector<1x16xf32>
        tpu.vector_store %arg9[%swap3A_618, %swap3A_619], %swap3A_622 {strides = array<i32>} : memref<128x128xf32, #tpu.memory_space<vmem>>, vector<1x16xf32>,
        %get3A_623 = arith.index_cast %add3A_598 : i32 to index
        %get3A_624 = arith.constant 32 : index
        %get3A_625 = tpu.vector_load %arg9[%get3A_623, %get3A_624] {strides = array<i32>} : memref<128x128xf32, #tpu.memory_space<vmem>>, vector<1x16xf32>,
        %get3A_626 = vector.shape_cast %get3A_625 : vector<1x16xf32> to vector<16xf32>
        %mul3A_627 = arith.constant 11.3137083 : f32
        %mul3A_628 = vector.broadcast %mul3A_627 : f32 to vector<16xf32>
        %mul3A_629 = arith.mulf %get3A_626, %mul3A_628 : vector<16xf32>
        %swap3A_630 = arith.index_cast %add3A_598 : i32 to index
        %swap3A_631 = arith.constant 32 : index
        %swap3A_632 = tpu.vector_load %arg9[%swap3A_630, %swap3A_631] {strides = array<i32>} : memref<128x128xf32, #tpu.memory_space<vmem>>, vector<1x16xf32>,
        %swap3A_633 = vector.shape_cast %swap3A_632 : vector<1x16xf32> to vector<16xf32>
        %swap3A_634 = vector.shape_cast %mul3A_629 : vector<16xf32> to vector<1x16xf32>
        tpu.vector_store %arg9[%swap3A_630, %swap3A_631], %swap3A_634 {strides = array<i32>} : memref<128x128xf32, #tpu.memory_space<vmem>>, vector<1x16xf32>,
        %get3A_635 = arith.index_cast %add3A_598 : i32 to index
        %get3A_636 = arith.constant 48 : index
        %get3A_637 = tpu.vector_load %arg9[%get3A_635, %get3A_636] {strides = array<i32>} : memref<128x128xf32, #tpu.memory_space<vmem>>, vector<1x16xf32>,
        %get3A_638 = vector.shape_cast %get3A_637 : vector<1x16xf32> to vector<16xf32>
        %mul3A_639 = arith.constant 11.3137083 : f32
        %mul3A_640 = vector.broadcast %mul3A_639 : f32 to vector<16xf32>
        %mul3A_641 = arith.mulf %get3A_638, %mul3A_640 : vector<16xf32>
        %swap3A_642 = arith.index_cast %add3A_598 : i32 to index
        %swap3A_643 = arith.constant 48 : index
        %swap3A_644 = tpu.vector_load %arg9[%swap3A_642, %swap3A_643] {strides = array<i32>} : memref<128x128xf32, #tpu.memory_space<vmem>>, vector<1x16xf32>,
        %swap3A_645 = vector.shape_cast %swap3A_644 : vector<1x16xf32> to vector<16xf32>
        %swap3A_646 = vector.shape_cast %mul3A_641 : vector<16xf32> to vector<1x16xf32>
        tpu.vector_store %arg9[%swap3A_642, %swap3A_643], %swap3A_646 {strides = array<i32>} : memref<128x128xf32, #tpu.memory_space<vmem>>, vector<1x16xf32>,
        %get3A_647 = arith.index_cast %add3A_598 : i32 to index
        %get3A_648 = arith.constant 64 : index
        %get3A_649 = tpu.vector_load %arg9[%get3A_647, %get3A_648] {strides = array<i32>} : memref<128x128xf32, #tpu.memory_space<vmem>>, vector<1x16xf32>,
        %get3A_650 = vector.shape_cast %get3A_649 : vector<1x16xf32> to vector<16xf32>
        %mul3A_651 = arith.constant 11.3137083 : f32
        %mul3A_652 = vector.broadcast %mul3A_651 : f32 to vector<16xf32>
        %mul3A_653 = arith.mulf %get3A_650, %mul3A_652 : vector<16xf32>
        %swap3A_654 = arith.index_cast %add3A_598 : i32 to index
        %swap3A_655 = arith.constant 64 : index
        %swap3A_656 = tpu.vector_load %arg9[%swap3A_654, %swap3A_655] {strides = array<i32>} : memref<128x128xf32, #tpu.memory_space<vmem>>, vector<1x16xf32>,
        %swap3A_657 = vector.shape_cast %swap3A_656 : vector<1x16xf32> to vector<16xf32>
        %swap3A_658 = vector.shape_cast %mul3A_653 : vector<16xf32> to vector<1x16xf32>
        tpu.vector_store %arg9[%swap3A_654, %swap3A_655], %swap3A_658 {strides = array<i32>} : memref<128x128xf32, #tpu.memory_space<vmem>>, vector<1x16xf32>,
        %get3A_659 = arith.index_cast %add3A_598 : i32 to index
        %get3A_660 = arith.constant 80 : index
        %get3A_661 = tpu.vector_load %arg9[%get3A_659, %get3A_660] {strides = array<i32>} : memref<128x128xf32, #tpu.memory_space<vmem>>, vector<1x16xf32>,
        %get3A_662 = vector.shape_cast %get3A_661 : vector<1x16xf32> to vector<16xf32>
        %mul3A_663 = arith.constant 11.3137083 : f32
        %mul3A_664 = vector.broadcast %mul3A_663 : f32 to vector<16xf32>
        %mul3A_665 = arith.mulf %get3A_662, %mul3A_664 : vector<16xf32>
        %swap3A_666 = arith.index_cast %add3A_598 : i32 to index
        %swap3A_667 = arith.constant 80 : index
        %swap3A_668 = tpu.vector_load %arg9[%swap3A_666, %swap3A_667] {strides = array<i32>} : memref<128x128xf32, #tpu.memory_space<vmem>>, vector<1x16xf32>,
        %swap3A_669 = vector.shape_cast %swap3A_668 : vector<1x16xf32> to vector<16xf32>
        %swap3A_670 = vector.shape_cast %mul3A_665 : vector<16xf32> to vector<1x16xf32>
        tpu.vector_store %arg9[%swap3A_666, %swap3A_667], %swap3A_670 {strides = array<i32>} : memref<128x128xf32, #tpu.memory_space<vmem>>, vector<1x16xf32>,
        %get3A_671 = arith.index_cast %add3A_598 : i32 to index
        %get3A_672 = arith.constant 96 : index
        %get3A_673 = tpu.vector_load %arg9[%get3A_671, %get3A_672] {strides = array<i32>} : memref<128x128xf32, #tpu.memory_space<vmem>>, vector<1x16xf32>,
        %get3A_674 = vector.shape_cast %get3A_673 : vector<1x16xf32> to vector<16xf32>
        %mul3A_675 = arith.constant 11.3137083 : f32
        %mul3A_676 = vector.broadcast %mul3A_675 : f32 to vector<16xf32>
        %mul3A_677 = arith.mulf %get3A_674, %mul3A_676 : vector<16xf32>
        %swap3A_678 = arith.index_cast %add3A_598 : i32 to index
        %swap3A_679 = arith.constant 96 : index
        %swap3A_680 = tpu.vector_load %arg9[%swap3A_678, %swap3A_679] {strides = array<i32>} : memref<128x128xf32, #tpu.memory_space<vmem>>, vector<1x16xf32>,
        %swap3A_681 = vector.shape_cast %swap3A_680 : vector<1x16xf32> to vector<16xf32>
        %swap3A_682 = vector.shape_cast %mul3A_677 : vector<16xf32> to vector<1x16xf32>
        tpu.vector_store %arg9[%swap3A_678, %swap3A_679], %swap3A_682 {strides = array<i32>} : memref<128x128xf32, #tpu.memory_space<vmem>>, vector<1x16xf32>,
        %get3A_683 = arith.index_cast %add3A_598 : i32 to index
        %get3A_684 = arith.constant 112 : index
        %get3A_685 = tpu.vector_load %arg9[%get3A_683, %get3A_684] {strides = array<i32>} : memref<128x128xf32, #tpu.memory_space<vmem>>, vector<1x16xf32>,
        %get3A_686 = vector.shape_cast %get3A_685 : vector<1x16xf32> to vector<16xf32>
        %mul3A_687 = arith.constant 11.3137083 : f32
        %mul3A_688 = vector.broadcast %mul3A_687 : f32 to vector<16xf32>
        %mul3A_689 = arith.mulf %get3A_686, %mul3A_688 : vector<16xf32>
        %swap3A_690 = arith.index_cast %add3A_598 : i32 to index
        %swap3A_691 = arith.constant 112 : index
        %swap3A_692 = tpu.vector_load %arg9[%swap3A_690, %swap3A_691] {strides = array<i32>} : memref<128x128xf32, #tpu.memory_space<vmem>>, vector<1x16xf32>,
        %swap3A_693 = vector.shape_cast %swap3A_692 : vector<1x16xf32> to vector<16xf32>
        %swap3A_694 = vector.shape_cast %mul3A_689 : vector<16xf32> to vector<1x16xf32>
        tpu.vector_store %arg9[%swap3A_690, %swap3A_691], %swap3A_694 {strides = array<i32>} : memref<128x128xf32, #tpu.memory_space<vmem>>, vector<1x16xf32>,
        %mul3A_695 = arith.constant 4 : i32
        %mul3A_696 = arith.muli %scan3A_396, %mul3A_695 : i32
        %add3A_697 = arith.constant 3 : i32
        %add3A_698 = arith.addi %mul3A_696, %add3A_697 : i32
        %get3A_699 = arith.index_cast %add3A_698 : i32 to index
        %get3A_700 = arith.constant 0 : index
        %get3A_701 = tpu.vector_load %arg9[%get3A_699, %get3A_700] {strides = array<i32>} : memref<128x128xf32, #tpu.memory_space<vmem>>, vector<1x16xf32>,
        %get3A_702 = vector.shape_cast %get3A_701 : vector<1x16xf32> to vector<16xf32>
        %mul3A_703 = arith.constant 11.3137083 : f32
        %mul3A_704 = vector.broadcast %mul3A_703 : f32 to vector<16xf32>
        %mul3A_705 = arith.mulf %get3A_702, %mul3A_704 : vector<16xf32>
        %swap3A_706 = arith.index_cast %add3A_698 : i32 to index
        %swap3A_707 = arith.constant 0 : index
        %swap3A_708 = tpu.vector_load %arg9[%swap3A_706, %swap3A_707] {strides = array<i32>} : memref<128x128xf32, #tpu.memory_space<vmem>>, vector<1x16xf32>,
        %swap3A_709 = vector.shape_cast %swap3A_708 : vector<1x16xf32> to vector<16xf32>
        %swap3A_710 = vector.shape_cast %mul3A_705 : vector<16xf32> to vector<1x16xf32>
        tpu.vector_store %arg9[%swap3A_706, %swap3A_707], %swap3A_710 {strides = array<i32>} : memref<128x128xf32, #tpu.memory_space<vmem>>, vector<1x16xf32>,
        %get3A_711 = arith.index_cast %add3A_698 : i32 to index
        %get3A_712 = arith.constant 16 : index
        %get3A_713 = tpu.vector_load %arg9[%get3A_711, %get3A_712] {strides = array<i32>} : memref<128x128xf32, #tpu.memory_space<vmem>>, vector<1x16xf32>,
        %get3A_714 = vector.shape_cast %get3A_713 : vector<1x16xf32> to vector<16xf32>
        %mul3A_715 = arith.constant 11.3137083 : f32
        %mul3A_716 = vector.broadcast %mul3A_715 : f32 to vector<16xf32>
        %mul3A_717 = arith.mulf %get3A_714, %mul3A_716 : vector<16xf32>
        %swap3A_718 = arith.index_cast %add3A_698 : i32 to index
        %swap3A_719 = arith.constant 16 : index
        %swap3A_720 = tpu.vector_load %arg9[%swap3A_718, %swap3A_719] {strides = array<i32>} : memref<128x128xf32, #tpu.memory_space<vmem>>, vector<1x16xf32>,
        %swap3A_721 = vector.shape_cast %swap3A_720 : vector<1x16xf32> to vector<16xf32>
        %swap3A_722 = vector.shape_cast %mul3A_717 : vector<16xf32> to vector<1x16xf32>
        tpu.vector_store %arg9[%swap3A_718, %swap3A_719], %swap3A_722 {strides = array<i32>} : memref<128x128xf32, #tpu.memory_space<vmem>>, vector<1x16xf32>,
        %get3A_723 = arith.index_cast %add3A_698 : i32 to index
        %get3A_724 = arith.constant 32 : index
        %get3A_725 = tpu.vector_load %arg9[%get3A_723, %get3A_724] {strides = array<i32>} : memref<128x128xf32, #tpu.memory_space<vmem>>, vector<1x16xf32>,
        %get3A_726 = vector.shape_cast %get3A_725 : vector<1x16xf32> to vector<16xf32>
        %mul3A_727 = arith.constant 11.3137083 : f32
        %mul3A_728 = vector.broadcast %mul3A_727 : f32 to vector<16xf32>
        %mul3A_729 = arith.mulf %get3A_726, %mul3A_728 : vector<16xf32>
        %swap3A_730 = arith.index_cast %add3A_698 : i32 to index
        %swap3A_731 = arith.constant 32 : index
        %swap3A_732 = tpu.vector_load %arg9[%swap3A_730, %swap3A_731] {strides = array<i32>} : memref<128x128xf32, #tpu.memory_space<vmem>>, vector<1x16xf32>,
        %swap3A_733 = vector.shape_cast %swap3A_732 : vector<1x16xf32> to vector<16xf32>
        %swap3A_734 = vector.shape_cast %mul3A_729 : vector<16xf32> to vector<1x16xf32>
        tpu.vector_store %arg9[%swap3A_730, %swap3A_731], %swap3A_734 {strides = array<i32>} : memref<128x128xf32, #tpu.memory_space<vmem>>, vector<1x16xf32>,
        %get3A_735 = arith.index_cast %add3A_698 : i32 to index
        %get3A_736 = arith.constant 48 : index
        %get3A_737 = tpu.vector_load %arg9[%get3A_735, %get3A_736] {strides = array<i32>} : memref<128x128xf32, #tpu.memory_space<vmem>>, vector<1x16xf32>,
        %get3A_738 = vector.shape_cast %get3A_737 : vector<1x16xf32> to vector<16xf32>
        %mul3A_739 = arith.constant 11.3137083 : f32
        %mul3A_740 = vector.broadcast %mul3A_739 : f32 to vector<16xf32>
        %mul3A_741 = arith.mulf %get3A_738, %mul3A_740 : vector<16xf32>
        %swap3A_742 = arith.index_cast %add3A_698 : i32 to index
        %swap3A_743 = arith.constant 48 : index
        %swap3A_744 = tpu.vector_load %arg9[%swap3A_742, %swap3A_743] {strides = array<i32>} : memref<128x128xf32, #tpu.memory_space<vmem>>, vector<1x16xf32>,
        %swap3A_745 = vector.shape_cast %swap3A_744 : vector<1x16xf32> to vector<16xf32>
        %swap3A_746 = vector.shape_cast %mul3A_741 : vector<16xf32> to vector<1x16xf32>
        tpu.vector_store %arg9[%swap3A_742, %swap3A_743], %swap3A_746 {strides = array<i32>} : memref<128x128xf32, #tpu.memory_space<vmem>>, vector<1x16xf32>,
        %get3A_747 = arith.index_cast %add3A_698 : i32 to index
        %get3A_748 = arith.constant 64 : index
        %get3A_749 = tpu.vector_load %arg9[%get3A_747, %get3A_748] {strides = array<i32>} : memref<128x128xf32, #tpu.memory_space<vmem>>, vector<1x16xf32>,
        %get3A_750 = vector.shape_cast %get3A_749 : vector<1x16xf32> to vector<16xf32>
        %mul3A_751 = arith.constant 11.3137083 : f32
        %mul3A_752 = vector.broadcast %mul3A_751 : f32 to vector<16xf32>
        %mul3A_753 = arith.mulf %get3A_750, %mul3A_752 : vector<16xf32>
        %swap3A_754 = arith.index_cast %add3A_698 : i32 to index
        %swap3A_755 = arith.constant 64 : index
        %swap3A_756 = tpu.vector_load %arg9[%swap3A_754, %swap3A_755] {strides = array<i32>} : memref<128x128xf32, #tpu.memory_space<vmem>>, vector<1x16xf32>,
        %swap3A_757 = vector.shape_cast %swap3A_756 : vector<1x16xf32> to vector<16xf32>
        %swap3A_758 = vector.shape_cast %mul3A_753 : vector<16xf32> to vector<1x16xf32>
        tpu.vector_store %arg9[%swap3A_754, %swap3A_755], %swap3A_758 {strides = array<i32>} : memref<128x128xf32, #tpu.memory_space<vmem>>, vector<1x16xf32>,
        %get3A_759 = arith.index_cast %add3A_698 : i32 to index
        %get3A_760 = arith.constant 80 : index
        %get3A_761 = tpu.vector_load %arg9[%get3A_759, %get3A_760] {strides = array<i32>} : memref<128x128xf32, #tpu.memory_space<vmem>>, vector<1x16xf32>,
        %get3A_762 = vector.shape_cast %get3A_761 : vector<1x16xf32> to vector<16xf32>
        %mul3A_763 = arith.constant 11.3137083 : f32
        %mul3A_764 = vector.broadcast %mul3A_763 : f32 to vector<16xf32>
        %mul3A_765 = arith.mulf %get3A_762, %mul3A_764 : vector<16xf32>
        %swap3A_766 = arith.index_cast %add3A_698 : i32 to index
        %swap3A_767 = arith.constant 80 : index
        %swap3A_768 = tpu.vector_load %arg9[%swap3A_766, %swap3A_767] {strides = array<i32>} : memref<128x128xf32, #tpu.memory_space<vmem>>, vector<1x16xf32>,
        %swap3A_769 = vector.shape_cast %swap3A_768 : vector<1x16xf32> to vector<16xf32>
        %swap3A_770 = vector.shape_cast %mul3A_765 : vector<16xf32> to vector<1x16xf32>
        tpu.vector_store %arg9[%swap3A_766, %swap3A_767], %swap3A_770 {strides = array<i32>} : memref<128x128xf32, #tpu.memory_space<vmem>>, vector<1x16xf32>,
        %get3A_771 = arith.index_cast %add3A_698 : i32 to index
        %get3A_772 = arith.constant 96 : index
        %get3A_773 = tpu.vector_load %arg9[%get3A_771, %get3A_772] {strides = array<i32>} : memref<128x128xf32, #tpu.memory_space<vmem>>, vector<1x16xf32>,
        %get3A_774 = vector.shape_cast %get3A_773 : vector<1x16xf32> to vector<16xf32>
        %mul3A_775 = arith.constant 11.3137083 : f32
        %mul3A_776 = vector.broadcast %mul3A_775 : f32 to vector<16xf32>
        %mul3A_777 = arith.mulf %get3A_774, %mul3A_776 : vector<16xf32>
        %swap3A_778 = arith.index_cast %add3A_698 : i32 to index
        %swap3A_779 = arith.constant 96 : index
        %swap3A_780 = tpu.vector_load %arg9[%swap3A_778, %swap3A_779] {strides = array<i32>} : memref<128x128xf32, #tpu.memory_space<vmem>>, vector<1x16xf32>,
        %swap3A_781 = vector.shape_cast %swap3A_780 : vector<1x16xf32> to vector<16xf32>
        %swap3A_782 = vector.shape_cast %mul3A_777 : vector<16xf32> to vector<1x16xf32>
        tpu.vector_store %arg9[%swap3A_778, %swap3A_779], %swap3A_782 {strides = array<i32>} : memref<128x128xf32, #tpu.memory_space<vmem>>, vector<1x16xf32>,
        %get3A_783 = arith.index_cast %add3A_698 : i32 to index
        %get3A_784 = arith.constant 112 : index
        %get3A_785 = tpu.vector_load %arg9[%get3A_783, %get3A_784] {strides = array<i32>} : memref<128x128xf32, #tpu.memory_space<vmem>>, vector<1x16xf32>,
        %get3A_786 = vector.shape_cast %get3A_785 : vector<1x16xf32> to vector<16xf32>
        %mul3A_787 = arith.constant 11.3137083 : f32
        %mul3A_788 = vector.broadcast %mul3A_787 : f32 to vector<16xf32>
        %mul3A_789 = arith.mulf %get3A_786, %mul3A_788 : vector<16xf32>
        %swap3A_790 = arith.index_cast %add3A_698 : i32 to index
        %swap3A_791 = arith.constant 112 : index
        %swap3A_792 = tpu.vector_load %arg9[%swap3A_790, %swap3A_791] {strides = array<i32>} : memref<128x128xf32, #tpu.memory_space<vmem>>, vector<1x16xf32>,
        %swap3A_793 = vector.shape_cast %swap3A_792 : vector<1x16xf32> to vector<16xf32>
        %swap3A_794 = vector.shape_cast %mul3A_789 : vector<16xf32> to vector<1x16xf32>
        tpu.vector_store %arg9[%swap3A_790, %swap3A_791], %swap3A_794 {strides = array<i32>} : memref<128x128xf32, #tpu.memory_space<vmem>>, vector<1x16xf32>,
      }
      %scan3A_262 = arith.constant 32 : i32
      %add3A_263 = arith.addi %mul3A_2, %add3A_233 : i32
      %mul3A_264 = arith.constant 128 : i32
      %mul3A_265 = arith.muli %add3A_263, %mul3A_264 : i32
      %dma_start3A_266 = arith.constant 0 : i32
      %dma_start3A_267 = tpu.memref_slice %arg4[%mul3A_265, %dma_start3A_266] : memref<204800x128xf32, #tpu.memory_space<hbm>> -> memref<128x128xf32, #tpu.memory_space<hbm>>
      %dma_start3A_268 = arith.constant 0 : i32
      %dma_start3A_269 = tpu.memref_slice %arg4[%mul3A_265, %dma_start3A_268] : memref<204800x128xf32, #tpu.memory_space<hbm>> -> memref<128x128xf32, #tpu.memory_space<hbm>>
      tpu.enqueue_dma source(%arg9 : memref<128x128xf32, #tpu.memory_space<vmem>>) target(%dma_start3A_269 : memref<128x128xf32, #tpu.memory_space<hbm>>) target_semaphore(%arg19 : memref<!tpu.dma_semaphore, #tpu.memory_space<semaphore_mem>>)
      %mul3A_270 = arith.constant 5 : i32
      %mul3A_271 = arith.muli %scan3A_186, %mul3A_270 : i32
      %add3A_272 = arith.constant 2 : i32
      %add3A_273 = arith.addi %add3A_272, %mul3A_271 : i32
      %add3A_274 = arith.constant 2 : i32
      %add3A_275 = arith.addi %add3A_273, %add3A_274 : i32
      %sub3A_276 = arith.constant 2 : i32
      %sub3A_277 = arith.subi %add3A_275, %sub3A_276 : i32
      %add3A_278 = arith.addi %mul3A_2, %sub3A_277 : i32
      %mul3A_279 = arith.constant 128 : i32
      %mul3A_280 = arith.muli %add3A_278, %mul3A_279 : i32
      %dma_wait3A_281 = arith.constant 0 : i32
      %dma_wait3A_282 = tpu.memref_slice %arg4[%mul3A_280, %dma_wait3A_281] : memref<204800x128xf32, #tpu.memory_space<hbm>> -> memref<128x128xf32, #tpu.memory_space<hbm>>
      %dma_wait3A_283 = arith.constant 0 : i32
      %dma_wait3A_284 = tpu.memref_slice %arg4[%mul3A_280, %dma_wait3A_283] : memref<204800x128xf32, #tpu.memory_space<hbm>> -> memref<128x128xf32, #tpu.memory_space<hbm>>
      tpu.wait_dma2 semaphore(%arg18 : memref<!tpu.dma_semaphore, #tpu.memory_space<semaphore_mem>>) src(%arg8 : memref<128x128xf32, #tpu.memory_space<vmem>>) dst(%dma_wait3A_284 : memref<128x128xf32, #tpu.memory_space<hbm>>)
      %add3A_285 = arith.constant 3 : i32
      %add3A_286 = arith.addi %add3A_275, %add3A_285 : i32
      %dma_start3A_287 = arith.constant 0 : i32
      %dma_start3A_288 = tpu.memref_slice %arg5[%add3A_286, %dma_start3A_287] : memref<50x128xi32, #tpu.memory_space<vmem>> -> memref<1x128xi32, #tpu.memory_space<vmem>>
      %dma_start3A_289 = tpu.memref_squeeze %dma_start3A_288 : memref<1x128xi32, #tpu.memory_space<vmem>> -> memref<128xi32, #tpu.memory_space<vmem>>
      %dma_start3A_290 = arith.constant 0 : i32
      %dma_start3A_291 = arith.constant 0 : i32
      %dma_start3A_292 = tpu.memref_slice %arg3[%dma_start3A_290, %dma_start3A_291] : memref<100000x128xf32, #tpu.memory_space<hbm>> -> memref<100000x128xf32, #tpu.memory_space<hbm>>
      tpu.enqueue_indirect_dma source(%dma_start3A_292 : memref<100000x128xf32, #tpu.memory_space<hbm>>) target(%arg8 : memref<128x128xf32, #tpu.memory_space<vmem>>) offsets(%dma_start3A_289 : memref<128xi32, #tpu.memory_space<vmem>>) semaphore(%arg13 : memref<!tpu.dma_semaphore, #tpu.memory_space<semaphore_mem>>)
      %dma_wait3A_293 = arith.constant 0 : i32
      %dma_wait3A_294 = tpu.memref_slice %arg5[%add3A_275, %dma_wait3A_293] : memref<50x128xi32, #tpu.memory_space<vmem>> -> memref<1x128xi32, #tpu.memory_space<vmem>>
      %dma_wait3A_295 = tpu.memref_squeeze %dma_wait3A_294 : memref<1x128xi32, #tpu.memory_space<vmem>> -> memref<128xi32, #tpu.memory_space<vmem>>
      %dma_wait3A_296 = arith.constant 0 : i32
      %dma_wait3A_297 = arith.constant 0 : i32
      %dma_wait3A_298 = tpu.memref_slice %arg3[%dma_wait3A_296, %dma_wait3A_297] : memref<100000x128xf32, #tpu.memory_space<hbm>> -> memref<100000x128xf32, #tpu.memory_space<hbm>>
      tpu.wait_indirect_dma semaphore(%arg15 : memref<!tpu.dma_semaphore, #tpu.memory_space<semaphore_mem>>) src(%dma_wait3A_298 : memref<100000x128xf32, #tpu.memory_space<hbm>>) dst(%arg10 : memref<128x128xf32, #tpu.memory_space<vmem>>)
      %scan3A_299 = arith.constant 0 : i32
      %scan3A_300 = arith.constant 0 : i32
      %scan3A_301 = arith.constant 32 : i32
      %scan3A_302 = arith.addi %scan3A_300, %scan3A_301 : i32
      %scan3A_303 = arith.constant 1 : i32
      scf.for %scan3A_396 = %scan3A_300 to %scan3A_302 step %scan3A_303  : i32 {
        %mul3A_397 = arith.constant 4 : i32
        %mul3A_398 = arith.muli %scan3A_396, %mul3A_397 : i32
        %add3A_399 = arith.constant 0 : i32
        %add3A_400 = arith.addi %mul3A_398, %add3A_399 : i32
        %get3A = arith.index_cast %add3A_400 : i32 to index
        %get3A_401 = arith.constant 0 : index
        %get3A_402 = tpu.vector_load %arg10[%get3A, %get3A_401] {strides = array<i32>} : memref<128x128xf32, #tpu.memory_space<vmem>>, vector<1x16xf32>,
        %get3A_403 = vector.shape_cast %get3A_402 : vector<1x16xf32> to vector<16xf32>
        %mul3A_404 = arith.constant 11.3137083 : f32
        %mul3A_405 = vector.broadcast %mul3A_404 : f32 to vector<16xf32>
        %mul3A_406 = arith.mulf %get3A_403, %mul3A_405 : vector<16xf32>
        %swap3A = arith.index_cast %add3A_400 : i32 to index
        %swap3A_407 = arith.constant 0 : index
        %swap3A_408 = tpu.vector_load %arg10[%swap3A, %swap3A_407] {strides = array<i32>} : memref<128x128xf32, #tpu.memory_space<vmem>>, vector<1x16xf32>,
        %swap3A_409 = vector.shape_cast %swap3A_408 : vector<1x16xf32> to vector<16xf32>
        %swap3A_410 = vector.shape_cast %mul3A_406 : vector<16xf32> to vector<1x16xf32>
        tpu.vector_store %arg10[%swap3A, %swap3A_407], %swap3A_410 {strides = array<i32>} : memref<128x128xf32, #tpu.memory_space<vmem>>, vector<1x16xf32>,
        %get3A_411 = arith.index_cast %add3A_400 : i32 to index
        %get3A_412 = arith.constant 16 : index
        %get3A_413 = tpu.vector_load %arg10[%get3A_411, %get3A_412] {strides = array<i32>} : memref<128x128xf32, #tpu.memory_space<vmem>>, vector<1x16xf32>,
        %get3A_414 = vector.shape_cast %get3A_413 : vector<1x16xf32> to vector<16xf32>
        %mul3A_415 = arith.constant 11.3137083 : f32
        %mul3A_416 = vector.broadcast %mul3A_415 : f32 to vector<16xf32>
        %mul3A_417 = arith.mulf %get3A_414, %mul3A_416 : vector<16xf32>
        %swap3A_418 = arith.index_cast %add3A_400 : i32 to index
        %swap3A_419 = arith.constant 16 : index
        %swap3A_420 = tpu.vector_load %arg10[%swap3A_418, %swap3A_419] {strides = array<i32>} : memref<128x128xf32, #tpu.memory_space<vmem>>, vector<1x16xf32>,
        %swap3A_421 = vector.shape_cast %swap3A_420 : vector<1x16xf32> to vector<16xf32>
        %swap3A_422 = vector.shape_cast %mul3A_417 : vector<16xf32> to vector<1x16xf32>
        tpu.vector_store %arg10[%swap3A_418, %swap3A_419], %swap3A_422 {strides = array<i32>} : memref<128x128xf32, #tpu.memory_space<vmem>>, vector<1x16xf32>,
        %get3A_423 = arith.index_cast %add3A_400 : i32 to index
        %get3A_424 = arith.constant 32 : index
        %get3A_425 = tpu.vector_load %arg10[%get3A_423, %get3A_424] {strides = array<i32>} : memref<128x128xf32, #tpu.memory_space<vmem>>, vector<1x16xf32>,
        %get3A_426 = vector.shape_cast %get3A_425 : vector<1x16xf32> to vector<16xf32>
        %mul3A_427 = arith.constant 11.3137083 : f32
        %mul3A_428 = vector.broadcast %mul3A_427 : f32 to vector<16xf32>
        %mul3A_429 = arith.mulf %get3A_426, %mul3A_428 : vector<16xf32>
        %swap3A_430 = arith.index_cast %add3A_400 : i32 to index
        %swap3A_431 = arith.constant 32 : index
        %swap3A_432 = tpu.vector_load %arg10[%swap3A_430, %swap3A_431] {strides = array<i32>} : memref<128x128xf32, #tpu.memory_space<vmem>>, vector<1x16xf32>,
        %swap3A_433 = vector.shape_cast %swap3A_432 : vector<1x16xf32> to vector<16xf32>
        %swap3A_434 = vector.shape_cast %mul3A_429 : vector<16xf32> to vector<1x16xf32>
        tpu.vector_store %arg10[%swap3A_430, %swap3A_431], %swap3A_434 {strides = array<i32>} : memref<128x128xf32, #tpu.memory_space<vmem>>, vector<1x16xf32>,
        %get3A_435 = arith.index_cast %add3A_400 : i32 to index
        %get3A_436 = arith.constant 48 : index
        %get3A_437 = tpu.vector_load %arg10[%get3A_435, %get3A_436] {strides = array<i32>} : memref<128x128xf32, #tpu.memory_space<vmem>>, vector<1x16xf32>,
        %get3A_438 = vector.shape_cast %get3A_437 : vector<1x16xf32> to vector<16xf32>
        %mul3A_439 = arith.constant 11.3137083 : f32
        %mul3A_440 = vector.broadcast %mul3A_439 : f32 to vector<16xf32>
        %mul3A_441 = arith.mulf %get3A_438, %mul3A_440 : vector<16xf32>
        %swap3A_442 = arith.index_cast %add3A_400 : i32 to index
        %swap3A_443 = arith.constant 48 : index
        %swap3A_444 = tpu.vector_load %arg10[%swap3A_442, %swap3A_443] {strides = array<i32>} : memref<128x128xf32, #tpu.memory_space<vmem>>, vector<1x16xf32>,
        %swap3A_445 = vector.shape_cast %swap3A_444 : vector<1x16xf32> to vector<16xf32>
        %swap3A_446 = vector.shape_cast %mul3A_441 : vector<16xf32> to vector<1x16xf32>
        tpu.vector_store %arg10[%swap3A_442, %swap3A_443], %swap3A_446 {strides = array<i32>} : memref<128x128xf32, #tpu.memory_space<vmem>>, vector<1x16xf32>,
        %get3A_447 = arith.index_cast %add3A_400 : i32 to index
        %get3A_448 = arith.constant 64 : index
        %get3A_449 = tpu.vector_load %arg10[%get3A_447, %get3A_448] {strides = array<i32>} : memref<128x128xf32, #tpu.memory_space<vmem>>, vector<1x16xf32>,
        %get3A_450 = vector.shape_cast %get3A_449 : vector<1x16xf32> to vector<16xf32>
        %mul3A_451 = arith.constant 11.3137083 : f32
        %mul3A_452 = vector.broadcast %mul3A_451 : f32 to vector<16xf32>
        %mul3A_453 = arith.mulf %get3A_450, %mul3A_452 : vector<16xf32>
        %swap3A_454 = arith.index_cast %add3A_400 : i32 to index
        %swap3A_455 = arith.constant 64 : index
        %swap3A_456 = tpu.vector_load %arg10[%swap3A_454, %swap3A_455] {strides = array<i32>} : memref<128x128xf32, #tpu.memory_space<vmem>>, vector<1x16xf32>,
        %swap3A_457 = vector.shape_cast %swap3A_456 : vector<1x16xf32> to vector<16xf32>
        %swap3A_458 = vector.shape_cast %mul3A_453 : vector<16xf32> to vector<1x16xf32>
        tpu.vector_store %arg10[%swap3A_454, %swap3A_455], %swap3A_458 {strides = array<i32>} : memref<128x128xf32, #tpu.memory_space<vmem>>, vector<1x16xf32>,
        %get3A_459 = arith.index_cast %add3A_400 : i32 to index
        %get3A_460 = arith.constant 80 : index
        %get3A_461 = tpu.vector_load %arg10[%get3A_459, %get3A_460] {strides = array<i32>} : memref<128x128xf32, #tpu.memory_space<vmem>>, vector<1x16xf32>,
        %get3A_462 = vector.shape_cast %get3A_461 : vector<1x16xf32> to vector<16xf32>
        %mul3A_463 = arith.constant 11.3137083 : f32
        %mul3A_464 = vector.broadcast %mul3A_463 : f32 to vector<16xf32>
        %mul3A_465 = arith.mulf %get3A_462, %mul3A_464 : vector<16xf32>
        %swap3A_466 = arith.index_cast %add3A_400 : i32 to index
        %swap3A_467 = arith.constant 80 : index
        %swap3A_468 = tpu.vector_load %arg10[%swap3A_466, %swap3A_467] {strides = array<i32>} : memref<128x128xf32, #tpu.memory_space<vmem>>, vector<1x16xf32>,
        %swap3A_469 = vector.shape_cast %swap3A_468 : vector<1x16xf32> to vector<16xf32>
        %swap3A_470 = vector.shape_cast %mul3A_465 : vector<16xf32> to vector<1x16xf32>
        tpu.vector_store %arg10[%swap3A_466, %swap3A_467], %swap3A_470 {strides = array<i32>} : memref<128x128xf32, #tpu.memory_space<vmem>>, vector<1x16xf32>,
        %get3A_471 = arith.index_cast %add3A_400 : i32 to index
        %get3A_472 = arith.constant 96 : index
        %get3A_473 = tpu.vector_load %arg10[%get3A_471, %get3A_472] {strides = array<i32>} : memref<128x128xf32, #tpu.memory_space<vmem>>, vector<1x16xf32>,
        %get3A_474 = vector.shape_cast %get3A_473 : vector<1x16xf32> to vector<16xf32>
        %mul3A_475 = arith.constant 11.3137083 : f32
        %mul3A_476 = vector.broadcast %mul3A_475 : f32 to vector<16xf32>
        %mul3A_477 = arith.mulf %get3A_474, %mul3A_476 : vector<16xf32>
        %swap3A_478 = arith.index_cast %add3A_400 : i32 to index
        %swap3A_479 = arith.constant 96 : index
        %swap3A_480 = tpu.vector_load %arg10[%swap3A_478, %swap3A_479] {strides = array<i32>} : memref<128x128xf32, #tpu.memory_space<vmem>>, vector<1x16xf32>,
        %swap3A_481 = vector.shape_cast %swap3A_480 : vector<1x16xf32> to vector<16xf32>
        %swap3A_482 = vector.shape_cast %mul3A_477 : vector<16xf32> to vector<1x16xf32>
        tpu.vector_store %arg10[%swap3A_478, %swap3A_479], %swap3A_482 {strides = array<i32>} : memref<128x128xf32, #tpu.memory_space<vmem>>, vector<1x16xf32>,
        %get3A_483 = arith.index_cast %add3A_400 : i32 to index
        %get3A_484 = arith.constant 112 : index
        %get3A_485 = tpu.vector_load %arg10[%get3A_483, %get3A_484] {strides = array<i32>} : memref<128x128xf32, #tpu.memory_space<vmem>>, vector<1x16xf32>,
        %get3A_486 = vector.shape_cast %get3A_485 : vector<1x16xf32> to vector<16xf32>
        %mul3A_487 = arith.constant 11.3137083 : f32
        %mul3A_488 = vector.broadcast %mul3A_487 : f32 to vector<16xf32>
        %mul3A_489 = arith.mulf %get3A_486, %mul3A_488 : vector<16xf32>
        %swap3A_490 = arith.index_cast %add3A_400 : i32 to index
        %swap3A_491 = arith.constant 112 : index
        %swap3A_492 = tpu.vector_load %arg10[%swap3A_490, %swap3A_491] {strides = array<i32>} : memref<128x128xf32, #tpu.memory_space<vmem>>, vector<1x16xf32>,
        %swap3A_493 = vector.shape_cast %swap3A_492 : vector<1x16xf32> to vector<16xf32>
        %swap3A_494 = vector.shape_cast %mul3A_489 : vector<16xf32> to vector<1x16xf32>
        tpu.vector_store %arg10[%swap3A_490, %swap3A_491], %swap3A_494 {strides = array<i32>} : memref<128x128xf32, #tpu.memory_space<vmem>>, vector<1x16xf32>,
        %mul3A_495 = arith.constant 4 : i32
        %mul3A_496 = arith.muli %scan3A_396, %mul3A_495 : i32
        %add3A_497 = arith.constant 1 : i32
        %add3A_498 = arith.addi %mul3A_496, %add3A_497 : i32
        %get3A_499 = arith.index_cast %add3A_498 : i32 to index
        %get3A_500 = arith.constant 0 : index
        %get3A_501 = tpu.vector_load %arg10[%get3A_499, %get3A_500] {strides = array<i32>} : memref<128x128xf32, #tpu.memory_space<vmem>>, vector<1x16xf32>,
        %get3A_502 = vector.shape_cast %get3A_501 : vector<1x16xf32> to vector<16xf32>
        %mul3A_503 = arith.constant 11.3137083 : f32
        %mul3A_504 = vector.broadcast %mul3A_503 : f32 to vector<16xf32>
        %mul3A_505 = arith.mulf %get3A_502, %mul3A_504 : vector<16xf32>
        %swap3A_506 = arith.index_cast %add3A_498 : i32 to index
        %swap3A_507 = arith.constant 0 : index
        %swap3A_508 = tpu.vector_load %arg10[%swap3A_506, %swap3A_507] {strides = array<i32>} : memref<128x128xf32, #tpu.memory_space<vmem>>, vector<1x16xf32>,
        %swap3A_509 = vector.shape_cast %swap3A_508 : vector<1x16xf32> to vector<16xf32>
        %swap3A_510 = vector.shape_cast %mul3A_505 : vector<16xf32> to vector<1x16xf32>
        tpu.vector_store %arg10[%swap3A_506, %swap3A_507], %swap3A_510 {strides = array<i32>} : memref<128x128xf32, #tpu.memory_space<vmem>>, vector<1x16xf32>,
        %get3A_511 = arith.index_cast %add3A_498 : i32 to index
        %get3A_512 = arith.constant 16 : index
        %get3A_513 = tpu.vector_load %arg10[%get3A_511, %get3A_512] {strides = array<i32>} : memref<128x128xf32, #tpu.memory_space<vmem>>, vector<1x16xf32>,
        %get3A_514 = vector.shape_cast %get3A_513 : vector<1x16xf32> to vector<16xf32>
        %mul3A_515 = arith.constant 11.3137083 : f32
        %mul3A_516 = vector.broadcast %mul3A_515 : f32 to vector<16xf32>
        %mul3A_517 = arith.mulf %get3A_514, %mul3A_516 : vector<16xf32>
        %swap3A_518 = arith.index_cast %add3A_498 : i32 to index
        %swap3A_519 = arith.constant 16 : index
        %swap3A_520 = tpu.vector_load %arg10[%swap3A_518, %swap3A_519] {strides = array<i32>} : memref<128x128xf32, #tpu.memory_space<vmem>>, vector<1x16xf32>,
        %swap3A_521 = vector.shape_cast %swap3A_520 : vector<1x16xf32> to vector<16xf32>
        %swap3A_522 = vector.shape_cast %mul3A_517 : vector<16xf32> to vector<1x16xf32>
        tpu.vector_store %arg10[%swap3A_518, %swap3A_519], %swap3A_522 {strides = array<i32>} : memref<128x128xf32, #tpu.memory_space<vmem>>, vector<1x16xf32>,
        %get3A_523 = arith.index_cast %add3A_498 : i32 to index
        %get3A_524 = arith.constant 32 : index
        %get3A_525 = tpu.vector_load %arg10[%get3A_523, %get3A_524] {strides = array<i32>} : memref<128x128xf32, #tpu.memory_space<vmem>>, vector<1x16xf32>,
        %get3A_526 = vector.shape_cast %get3A_525 : vector<1x16xf32> to vector<16xf32>
        %mul3A_527 = arith.constant 11.3137083 : f32
        %mul3A_528 = vector.broadcast %mul3A_527 : f32 to vector<16xf32>
        %mul3A_529 = arith.mulf %get3A_526, %mul3A_528 : vector<16xf32>
        %swap3A_530 = arith.index_cast %add3A_498 : i32 to index
        %swap3A_531 = arith.constant 32 : index
        %swap3A_532 = tpu.vector_load %arg10[%swap3A_530, %swap3A_531] {strides = array<i32>} : memref<128x128xf32, #tpu.memory_space<vmem>>, vector<1x16xf32>,
        %swap3A_533 = vector.shape_cast %swap3A_532 : vector<1x16xf32> to vector<16xf32>
        %swap3A_534 = vector.shape_cast %mul3A_529 : vector<16xf32> to vector<1x16xf32>
        tpu.vector_store %arg10[%swap3A_530, %swap3A_531], %swap3A_534 {strides = array<i32>} : memref<128x128xf32, #tpu.memory_space<vmem>>, vector<1x16xf32>,
        %get3A_535 = arith.index_cast %add3A_498 : i32 to index
        %get3A_536 = arith.constant 48 : index
        %get3A_537 = tpu.vector_load %arg10[%get3A_535, %get3A_536] {strides = array<i32>} : memref<128x128xf32, #tpu.memory_space<vmem>>, vector<1x16xf32>,
        %get3A_538 = vector.shape_cast %get3A_537 : vector<1x16xf32> to vector<16xf32>
        %mul3A_539 = arith.constant 11.3137083 : f32
        %mul3A_540 = vector.broadcast %mul3A_539 : f32 to vector<16xf32>
        %mul3A_541 = arith.mulf %get3A_538, %mul3A_540 : vector<16xf32>
        %swap3A_542 = arith.index_cast %add3A_498 : i32 to index
        %swap3A_543 = arith.constant 48 : index
        %swap3A_544 = tpu.vector_load %arg10[%swap3A_542, %swap3A_543] {strides = array<i32>} : memref<128x128xf32, #tpu.memory_space<vmem>>, vector<1x16xf32>,
        %swap3A_545 = vector.shape_cast %swap3A_544 : vector<1x16xf32> to vector<16xf32>
        %swap3A_546 = vector.shape_cast %mul3A_541 : vector<16xf32> to vector<1x16xf32>
        tpu.vector_store %arg10[%swap3A_542, %swap3A_543], %swap3A_546 {strides = array<i32>} : memref<128x128xf32, #tpu.memory_space<vmem>>, vector<1x16xf32>,
        %get3A_547 = arith.index_cast %add3A_498 : i32 to index
        %get3A_548 = arith.constant 64 : index
        %get3A_549 = tpu.vector_load %arg10[%get3A_547, %get3A_548] {strides = array<i32>} : memref<128x128xf32, #tpu.memory_space<vmem>>, vector<1x16xf32>,
        %get3A_550 = vector.shape_cast %get3A_549 : vector<1x16xf32> to vector<16xf32>
        %mul3A_551 = arith.constant 11.3137083 : f32
        %mul3A_552 = vector.broadcast %mul3A_551 : f32 to vector<16xf32>
        %mul3A_553 = arith.mulf %get3A_550, %mul3A_552 : vector<16xf32>
        %swap3A_554 = arith.index_cast %add3A_498 : i32 to index
        %swap3A_555 = arith.constant 64 : index
        %swap3A_556 = tpu.vector_load %arg10[%swap3A_554, %swap3A_555] {strides = array<i32>} : memref<128x128xf32, #tpu.memory_space<vmem>>, vector<1x16xf32>,
        %swap3A_557 = vector.shape_cast %swap3A_556 : vector<1x16xf32> to vector<16xf32>
        %swap3A_558 = vector.shape_cast %mul3A_553 : vector<16xf32> to vector<1x16xf32>
        tpu.vector_store %arg10[%swap3A_554, %swap3A_555], %swap3A_558 {strides = array<i32>} : memref<128x128xf32, #tpu.memory_space<vmem>>, vector<1x16xf32>,
        %get3A_559 = arith.index_cast %add3A_498 : i32 to index
        %get3A_560 = arith.constant 80 : index
        %get3A_561 = tpu.vector_load %arg10[%get3A_559, %get3A_560] {strides = array<i32>} : memref<128x128xf32, #tpu.memory_space<vmem>>, vector<1x16xf32>,
        %get3A_562 = vector.shape_cast %get3A_561 : vector<1x16xf32> to vector<16xf32>
        %mul3A_563 = arith.constant 11.3137083 : f32
        %mul3A_564 = vector.broadcast %mul3A_563 : f32 to vector<16xf32>
        %mul3A_565 = arith.mulf %get3A_562, %mul3A_564 : vector<16xf32>
        %swap3A_566 = arith.index_cast %add3A_498 : i32 to index
        %swap3A_567 = arith.constant 80 : index
        %swap3A_568 = tpu.vector_load %arg10[%swap3A_566, %swap3A_567] {strides = array<i32>} : memref<128x128xf32, #tpu.memory_space<vmem>>, vector<1x16xf32>,
        %swap3A_569 = vector.shape_cast %swap3A_568 : vector<1x16xf32> to vector<16xf32>
        %swap3A_570 = vector.shape_cast %mul3A_565 : vector<16xf32> to vector<1x16xf32>
        tpu.vector_store %arg10[%swap3A_566, %swap3A_567], %swap3A_570 {strides = array<i32>} : memref<128x128xf32, #tpu.memory_space<vmem>>, vector<1x16xf32>,
        %get3A_571 = arith.index_cast %add3A_498 : i32 to index
        %get3A_572 = arith.constant 96 : index
        %get3A_573 = tpu.vector_load %arg10[%get3A_571, %get3A_572] {strides = array<i32>} : memref<128x128xf32, #tpu.memory_space<vmem>>, vector<1x16xf32>,
        %get3A_574 = vector.shape_cast %get3A_573 : vector<1x16xf32> to vector<16xf32>
        %mul3A_575 = arith.constant 11.3137083 : f32
        %mul3A_576 = vector.broadcast %mul3A_575 : f32 to vector<16xf32>
        %mul3A_577 = arith.mulf %get3A_574, %mul3A_576 : vector<16xf32>
        %swap3A_578 = arith.index_cast %add3A_498 : i32 to index
        %swap3A_579 = arith.constant 96 : index
        %swap3A_580 = tpu.vector_load %arg10[%swap3A_578, %swap3A_579] {strides = array<i32>} : memref<128x128xf32, #tpu.memory_space<vmem>>, vector<1x16xf32>,
        %swap3A_581 = vector.shape_cast %swap3A_580 : vector<1x16xf32> to vector<16xf32>
        %swap3A_582 = vector.shape_cast %mul3A_577 : vector<16xf32> to vector<1x16xf32>
        tpu.vector_store %arg10[%swap3A_578, %swap3A_579], %swap3A_582 {strides = array<i32>} : memref<128x128xf32, #tpu.memory_space<vmem>>, vector<1x16xf32>,
        %get3A_583 = arith.index_cast %add3A_498 : i32 to index
        %get3A_584 = arith.constant 112 : index
        %get3A_585 = tpu.vector_load %arg10[%get3A_583, %get3A_584] {strides = array<i32>} : memref<128x128xf32, #tpu.memory_space<vmem>>, vector<1x16xf32>,
        %get3A_586 = vector.shape_cast %get3A_585 : vector<1x16xf32> to vector<16xf32>
        %mul3A_587 = arith.constant 11.3137083 : f32
        %mul3A_588 = vector.broadcast %mul3A_587 : f32 to vector<16xf32>
        %mul3A_589 = arith.mulf %get3A_586, %mul3A_588 : vector<16xf32>
        %swap3A_590 = arith.index_cast %add3A_498 : i32 to index
        %swap3A_591 = arith.constant 112 : index
        %swap3A_592 = tpu.vector_load %arg10[%swap3A_590, %swap3A_591] {strides = array<i32>} : memref<128x128xf32, #tpu.memory_space<vmem>>, vector<1x16xf32>,
        %swap3A_593 = vector.shape_cast %swap3A_592 : vector<1x16xf32> to vector<16xf32>
        %swap3A_594 = vector.shape_cast %mul3A_589 : vector<16xf32> to vector<1x16xf32>
        tpu.vector_store %arg10[%swap3A_590, %swap3A_591], %swap3A_594 {strides = array<i32>} : memref<128x128xf32, #tpu.memory_space<vmem>>, vector<1x16xf32>,
        %mul3A_595 = arith.constant 4 : i32
        %mul3A_596 = arith.muli %scan3A_396, %mul3A_595 : i32
        %add3A_597 = arith.constant 2 : i32
        %add3A_598 = arith.addi %mul3A_596, %add3A_597 : i32
        %get3A_599 = arith.index_cast %add3A_598 : i32 to index
        %get3A_600 = arith.constant 0 : index
        %get3A_601 = tpu.vector_load %arg10[%get3A_599, %get3A_600] {strides = array<i32>} : memref<128x128xf32, #tpu.memory_space<vmem>>, vector<1x16xf32>,
        %get3A_602 = vector.shape_cast %get3A_601 : vector<1x16xf32> to vector<16xf32>
        %mul3A_603 = arith.constant 11.3137083 : f32
        %mul3A_604 = vector.broadcast %mul3A_603 : f32 to vector<16xf32>
        %mul3A_605 = arith.mulf %get3A_602, %mul3A_604 : vector<16xf32>
        %swap3A_606 = arith.index_cast %add3A_598 : i32 to index
        %swap3A_607 = arith.constant 0 : index
        %swap3A_608 = tpu.vector_load %arg10[%swap3A_606, %swap3A_607] {strides = array<i32>} : memref<128x128xf32, #tpu.memory_space<vmem>>, vector<1x16xf32>,
        %swap3A_609 = vector.shape_cast %swap3A_608 : vector<1x16xf32> to vector<16xf32>
        %swap3A_610 = vector.shape_cast %mul3A_605 : vector<16xf32> to vector<1x16xf32>
        tpu.vector_store %arg10[%swap3A_606, %swap3A_607], %swap3A_610 {strides = array<i32>} : memref<128x128xf32, #tpu.memory_space<vmem>>, vector<1x16xf32>,
        %get3A_611 = arith.index_cast %add3A_598 : i32 to index
        %get3A_612 = arith.constant 16 : index
        %get3A_613 = tpu.vector_load %arg10[%get3A_611, %get3A_612] {strides = array<i32>} : memref<128x128xf32, #tpu.memory_space<vmem>>, vector<1x16xf32>,
        %get3A_614 = vector.shape_cast %get3A_613 : vector<1x16xf32> to vector<16xf32>
        %mul3A_615 = arith.constant 11.3137083 : f32
        %mul3A_616 = vector.broadcast %mul3A_615 : f32 to vector<16xf32>
        %mul3A_617 = arith.mulf %get3A_614, %mul3A_616 : vector<16xf32>
        %swap3A_618 = arith.index_cast %add3A_598 : i32 to index
        %swap3A_619 = arith.constant 16 : index
        %swap3A_620 = tpu.vector_load %arg10[%swap3A_618, %swap3A_619] {strides = array<i32>} : memref<128x128xf32, #tpu.memory_space<vmem>>, vector<1x16xf32>,
        %swap3A_621 = vector.shape_cast %swap3A_620 : vector<1x16xf32> to vector<16xf32>
        %swap3A_622 = vector.shape_cast %mul3A_617 : vector<16xf32> to vector<1x16xf32>
        tpu.vector_store %arg10[%swap3A_618, %swap3A_619], %swap3A_622 {strides = array<i32>} : memref<128x128xf32, #tpu.memory_space<vmem>>, vector<1x16xf32>,
        %get3A_623 = arith.index_cast %add3A_598 : i32 to index
        %get3A_624 = arith.constant 32 : index
        %get3A_625 = tpu.vector_load %arg10[%get3A_623, %get3A_624] {strides = array<i32>} : memref<128x128xf32, #tpu.memory_space<vmem>>, vector<1x16xf32>,
        %get3A_626 = vector.shape_cast %get3A_625 : vector<1x16xf32> to vector<16xf32>
        %mul3A_627 = arith.constant 11.3137083 : f32
        %mul3A_628 = vector.broadcast %mul3A_627 : f32 to vector<16xf32>
        %mul3A_629 = arith.mulf %get3A_626, %mul3A_628 : vector<16xf32>
        %swap3A_630 = arith.index_cast %add3A_598 : i32 to index
        %swap3A_631 = arith.constant 32 : index
        %swap3A_632 = tpu.vector_load %arg10[%swap3A_630, %swap3A_631] {strides = array<i32>} : memref<128x128xf32, #tpu.memory_space<vmem>>, vector<1x16xf32>,
        %swap3A_633 = vector.shape_cast %swap3A_632 : vector<1x16xf32> to vector<16xf32>
        %swap3A_634 = vector.shape_cast %mul3A_629 : vector<16xf32> to vector<1x16xf32>
        tpu.vector_store %arg10[%swap3A_630, %swap3A_631], %swap3A_634 {strides = array<i32>} : memref<128x128xf32, #tpu.memory_space<vmem>>, vector<1x16xf32>,
        %get3A_635 = arith.index_cast %add3A_598 : i32 to index
        %get3A_636 = arith.constant 48 : index
        %get3A_637 = tpu.vector_load %arg10[%get3A_635, %get3A_636] {strides = array<i32>} : memref<128x128xf32, #tpu.memory_space<vmem>>, vector<1x16xf32>,
        %get3A_638 = vector.shape_cast %get3A_637 : vector<1x16xf32> to vector<16xf32>
        %mul3A_639 = arith.constant 11.3137083 : f32
        %mul3A_640 = vector.broadcast %mul3A_639 : f32 to vector<16xf32>
        %mul3A_641 = arith.mulf %get3A_638, %mul3A_640 : vector<16xf32>
        %swap3A_642 = arith.index_cast %add3A_598 : i32 to index
        %swap3A_643 = arith.constant 48 : index
        %swap3A_644 = tpu.vector_load %arg10[%swap3A_642, %swap3A_643] {strides = array<i32>} : memref<128x128xf32, #tpu.memory_space<vmem>>, vector<1x16xf32>,
        %swap3A_645 = vector.shape_cast %swap3A_644 : vector<1x16xf32> to vector<16xf32>
        %swap3A_646 = vector.shape_cast %mul3A_641 : vector<16xf32> to vector<1x16xf32>
        tpu.vector_store %arg10[%swap3A_642, %swap3A_643], %swap3A_646 {strides = array<i32>} : memref<128x128xf32, #tpu.memory_space<vmem>>, vector<1x16xf32>,
        %get3A_647 = arith.index_cast %add3A_598 : i32 to index
        %get3A_648 = arith.constant 64 : index
        %get3A_649 = tpu.vector_load %arg10[%get3A_647, %get3A_648] {strides = array<i32>} : memref<128x128xf32, #tpu.memory_space<vmem>>, vector<1x16xf32>,
        %get3A_650 = vector.shape_cast %get3A_649 : vector<1x16xf32> to vector<16xf32>
        %mul3A_651 = arith.constant 11.3137083 : f32
        %mul3A_652 = vector.broadcast %mul3A_651 : f32 to vector<16xf32>
        %mul3A_653 = arith.mulf %get3A_650, %mul3A_652 : vector<16xf32>
        %swap3A_654 = arith.index_cast %add3A_598 : i32 to index
        %swap3A_655 = arith.constant 64 : index
        %swap3A_656 = tpu.vector_load %arg10[%swap3A_654, %swap3A_655] {strides = array<i32>} : memref<128x128xf32, #tpu.memory_space<vmem>>, vector<1x16xf32>,
        %swap3A_657 = vector.shape_cast %swap3A_656 : vector<1x16xf32> to vector<16xf32>
        %swap3A_658 = vector.shape_cast %mul3A_653 : vector<16xf32> to vector<1x16xf32>
        tpu.vector_store %arg10[%swap3A_654, %swap3A_655], %swap3A_658 {strides = array<i32>} : memref<128x128xf32, #tpu.memory_space<vmem>>, vector<1x16xf32>,
        %get3A_659 = arith.index_cast %add3A_598 : i32 to index
        %get3A_660 = arith.constant 80 : index
        %get3A_661 = tpu.vector_load %arg10[%get3A_659, %get3A_660] {strides = array<i32>} : memref<128x128xf32, #tpu.memory_space<vmem>>, vector<1x16xf32>,
        %get3A_662 = vector.shape_cast %get3A_661 : vector<1x16xf32> to vector<16xf32>
        %mul3A_663 = arith.constant 11.3137083 : f32
        %mul3A_664 = vector.broadcast %mul3A_663 : f32 to vector<16xf32>
        %mul3A_665 = arith.mulf %get3A_662, %mul3A_664 : vector<16xf32>
        %swap3A_666 = arith.index_cast %add3A_598 : i32 to index
        %swap3A_667 = arith.constant 80 : index
        %swap3A_668 = tpu.vector_load %arg10[%swap3A_666, %swap3A_667] {strides = array<i32>} : memref<128x128xf32, #tpu.memory_space<vmem>>, vector<1x16xf32>,
        %swap3A_669 = vector.shape_cast %swap3A_668 : vector<1x16xf32> to vector<16xf32>
        %swap3A_670 = vector.shape_cast %mul3A_665 : vector<16xf32> to vector<1x16xf32>
        tpu.vector_store %arg10[%swap3A_666, %swap3A_667], %swap3A_670 {strides = array<i32>} : memref<128x128xf32, #tpu.memory_space<vmem>>, vector<1x16xf32>,
        %get3A_671 = arith.index_cast %add3A_598 : i32 to index
        %get3A_672 = arith.constant 96 : index
        %get3A_673 = tpu.vector_load %arg10[%get3A_671, %get3A_672] {strides = array<i32>} : memref<128x128xf32, #tpu.memory_space<vmem>>, vector<1x16xf32>,
        %get3A_674 = vector.shape_cast %get3A_673 : vector<1x16xf32> to vector<16xf32>
        %mul3A_675 = arith.constant 11.3137083 : f32
        %mul3A_676 = vector.broadcast %mul3A_675 : f32 to vector<16xf32>
        %mul3A_677 = arith.mulf %get3A_674, %mul3A_676 : vector<16xf32>
        %swap3A_678 = arith.index_cast %add3A_598 : i32 to index
        %swap3A_679 = arith.constant 96 : index
        %swap3A_680 = tpu.vector_load %arg10[%swap3A_678, %swap3A_679] {strides = array<i32>} : memref<128x128xf32, #tpu.memory_space<vmem>>, vector<1x16xf32>,
        %swap3A_681 = vector.shape_cast %swap3A_680 : vector<1x16xf32> to vector<16xf32>
        %swap3A_682 = vector.shape_cast %mul3A_677 : vector<16xf32> to vector<1x16xf32>
        tpu.vector_store %arg10[%swap3A_678, %swap3A_679], %swap3A_682 {strides = array<i32>} : memref<128x128xf32, #tpu.memory_space<vmem>>, vector<1x16xf32>,
        %get3A_683 = arith.index_cast %add3A_598 : i32 to index
        %get3A_684 = arith.constant 112 : index
        %get3A_685 = tpu.vector_load %arg10[%get3A_683, %get3A_684] {strides = array<i32>} : memref<128x128xf32, #tpu.memory_space<vmem>>, vector<1x16xf32>,
        %get3A_686 = vector.shape_cast %get3A_685 : vector<1x16xf32> to vector<16xf32>
        %mul3A_687 = arith.constant 11.3137083 : f32
        %mul3A_688 = vector.broadcast %mul3A_687 : f32 to vector<16xf32>
        %mul3A_689 = arith.mulf %get3A_686, %mul3A_688 : vector<16xf32>
        %swap3A_690 = arith.index_cast %add3A_598 : i32 to index
        %swap3A_691 = arith.constant 112 : index
        %swap3A_692 = tpu.vector_load %arg10[%swap3A_690, %swap3A_691] {strides = array<i32>} : memref<128x128xf32, #tpu.memory_space<vmem>>, vector<1x16xf32>,
        %swap3A_693 = vector.shape_cast %swap3A_692 : vector<1x16xf32> to vector<16xf32>
        %swap3A_694 = vector.shape_cast %mul3A_689 : vector<16xf32> to vector<1x16xf32>
        tpu.vector_store %arg10[%swap3A_690, %swap3A_691], %swap3A_694 {strides = array<i32>} : memref<128x128xf32, #tpu.memory_space<vmem>>, vector<1x16xf32>,
        %mul3A_695 = arith.constant 4 : i32
        %mul3A_696 = arith.muli %scan3A_396, %mul3A_695 : i32
        %add3A_697 = arith.constant 3 : i32
        %add3A_698 = arith.addi %mul3A_696, %add3A_697 : i32
        %get3A_699 = arith.index_cast %add3A_698 : i32 to index
        %get3A_700 = arith.constant 0 : index
        %get3A_701 = tpu.vector_load %arg10[%get3A_699, %get3A_700] {strides = array<i32>} : memref<128x128xf32, #tpu.memory_space<vmem>>, vector<1x16xf32>,
        %get3A_702 = vector.shape_cast %get3A_701 : vector<1x16xf32> to vector<16xf32>
        %mul3A_703 = arith.constant 11.3137083 : f32
        %mul3A_704 = vector.broadcast %mul3A_703 : f32 to vector<16xf32>
        %mul3A_705 = arith.mulf %get3A_702, %mul3A_704 : vector<16xf32>
        %swap3A_706 = arith.index_cast %add3A_698 : i32 to index
        %swap3A_707 = arith.constant 0 : index
        %swap3A_708 = tpu.vector_load %arg10[%swap3A_706, %swap3A_707] {strides = array<i32>} : memref<128x128xf32, #tpu.memory_space<vmem>>, vector<1x16xf32>,
        %swap3A_709 = vector.shape_cast %swap3A_708 : vector<1x16xf32> to vector<16xf32>
        %swap3A_710 = vector.shape_cast %mul3A_705 : vector<16xf32> to vector<1x16xf32>
        tpu.vector_store %arg10[%swap3A_706, %swap3A_707], %swap3A_710 {strides = array<i32>} : memref<128x128xf32, #tpu.memory_space<vmem>>, vector<1x16xf32>,
        %get3A_711 = arith.index_cast %add3A_698 : i32 to index
        %get3A_712 = arith.constant 16 : index
        %get3A_713 = tpu.vector_load %arg10[%get3A_711, %get3A_712] {strides = array<i32>} : memref<128x128xf32, #tpu.memory_space<vmem>>, vector<1x16xf32>,
        %get3A_714 = vector.shape_cast %get3A_713 : vector<1x16xf32> to vector<16xf32>
        %mul3A_715 = arith.constant 11.3137083 : f32
        %mul3A_716 = vector.broadcast %mul3A_715 : f32 to vector<16xf32>
        %mul3A_717 = arith.mulf %get3A_714, %mul3A_716 : vector<16xf32>
        %swap3A_718 = arith.index_cast %add3A_698 : i32 to index
        %swap3A_719 = arith.constant 16 : index
        %swap3A_720 = tpu.vector_load %arg10[%swap3A_718, %swap3A_719] {strides = array<i32>} : memref<128x128xf32, #tpu.memory_space<vmem>>, vector<1x16xf32>,
        %swap3A_721 = vector.shape_cast %swap3A_720 : vector<1x16xf32> to vector<16xf32>
        %swap3A_722 = vector.shape_cast %mul3A_717 : vector<16xf32> to vector<1x16xf32>
        tpu.vector_store %arg10[%swap3A_718, %swap3A_719], %swap3A_722 {strides = array<i32>} : memref<128x128xf32, #tpu.memory_space<vmem>>, vector<1x16xf32>,
        %get3A_723 = arith.index_cast %add3A_698 : i32 to index
        %get3A_724 = arith.constant 32 : index
        %get3A_725 = tpu.vector_load %arg10[%get3A_723, %get3A_724] {strides = array<i32>} : memref<128x128xf32, #tpu.memory_space<vmem>>, vector<1x16xf32>,
        %get3A_726 = vector.shape_cast %get3A_725 : vector<1x16xf32> to vector<16xf32>
        %mul3A_727 = arith.constant 11.3137083 : f32
        %mul3A_728 = vector.broadcast %mul3A_727 : f32 to vector<16xf32>
        %mul3A_729 = arith.mulf %get3A_726, %mul3A_728 : vector<16xf32>
        %swap3A_730 = arith.index_cast %add3A_698 : i32 to index
        %swap3A_731 = arith.constant 32 : index
        %swap3A_732 = tpu.vector_load %arg10[%swap3A_730, %swap3A_731] {strides = array<i32>} : memref<128x128xf32, #tpu.memory_space<vmem>>, vector<1x16xf32>,
        %swap3A_733 = vector.shape_cast %swap3A_732 : vector<1x16xf32> to vector<16xf32>
        %swap3A_734 = vector.shape_cast %mul3A_729 : vector<16xf32> to vector<1x16xf32>
        tpu.vector_store %arg10[%swap3A_730, %swap3A_731], %swap3A_734 {strides = array<i32>} : memref<128x128xf32, #tpu.memory_space<vmem>>, vector<1x16xf32>,
        %get3A_735 = arith.index_cast %add3A_698 : i32 to index
        %get3A_736 = arith.constant 48 : index
        %get3A_737 = tpu.vector_load %arg10[%get3A_735, %get3A_736] {strides = array<i32>} : memref<128x128xf32, #tpu.memory_space<vmem>>, vector<1x16xf32>,
        %get3A_738 = vector.shape_cast %get3A_737 : vector<1x16xf32> to vector<16xf32>
        %mul3A_739 = arith.constant 11.3137083 : f32
        %mul3A_740 = vector.broadcast %mul3A_739 : f32 to vector<16xf32>
        %mul3A_741 = arith.mulf %get3A_738, %mul3A_740 : vector<16xf32>
        %swap3A_742 = arith.index_cast %add3A_698 : i32 to index
        %swap3A_743 = arith.constant 48 : index
        %swap3A_744 = tpu.vector_load %arg10[%swap3A_742, %swap3A_743] {strides = array<i32>} : memref<128x128xf32, #tpu.memory_space<vmem>>, vector<1x16xf32>,
        %swap3A_745 = vector.shape_cast %swap3A_744 : vector<1x16xf32> to vector<16xf32>
        %swap3A_746 = vector.shape_cast %mul3A_741 : vector<16xf32> to vector<1x16xf32>
        tpu.vector_store %arg10[%swap3A_742, %swap3A_743], %swap3A_746 {strides = array<i32>} : memref<128x128xf32, #tpu.memory_space<vmem>>, vector<1x16xf32>,
        %get3A_747 = arith.index_cast %add3A_698 : i32 to index
        %get3A_748 = arith.constant 64 : index
        %get3A_749 = tpu.vector_load %arg10[%get3A_747, %get3A_748] {strides = array<i32>} : memref<128x128xf32, #tpu.memory_space<vmem>>, vector<1x16xf32>,
        %get3A_750 = vector.shape_cast %get3A_749 : vector<1x16xf32> to vector<16xf32>
        %mul3A_751 = arith.constant 11.3137083 : f32
        %mul3A_752 = vector.broadcast %mul3A_751 : f32 to vector<16xf32>
        %mul3A_753 = arith.mulf %get3A_750, %mul3A_752 : vector<16xf32>
        %swap3A_754 = arith.index_cast %add3A_698 : i32 to index
        %swap3A_755 = arith.constant 64 : index
        %swap3A_756 = tpu.vector_load %arg10[%swap3A_754, %swap3A_755] {strides = array<i32>} : memref<128x128xf32, #tpu.memory_space<vmem>>, vector<1x16xf32>,
        %swap3A_757 = vector.shape_cast %swap3A_756 : vector<1x16xf32> to vector<16xf32>
        %swap3A_758 = vector.shape_cast %mul3A_753 : vector<16xf32> to vector<1x16xf32>
        tpu.vector_store %arg10[%swap3A_754, %swap3A_755], %swap3A_758 {strides = array<i32>} : memref<128x128xf32, #tpu.memory_space<vmem>>, vector<1x16xf32>,
        %get3A_759 = arith.index_cast %add3A_698 : i32 to index
        %get3A_760 = arith.constant 80 : index
        %get3A_761 = tpu.vector_load %arg10[%get3A_759, %get3A_760] {strides = array<i32>} : memref<128x128xf32, #tpu.memory_space<vmem>>, vector<1x16xf32>,
        %get3A_762 = vector.shape_cast %get3A_761 : vector<1x16xf32> to vector<16xf32>
        %mul3A_763 = arith.constant 11.3137083 : f32
        %mul3A_764 = vector.broadcast %mul3A_763 : f32 to vector<16xf32>
        %mul3A_765 = arith.mulf %get3A_762, %mul3A_764 : vector<16xf32>
        %swap3A_766 = arith.index_cast %add3A_698 : i32 to index
        %swap3A_767 = arith.constant 80 : index
        %swap3A_768 = tpu.vector_load %arg10[%swap3A_766, %swap3A_767] {strides = array<i32>} : memref<128x128xf32, #tpu.memory_space<vmem>>, vector<1x16xf32>,
        %swap3A_769 = vector.shape_cast %swap3A_768 : vector<1x16xf32> to vector<16xf32>
        %swap3A_770 = vector.shape_cast %mul3A_765 : vector<16xf32> to vector<1x16xf32>
        tpu.vector_store %arg10[%swap3A_766, %swap3A_767], %swap3A_770 {strides = array<i32>} : memref<128x128xf32, #tpu.memory_space<vmem>>, vector<1x16xf32>,
        %get3A_771 = arith.index_cast %add3A_698 : i32 to index
        %get3A_772 = arith.constant 96 : index
        %get3A_773 = tpu.vector_load %arg10[%get3A_771, %get3A_772] {strides = array<i32>} : memref<128x128xf32, #tpu.memory_space<vmem>>, vector<1x16xf32>,
        %get3A_774 = vector.shape_cast %get3A_773 : vector<1x16xf32> to vector<16xf32>
        %mul3A_775 = arith.constant 11.3137083 : f32
        %mul3A_776 = vector.broadcast %mul3A_775 : f32 to vector<16xf32>
        %mul3A_777 = arith.mulf %get3A_774, %mul3A_776 : vector<16xf32>
        %swap3A_778 = arith.index_cast %add3A_698 : i32 to index
        %swap3A_779 = arith.constant 96 : index
        %swap3A_780 = tpu.vector_load %arg10[%swap3A_778, %swap3A_779] {strides = array<i32>} : memref<128x128xf32, #tpu.memory_space<vmem>>, vector<1x16xf32>,
        %swap3A_781 = vector.shape_cast %swap3A_780 : vector<1x16xf32> to vector<16xf32>
        %swap3A_782 = vector.shape_cast %mul3A_777 : vector<16xf32> to vector<1x16xf32>
        tpu.vector_store %arg10[%swap3A_778, %swap3A_779], %swap3A_782 {strides = array<i32>} : memref<128x128xf32, #tpu.memory_space<vmem>>, vector<1x16xf32>,
        %get3A_783 = arith.index_cast %add3A_698 : i32 to index
        %get3A_784 = arith.constant 112 : index
        %get3A_785 = tpu.vector_load %arg10[%get3A_783, %get3A_784] {strides = array<i32>} : memref<128x128xf32, #tpu.memory_space<vmem>>, vector<1x16xf32>,
        %get3A_786 = vector.shape_cast %get3A_785 : vector<1x16xf32> to vector<16xf32>
        %mul3A_787 = arith.constant 11.3137083 : f32
        %mul3A_788 = vector.broadcast %mul3A_787 : f32 to vector<16xf32>
        %mul3A_789 = arith.mulf %get3A_786, %mul3A_788 : vector<16xf32>
        %swap3A_790 = arith.index_cast %add3A_698 : i32 to index
        %swap3A_791 = arith.constant 112 : index
        %swap3A_792 = tpu.vector_load %arg10[%swap3A_790, %swap3A_791] {strides = array<i32>} : memref<128x128xf32, #tpu.memory_space<vmem>>, vector<1x16xf32>,
        %swap3A_793 = vector.shape_cast %swap3A_792 : vector<1x16xf32> to vector<16xf32>
        %swap3A_794 = vector.shape_cast %mul3A_789 : vector<16xf32> to vector<1x16xf32>
        tpu.vector_store %arg10[%swap3A_790, %swap3A_791], %swap3A_794 {strides = array<i32>} : memref<128x128xf32, #tpu.memory_space<vmem>>, vector<1x16xf32>,
      }
      %scan3A_304 = arith.constant 32 : i32
      %add3A_305 = arith.addi %mul3A_2, %add3A_275 : i32
      %mul3A_306 = arith.constant 128 : i32
      %mul3A_307 = arith.muli %add3A_305, %mul3A_306 : i32
      %dma_start3A_308 = arith.constant 0 : i32
      %dma_start3A_309 = tpu.memref_slice %arg4[%mul3A_307, %dma_start3A_308] : memref<204800x128xf32, #tpu.memory_space<hbm>> -> memref<128x128xf32, #tpu.memory_space<hbm>>
      %dma_start3A_310 = arith.constant 0 : i32
      %dma_start3A_311 = tpu.memref_slice %arg4[%mul3A_307, %dma_start3A_310] : memref<204800x128xf32, #tpu.memory_space<hbm>> -> memref<128x128xf32, #tpu.memory_space<hbm>>
      tpu.enqueue_dma source(%arg10 : memref<128x128xf32, #tpu.memory_space<vmem>>) target(%dma_start3A_311 : memref<128x128xf32, #tpu.memory_space<hbm>>) target_semaphore(%arg20 : memref<!tpu.dma_semaphore, #tpu.memory_space<semaphore_mem>>)
      %mul3A_312 = arith.constant 5 : i32
      %mul3A_313 = arith.muli %scan3A_186, %mul3A_312 : i32
      %add3A_314 = arith.constant 2 : i32
      %add3A_315 = arith.addi %add3A_314, %mul3A_313 : i32
      %add3A_316 = arith.constant 3 : i32
      %add3A_317 = arith.addi %add3A_315, %add3A_316 : i32
      %sub3A_318 = arith.constant 2 : i32
      %sub3A_319 = arith.subi %add3A_317, %sub3A_318 : i32
      %add3A_320 = arith.addi %mul3A_2, %sub3A_319 : i32
      %mul3A_321 = arith.constant 128 : i32
      %mul3A_322 = arith.muli %add3A_320, %mul3A_321 : i32
      %dma_wait3A_323 = arith.constant 0 : i32
      %dma_wait3A_324 = tpu.memref_slice %arg4[%mul3A_322, %dma_wait3A_323] : memref<204800x128xf32, #tpu.memory_space<hbm>> -> memref<128x128xf32, #tpu.memory_space<hbm>>
      %dma_wait3A_325 = arith.constant 0 : i32
      %dma_wait3A_326 = tpu.memref_slice %arg4[%mul3A_322, %dma_wait3A_325] : memref<204800x128xf32, #tpu.memory_space<hbm>> -> memref<128x128xf32, #tpu.memory_space<hbm>>
      tpu.wait_dma2 semaphore(%arg19 : memref<!tpu.dma_semaphore, #tpu.memory_space<semaphore_mem>>) src(%arg9 : memref<128x128xf32, #tpu.memory_space<vmem>>) dst(%dma_wait3A_326 : memref<128x128xf32, #tpu.memory_space<hbm>>)
      %add3A_327 = arith.constant 3 : i32
      %add3A_328 = arith.addi %add3A_317, %add3A_327 : i32
      %dma_start3A_329 = arith.constant 0 : i32
      %dma_start3A_330 = tpu.memref_slice %arg5[%add3A_328, %dma_start3A_329] : memref<50x128xi32, #tpu.memory_space<vmem>> -> memref<1x128xi32, #tpu.memory_space<vmem>>
      %dma_start3A_331 = tpu.memref_squeeze %dma_start3A_330 : memref<1x128xi32, #tpu.memory_space<vmem>> -> memref<128xi32, #tpu.memory_space<vmem>>
      %dma_start3A_332 = arith.constant 0 : i32
      %dma_start3A_333 = arith.constant 0 : i32
      %dma_start3A_334 = tpu.memref_slice %arg3[%dma_start3A_332, %dma_start3A_333] : memref<100000x128xf32, #tpu.memory_space<hbm>> -> memref<100000x128xf32, #tpu.memory_space<hbm>>
      tpu.enqueue_indirect_dma source(%dma_start3A_334 : memref<100000x128xf32, #tpu.memory_space<hbm>>) target(%arg9 : memref<128x128xf32, #tpu.memory_space<vmem>>) offsets(%dma_start3A_331 : memref<128xi32, #tpu.memory_space<vmem>>) semaphore(%arg14 : memref<!tpu.dma_semaphore, #tpu.memory_space<semaphore_mem>>)
      %dma_wait3A_335 = arith.constant 0 : i32
      %dma_wait3A_336 = tpu.memref_slice %arg5[%add3A_317, %dma_wait3A_335] : memref<50x128xi32, #tpu.memory_space<vmem>> -> memref<1x128xi32, #tpu.memory_space<vmem>>
      %dma_wait3A_337 = tpu.memref_squeeze %dma_wait3A_336 : memref<1x128xi32, #tpu.memory_space<vmem>> -> memref<128xi32, #tpu.memory_space<vmem>>
      %dma_wait3A_338 = arith.constant 0 : i32
      %dma_wait3A_339 = arith.constant 0 : i32
      %dma_wait3A_340 = tpu.memref_slice %arg3[%dma_wait3A_338, %dma_wait3A_339] : memref<100000x128xf32, #tpu.memory_space<hbm>> -> memref<100000x128xf32, #tpu.memory_space<hbm>>
      tpu.wait_indirect_dma semaphore(%arg11 : memref<!tpu.dma_semaphore, #tpu.memory_space<semaphore_mem>>) src(%dma_wait3A_340 : memref<100000x128xf32, #tpu.memory_space<hbm>>) dst(%arg6 : memref<128x128xf32, #tpu.memory_space<vmem>>)
      %scan3A_341 = arith.constant 0 : i32
      %scan3A_342 = arith.constant 0 : i32
      %scan3A_343 = arith.constant 32 : i32
      %scan3A_344 = arith.addi %scan3A_342, %scan3A_343 : i32
      %scan3A_345 = arith.constant 1 : i32
      scf.for %scan3A_396 = %scan3A_342 to %scan3A_344 step %scan3A_345  : i32 {
        %mul3A_397 = arith.constant 4 : i32
        %mul3A_398 = arith.muli %scan3A_396, %mul3A_397 : i32
        %add3A_399 = arith.constant 0 : i32
        %add3A_400 = arith.addi %mul3A_398, %add3A_399 : i32
        %get3A = arith.index_cast %add3A_400 : i32 to index
        %get3A_401 = arith.constant 0 : index
        %get3A_402 = tpu.vector_load %arg6[%get3A, %get3A_401] {strides = array<i32>} : memref<128x128xf32, #tpu.memory_space<vmem>>, vector<1x16xf32>,
        %get3A_403 = vector.shape_cast %get3A_402 : vector<1x16xf32> to vector<16xf32>
        %mul3A_404 = arith.constant 11.3137083 : f32
        %mul3A_405 = vector.broadcast %mul3A_404 : f32 to vector<16xf32>
        %mul3A_406 = arith.mulf %get3A_403, %mul3A_405 : vector<16xf32>
        %swap3A = arith.index_cast %add3A_400 : i32 to index
        %swap3A_407 = arith.constant 0 : index
        %swap3A_408 = tpu.vector_load %arg6[%swap3A, %swap3A_407] {strides = array<i32>} : memref<128x128xf32, #tpu.memory_space<vmem>>, vector<1x16xf32>,
        %swap3A_409 = vector.shape_cast %swap3A_408 : vector<1x16xf32> to vector<16xf32>
        %swap3A_410 = vector.shape_cast %mul3A_406 : vector<16xf32> to vector<1x16xf32>
        tpu.vector_store %arg6[%swap3A, %swap3A_407], %swap3A_410 {strides = array<i32>} : memref<128x128xf32, #tpu.memory_space<vmem>>, vector<1x16xf32>,
        %get3A_411 = arith.index_cast %add3A_400 : i32 to index
        %get3A_412 = arith.constant 16 : index
        %get3A_413 = tpu.vector_load %arg6[%get3A_411, %get3A_412] {strides = array<i32>} : memref<128x128xf32, #tpu.memory_space<vmem>>, vector<1x16xf32>,
        %get3A_414 = vector.shape_cast %get3A_413 : vector<1x16xf32> to vector<16xf32>
        %mul3A_415 = arith.constant 11.3137083 : f32
        %mul3A_416 = vector.broadcast %mul3A_415 : f32 to vector<16xf32>
        %mul3A_417 = arith.mulf %get3A_414, %mul3A_416 : vector<16xf32>
        %swap3A_418 = arith.index_cast %add3A_400 : i32 to index
        %swap3A_419 = arith.constant 16 : index
        %swap3A_420 = tpu.vector_load %arg6[%swap3A_418, %swap3A_419] {strides = array<i32>} : memref<128x128xf32, #tpu.memory_space<vmem>>, vector<1x16xf32>,
        %swap3A_421 = vector.shape_cast %swap3A_420 : vector<1x16xf32> to vector<16xf32>
        %swap3A_422 = vector.shape_cast %mul3A_417 : vector<16xf32> to vector<1x16xf32>
        tpu.vector_store %arg6[%swap3A_418, %swap3A_419], %swap3A_422 {strides = array<i32>} : memref<128x128xf32, #tpu.memory_space<vmem>>, vector<1x16xf32>,
        %get3A_423 = arith.index_cast %add3A_400 : i32 to index
        %get3A_424 = arith.constant 32 : index
        %get3A_425 = tpu.vector_load %arg6[%get3A_423, %get3A_424] {strides = array<i32>} : memref<128x128xf32, #tpu.memory_space<vmem>>, vector<1x16xf32>,
        %get3A_426 = vector.shape_cast %get3A_425 : vector<1x16xf32> to vector<16xf32>
        %mul3A_427 = arith.constant 11.3137083 : f32
        %mul3A_428 = vector.broadcast %mul3A_427 : f32 to vector<16xf32>
        %mul3A_429 = arith.mulf %get3A_426, %mul3A_428 : vector<16xf32>
        %swap3A_430 = arith.index_cast %add3A_400 : i32 to index
        %swap3A_431 = arith.constant 32 : index
        %swap3A_432 = tpu.vector_load %arg6[%swap3A_430, %swap3A_431] {strides = array<i32>} : memref<128x128xf32, #tpu.memory_space<vmem>>, vector<1x16xf32>,
        %swap3A_433 = vector.shape_cast %swap3A_432 : vector<1x16xf32> to vector<16xf32>
        %swap3A_434 = vector.shape_cast %mul3A_429 : vector<16xf32> to vector<1x16xf32>
        tpu.vector_store %arg6[%swap3A_430, %swap3A_431], %swap3A_434 {strides = array<i32>} : memref<128x128xf32, #tpu.memory_space<vmem>>, vector<1x16xf32>,
        %get3A_435 = arith.index_cast %add3A_400 : i32 to index
        %get3A_436 = arith.constant 48 : index
        %get3A_437 = tpu.vector_load %arg6[%get3A_435, %get3A_436] {strides = array<i32>} : memref<128x128xf32, #tpu.memory_space<vmem>>, vector<1x16xf32>,
        %get3A_438 = vector.shape_cast %get3A_437 : vector<1x16xf32> to vector<16xf32>
        %mul3A_439 = arith.constant 11.3137083 : f32
        %mul3A_440 = vector.broadcast %mul3A_439 : f32 to vector<16xf32>
        %mul3A_441 = arith.mulf %get3A_438, %mul3A_440 : vector<16xf32>
        %swap3A_442 = arith.index_cast %add3A_400 : i32 to index
        %swap3A_443 = arith.constant 48 : index
        %swap3A_444 = tpu.vector_load %arg6[%swap3A_442, %swap3A_443] {strides = array<i32>} : memref<128x128xf32, #tpu.memory_space<vmem>>, vector<1x16xf32>,
        %swap3A_445 = vector.shape_cast %swap3A_444 : vector<1x16xf32> to vector<16xf32>
        %swap3A_446 = vector.shape_cast %mul3A_441 : vector<16xf32> to vector<1x16xf32>
        tpu.vector_store %arg6[%swap3A_442, %swap3A_443], %swap3A_446 {strides = array<i32>} : memref<128x128xf32, #tpu.memory_space<vmem>>, vector<1x16xf32>,
        %get3A_447 = arith.index_cast %add3A_400 : i32 to index
        %get3A_448 = arith.constant 64 : index
        %get3A_449 = tpu.vector_load %arg6[%get3A_447, %get3A_448] {strides = array<i32>} : memref<128x128xf32, #tpu.memory_space<vmem>>, vector<1x16xf32>,
        %get3A_450 = vector.shape_cast %get3A_449 : vector<1x16xf32> to vector<16xf32>
        %mul3A_451 = arith.constant 11.3137083 : f32
        %mul3A_452 = vector.broadcast %mul3A_451 : f32 to vector<16xf32>
        %mul3A_453 = arith.mulf %get3A_450, %mul3A_452 : vector<16xf32>
        %swap3A_454 = arith.index_cast %add3A_400 : i32 to index
        %swap3A_455 = arith.constant 64 : index
        %swap3A_456 = tpu.vector_load %arg6[%swap3A_454, %swap3A_455] {strides = array<i32>} : memref<128x128xf32, #tpu.memory_space<vmem>>, vector<1x16xf32>,
        %swap3A_457 = vector.shape_cast %swap3A_456 : vector<1x16xf32> to vector<16xf32>
        %swap3A_458 = vector.shape_cast %mul3A_453 : vector<16xf32> to vector<1x16xf32>
        tpu.vector_store %arg6[%swap3A_454, %swap3A_455], %swap3A_458 {strides = array<i32>} : memref<128x128xf32, #tpu.memory_space<vmem>>, vector<1x16xf32>,
        %get3A_459 = arith.index_cast %add3A_400 : i32 to index
        %get3A_460 = arith.constant 80 : index
        %get3A_461 = tpu.vector_load %arg6[%get3A_459, %get3A_460] {strides = array<i32>} : memref<128x128xf32, #tpu.memory_space<vmem>>, vector<1x16xf32>,
        %get3A_462 = vector.shape_cast %get3A_461 : vector<1x16xf32> to vector<16xf32>
        %mul3A_463 = arith.constant 11.3137083 : f32
        %mul3A_464 = vector.broadcast %mul3A_463 : f32 to vector<16xf32>
        %mul3A_465 = arith.mulf %get3A_462, %mul3A_464 : vector<16xf32>
        %swap3A_466 = arith.index_cast %add3A_400 : i32 to index
        %swap3A_467 = arith.constant 80 : index
        %swap3A_468 = tpu.vector_load %arg6[%swap3A_466, %swap3A_467] {strides = array<i32>} : memref<128x128xf32, #tpu.memory_space<vmem>>, vector<1x16xf32>,
        %swap3A_469 = vector.shape_cast %swap3A_468 : vector<1x16xf32> to vector<16xf32>
        %swap3A_470 = vector.shape_cast %mul3A_465 : vector<16xf32> to vector<1x16xf32>
        tpu.vector_store %arg6[%swap3A_466, %swap3A_467], %swap3A_470 {strides = array<i32>} : memref<128x128xf32, #tpu.memory_space<vmem>>, vector<1x16xf32>,
        %get3A_471 = arith.index_cast %add3A_400 : i32 to index
        %get3A_472 = arith.constant 96 : index
        %get3A_473 = tpu.vector_load %arg6[%get3A_471, %get3A_472] {strides = array<i32>} : memref<128x128xf32, #tpu.memory_space<vmem>>, vector<1x16xf32>,
        %get3A_474 = vector.shape_cast %get3A_473 : vector<1x16xf32> to vector<16xf32>
        %mul3A_475 = arith.constant 11.3137083 : f32
        %mul3A_476 = vector.broadcast %mul3A_475 : f32 to vector<16xf32>
        %mul3A_477 = arith.mulf %get3A_474, %mul3A_476 : vector<16xf32>
        %swap3A_478 = arith.index_cast %add3A_400 : i32 to index
        %swap3A_479 = arith.constant 96 : index
        %swap3A_480 = tpu.vector_load %arg6[%swap3A_478, %swap3A_479] {strides = array<i32>} : memref<128x128xf32, #tpu.memory_space<vmem>>, vector<1x16xf32>,
        %swap3A_481 = vector.shape_cast %swap3A_480 : vector<1x16xf32> to vector<16xf32>
        %swap3A_482 = vector.shape_cast %mul3A_477 : vector<16xf32> to vector<1x16xf32>
        tpu.vector_store %arg6[%swap3A_478, %swap3A_479], %swap3A_482 {strides = array<i32>} : memref<128x128xf32, #tpu.memory_space<vmem>>, vector<1x16xf32>,
        %get3A_483 = arith.index_cast %add3A_400 : i32 to index
        %get3A_484 = arith.constant 112 : index
        %get3A_485 = tpu.vector_load %arg6[%get3A_483, %get3A_484] {strides = array<i32>} : memref<128x128xf32, #tpu.memory_space<vmem>>, vector<1x16xf32>,
        %get3A_486 = vector.shape_cast %get3A_485 : vector<1x16xf32> to vector<16xf32>
        %mul3A_487 = arith.constant 11.3137083 : f32
        %mul3A_488 = vector.broadcast %mul3A_487 : f32 to vector<16xf32>
        %mul3A_489 = arith.mulf %get3A_486, %mul3A_488 : vector<16xf32>
        %swap3A_490 = arith.index_cast %add3A_400 : i32 to index
        %swap3A_491 = arith.constant 112 : index
        %swap3A_492 = tpu.vector_load %arg6[%swap3A_490, %swap3A_491] {strides = array<i32>} : memref<128x128xf32, #tpu.memory_space<vmem>>, vector<1x16xf32>,
        %swap3A_493 = vector.shape_cast %swap3A_492 : vector<1x16xf32> to vector<16xf32>
        %swap3A_494 = vector.shape_cast %mul3A_489 : vector<16xf32> to vector<1x16xf32>
        tpu.vector_store %arg6[%swap3A_490, %swap3A_491], %swap3A_494 {strides = array<i32>} : memref<128x128xf32, #tpu.memory_space<vmem>>, vector<1x16xf32>,
        %mul3A_495 = arith.constant 4 : i32
        %mul3A_496 = arith.muli %scan3A_396, %mul3A_495 : i32
        %add3A_497 = arith.constant 1 : i32
        %add3A_498 = arith.addi %mul3A_496, %add3A_497 : i32
        %get3A_499 = arith.index_cast %add3A_498 : i32 to index
        %get3A_500 = arith.constant 0 : index
        %get3A_501 = tpu.vector_load %arg6[%get3A_499, %get3A_500] {strides = array<i32>} : memref<128x128xf32, #tpu.memory_space<vmem>>, vector<1x16xf32>,
        %get3A_502 = vector.shape_cast %get3A_501 : vector<1x16xf32> to vector<16xf32>
        %mul3A_503 = arith.constant 11.3137083 : f32
        %mul3A_504 = vector.broadcast %mul3A_503 : f32 to vector<16xf32>
        %mul3A_505 = arith.mulf %get3A_502, %mul3A_504 : vector<16xf32>
        %swap3A_506 = arith.index_cast %add3A_498 : i32 to index
        %swap3A_507 = arith.constant 0 : index
        %swap3A_508 = tpu.vector_load %arg6[%swap3A_506, %swap3A_507] {strides = array<i32>} : memref<128x128xf32, #tpu.memory_space<vmem>>, vector<1x16xf32>,
        %swap3A_509 = vector.shape_cast %swap3A_508 : vector<1x16xf32> to vector<16xf32>
        %swap3A_510 = vector.shape_cast %mul3A_505 : vector<16xf32> to vector<1x16xf32>
        tpu.vector_store %arg6[%swap3A_506, %swap3A_507], %swap3A_510 {strides = array<i32>} : memref<128x128xf32, #tpu.memory_space<vmem>>, vector<1x16xf32>,
        %get3A_511 = arith.index_cast %add3A_498 : i32 to index
        %get3A_512 = arith.constant 16 : index
        %get3A_513 = tpu.vector_load %arg6[%get3A_511, %get3A_512] {strides = array<i32>} : memref<128x128xf32, #tpu.memory_space<vmem>>, vector<1x16xf32>,
        %get3A_514 = vector.shape_cast %get3A_513 : vector<1x16xf32> to vector<16xf32>
        %mul3A_515 = arith.constant 11.3137083 : f32
        %mul3A_516 = vector.broadcast %mul3A_515 : f32 to vector<16xf32>
        %mul3A_517 = arith.mulf %get3A_514, %mul3A_516 : vector<16xf32>
        %swap3A_518 = arith.index_cast %add3A_498 : i32 to index
        %swap3A_519 = arith.constant 16 : index
        %swap3A_520 = tpu.vector_load %arg6[%swap3A_518, %swap3A_519] {strides = array<i32>} : memref<128x128xf32, #tpu.memory_space<vmem>>, vector<1x16xf32>,
        %swap3A_521 = vector.shape_cast %swap3A_520 : vector<1x16xf32> to vector<16xf32>
        %swap3A_522 = vector.shape_cast %mul3A_517 : vector<16xf32> to vector<1x16xf32>
        tpu.vector_store %arg6[%swap3A_518, %swap3A_519], %swap3A_522 {strides = array<i32>} : memref<128x128xf32, #tpu.memory_space<vmem>>, vector<1x16xf32>,
        %get3A_523 = arith.index_cast %add3A_498 : i32 to index
        %get3A_524 = arith.constant 32 : index
        %get3A_525 = tpu.vector_load %arg6[%get3A_523, %get3A_524] {strides = array<i32>} : memref<128x128xf32, #tpu.memory_space<vmem>>, vector<1x16xf32>,
        %get3A_526 = vector.shape_cast %get3A_525 : vector<1x16xf32> to vector<16xf32>
        %mul3A_527 = arith.constant 11.3137083 : f32
        %mul3A_528 = vector.broadcast %mul3A_527 : f32 to vector<16xf32>
        %mul3A_529 = arith.mulf %get3A_526, %mul3A_528 : vector<16xf32>
        %swap3A_530 = arith.index_cast %add3A_498 : i32 to index
        %swap3A_531 = arith.constant 32 : index
        %swap3A_532 = tpu.vector_load %arg6[%swap3A_530, %swap3A_531] {strides = array<i32>} : memref<128x128xf32, #tpu.memory_space<vmem>>, vector<1x16xf32>,
        %swap3A_533 = vector.shape_cast %swap3A_532 : vector<1x16xf32> to vector<16xf32>
        %swap3A_534 = vector.shape_cast %mul3A_529 : vector<16xf32> to vector<1x16xf32>
        tpu.vector_store %arg6[%swap3A_530, %swap3A_531], %swap3A_534 {strides = array<i32>} : memref<128x128xf32, #tpu.memory_space<vmem>>, vector<1x16xf32>,
        %get3A_535 = arith.index_cast %add3A_498 : i32 to index
        %get3A_536 = arith.constant 48 : index
        %get3A_537 = tpu.vector_load %arg6[%get3A_535, %get3A_536] {strides = array<i32>} : memref<128x128xf32, #tpu.memory_space<vmem>>, vector<1x16xf32>,
        %get3A_538 = vector.shape_cast %get3A_537 : vector<1x16xf32> to vector<16xf32>
        %mul3A_539 = arith.constant 11.3137083 : f32
        %mul3A_540 = vector.broadcast %mul3A_539 : f32 to vector<16xf32>
        %mul3A_541 = arith.mulf %get3A_538, %mul3A_540 : vector<16xf32>
        %swap3A_542 = arith.index_cast %add3A_498 : i32 to index
        %swap3A_543 = arith.constant 48 : index
        %swap3A_544 = tpu.vector_load %arg6[%swap3A_542, %swap3A_543] {strides = array<i32>} : memref<128x128xf32, #tpu.memory_space<vmem>>, vector<1x16xf32>,
        %swap3A_545 = vector.shape_cast %swap3A_544 : vector<1x16xf32> to vector<16xf32>
        %swap3A_546 = vector.shape_cast %mul3A_541 : vector<16xf32> to vector<1x16xf32>
        tpu.vector_store %arg6[%swap3A_542, %swap3A_543], %swap3A_546 {strides = array<i32>} : memref<128x128xf32, #tpu.memory_space<vmem>>, vector<1x16xf32>,
        %get3A_547 = arith.index_cast %add3A_498 : i32 to index
        %get3A_548 = arith.constant 64 : index
        %get3A_549 = tpu.vector_load %arg6[%get3A_547, %get3A_548] {strides = array<i32>} : memref<128x128xf32, #tpu.memory_space<vmem>>, vector<1x16xf32>,
        %get3A_550 = vector.shape_cast %get3A_549 : vector<1x16xf32> to vector<16xf32>
        %mul3A_551 = arith.constant 11.3137083 : f32
        %mul3A_552 = vector.broadcast %mul3A_551 : f32 to vector<16xf32>
        %mul3A_553 = arith.mulf %get3A_550, %mul3A_552 : vector<16xf32>
        %swap3A_554 = arith.index_cast %add3A_498 : i32 to index
        %swap3A_555 = arith.constant 64 : index
        %swap3A_556 = tpu.vector_load %arg6[%swap3A_554, %swap3A_555] {strides = array<i32>} : memref<128x128xf32, #tpu.memory_space<vmem>>, vector<1x16xf32>,
        %swap3A_557 = vector.shape_cast %swap3A_556 : vector<1x16xf32> to vector<16xf32>
        %swap3A_558 = vector.shape_cast %mul3A_553 : vector<16xf32> to vector<1x16xf32>
        tpu.vector_store %arg6[%swap3A_554, %swap3A_555], %swap3A_558 {strides = array<i32>} : memref<128x128xf32, #tpu.memory_space<vmem>>, vector<1x16xf32>,
        %get3A_559 = arith.index_cast %add3A_498 : i32 to index
        %get3A_560 = arith.constant 80 : index
        %get3A_561 = tpu.vector_load %arg6[%get3A_559, %get3A_560] {strides = array<i32>} : memref<128x128xf32, #tpu.memory_space<vmem>>, vector<1x16xf32>,
        %get3A_562 = vector.shape_cast %get3A_561 : vector<1x16xf32> to vector<16xf32>
        %mul3A_563 = arith.constant 11.3137083 : f32
        %mul3A_564 = vector.broadcast %mul3A_563 : f32 to vector<16xf32>
        %mul3A_565 = arith.mulf %get3A_562, %mul3A_564 : vector<16xf32>
        %swap3A_566 = arith.index_cast %add3A_498 : i32 to index
        %swap3A_567 = arith.constant 80 : index
        %swap3A_568 = tpu.vector_load %arg6[%swap3A_566, %swap3A_567] {strides = array<i32>} : memref<128x128xf32, #tpu.memory_space<vmem>>, vector<1x16xf32>,
        %swap3A_569 = vector.shape_cast %swap3A_568 : vector<1x16xf32> to vector<16xf32>
        %swap3A_570 = vector.shape_cast %mul3A_565 : vector<16xf32> to vector<1x16xf32>
        tpu.vector_store %arg6[%swap3A_566, %swap3A_567], %swap3A_570 {strides = array<i32>} : memref<128x128xf32, #tpu.memory_space<vmem>>, vector<1x16xf32>,
        %get3A_571 = arith.index_cast %add3A_498 : i32 to index
        %get3A_572 = arith.constant 96 : index
        %get3A_573 = tpu.vector_load %arg6[%get3A_571, %get3A_572] {strides = array<i32>} : memref<128x128xf32, #tpu.memory_space<vmem>>, vector<1x16xf32>,
        %get3A_574 = vector.shape_cast %get3A_573 : vector<1x16xf32> to vector<16xf32>
        %mul3A_575 = arith.constant 11.3137083 : f32
        %mul3A_576 = vector.broadcast %mul3A_575 : f32 to vector<16xf32>
        %mul3A_577 = arith.mulf %get3A_574, %mul3A_576 : vector<16xf32>
        %swap3A_578 = arith.index_cast %add3A_498 : i32 to index
        %swap3A_579 = arith.constant 96 : index
        %swap3A_580 = tpu.vector_load %arg6[%swap3A_578, %swap3A_579] {strides = array<i32>} : memref<128x128xf32, #tpu.memory_space<vmem>>, vector<1x16xf32>,
        %swap3A_581 = vector.shape_cast %swap3A_580 : vector<1x16xf32> to vector<16xf32>
        %swap3A_582 = vector.shape_cast %mul3A_577 : vector<16xf32> to vector<1x16xf32>
        tpu.vector_store %arg6[%swap3A_578, %swap3A_579], %swap3A_582 {strides = array<i32>} : memref<128x128xf32, #tpu.memory_space<vmem>>, vector<1x16xf32>,
        %get3A_583 = arith.index_cast %add3A_498 : i32 to index
        %get3A_584 = arith.constant 112 : index
        %get3A_585 = tpu.vector_load %arg6[%get3A_583, %get3A_584] {strides = array<i32>} : memref<128x128xf32, #tpu.memory_space<vmem>>, vector<1x16xf32>,
        %get3A_586 = vector.shape_cast %get3A_585 : vector<1x16xf32> to vector<16xf32>
        %mul3A_587 = arith.constant 11.3137083 : f32
        %mul3A_588 = vector.broadcast %mul3A_587 : f32 to vector<16xf32>
        %mul3A_589 = arith.mulf %get3A_586, %mul3A_588 : vector<16xf32>
        %swap3A_590 = arith.index_cast %add3A_498 : i32 to index
        %swap3A_591 = arith.constant 112 : index
        %swap3A_592 = tpu.vector_load %arg6[%swap3A_590, %swap3A_591] {strides = array<i32>} : memref<128x128xf32, #tpu.memory_space<vmem>>, vector<1x16xf32>,
        %swap3A_593 = vector.shape_cast %swap3A_592 : vector<1x16xf32> to vector<16xf32>
        %swap3A_594 = vector.shape_cast %mul3A_589 : vector<16xf32> to vector<1x16xf32>
        tpu.vector_store %arg6[%swap3A_590, %swap3A_591], %swap3A_594 {strides = array<i32>} : memref<128x128xf32, #tpu.memory_space<vmem>>, vector<1x16xf32>,
        %mul3A_595 = arith.constant 4 : i32
        %mul3A_596 = arith.muli %scan3A_396, %mul3A_595 : i32
        %add3A_597 = arith.constant 2 : i32
        %add3A_598 = arith.addi %mul3A_596, %add3A_597 : i32
        %get3A_599 = arith.index_cast %add3A_598 : i32 to index
        %get3A_600 = arith.constant 0 : index
        %get3A_601 = tpu.vector_load %arg6[%get3A_599, %get3A_600] {strides = array<i32>} : memref<128x128xf32, #tpu.memory_space<vmem>>, vector<1x16xf32>,
        %get3A_602 = vector.shape_cast %get3A_601 : vector<1x16xf32> to vector<16xf32>
        %mul3A_603 = arith.constant 11.3137083 : f32
        %mul3A_604 = vector.broadcast %mul3A_603 : f32 to vector<16xf32>
        %mul3A_605 = arith.mulf %get3A_602, %mul3A_604 : vector<16xf32>
        %swap3A_606 = arith.index_cast %add3A_598 : i32 to index
        %swap3A_607 = arith.constant 0 : index
        %swap3A_608 = tpu.vector_load %arg6[%swap3A_606, %swap3A_607] {strides = array<i32>} : memref<128x128xf32, #tpu.memory_space<vmem>>, vector<1x16xf32>,
        %swap3A_609 = vector.shape_cast %swap3A_608 : vector<1x16xf32> to vector<16xf32>
        %swap3A_610 = vector.shape_cast %mul3A_605 : vector<16xf32> to vector<1x16xf32>
        tpu.vector_store %arg6[%swap3A_606, %swap3A_607], %swap3A_610 {strides = array<i32>} : memref<128x128xf32, #tpu.memory_space<vmem>>, vector<1x16xf32>,
        %get3A_611 = arith.index_cast %add3A_598 : i32 to index
        %get3A_612 = arith.constant 16 : index
        %get3A_613 = tpu.vector_load %arg6[%get3A_611, %get3A_612] {strides = array<i32>} : memref<128x128xf32, #tpu.memory_space<vmem>>, vector<1x16xf32>,
        %get3A_614 = vector.shape_cast %get3A_613 : vector<1x16xf32> to vector<16xf32>
        %mul3A_615 = arith.constant 11.3137083 : f32
        %mul3A_616 = vector.broadcast %mul3A_615 : f32 to vector<16xf32>
        %mul3A_617 = arith.mulf %get3A_614, %mul3A_616 : vector<16xf32>
        %swap3A_618 = arith.index_cast %add3A_598 : i32 to index
        %swap3A_619 = arith.constant 16 : index
        %swap3A_620 = tpu.vector_load %arg6[%swap3A_618, %swap3A_619] {strides = array<i32>} : memref<128x128xf32, #tpu.memory_space<vmem>>, vector<1x16xf32>,
        %swap3A_621 = vector.shape_cast %swap3A_620 : vector<1x16xf32> to vector<16xf32>
        %swap3A_622 = vector.shape_cast %mul3A_617 : vector<16xf32> to vector<1x16xf32>
        tpu.vector_store %arg6[%swap3A_618, %swap3A_619], %swap3A_622 {strides = array<i32>} : memref<128x128xf32, #tpu.memory_space<vmem>>, vector<1x16xf32>,
        %get3A_623 = arith.index_cast %add3A_598 : i32 to index
        %get3A_624 = arith.constant 32 : index
        %get3A_625 = tpu.vector_load %arg6[%get3A_623, %get3A_624] {strides = array<i32>} : memref<128x128xf32, #tpu.memory_space<vmem>>, vector<1x16xf32>,
        %get3A_626 = vector.shape_cast %get3A_625 : vector<1x16xf32> to vector<16xf32>
        %mul3A_627 = arith.constant 11.3137083 : f32
        %mul3A_628 = vector.broadcast %mul3A_627 : f32 to vector<16xf32>
        %mul3A_629 = arith.mulf %get3A_626, %mul3A_628 : vector<16xf32>
        %swap3A_630 = arith.index_cast %add3A_598 : i32 to index
        %swap3A_631 = arith.constant 32 : index
        %swap3A_632 = tpu.vector_load %arg6[%swap3A_630, %swap3A_631] {strides = array<i32>} : memref<128x128xf32, #tpu.memory_space<vmem>>, vector<1x16xf32>,
        %swap3A_633 = vector.shape_cast %swap3A_632 : vector<1x16xf32> to vector<16xf32>
        %swap3A_634 = vector.shape_cast %mul3A_629 : vector<16xf32> to vector<1x16xf32>
        tpu.vector_store %arg6[%swap3A_630, %swap3A_631], %swap3A_634 {strides = array<i32>} : memref<128x128xf32, #tpu.memory_space<vmem>>, vector<1x16xf32>,
        %get3A_635 = arith.index_cast %add3A_598 : i32 to index
        %get3A_636 = arith.constant 48 : index
        %get3A_637 = tpu.vector_load %arg6[%get3A_635, %get3A_636] {strides = array<i32>} : memref<128x128xf32, #tpu.memory_space<vmem>>, vector<1x16xf32>,
        %get3A_638 = vector.shape_cast %get3A_637 : vector<1x16xf32> to vector<16xf32>
        %mul3A_639 = arith.constant 11.3137083 : f32
        %mul3A_640 = vector.broadcast %mul3A_639 : f32 to vector<16xf32>
        %mul3A_641 = arith.mulf %get3A_638, %mul3A_640 : vector<16xf32>
        %swap3A_642 = arith.index_cast %add3A_598 : i32 to index
        %swap3A_643 = arith.constant 48 : index
        %swap3A_644 = tpu.vector_load %arg6[%swap3A_642, %swap3A_643] {strides = array<i32>} : memref<128x128xf32, #tpu.memory_space<vmem>>, vector<1x16xf32>,
        %swap3A_645 = vector.shape_cast %swap3A_644 : vector<1x16xf32> to vector<16xf32>
        %swap3A_646 = vector.shape_cast %mul3A_641 : vector<16xf32> to vector<1x16xf32>
        tpu.vector_store %arg6[%swap3A_642, %swap3A_643], %swap3A_646 {strides = array<i32>} : memref<128x128xf32, #tpu.memory_space<vmem>>, vector<1x16xf32>,
        %get3A_647 = arith.index_cast %add3A_598 : i32 to index
        %get3A_648 = arith.constant 64 : index
        %get3A_649 = tpu.vector_load %arg6[%get3A_647, %get3A_648] {strides = array<i32>} : memref<128x128xf32, #tpu.memory_space<vmem>>, vector<1x16xf32>,
        %get3A_650 = vector.shape_cast %get3A_649 : vector<1x16xf32> to vector<16xf32>
        %mul3A_651 = arith.constant 11.3137083 : f32
        %mul3A_652 = vector.broadcast %mul3A_651 : f32 to vector<16xf32>
        %mul3A_653 = arith.mulf %get3A_650, %mul3A_652 : vector<16xf32>
        %swap3A_654 = arith.index_cast %add3A_598 : i32 to index
        %swap3A_655 = arith.constant 64 : index
        %swap3A_656 = tpu.vector_load %arg6[%swap3A_654, %swap3A_655] {strides = array<i32>} : memref<128x128xf32, #tpu.memory_space<vmem>>, vector<1x16xf32>,
        %swap3A_657 = vector.shape_cast %swap3A_656 : vector<1x16xf32> to vector<16xf32>
        %swap3A_658 = vector.shape_cast %mul3A_653 : vector<16xf32> to vector<1x16xf32>
        tpu.vector_store %arg6[%swap3A_654, %swap3A_655], %swap3A_658 {strides = array<i32>} : memref<128x128xf32, #tpu.memory_space<vmem>>, vector<1x16xf32>,
        %get3A_659 = arith.index_cast %add3A_598 : i32 to index
        %get3A_660 = arith.constant 80 : index
        %get3A_661 = tpu.vector_load %arg6[%get3A_659, %get3A_660] {strides = array<i32>} : memref<128x128xf32, #tpu.memory_space<vmem>>, vector<1x16xf32>,
        %get3A_662 = vector.shape_cast %get3A_661 : vector<1x16xf32> to vector<16xf32>
        %mul3A_663 = arith.constant 11.3137083 : f32
        %mul3A_664 = vector.broadcast %mul3A_663 : f32 to vector<16xf32>
        %mul3A_665 = arith.mulf %get3A_662, %mul3A_664 : vector<16xf32>
        %swap3A_666 = arith.index_cast %add3A_598 : i32 to index
        %swap3A_667 = arith.constant 80 : index
        %swap3A_668 = tpu.vector_load %arg6[%swap3A_666, %swap3A_667] {strides = array<i32>} : memref<128x128xf32, #tpu.memory_space<vmem>>, vector<1x16xf32>,
        %swap3A_669 = vector.shape_cast %swap3A_668 : vector<1x16xf32> to vector<16xf32>
        %swap3A_670 = vector.shape_cast %mul3A_665 : vector<16xf32> to vector<1x16xf32>
        tpu.vector_store %arg6[%swap3A_666, %swap3A_667], %swap3A_670 {strides = array<i32>} : memref<128x128xf32, #tpu.memory_space<vmem>>, vector<1x16xf32>,
        %get3A_671 = arith.index_cast %add3A_598 : i32 to index
        %get3A_672 = arith.constant 96 : index
        %get3A_673 = tpu.vector_load %arg6[%get3A_671, %get3A_672] {strides = array<i32>} : memref<128x128xf32, #tpu.memory_space<vmem>>, vector<1x16xf32>,
        %get3A_674 = vector.shape_cast %get3A_673 : vector<1x16xf32> to vector<16xf32>
        %mul3A_675 = arith.constant 11.3137083 : f32
        %mul3A_676 = vector.broadcast %mul3A_675 : f32 to vector<16xf32>
        %mul3A_677 = arith.mulf %get3A_674, %mul3A_676 : vector<16xf32>
        %swap3A_678 = arith.index_cast %add3A_598 : i32 to index
        %swap3A_679 = arith.constant 96 : index
        %swap3A_680 = tpu.vector_load %arg6[%swap3A_678, %swap3A_679] {strides = array<i32>} : memref<128x128xf32, #tpu.memory_space<vmem>>, vector<1x16xf32>,
        %swap3A_681 = vector.shape_cast %swap3A_680 : vector<1x16xf32> to vector<16xf32>
        %swap3A_682 = vector.shape_cast %mul3A_677 : vector<16xf32> to vector<1x16xf32>
        tpu.vector_store %arg6[%swap3A_678, %swap3A_679], %swap3A_682 {strides = array<i32>} : memref<128x128xf32, #tpu.memory_space<vmem>>, vector<1x16xf32>,
        %get3A_683 = arith.index_cast %add3A_598 : i32 to index
        %get3A_684 = arith.constant 112 : index
        %get3A_685 = tpu.vector_load %arg6[%get3A_683, %get3A_684] {strides = array<i32>} : memref<128x128xf32, #tpu.memory_space<vmem>>, vector<1x16xf32>,
        %get3A_686 = vector.shape_cast %get3A_685 : vector<1x16xf32> to vector<16xf32>
        %mul3A_687 = arith.constant 11.3137083 : f32
        %mul3A_688 = vector.broadcast %mul3A_687 : f32 to vector<16xf32>
        %mul3A_689 = arith.mulf %get3A_686, %mul3A_688 : vector<16xf32>
        %swap3A_690 = arith.index_cast %add3A_598 : i32 to index
        %swap3A_691 = arith.constant 112 : index
        %swap3A_692 = tpu.vector_load %arg6[%swap3A_690, %swap3A_691] {strides = array<i32>} : memref<128x128xf32, #tpu.memory_space<vmem>>, vector<1x16xf32>,
        %swap3A_693 = vector.shape_cast %swap3A_692 : vector<1x16xf32> to vector<16xf32>
        %swap3A_694 = vector.shape_cast %mul3A_689 : vector<16xf32> to vector<1x16xf32>
        tpu.vector_store %arg6[%swap3A_690, %swap3A_691], %swap3A_694 {strides = array<i32>} : memref<128x128xf32, #tpu.memory_space<vmem>>, vector<1x16xf32>,
        %mul3A_695 = arith.constant 4 : i32
        %mul3A_696 = arith.muli %scan3A_396, %mul3A_695 : i32
        %add3A_697 = arith.constant 3 : i32
        %add3A_698 = arith.addi %mul3A_696, %add3A_697 : i32
        %get3A_699 = arith.index_cast %add3A_698 : i32 to index
        %get3A_700 = arith.constant 0 : index
        %get3A_701 = tpu.vector_load %arg6[%get3A_699, %get3A_700] {strides = array<i32>} : memref<128x128xf32, #tpu.memory_space<vmem>>, vector<1x16xf32>,
        %get3A_702 = vector.shape_cast %get3A_701 : vector<1x16xf32> to vector<16xf32>
        %mul3A_703 = arith.constant 11.3137083 : f32
        %mul3A_704 = vector.broadcast %mul3A_703 : f32 to vector<16xf32>
        %mul3A_705 = arith.mulf %get3A_702, %mul3A_704 : vector<16xf32>
        %swap3A_706 = arith.index_cast %add3A_698 : i32 to index
        %swap3A_707 = arith.constant 0 : index
        %swap3A_708 = tpu.vector_load %arg6[%swap3A_706, %swap3A_707] {strides = array<i32>} : memref<128x128xf32, #tpu.memory_space<vmem>>, vector<1x16xf32>,
        %swap3A_709 = vector.shape_cast %swap3A_708 : vector<1x16xf32> to vector<16xf32>
        %swap3A_710 = vector.shape_cast %mul3A_705 : vector<16xf32> to vector<1x16xf32>
        tpu.vector_store %arg6[%swap3A_706, %swap3A_707], %swap3A_710 {strides = array<i32>} : memref<128x128xf32, #tpu.memory_space<vmem>>, vector<1x16xf32>,
        %get3A_711 = arith.index_cast %add3A_698 : i32 to index
        %get3A_712 = arith.constant 16 : index
        %get3A_713 = tpu.vector_load %arg6[%get3A_711, %get3A_712] {strides = array<i32>} : memref<128x128xf32, #tpu.memory_space<vmem>>, vector<1x16xf32>,
        %get3A_714 = vector.shape_cast %get3A_713 : vector<1x16xf32> to vector<16xf32>
        %mul3A_715 = arith.constant 11.3137083 : f32
        %mul3A_716 = vector.broadcast %mul3A_715 : f32 to vector<16xf32>
        %mul3A_717 = arith.mulf %get3A_714, %mul3A_716 : vector<16xf32>
        %swap3A_718 = arith.index_cast %add3A_698 : i32 to index
        %swap3A_719 = arith.constant 16 : index
        %swap3A_720 = tpu.vector_load %arg6[%swap3A_718, %swap3A_719] {strides = array<i32>} : memref<128x128xf32, #tpu.memory_space<vmem>>, vector<1x16xf32>,
        %swap3A_721 = vector.shape_cast %swap3A_720 : vector<1x16xf32> to vector<16xf32>
        %swap3A_722 = vector.shape_cast %mul3A_717 : vector<16xf32> to vector<1x16xf32>
        tpu.vector_store %arg6[%swap3A_718, %swap3A_719], %swap3A_722 {strides = array<i32>} : memref<128x128xf32, #tpu.memory_space<vmem>>, vector<1x16xf32>,
        %get3A_723 = arith.index_cast %add3A_698 : i32 to index
        %get3A_724 = arith.constant 32 : index
        %get3A_725 = tpu.vector_load %arg6[%get3A_723, %get3A_724] {strides = array<i32>} : memref<128x128xf32, #tpu.memory_space<vmem>>, vector<1x16xf32>,
        %get3A_726 = vector.shape_cast %get3A_725 : vector<1x16xf32> to vector<16xf32>
        %mul3A_727 = arith.constant 11.3137083 : f32
        %mul3A_728 = vector.broadcast %mul3A_727 : f32 to vector<16xf32>
        %mul3A_729 = arith.mulf %get3A_726, %mul3A_728 : vector<16xf32>
        %swap3A_730 = arith.index_cast %add3A_698 : i32 to index
        %swap3A_731 = arith.constant 32 : index
        %swap3A_732 = tpu.vector_load %arg6[%swap3A_730, %swap3A_731] {strides = array<i32>} : memref<128x128xf32, #tpu.memory_space<vmem>>, vector<1x16xf32>,
        %swap3A_733 = vector.shape_cast %swap3A_732 : vector<1x16xf32> to vector<16xf32>
        %swap3A_734 = vector.shape_cast %mul3A_729 : vector<16xf32> to vector<1x16xf32>
        tpu.vector_store %arg6[%swap3A_730, %swap3A_731], %swap3A_734 {strides = array<i32>} : memref<128x128xf32, #tpu.memory_space<vmem>>, vector<1x16xf32>,
        %get3A_735 = arith.index_cast %add3A_698 : i32 to index
        %get3A_736 = arith.constant 48 : index
        %get3A_737 = tpu.vector_load %arg6[%get3A_735, %get3A_736] {strides = array<i32>} : memref<128x128xf32, #tpu.memory_space<vmem>>, vector<1x16xf32>,
        %get3A_738 = vector.shape_cast %get3A_737 : vector<1x16xf32> to vector<16xf32>
        %mul3A_739 = arith.constant 11.3137083 : f32
        %mul3A_740 = vector.broadcast %mul3A_739 : f32 to vector<16xf32>
        %mul3A_741 = arith.mulf %get3A_738, %mul3A_740 : vector<16xf32>
        %swap3A_742 = arith.index_cast %add3A_698 : i32 to index
        %swap3A_743 = arith.constant 48 : index
        %swap3A_744 = tpu.vector_load %arg6[%swap3A_742, %swap3A_743] {strides = array<i32>} : memref<128x128xf32, #tpu.memory_space<vmem>>, vector<1x16xf32>,
        %swap3A_745 = vector.shape_cast %swap3A_744 : vector<1x16xf32> to vector<16xf32>
        %swap3A_746 = vector.shape_cast %mul3A_741 : vector<16xf32> to vector<1x16xf32>
        tpu.vector_store %arg6[%swap3A_742, %swap3A_743], %swap3A_746 {strides = array<i32>} : memref<128x128xf32, #tpu.memory_space<vmem>>, vector<1x16xf32>,
        %get3A_747 = arith.index_cast %add3A_698 : i32 to index
        %get3A_748 = arith.constant 64 : index
        %get3A_749 = tpu.vector_load %arg6[%get3A_747, %get3A_748] {strides = array<i32>} : memref<128x128xf32, #tpu.memory_space<vmem>>, vector<1x16xf32>,
        %get3A_750 = vector.shape_cast %get3A_749 : vector<1x16xf32> to vector<16xf32>
        %mul3A_751 = arith.constant 11.3137083 : f32
        %mul3A_752 = vector.broadcast %mul3A_751 : f32 to vector<16xf32>
        %mul3A_753 = arith.mulf %get3A_750, %mul3A_752 : vector<16xf32>
        %swap3A_754 = arith.index_cast %add3A_698 : i32 to index
        %swap3A_755 = arith.constant 64 : index
        %swap3A_756 = tpu.vector_load %arg6[%swap3A_754, %swap3A_755] {strides = array<i32>} : memref<128x128xf32, #tpu.memory_space<vmem>>, vector<1x16xf32>,
        %swap3A_757 = vector.shape_cast %swap3A_756 : vector<1x16xf32> to vector<16xf32>
        %swap3A_758 = vector.shape_cast %mul3A_753 : vector<16xf32> to vector<1x16xf32>
        tpu.vector_store %arg6[%swap3A_754, %swap3A_755], %swap3A_758 {strides = array<i32>} : memref<128x128xf32, #tpu.memory_space<vmem>>, vector<1x16xf32>,
        %get3A_759 = arith.index_cast %add3A_698 : i32 to index
        %get3A_760 = arith.constant 80 : index
        %get3A_761 = tpu.vector_load %arg6[%get3A_759, %get3A_760] {strides = array<i32>} : memref<128x128xf32, #tpu.memory_space<vmem>>, vector<1x16xf32>,
        %get3A_762 = vector.shape_cast %get3A_761 : vector<1x16xf32> to vector<16xf32>
        %mul3A_763 = arith.constant 11.3137083 : f32
        %mul3A_764 = vector.broadcast %mul3A_763 : f32 to vector<16xf32>
        %mul3A_765 = arith.mulf %get3A_762, %mul3A_764 : vector<16xf32>
        %swap3A_766 = arith.index_cast %add3A_698 : i32 to index
        %swap3A_767 = arith.constant 80 : index
        %swap3A_768 = tpu.vector_load %arg6[%swap3A_766, %swap3A_767] {strides = array<i32>} : memref<128x128xf32, #tpu.memory_space<vmem>>, vector<1x16xf32>,
        %swap3A_769 = vector.shape_cast %swap3A_768 : vector<1x16xf32> to vector<16xf32>
        %swap3A_770 = vector.shape_cast %mul3A_765 : vector<16xf32> to vector<1x16xf32>
        tpu.vector_store %arg6[%swap3A_766, %swap3A_767], %swap3A_770 {strides = array<i32>} : memref<128x128xf32, #tpu.memory_space<vmem>>, vector<1x16xf32>,
        %get3A_771 = arith.index_cast %add3A_698 : i32 to index
        %get3A_772 = arith.constant 96 : index
        %get3A_773 = tpu.vector_load %arg6[%get3A_771, %get3A_772] {strides = array<i32>} : memref<128x128xf32, #tpu.memory_space<vmem>>, vector<1x16xf32>,
        %get3A_774 = vector.shape_cast %get3A_773 : vector<1x16xf32> to vector<16xf32>
        %mul3A_775 = arith.constant 11.3137083 : f32
        %mul3A_776 = vector.broadcast %mul3A_775 : f32 to vector<16xf32>
        %mul3A_777 = arith.mulf %get3A_774, %mul3A_776 : vector<16xf32>
        %swap3A_778 = arith.index_cast %add3A_698 : i32 to index
        %swap3A_779 = arith.constant 96 : index
        %swap3A_780 = tpu.vector_load %arg6[%swap3A_778, %swap3A_779] {strides = array<i32>} : memref<128x128xf32, #tpu.memory_space<vmem>>, vector<1x16xf32>,
        %swap3A_781 = vector.shape_cast %swap3A_780 : vector<1x16xf32> to vector<16xf32>
        %swap3A_782 = vector.shape_cast %mul3A_777 : vector<16xf32> to vector<1x16xf32>
        tpu.vector_store %arg6[%swap3A_778, %swap3A_779], %swap3A_782 {strides = array<i32>} : memref<128x128xf32, #tpu.memory_space<vmem>>, vector<1x16xf32>,
        %get3A_783 = arith.index_cast %add3A_698 : i32 to index
        %get3A_784 = arith.constant 112 : index
        %get3A_785 = tpu.vector_load %arg6[%get3A_783, %get3A_784] {strides = array<i32>} : memref<128x128xf32, #tpu.memory_space<vmem>>, vector<1x16xf32>,
        %get3A_786 = vector.shape_cast %get3A_785 : vector<1x16xf32> to vector<16xf32>
        %mul3A_787 = arith.constant 11.3137083 : f32
        %mul3A_788 = vector.broadcast %mul3A_787 : f32 to vector<16xf32>
        %mul3A_789 = arith.mulf %get3A_786, %mul3A_788 : vector<16xf32>
        %swap3A_790 = arith.index_cast %add3A_698 : i32 to index
        %swap3A_791 = arith.constant 112 : index
        %swap3A_792 = tpu.vector_load %arg6[%swap3A_790, %swap3A_791] {strides = array<i32>} : memref<128x128xf32, #tpu.memory_space<vmem>>, vector<1x16xf32>,
        %swap3A_793 = vector.shape_cast %swap3A_792 : vector<1x16xf32> to vector<16xf32>
        %swap3A_794 = vector.shape_cast %mul3A_789 : vector<16xf32> to vector<1x16xf32>
        tpu.vector_store %arg6[%swap3A_790, %swap3A_791], %swap3A_794 {strides = array<i32>} : memref<128x128xf32, #tpu.memory_space<vmem>>, vector<1x16xf32>,
      }
      %scan3A_346 = arith.constant 32 : i32
      %add3A_347 = arith.addi %mul3A_2, %add3A_317 : i32
      %mul3A_348 = arith.constant 128 : i32
      %mul3A_349 = arith.muli %add3A_347, %mul3A_348 : i32
      %dma_start3A_350 = arith.constant 0 : i32
      %dma_start3A_351 = tpu.memref_slice %arg4[%mul3A_349, %dma_start3A_350] : memref<204800x128xf32, #tpu.memory_space<hbm>> -> memref<128x128xf32, #tpu.memory_space<hbm>>
      %dma_start3A_352 = arith.constant 0 : i32
      %dma_start3A_353 = tpu.memref_slice %arg4[%mul3A_349, %dma_start3A_352] : memref<204800x128xf32, #tpu.memory_space<hbm>> -> memref<128x128xf32, #tpu.memory_space<hbm>>
      tpu.enqueue_dma source(%arg6 : memref<128x128xf32, #tpu.memory_space<vmem>>) target(%dma_start3A_353 : memref<128x128xf32, #tpu.memory_space<hbm>>) target_semaphore(%arg16 : memref<!tpu.dma_semaphore, #tpu.memory_space<semaphore_mem>>)
      %mul3A_354 = arith.constant 5 : i32
      %mul3A_355 = arith.muli %scan3A_186, %mul3A_354 : i32
      %add3A_356 = arith.constant 2 : i32
      %add3A_357 = arith.addi %add3A_356, %mul3A_355 : i32
      %add3A_358 = arith.constant 4 : i32
      %add3A_359 = arith.addi %add3A_357, %add3A_358 : i32
      %sub3A_360 = arith.constant 2 : i32
      %sub3A_361 = arith.subi %add3A_359, %sub3A_360 : i32
      %add3A_362 = arith.addi %mul3A_2, %sub3A_361 : i32
      %mul3A_363 = arith.constant 128 : i32
      %mul3A_364 = arith.muli %add3A_362, %mul3A_363 : i32
      %dma_wait3A_365 = arith.constant 0 : i32
      %dma_wait3A_366 = tpu.memref_slice %arg4[%mul3A_364, %dma_wait3A_365] : memref<204800x128xf32, #tpu.memory_space<hbm>> -> memref<128x128xf32, #tpu.memory_space<hbm>>
      %dma_wait3A_367 = arith.constant 0 : i32
      %dma_wait3A_368 = tpu.memref_slice %arg4[%mul3A_364, %dma_wait3A_367] : memref<204800x128xf32, #tpu.memory_space<hbm>> -> memref<128x128xf32, #tpu.memory_space<hbm>>
      tpu.wait_dma2 semaphore(%arg20 : memref<!tpu.dma_semaphore, #tpu.memory_space<semaphore_mem>>) src(%arg10 : memref<128x128xf32, #tpu.memory_space<vmem>>) dst(%dma_wait3A_368 : memref<128x128xf32, #tpu.memory_space<hbm>>)
      %add3A_369 = arith.constant 3 : i32
      %add3A_370 = arith.addi %add3A_359, %add3A_369 : i32
      %dma_start3A_371 = arith.constant 0 : i32
      %dma_start3A_372 = tpu.memref_slice %arg5[%add3A_370, %dma_start3A_371] : memref<50x128xi32, #tpu.memory_space<vmem>> -> memref<1x128xi32, #tpu.memory_space<vmem>>
      %dma_start3A_373 = tpu.memref_squeeze %dma_start3A_372 : memref<1x128xi32, #tpu.memory_space<vmem>> -> memref<128xi32, #tpu.memory_space<vmem>>
      %dma_start3A_374 = arith.constant 0 : i32
      %dma_start3A_375 = arith.constant 0 : i32
      %dma_start3A_376 = tpu.memref_slice %arg3[%dma_start3A_374, %dma_start3A_375] : memref<100000x128xf32, #tpu.memory_space<hbm>> -> memref<100000x128xf32, #tpu.memory_space<hbm>>
      tpu.enqueue_indirect_dma source(%dma_start3A_376 : memref<100000x128xf32, #tpu.memory_space<hbm>>) target(%arg10 : memref<128x128xf32, #tpu.memory_space<vmem>>) offsets(%dma_start3A_373 : memref<128xi32, #tpu.memory_space<vmem>>) semaphore(%arg15 : memref<!tpu.dma_semaphore, #tpu.memory_space<semaphore_mem>>)
      %dma_wait3A_377 = arith.constant 0 : i32
      %dma_wait3A_378 = tpu.memref_slice %arg5[%add3A_359, %dma_wait3A_377] : memref<50x128xi32, #tpu.memory_space<vmem>> -> memref<1x128xi32, #tpu.memory_space<vmem>>
      %dma_wait3A_379 = tpu.memref_squeeze %dma_wait3A_378 : memref<1x128xi32, #tpu.memory_space<vmem>> -> memref<128xi32, #tpu.memory_space<vmem>>
      %dma_wait3A_380 = arith.constant 0 : i32
      %dma_wait3A_381 = arith.constant 0 : i32
      %dma_wait3A_382 = tpu.memref_slice %arg3[%dma_wait3A_380, %dma_wait3A_381] : memref<100000x128xf32, #tpu.memory_space<hbm>> -> memref<100000x128xf32, #tpu.memory_space<hbm>>
      tpu.wait_indirect_dma semaphore(%arg12 : memref<!tpu.dma_semaphore, #tpu.memory_space<semaphore_mem>>) src(%dma_wait3A_382 : memref<100000x128xf32, #tpu.memory_space<hbm>>) dst(%arg7 : memref<128x128xf32, #tpu.memory_space<vmem>>)
      %scan3A_383 = arith.constant 0 : i32
      %scan3A_384 = arith.constant 0 : i32
      %scan3A_385 = arith.constant 32 : i32
      %scan3A_386 = arith.addi %scan3A_384, %scan3A_385 : i32
      %scan3A_387 = arith.constant 1 : i32
      scf.for %scan3A_396 = %scan3A_384 to %scan3A_386 step %scan3A_387  : i32 {
        %mul3A_397 = arith.constant 4 : i32
        %mul3A_398 = arith.muli %scan3A_396, %mul3A_397 : i32
        %add3A_399 = arith.constant 0 : i32
        %add3A_400 = arith.addi %mul3A_398, %add3A_399 : i32
        %get3A = arith.index_cast %add3A_400 : i32 to index
        %get3A_401 = arith.constant 0 : index
        %get3A_402 = tpu.vector_load %arg7[%get3A, %get3A_401] {strides = array<i32>} : memref<128x128xf32, #tpu.memory_space<vmem>>, vector<1x16xf32>,
        %get3A_403 = vector.shape_cast %get3A_402 : vector<1x16xf32> to vector<16xf32>
        %mul3A_404 = arith.constant 11.3137083 : f32
        %mul3A_405 = vector.broadcast %mul3A_404 : f32 to vector<16xf32>
        %mul3A_406 = arith.mulf %get3A_403, %mul3A_405 : vector<16xf32>
        %swap3A = arith.index_cast %add3A_400 : i32 to index
        %swap3A_407 = arith.constant 0 : index
        %swap3A_408 = tpu.vector_load %arg7[%swap3A, %swap3A_407] {strides = array<i32>} : memref<128x128xf32, #tpu.memory_space<vmem>>, vector<1x16xf32>,
        %swap3A_409 = vector.shape_cast %swap3A_408 : vector<1x16xf32> to vector<16xf32>
        %swap3A_410 = vector.shape_cast %mul3A_406 : vector<16xf32> to vector<1x16xf32>
        tpu.vector_store %arg7[%swap3A, %swap3A_407], %swap3A_410 {strides = array<i32>} : memref<128x128xf32, #tpu.memory_space<vmem>>, vector<1x16xf32>,
        %get3A_411 = arith.index_cast %add3A_400 : i32 to index
        %get3A_412 = arith.constant 16 : index
        %get3A_413 = tpu.vector_load %arg7[%get3A_411, %get3A_412] {strides = array<i32>} : memref<128x128xf32, #tpu.memory_space<vmem>>, vector<1x16xf32>,
        %get3A_414 = vector.shape_cast %get3A_413 : vector<1x16xf32> to vector<16xf32>
        %mul3A_415 = arith.constant 11.3137083 : f32
        %mul3A_416 = vector.broadcast %mul3A_415 : f32 to vector<16xf32>
        %mul3A_417 = arith.mulf %get3A_414, %mul3A_416 : vector<16xf32>
        %swap3A_418 = arith.index_cast %add3A_400 : i32 to index
        %swap3A_419 = arith.constant 16 : index
        %swap3A_420 = tpu.vector_load %arg7[%swap3A_418, %swap3A_419] {strides = array<i32>} : memref<128x128xf32, #tpu.memory_space<vmem>>, vector<1x16xf32>,
        %swap3A_421 = vector.shape_cast %swap3A_420 : vector<1x16xf32> to vector<16xf32>
        %swap3A_422 = vector.shape_cast %mul3A_417 : vector<16xf32> to vector<1x16xf32>
        tpu.vector_store %arg7[%swap3A_418, %swap3A_419], %swap3A_422 {strides = array<i32>} : memref<128x128xf32, #tpu.memory_space<vmem>>, vector<1x16xf32>,
        %get3A_423 = arith.index_cast %add3A_400 : i32 to index
        %get3A_424 = arith.constant 32 : index
        %get3A_425 = tpu.vector_load %arg7[%get3A_423, %get3A_424] {strides = array<i32>} : memref<128x128xf32, #tpu.memory_space<vmem>>, vector<1x16xf32>,
        %get3A_426 = vector.shape_cast %get3A_425 : vector<1x16xf32> to vector<16xf32>
        %mul3A_427 = arith.constant 11.3137083 : f32
        %mul3A_428 = vector.broadcast %mul3A_427 : f32 to vector<16xf32>
        %mul3A_429 = arith.mulf %get3A_426, %mul3A_428 : vector<16xf32>
        %swap3A_430 = arith.index_cast %add3A_400 : i32 to index
        %swap3A_431 = arith.constant 32 : index
        %swap3A_432 = tpu.vector_load %arg7[%swap3A_430, %swap3A_431] {strides = array<i32>} : memref<128x128xf32, #tpu.memory_space<vmem>>, vector<1x16xf32>,
        %swap3A_433 = vector.shape_cast %swap3A_432 : vector<1x16xf32> to vector<16xf32>
        %swap3A_434 = vector.shape_cast %mul3A_429 : vector<16xf32> to vector<1x16xf32>
        tpu.vector_store %arg7[%swap3A_430, %swap3A_431], %swap3A_434 {strides = array<i32>} : memref<128x128xf32, #tpu.memory_space<vmem>>, vector<1x16xf32>,
        %get3A_435 = arith.index_cast %add3A_400 : i32 to index
        %get3A_436 = arith.constant 48 : index
        %get3A_437 = tpu.vector_load %arg7[%get3A_435, %get3A_436] {strides = array<i32>} : memref<128x128xf32, #tpu.memory_space<vmem>>, vector<1x16xf32>,
        %get3A_438 = vector.shape_cast %get3A_437 : vector<1x16xf32> to vector<16xf32>
        %mul3A_439 = arith.constant 11.3137083 : f32
        %mul3A_440 = vector.broadcast %mul3A_439 : f32 to vector<16xf32>
        %mul3A_441 = arith.mulf %get3A_438, %mul3A_440 : vector<16xf32>
        %swap3A_442 = arith.index_cast %add3A_400 : i32 to index
        %swap3A_443 = arith.constant 48 : index
        %swap3A_444 = tpu.vector_load %arg7[%swap3A_442, %swap3A_443] {strides = array<i32>} : memref<128x128xf32, #tpu.memory_space<vmem>>, vector<1x16xf32>,
        %swap3A_445 = vector.shape_cast %swap3A_444 : vector<1x16xf32> to vector<16xf32>
        %swap3A_446 = vector.shape_cast %mul3A_441 : vector<16xf32> to vector<1x16xf32>
        tpu.vector_store %arg7[%swap3A_442, %swap3A_443], %swap3A_446 {strides = array<i32>} : memref<128x128xf32, #tpu.memory_space<vmem>>, vector<1x16xf32>,
        %get3A_447 = arith.index_cast %add3A_400 : i32 to index
        %get3A_448 = arith.constant 64 : index
        %get3A_449 = tpu.vector_load %arg7[%get3A_447, %get3A_448] {strides = array<i32>} : memref<128x128xf32, #tpu.memory_space<vmem>>, vector<1x16xf32>,
        %get3A_450 = vector.shape_cast %get3A_449 : vector<1x16xf32> to vector<16xf32>
        %mul3A_451 = arith.constant 11.3137083 : f32
        %mul3A_452 = vector.broadcast %mul3A_451 : f32 to vector<16xf32>
        %mul3A_453 = arith.mulf %get3A_450, %mul3A_452 : vector<16xf32>
        %swap3A_454 = arith.index_cast %add3A_400 : i32 to index
        %swap3A_455 = arith.constant 64 : index
        %swap3A_456 = tpu.vector_load %arg7[%swap3A_454, %swap3A_455] {strides = array<i32>} : memref<128x128xf32, #tpu.memory_space<vmem>>, vector<1x16xf32>,
        %swap3A_457 = vector.shape_cast %swap3A_456 : vector<1x16xf32> to vector<16xf32>
        %swap3A_458 = vector.shape_cast %mul3A_453 : vector<16xf32> to vector<1x16xf32>
        tpu.vector_store %arg7[%swap3A_454, %swap3A_455], %swap3A_458 {strides = array<i32>} : memref<128x128xf32, #tpu.memory_space<vmem>>, vector<1x16xf32>,
        %get3A_459 = arith.index_cast %add3A_400 : i32 to index
        %get3A_460 = arith.constant 80 : index
        %get3A_461 = tpu.vector_load %arg7[%get3A_459, %get3A_460] {strides = array<i32>} : memref<128x128xf32, #tpu.memory_space<vmem>>, vector<1x16xf32>,
        %get3A_462 = vector.shape_cast %get3A_461 : vector<1x16xf32> to vector<16xf32>
        %mul3A_463 = arith.constant 11.3137083 : f32
        %mul3A_464 = vector.broadcast %mul3A_463 : f32 to vector<16xf32>
        %mul3A_465 = arith.mulf %get3A_462, %mul3A_464 : vector<16xf32>
        %swap3A_466 = arith.index_cast %add3A_400 : i32 to index
        %swap3A_467 = arith.constant 80 : index
        %swap3A_468 = tpu.vector_load %arg7[%swap3A_466, %swap3A_467] {strides = array<i32>} : memref<128x128xf32, #tpu.memory_space<vmem>>, vector<1x16xf32>,
        %swap3A_469 = vector.shape_cast %swap3A_468 : vector<1x16xf32> to vector<16xf32>
        %swap3A_470 = vector.shape_cast %mul3A_465 : vector<16xf32> to vector<1x16xf32>
        tpu.vector_store %arg7[%swap3A_466, %swap3A_467], %swap3A_470 {strides = array<i32>} : memref<128x128xf32, #tpu.memory_space<vmem>>, vector<1x16xf32>,
        %get3A_471 = arith.index_cast %add3A_400 : i32 to index
        %get3A_472 = arith.constant 96 : index
        %get3A_473 = tpu.vector_load %arg7[%get3A_471, %get3A_472] {strides = array<i32>} : memref<128x128xf32, #tpu.memory_space<vmem>>, vector<1x16xf32>,
        %get3A_474 = vector.shape_cast %get3A_473 : vector<1x16xf32> to vector<16xf32>
        %mul3A_475 = arith.constant 11.3137083 : f32
        %mul3A_476 = vector.broadcast %mul3A_475 : f32 to vector<16xf32>
        %mul3A_477 = arith.mulf %get3A_474, %mul3A_476 : vector<16xf32>
        %swap3A_478 = arith.index_cast %add3A_400 : i32 to index
        %swap3A_479 = arith.constant 96 : index
        %swap3A_480 = tpu.vector_load %arg7[%swap3A_478, %swap3A_479] {strides = array<i32>} : memref<128x128xf32, #tpu.memory_space<vmem>>, vector<1x16xf32>,
        %swap3A_481 = vector.shape_cast %swap3A_480 : vector<1x16xf32> to vector<16xf32>
        %swap3A_482 = vector.shape_cast %mul3A_477 : vector<16xf32> to vector<1x16xf32>
        tpu.vector_store %arg7[%swap3A_478, %swap3A_479], %swap3A_482 {strides = array<i32>} : memref<128x128xf32, #tpu.memory_space<vmem>>, vector<1x16xf32>,
        %get3A_483 = arith.index_cast %add3A_400 : i32 to index
        %get3A_484 = arith.constant 112 : index
        %get3A_485 = tpu.vector_load %arg7[%get3A_483, %get3A_484] {strides = array<i32>} : memref<128x128xf32, #tpu.memory_space<vmem>>, vector<1x16xf32>,
        %get3A_486 = vector.shape_cast %get3A_485 : vector<1x16xf32> to vector<16xf32>
        %mul3A_487 = arith.constant 11.3137083 : f32
        %mul3A_488 = vector.broadcast %mul3A_487 : f32 to vector<16xf32>
        %mul3A_489 = arith.mulf %get3A_486, %mul3A_488 : vector<16xf32>
        %swap3A_490 = arith.index_cast %add3A_400 : i32 to index
        %swap3A_491 = arith.constant 112 : index
        %swap3A_492 = tpu.vector_load %arg7[%swap3A_490, %swap3A_491] {strides = array<i32>} : memref<128x128xf32, #tpu.memory_space<vmem>>, vector<1x16xf32>,
        %swap3A_493 = vector.shape_cast %swap3A_492 : vector<1x16xf32> to vector<16xf32>
        %swap3A_494 = vector.shape_cast %mul3A_489 : vector<16xf32> to vector<1x16xf32>
        tpu.vector_store %arg7[%swap3A_490, %swap3A_491], %swap3A_494 {strides = array<i32>} : memref<128x128xf32, #tpu.memory_space<vmem>>, vector<1x16xf32>,
        %mul3A_495 = arith.constant 4 : i32
        %mul3A_496 = arith.muli %scan3A_396, %mul3A_495 : i32
        %add3A_497 = arith.constant 1 : i32
        %add3A_498 = arith.addi %mul3A_496, %add3A_497 : i32
        %get3A_499 = arith.index_cast %add3A_498 : i32 to index
        %get3A_500 = arith.constant 0 : index
        %get3A_501 = tpu.vector_load %arg7[%get3A_499, %get3A_500] {strides = array<i32>} : memref<128x128xf32, #tpu.memory_space<vmem>>, vector<1x16xf32>,
        %get3A_502 = vector.shape_cast %get3A_501 : vector<1x16xf32> to vector<16xf32>
        %mul3A_503 = arith.constant 11.3137083 : f32
        %mul3A_504 = vector.broadcast %mul3A_503 : f32 to vector<16xf32>
        %mul3A_505 = arith.mulf %get3A_502, %mul3A_504 : vector<16xf32>
        %swap3A_506 = arith.index_cast %add3A_498 : i32 to index
        %swap3A_507 = arith.constant 0 : index
        %swap3A_508 = tpu.vector_load %arg7[%swap3A_506, %swap3A_507] {strides = array<i32>} : memref<128x128xf32, #tpu.memory_space<vmem>>, vector<1x16xf32>,
        %swap3A_509 = vector.shape_cast %swap3A_508 : vector<1x16xf32> to vector<16xf32>
        %swap3A_510 = vector.shape_cast %mul3A_505 : vector<16xf32> to vector<1x16xf32>
        tpu.vector_store %arg7[%swap3A_506, %swap3A_507], %swap3A_510 {strides = array<i32>} : memref<128x128xf32, #tpu.memory_space<vmem>>, vector<1x16xf32>,
        %get3A_511 = arith.index_cast %add3A_498 : i32 to index
        %get3A_512 = arith.constant 16 : index
        %get3A_513 = tpu.vector_load %arg7[%get3A_511, %get3A_512] {strides = array<i32>} : memref<128x128xf32, #tpu.memory_space<vmem>>, vector<1x16xf32>,
        %get3A_514 = vector.shape_cast %get3A_513 : vector<1x16xf32> to vector<16xf32>
        %mul3A_515 = arith.constant 11.3137083 : f32
        %mul3A_516 = vector.broadcast %mul3A_515 : f32 to vector<16xf32>
        %mul3A_517 = arith.mulf %get3A_514, %mul3A_516 : vector<16xf32>
        %swap3A_518 = arith.index_cast %add3A_498 : i32 to index
        %swap3A_519 = arith.constant 16 : index
        %swap3A_520 = tpu.vector_load %arg7[%swap3A_518, %swap3A_519] {strides = array<i32>} : memref<128x128xf32, #tpu.memory_space<vmem>>, vector<1x16xf32>,
        %swap3A_521 = vector.shape_cast %swap3A_520 : vector<1x16xf32> to vector<16xf32>
        %swap3A_522 = vector.shape_cast %mul3A_517 : vector<16xf32> to vector<1x16xf32>
        tpu.vector_store %arg7[%swap3A_518, %swap3A_519], %swap3A_522 {strides = array<i32>} : memref<128x128xf32, #tpu.memory_space<vmem>>, vector<1x16xf32>,
        %get3A_523 = arith.index_cast %add3A_498 : i32 to index
        %get3A_524 = arith.constant 32 : index
        %get3A_525 = tpu.vector_load %arg7[%get3A_523, %get3A_524] {strides = array<i32>} : memref<128x128xf32, #tpu.memory_space<vmem>>, vector<1x16xf32>,
        %get3A_526 = vector.shape_cast %get3A_525 : vector<1x16xf32> to vector<16xf32>
        %mul3A_527 = arith.constant 11.3137083 : f32
        %mul3A_528 = vector.broadcast %mul3A_527 : f32 to vector<16xf32>
        %mul3A_529 = arith.mulf %get3A_526, %mul3A_528 : vector<16xf32>
        %swap3A_530 = arith.index_cast %add3A_498 : i32 to index
        %swap3A_531 = arith.constant 32 : index
        %swap3A_532 = tpu.vector_load %arg7[%swap3A_530, %swap3A_531] {strides = array<i32>} : memref<128x128xf32, #tpu.memory_space<vmem>>, vector<1x16xf32>,
        %swap3A_533 = vector.shape_cast %swap3A_532 : vector<1x16xf32> to vector<16xf32>
        %swap3A_534 = vector.shape_cast %mul3A_529 : vector<16xf32> to vector<1x16xf32>
        tpu.vector_store %arg7[%swap3A_530, %swap3A_531], %swap3A_534 {strides = array<i32>} : memref<128x128xf32, #tpu.memory_space<vmem>>, vector<1x16xf32>,
        %get3A_535 = arith.index_cast %add3A_498 : i32 to index
        %get3A_536 = arith.constant 48 : index
        %get3A_537 = tpu.vector_load %arg7[%get3A_535, %get3A_536] {strides = array<i32>} : memref<128x128xf32, #tpu.memory_space<vmem>>, vector<1x16xf32>,
        %get3A_538 = vector.shape_cast %get3A_537 : vector<1x16xf32> to vector<16xf32>
        %mul3A_539 = arith.constant 11.3137083 : f32
        %mul3A_540 = vector.broadcast %mul3A_539 : f32 to vector<16xf32>
        %mul3A_541 = arith.mulf %get3A_538, %mul3A_540 : vector<16xf32>
        %swap3A_542 = arith.index_cast %add3A_498 : i32 to index
        %swap3A_543 = arith.constant 48 : index
        %swap3A_544 = tpu.vector_load %arg7[%swap3A_542, %swap3A_543] {strides = array<i32>} : memref<128x128xf32, #tpu.memory_space<vmem>>, vector<1x16xf32>,
        %swap3A_545 = vector.shape_cast %swap3A_544 : vector<1x16xf32> to vector<16xf32>
        %swap3A_546 = vector.shape_cast %mul3A_541 : vector<16xf32> to vector<1x16xf32>
        tpu.vector_store %arg7[%swap3A_542, %swap3A_543], %swap3A_546 {strides = array<i32>} : memref<128x128xf32, #tpu.memory_space<vmem>>, vector<1x16xf32>,
        %get3A_547 = arith.index_cast %add3A_498 : i32 to index
        %get3A_548 = arith.constant 64 : index
        %get3A_549 = tpu.vector_load %arg7[%get3A_547, %get3A_548] {strides = array<i32>} : memref<128x128xf32, #tpu.memory_space<vmem>>, vector<1x16xf32>,
        %get3A_550 = vector.shape_cast %get3A_549 : vector<1x16xf32> to vector<16xf32>
        %mul3A_551 = arith.constant 11.3137083 : f32
        %mul3A_552 = vector.broadcast %mul3A_551 : f32 to vector<16xf32>
        %mul3A_553 = arith.mulf %get3A_550, %mul3A_552 : vector<16xf32>
        %swap3A_554 = arith.index_cast %add3A_498 : i32 to index
        %swap3A_555 = arith.constant 64 : index
        %swap3A_556 = tpu.vector_load %arg7[%swap3A_554, %swap3A_555] {strides = array<i32>} : memref<128x128xf32, #tpu.memory_space<vmem>>, vector<1x16xf32>,
        %swap3A_557 = vector.shape_cast %swap3A_556 : vector<1x16xf32> to vector<16xf32>
        %swap3A_558 = vector.shape_cast %mul3A_553 : vector<16xf32> to vector<1x16xf32>
        tpu.vector_store %arg7[%swap3A_554, %swap3A_555], %swap3A_558 {strides = array<i32>} : memref<128x128xf32, #tpu.memory_space<vmem>>, vector<1x16xf32>,
        %get3A_559 = arith.index_cast %add3A_498 : i32 to index
        %get3A_560 = arith.constant 80 : index
        %get3A_561 = tpu.vector_load %arg7[%get3A_559, %get3A_560] {strides = array<i32>} : memref<128x128xf32, #tpu.memory_space<vmem>>, vector<1x16xf32>,
        %get3A_562 = vector.shape_cast %get3A_561 : vector<1x16xf32> to vector<16xf32>
        %mul3A_563 = arith.constant 11.3137083 : f32
        %mul3A_564 = vector.broadcast %mul3A_563 : f32 to vector<16xf32>
        %mul3A_565 = arith.mulf %get3A_562, %mul3A_564 : vector<16xf32>
        %swap3A_566 = arith.index_cast %add3A_498 : i32 to index
        %swap3A_567 = arith.constant 80 : index
        %swap3A_568 = tpu.vector_load %arg7[%swap3A_566, %swap3A_567] {strides = array<i32>} : memref<128x128xf32, #tpu.memory_space<vmem>>, vector<1x16xf32>,
        %swap3A_569 = vector.shape_cast %swap3A_568 : vector<1x16xf32> to vector<16xf32>
        %swap3A_570 = vector.shape_cast %mul3A_565 : vector<16xf32> to vector<1x16xf32>
        tpu.vector_store %arg7[%swap3A_566, %swap3A_567], %swap3A_570 {strides = array<i32>} : memref<128x128xf32, #tpu.memory_space<vmem>>, vector<1x16xf32>,
        %get3A_571 = arith.index_cast %add3A_498 : i32 to index
        %get3A_572 = arith.constant 96 : index
        %get3A_573 = tpu.vector_load %arg7[%get3A_571, %get3A_572] {strides = array<i32>} : memref<128x128xf32, #tpu.memory_space<vmem>>, vector<1x16xf32>,
        %get3A_574 = vector.shape_cast %get3A_573 : vector<1x16xf32> to vector<16xf32>
        %mul3A_575 = arith.constant 11.3137083 : f32
        %mul3A_576 = vector.broadcast %mul3A_575 : f32 to vector<16xf32>
        %mul3A_577 = arith.mulf %get3A_574, %mul3A_576 : vector<16xf32>
        %swap3A_578 = arith.index_cast %add3A_498 : i32 to index
        %swap3A_579 = arith.constant 96 : index
        %swap3A_580 = tpu.vector_load %arg7[%swap3A_578, %swap3A_579] {strides = array<i32>} : memref<128x128xf32, #tpu.memory_space<vmem>>, vector<1x16xf32>,
        %swap3A_581 = vector.shape_cast %swap3A_580 : vector<1x16xf32> to vector<16xf32>
        %swap3A_582 = vector.shape_cast %mul3A_577 : vector<16xf32> to vector<1x16xf32>
        tpu.vector_store %arg7[%swap3A_578, %swap3A_579], %swap3A_582 {strides = array<i32>} : memref<128x128xf32, #tpu.memory_space<vmem>>, vector<1x16xf32>,
        %get3A_583 = arith.index_cast %add3A_498 : i32 to index
        %get3A_584 = arith.constant 112 : index
        %get3A_585 = tpu.vector_load %arg7[%get3A_583, %get3A_584] {strides = array<i32>} : memref<128x128xf32, #tpu.memory_space<vmem>>, vector<1x16xf32>,
        %get3A_586 = vector.shape_cast %get3A_585 : vector<1x16xf32> to vector<16xf32>
        %mul3A_587 = arith.constant 11.3137083 : f32
        %mul3A_588 = vector.broadcast %mul3A_587 : f32 to vector<16xf32>
        %mul3A_589 = arith.mulf %get3A_586, %mul3A_588 : vector<16xf32>
        %swap3A_590 = arith.index_cast %add3A_498 : i32 to index
        %swap3A_591 = arith.constant 112 : index
        %swap3A_592 = tpu.vector_load %arg7[%swap3A_590, %swap3A_591] {strides = array<i32>} : memref<128x128xf32, #tpu.memory_space<vmem>>, vector<1x16xf32>,
        %swap3A_593 = vector.shape_cast %swap3A_592 : vector<1x16xf32> to vector<16xf32>
        %swap3A_594 = vector.shape_cast %mul3A_589 : vector<16xf32> to vector<1x16xf32>
        tpu.vector_store %arg7[%swap3A_590, %swap3A_591], %swap3A_594 {strides = array<i32>} : memref<128x128xf32, #tpu.memory_space<vmem>>, vector<1x16xf32>,
        %mul3A_595 = arith.constant 4 : i32
        %mul3A_596 = arith.muli %scan3A_396, %mul3A_595 : i32
        %add3A_597 = arith.constant 2 : i32
        %add3A_598 = arith.addi %mul3A_596, %add3A_597 : i32
        %get3A_599 = arith.index_cast %add3A_598 : i32 to index
        %get3A_600 = arith.constant 0 : index
        %get3A_601 = tpu.vector_load %arg7[%get3A_599, %get3A_600] {strides = array<i32>} : memref<128x128xf32, #tpu.memory_space<vmem>>, vector<1x16xf32>,
        %get3A_602 = vector.shape_cast %get3A_601 : vector<1x16xf32> to vector<16xf32>
        %mul3A_603 = arith.constant 11.3137083 : f32
        %mul3A_604 = vector.broadcast %mul3A_603 : f32 to vector<16xf32>
        %mul3A_605 = arith.mulf %get3A_602, %mul3A_604 : vector<16xf32>
        %swap3A_606 = arith.index_cast %add3A_598 : i32 to index
        %swap3A_607 = arith.constant 0 : index
        %swap3A_608 = tpu.vector_load %arg7[%swap3A_606, %swap3A_607] {strides = array<i32>} : memref<128x128xf32, #tpu.memory_space<vmem>>, vector<1x16xf32>,
        %swap3A_609 = vector.shape_cast %swap3A_608 : vector<1x16xf32> to vector<16xf32>
        %swap3A_610 = vector.shape_cast %mul3A_605 : vector<16xf32> to vector<1x16xf32>
        tpu.vector_store %arg7[%swap3A_606, %swap3A_607], %swap3A_610 {strides = array<i32>} : memref<128x128xf32, #tpu.memory_space<vmem>>, vector<1x16xf32>,
        %get3A_611 = arith.index_cast %add3A_598 : i32 to index
        %get3A_612 = arith.constant 16 : index
        %get3A_613 = tpu.vector_load %arg7[%get3A_611, %get3A_612] {strides = array<i32>} : memref<128x128xf32, #tpu.memory_space<vmem>>, vector<1x16xf32>,
        %get3A_614 = vector.shape_cast %get3A_613 : vector<1x16xf32> to vector<16xf32>
        %mul3A_615 = arith.constant 11.3137083 : f32
        %mul3A_616 = vector.broadcast %mul3A_615 : f32 to vector<16xf32>
        %mul3A_617 = arith.mulf %get3A_614, %mul3A_616 : vector<16xf32>
        %swap3A_618 = arith.index_cast %add3A_598 : i32 to index
        %swap3A_619 = arith.constant 16 : index
        %swap3A_620 = tpu.vector_load %arg7[%swap3A_618, %swap3A_619] {strides = array<i32>} : memref<128x128xf32, #tpu.memory_space<vmem>>, vector<1x16xf32>,
        %swap3A_621 = vector.shape_cast %swap3A_620 : vector<1x16xf32> to vector<16xf32>
        %swap3A_622 = vector.shape_cast %mul3A_617 : vector<16xf32> to vector<1x16xf32>
        tpu.vector_store %arg7[%swap3A_618, %swap3A_619], %swap3A_622 {strides = array<i32>} : memref<128x128xf32, #tpu.memory_space<vmem>>, vector<1x16xf32>,
        %get3A_623 = arith.index_cast %add3A_598 : i32 to index
        %get3A_624 = arith.constant 32 : index
        %get3A_625 = tpu.vector_load %arg7[%get3A_623, %get3A_624] {strides = array<i32>} : memref<128x128xf32, #tpu.memory_space<vmem>>, vector<1x16xf32>,
        %get3A_626 = vector.shape_cast %get3A_625 : vector<1x16xf32> to vector<16xf32>
        %mul3A_627 = arith.constant 11.3137083 : f32
        %mul3A_628 = vector.broadcast %mul3A_627 : f32 to vector<16xf32>
        %mul3A_629 = arith.mulf %get3A_626, %mul3A_628 : vector<16xf32>
        %swap3A_630 = arith.index_cast %add3A_598 : i32 to index
        %swap3A_631 = arith.constant 32 : index
        %swap3A_632 = tpu.vector_load %arg7[%swap3A_630, %swap3A_631] {strides = array<i32>} : memref<128x128xf32, #tpu.memory_space<vmem>>, vector<1x16xf32>,
        %swap3A_633 = vector.shape_cast %swap3A_632 : vector<1x16xf32> to vector<16xf32>
        %swap3A_634 = vector.shape_cast %mul3A_629 : vector<16xf32> to vector<1x16xf32>
        tpu.vector_store %arg7[%swap3A_630, %swap3A_631], %swap3A_634 {strides = array<i32>} : memref<128x128xf32, #tpu.memory_space<vmem>>, vector<1x16xf32>,
        %get3A_635 = arith.index_cast %add3A_598 : i32 to index
        %get3A_636 = arith.constant 48 : index
        %get3A_637 = tpu.vector_load %arg7[%get3A_635, %get3A_636] {strides = array<i32>} : memref<128x128xf32, #tpu.memory_space<vmem>>, vector<1x16xf32>,
        %get3A_638 = vector.shape_cast %get3A_637 : vector<1x16xf32> to vector<16xf32>
        %mul3A_639 = arith.constant 11.3137083 : f32
        %mul3A_640 = vector.broadcast %mul3A_639 : f32 to vector<16xf32>
        %mul3A_641 = arith.mulf %get3A_638, %mul3A_640 : vector<16xf32>
        %swap3A_642 = arith.index_cast %add3A_598 : i32 to index
        %swap3A_643 = arith.constant 48 : index
        %swap3A_644 = tpu.vector_load %arg7[%swap3A_642, %swap3A_643] {strides = array<i32>} : memref<128x128xf32, #tpu.memory_space<vmem>>, vector<1x16xf32>,
        %swap3A_645 = vector.shape_cast %swap3A_644 : vector<1x16xf32> to vector<16xf32>
        %swap3A_646 = vector.shape_cast %mul3A_641 : vector<16xf32> to vector<1x16xf32>
        tpu.vector_store %arg7[%swap3A_642, %swap3A_643], %swap3A_646 {strides = array<i32>} : memref<128x128xf32, #tpu.memory_space<vmem>>, vector<1x16xf32>,
        %get3A_647 = arith.index_cast %add3A_598 : i32 to index
        %get3A_648 = arith.constant 64 : index
        %get3A_649 = tpu.vector_load %arg7[%get3A_647, %get3A_648] {strides = array<i32>} : memref<128x128xf32, #tpu.memory_space<vmem>>, vector<1x16xf32>,
        %get3A_650 = vector.shape_cast %get3A_649 : vector<1x16xf32> to vector<16xf32>
        %mul3A_651 = arith.constant 11.3137083 : f32
        %mul3A_652 = vector.broadcast %mul3A_651 : f32 to vector<16xf32>
        %mul3A_653 = arith.mulf %get3A_650, %mul3A_652 : vector<16xf32>
        %swap3A_654 = arith.index_cast %add3A_598 : i32 to index
        %swap3A_655 = arith.constant 64 : index
        %swap3A_656 = tpu.vector_load %arg7[%swap3A_654, %swap3A_655] {strides = array<i32>} : memref<128x128xf32, #tpu.memory_space<vmem>>, vector<1x16xf32>,
        %swap3A_657 = vector.shape_cast %swap3A_656 : vector<1x16xf32> to vector<16xf32>
        %swap3A_658 = vector.shape_cast %mul3A_653 : vector<16xf32> to vector<1x16xf32>
        tpu.vector_store %arg7[%swap3A_654, %swap3A_655], %swap3A_658 {strides = array<i32>} : memref<128x128xf32, #tpu.memory_space<vmem>>, vector<1x16xf32>,
        %get3A_659 = arith.index_cast %add3A_598 : i32 to index
        %get3A_660 = arith.constant 80 : index
        %get3A_661 = tpu.vector_load %arg7[%get3A_659, %get3A_660] {strides = array<i32>} : memref<128x128xf32, #tpu.memory_space<vmem>>, vector<1x16xf32>,
        %get3A_662 = vector.shape_cast %get3A_661 : vector<1x16xf32> to vector<16xf32>
        %mul3A_663 = arith.constant 11.3137083 : f32
        %mul3A_664 = vector.broadcast %mul3A_663 : f32 to vector<16xf32>
        %mul3A_665 = arith.mulf %get3A_662, %mul3A_664 : vector<16xf32>
        %swap3A_666 = arith.index_cast %add3A_598 : i32 to index
        %swap3A_667 = arith.constant 80 : index
        %swap3A_668 = tpu.vector_load %arg7[%swap3A_666, %swap3A_667] {strides = array<i32>} : memref<128x128xf32, #tpu.memory_space<vmem>>, vector<1x16xf32>,
        %swap3A_669 = vector.shape_cast %swap3A_668 : vector<1x16xf32> to vector<16xf32>
        %swap3A_670 = vector.shape_cast %mul3A_665 : vector<16xf32> to vector<1x16xf32>
        tpu.vector_store %arg7[%swap3A_666, %swap3A_667], %swap3A_670 {strides = array<i32>} : memref<128x128xf32, #tpu.memory_space<vmem>>, vector<1x16xf32>,
        %get3A_671 = arith.index_cast %add3A_598 : i32 to index
        %get3A_672 = arith.constant 96 : index
        %get3A_673 = tpu.vector_load %arg7[%get3A_671, %get3A_672] {strides = array<i32>} : memref<128x128xf32, #tpu.memory_space<vmem>>, vector<1x16xf32>,
        %get3A_674 = vector.shape_cast %get3A_673 : vector<1x16xf32> to vector<16xf32>
        %mul3A_675 = arith.constant 11.3137083 : f32
        %mul3A_676 = vector.broadcast %mul3A_675 : f32 to vector<16xf32>
        %mul3A_677 = arith.mulf %get3A_674, %mul3A_676 : vector<16xf32>
        %swap3A_678 = arith.index_cast %add3A_598 : i32 to index
        %swap3A_679 = arith.constant 96 : index
        %swap3A_680 = tpu.vector_load %arg7[%swap3A_678, %swap3A_679] {strides = array<i32>} : memref<128x128xf32, #tpu.memory_space<vmem>>, vector<1x16xf32>,
        %swap3A_681 = vector.shape_cast %swap3A_680 : vector<1x16xf32> to vector<16xf32>
        %swap3A_682 = vector.shape_cast %mul3A_677 : vector<16xf32> to vector<1x16xf32>
        tpu.vector_store %arg7[%swap3A_678, %swap3A_679], %swap3A_682 {strides = array<i32>} : memref<128x128xf32, #tpu.memory_space<vmem>>, vector<1x16xf32>,
        %get3A_683 = arith.index_cast %add3A_598 : i32 to index
        %get3A_684 = arith.constant 112 : index
        %get3A_685 = tpu.vector_load %arg7[%get3A_683, %get3A_684] {strides = array<i32>} : memref<128x128xf32, #tpu.memory_space<vmem>>, vector<1x16xf32>,
        %get3A_686 = vector.shape_cast %get3A_685 : vector<1x16xf32> to vector<16xf32>
        %mul3A_687 = arith.constant 11.3137083 : f32
        %mul3A_688 = vector.broadcast %mul3A_687 : f32 to vector<16xf32>
        %mul3A_689 = arith.mulf %get3A_686, %mul3A_688 : vector<16xf32>
        %swap3A_690 = arith.index_cast %add3A_598 : i32 to index
        %swap3A_691 = arith.constant 112 : index
        %swap3A_692 = tpu.vector_load %arg7[%swap3A_690, %swap3A_691] {strides = array<i32>} : memref<128x128xf32, #tpu.memory_space<vmem>>, vector<1x16xf32>,
        %swap3A_693 = vector.shape_cast %swap3A_692 : vector<1x16xf32> to vector<16xf32>
        %swap3A_694 = vector.shape_cast %mul3A_689 : vector<16xf32> to vector<1x16xf32>
        tpu.vector_store %arg7[%swap3A_690, %swap3A_691], %swap3A_694 {strides = array<i32>} : memref<128x128xf32, #tpu.memory_space<vmem>>, vector<1x16xf32>,
        %mul3A_695 = arith.constant 4 : i32
        %mul3A_696 = arith.muli %scan3A_396, %mul3A_695 : i32
        %add3A_697 = arith.constant 3 : i32
        %add3A_698 = arith.addi %mul3A_696, %add3A_697 : i32
        %get3A_699 = arith.index_cast %add3A_698 : i32 to index
        %get3A_700 = arith.constant 0 : index
        %get3A_701 = tpu.vector_load %arg7[%get3A_699, %get3A_700] {strides = array<i32>} : memref<128x128xf32, #tpu.memory_space<vmem>>, vector<1x16xf32>,
        %get3A_702 = vector.shape_cast %get3A_701 : vector<1x16xf32> to vector<16xf32>
        %mul3A_703 = arith.constant 11.3137083 : f32
        %mul3A_704 = vector.broadcast %mul3A_703 : f32 to vector<16xf32>
        %mul3A_705 = arith.mulf %get3A_702, %mul3A_704 : vector<16xf32>
        %swap3A_706 = arith.index_cast %add3A_698 : i32 to index
        %swap3A_707 = arith.constant 0 : index
        %swap3A_708 = tpu.vector_load %arg7[%swap3A_706, %swap3A_707] {strides = array<i32>} : memref<128x128xf32, #tpu.memory_space<vmem>>, vector<1x16xf32>,
        %swap3A_709 = vector.shape_cast %swap3A_708 : vector<1x16xf32> to vector<16xf32>
        %swap3A_710 = vector.shape_cast %mul3A_705 : vector<16xf32> to vector<1x16xf32>
        tpu.vector_store %arg7[%swap3A_706, %swap3A_707], %swap3A_710 {strides = array<i32>} : memref<128x128xf32, #tpu.memory_space<vmem>>, vector<1x16xf32>,
        %get3A_711 = arith.index_cast %add3A_698 : i32 to index
        %get3A_712 = arith.constant 16 : index
        %get3A_713 = tpu.vector_load %arg7[%get3A_711, %get3A_712] {strides = array<i32>} : memref<128x128xf32, #tpu.memory_space<vmem>>, vector<1x16xf32>,
        %get3A_714 = vector.shape_cast %get3A_713 : vector<1x16xf32> to vector<16xf32>
        %mul3A_715 = arith.constant 11.3137083 : f32
        %mul3A_716 = vector.broadcast %mul3A_715 : f32 to vector<16xf32>
        %mul3A_717 = arith.mulf %get3A_714, %mul3A_716 : vector<16xf32>
        %swap3A_718 = arith.index_cast %add3A_698 : i32 to index
        %swap3A_719 = arith.constant 16 : index
        %swap3A_720 = tpu.vector_load %arg7[%swap3A_718, %swap3A_719] {strides = array<i32>} : memref<128x128xf32, #tpu.memory_space<vmem>>, vector<1x16xf32>,
        %swap3A_721 = vector.shape_cast %swap3A_720 : vector<1x16xf32> to vector<16xf32>
        %swap3A_722 = vector.shape_cast %mul3A_717 : vector<16xf32> to vector<1x16xf32>
        tpu.vector_store %arg7[%swap3A_718, %swap3A_719], %swap3A_722 {strides = array<i32>} : memref<128x128xf32, #tpu.memory_space<vmem>>, vector<1x16xf32>,
        %get3A_723 = arith.index_cast %add3A_698 : i32 to index
        %get3A_724 = arith.constant 32 : index
        %get3A_725 = tpu.vector_load %arg7[%get3A_723, %get3A_724] {strides = array<i32>} : memref<128x128xf32, #tpu.memory_space<vmem>>, vector<1x16xf32>,
        %get3A_726 = vector.shape_cast %get3A_725 : vector<1x16xf32> to vector<16xf32>
        %mul3A_727 = arith.constant 11.3137083 : f32
        %mul3A_728 = vector.broadcast %mul3A_727 : f32 to vector<16xf32>
        %mul3A_729 = arith.mulf %get3A_726, %mul3A_728 : vector<16xf32>
        %swap3A_730 = arith.index_cast %add3A_698 : i32 to index
        %swap3A_731 = arith.constant 32 : index
        %swap3A_732 = tpu.vector_load %arg7[%swap3A_730, %swap3A_731] {strides = array<i32>} : memref<128x128xf32, #tpu.memory_space<vmem>>, vector<1x16xf32>,
        %swap3A_733 = vector.shape_cast %swap3A_732 : vector<1x16xf32> to vector<16xf32>
        %swap3A_734 = vector.shape_cast %mul3A_729 : vector<16xf32> to vector<1x16xf32>
        tpu.vector_store %arg7[%swap3A_730, %swap3A_731], %swap3A_734 {strides = array<i32>} : memref<128x128xf32, #tpu.memory_space<vmem>>, vector<1x16xf32>,
        %get3A_735 = arith.index_cast %add3A_698 : i32 to index
        %get3A_736 = arith.constant 48 : index
        %get3A_737 = tpu.vector_load %arg7[%get3A_735, %get3A_736] {strides = array<i32>} : memref<128x128xf32, #tpu.memory_space<vmem>>, vector<1x16xf32>,
        %get3A_738 = vector.shape_cast %get3A_737 : vector<1x16xf32> to vector<16xf32>
        %mul3A_739 = arith.constant 11.3137083 : f32
        %mul3A_740 = vector.broadcast %mul3A_739 : f32 to vector<16xf32>
        %mul3A_741 = arith.mulf %get3A_738, %mul3A_740 : vector<16xf32>
        %swap3A_742 = arith.index_cast %add3A_698 : i32 to index
        %swap3A_743 = arith.constant 48 : index
        %swap3A_744 = tpu.vector_load %arg7[%swap3A_742, %swap3A_743] {strides = array<i32>} : memref<128x128xf32, #tpu.memory_space<vmem>>, vector<1x16xf32>,
        %swap3A_745 = vector.shape_cast %swap3A_744 : vector<1x16xf32> to vector<16xf32>
        %swap3A_746 = vector.shape_cast %mul3A_741 : vector<16xf32> to vector<1x16xf32>
        tpu.vector_store %arg7[%swap3A_742, %swap3A_743], %swap3A_746 {strides = array<i32>} : memref<128x128xf32, #tpu.memory_space<vmem>>, vector<1x16xf32>,
        %get3A_747 = arith.index_cast %add3A_698 : i32 to index
        %get3A_748 = arith.constant 64 : index
        %get3A_749 = tpu.vector_load %arg7[%get3A_747, %get3A_748] {strides = array<i32>} : memref<128x128xf32, #tpu.memory_space<vmem>>, vector<1x16xf32>,
        %get3A_750 = vector.shape_cast %get3A_749 : vector<1x16xf32> to vector<16xf32>
        %mul3A_751 = arith.constant 11.3137083 : f32
        %mul3A_752 = vector.broadcast %mul3A_751 : f32 to vector<16xf32>
        %mul3A_753 = arith.mulf %get3A_750, %mul3A_752 : vector<16xf32>
        %swap3A_754 = arith.index_cast %add3A_698 : i32 to index
        %swap3A_755 = arith.constant 64 : index
        %swap3A_756 = tpu.vector_load %arg7[%swap3A_754, %swap3A_755] {strides = array<i32>} : memref<128x128xf32, #tpu.memory_space<vmem>>, vector<1x16xf32>,
        %swap3A_757 = vector.shape_cast %swap3A_756 : vector<1x16xf32> to vector<16xf32>
        %swap3A_758 = vector.shape_cast %mul3A_753 : vector<16xf32> to vector<1x16xf32>
        tpu.vector_store %arg7[%swap3A_754, %swap3A_755], %swap3A_758 {strides = array<i32>} : memref<128x128xf32, #tpu.memory_space<vmem>>, vector<1x16xf32>,
        %get3A_759 = arith.index_cast %add3A_698 : i32 to index
        %get3A_760 = arith.constant 80 : index
        %get3A_761 = tpu.vector_load %arg7[%get3A_759, %get3A_760] {strides = array<i32>} : memref<128x128xf32, #tpu.memory_space<vmem>>, vector<1x16xf32>,
        %get3A_762 = vector.shape_cast %get3A_761 : vector<1x16xf32> to vector<16xf32>
        %mul3A_763 = arith.constant 11.3137083 : f32
        %mul3A_764 = vector.broadcast %mul3A_763 : f32 to vector<16xf32>
        %mul3A_765 = arith.mulf %get3A_762, %mul3A_764 : vector<16xf32>
        %swap3A_766 = arith.index_cast %add3A_698 : i32 to index
        %swap3A_767 = arith.constant 80 : index
        %swap3A_768 = tpu.vector_load %arg7[%swap3A_766, %swap3A_767] {strides = array<i32>} : memref<128x128xf32, #tpu.memory_space<vmem>>, vector<1x16xf32>,
        %swap3A_769 = vector.shape_cast %swap3A_768 : vector<1x16xf32> to vector<16xf32>
        %swap3A_770 = vector.shape_cast %mul3A_765 : vector<16xf32> to vector<1x16xf32>
        tpu.vector_store %arg7[%swap3A_766, %swap3A_767], %swap3A_770 {strides = array<i32>} : memref<128x128xf32, #tpu.memory_space<vmem>>, vector<1x16xf32>,
        %get3A_771 = arith.index_cast %add3A_698 : i32 to index
        %get3A_772 = arith.constant 96 : index
        %get3A_773 = tpu.vector_load %arg7[%get3A_771, %get3A_772] {strides = array<i32>} : memref<128x128xf32, #tpu.memory_space<vmem>>, vector<1x16xf32>,
        %get3A_774 = vector.shape_cast %get3A_773 : vector<1x16xf32> to vector<16xf32>
        %mul3A_775 = arith.constant 11.3137083 : f32
        %mul3A_776 = vector.broadcast %mul3A_775 : f32 to vector<16xf32>
        %mul3A_777 = arith.mulf %get3A_774, %mul3A_776 : vector<16xf32>
        %swap3A_778 = arith.index_cast %add3A_698 : i32 to index
        %swap3A_779 = arith.constant 96 : index
        %swap3A_780 = tpu.vector_load %arg7[%swap3A_778, %swap3A_779] {strides = array<i32>} : memref<128x128xf32, #tpu.memory_space<vmem>>, vector<1x16xf32>,
        %swap3A_781 = vector.shape_cast %swap3A_780 : vector<1x16xf32> to vector<16xf32>
        %swap3A_782 = vector.shape_cast %mul3A_777 : vector<16xf32> to vector<1x16xf32>
        tpu.vector_store %arg7[%swap3A_778, %swap3A_779], %swap3A_782 {strides = array<i32>} : memref<128x128xf32, #tpu.memory_space<vmem>>, vector<1x16xf32>,
        %get3A_783 = arith.index_cast %add3A_698 : i32 to index
        %get3A_784 = arith.constant 112 : index
        %get3A_785 = tpu.vector_load %arg7[%get3A_783, %get3A_784] {strides = array<i32>} : memref<128x128xf32, #tpu.memory_space<vmem>>, vector<1x16xf32>,
        %get3A_786 = vector.shape_cast %get3A_785 : vector<1x16xf32> to vector<16xf32>
        %mul3A_787 = arith.constant 11.3137083 : f32
        %mul3A_788 = vector.broadcast %mul3A_787 : f32 to vector<16xf32>
        %mul3A_789 = arith.mulf %get3A_786, %mul3A_788 : vector<16xf32>
        %swap3A_790 = arith.index_cast %add3A_698 : i32 to index
        %swap3A_791 = arith.constant 112 : index
        %swap3A_792 = tpu.vector_load %arg7[%swap3A_790, %swap3A_791] {strides = array<i32>} : memref<128x128xf32, #tpu.memory_space<vmem>>, vector<1x16xf32>,
        %swap3A_793 = vector.shape_cast %swap3A_792 : vector<1x16xf32> to vector<16xf32>
        %swap3A_794 = vector.shape_cast %mul3A_789 : vector<16xf32> to vector<1x16xf32>
        tpu.vector_store %arg7[%swap3A_790, %swap3A_791], %swap3A_794 {strides = array<i32>} : memref<128x128xf32, #tpu.memory_space<vmem>>, vector<1x16xf32>,
      }
      %scan3A_388 = arith.constant 32 : i32
      %add3A_389 = arith.addi %mul3A_2, %add3A_359 : i32
      %mul3A_390 = arith.constant 128 : i32
      %mul3A_391 = arith.muli %add3A_389, %mul3A_390 : i32
      %dma_start3A_392 = arith.constant 0 : i32
      %dma_start3A_393 = tpu.memref_slice %arg4[%mul3A_391, %dma_start3A_392] : memref<204800x128xf32, #tpu.memory_space<hbm>> -> memref<128x128xf32, #tpu.memory_space<hbm>>
      %dma_start3A_394 = arith.constant 0 : i32
      %dma_start3A_395 = tpu.memref_slice %arg4[%mul3A_391, %dma_start3A_394] : memref<204800x128xf32, #tpu.memory_space<hbm>> -> memref<128x128xf32, #tpu.memory_space<hbm>>
      tpu.enqueue_dma source(%arg7 : memref<128x128xf32, #tpu.memory_space<vmem>>) target(%dma_start3A_395 : memref<128x128xf32, #tpu.memory_space<hbm>>) target_semaphore(%arg17 : memref<!tpu.dma_semaphore, #tpu.memory_space<semaphore_mem>>)
    }
    %scan3A_82 = arith.constant 9 : i32
    %dma_wait3A_83 = arith.constant 47 : i32
    %dma_wait3A_84 = arith.constant 0 : i32
    %dma_wait3A_85 = tpu.memref_slice %arg5[%dma_wait3A_83, %dma_wait3A_84] : memref<50x128xi32, #tpu.memory_space<vmem>> -> memref<1x128xi32, #tpu.memory_space<vmem>>
    %dma_wait3A_86 = tpu.memref_squeeze %dma_wait3A_85 : memref<1x128xi32, #tpu.memory_space<vmem>> -> memref<128xi32, #tpu.memory_space<vmem>>
    %dma_wait3A_87 = arith.constant 0 : i32
    %dma_wait3A_88 = arith.constant 0 : i32
    %dma_wait3A_89 = tpu.memref_slice %arg3[%dma_wait3A_87, %dma_wait3A_88] : memref<100000x128xf32, #tpu.memory_space<hbm>> -> memref<100000x128xf32, #tpu.memory_space<hbm>>
    tpu.wait_indirect_dma semaphore(%arg13 : memref<!tpu.dma_semaphore, #tpu.memory_space<semaphore_mem>>) src(%dma_wait3A_89 : memref<100000x128xf32, #tpu.memory_space<hbm>>) dst(%arg8 : memref<128x128xf32, #tpu.memory_space<vmem>>)
    %scan3A_90 = arith.constant 0 : i32
    %scan3A_91 = arith.constant 0 : i32
    %scan3A_92 = arith.constant 32 : i32
    %scan3A_93 = arith.addi %scan3A_91, %scan3A_92 : i32
    %scan3A_94 = arith.constant 1 : i32
    scf.for %scan3A_186 = %scan3A_91 to %scan3A_93 step %scan3A_94  : i32 {
      %mul3A_187 = arith.constant 4 : i32
      %mul3A_188 = arith.muli %scan3A_186, %mul3A_187 : i32
      %add3A_189 = arith.constant 0 : i32
      %add3A_190 = arith.addi %mul3A_188, %add3A_189 : i32
      %get3A = arith.index_cast %add3A_190 : i32 to index
      %get3A_191 = arith.constant 0 : index
      %get3A_192 = tpu.vector_load %arg8[%get3A, %get3A_191] {strides = array<i32>} : memref<128x128xf32, #tpu.memory_space<vmem>>, vector<1x16xf32>,
      %get3A_193 = vector.shape_cast %get3A_192 : vector<1x16xf32> to vector<16xf32>
      %mul3A_194 = arith.constant 11.3137083 : f32
      %mul3A_195 = vector.broadcast %mul3A_194 : f32 to vector<16xf32>
      %mul3A_196 = arith.mulf %get3A_193, %mul3A_195 : vector<16xf32>
      %swap3A = arith.index_cast %add3A_190 : i32 to index
      %swap3A_197 = arith.constant 0 : index
      %swap3A_198 = tpu.vector_load %arg8[%swap3A, %swap3A_197] {strides = array<i32>} : memref<128x128xf32, #tpu.memory_space<vmem>>, vector<1x16xf32>,
      %swap3A_199 = vector.shape_cast %swap3A_198 : vector<1x16xf32> to vector<16xf32>
      %swap3A_200 = vector.shape_cast %mul3A_196 : vector<16xf32> to vector<1x16xf32>
      tpu.vector_store %arg8[%swap3A, %swap3A_197], %swap3A_200 {strides = array<i32>} : memref<128x128xf32, #tpu.memory_space<vmem>>, vector<1x16xf32>,
      %get3A_201 = arith.index_cast %add3A_190 : i32 to index
      %get3A_202 = arith.constant 16 : index
      %get3A_203 = tpu.vector_load %arg8[%get3A_201, %get3A_202] {strides = array<i32>} : memref<128x128xf32, #tpu.memory_space<vmem>>, vector<1x16xf32>,
      %get3A_204 = vector.shape_cast %get3A_203 : vector<1x16xf32> to vector<16xf32>
      %mul3A_205 = arith.constant 11.3137083 : f32
      %mul3A_206 = vector.broadcast %mul3A_205 : f32 to vector<16xf32>
      %mul3A_207 = arith.mulf %get3A_204, %mul3A_206 : vector<16xf32>
      %swap3A_208 = arith.index_cast %add3A_190 : i32 to index
      %swap3A_209 = arith.constant 16 : index
      %swap3A_210 = tpu.vector_load %arg8[%swap3A_208, %swap3A_209] {strides = array<i32>} : memref<128x128xf32, #tpu.memory_space<vmem>>, vector<1x16xf32>,
      %swap3A_211 = vector.shape_cast %swap3A_210 : vector<1x16xf32> to vector<16xf32>
      %swap3A_212 = vector.shape_cast %mul3A_207 : vector<16xf32> to vector<1x16xf32>
      tpu.vector_store %arg8[%swap3A_208, %swap3A_209], %swap3A_212 {strides = array<i32>} : memref<128x128xf32, #tpu.memory_space<vmem>>, vector<1x16xf32>,
      %get3A_213 = arith.index_cast %add3A_190 : i32 to index
      %get3A_214 = arith.constant 32 : index
      %get3A_215 = tpu.vector_load %arg8[%get3A_213, %get3A_214] {strides = array<i32>} : memref<128x128xf32, #tpu.memory_space<vmem>>, vector<1x16xf32>,
      %get3A_216 = vector.shape_cast %get3A_215 : vector<1x16xf32> to vector<16xf32>
      %mul3A_217 = arith.constant 11.3137083 : f32
      %mul3A_218 = vector.broadcast %mul3A_217 : f32 to vector<16xf32>
      %mul3A_219 = arith.mulf %get3A_216, %mul3A_218 : vector<16xf32>
      %swap3A_220 = arith.index_cast %add3A_190 : i32 to index
      %swap3A_221 = arith.constant 32 : index
      %swap3A_222 = tpu.vector_load %arg8[%swap3A_220, %swap3A_221] {strides = array<i32>} : memref<128x128xf32, #tpu.memory_space<vmem>>, vector<1x16xf32>,
      %swap3A_223 = vector.shape_cast %swap3A_222 : vector<1x16xf32> to vector<16xf32>
      %swap3A_224 = vector.shape_cast %mul3A_219 : vector<16xf32> to vector<1x16xf32>
      tpu.vector_store %arg8[%swap3A_220, %swap3A_221], %swap3A_224 {strides = array<i32>} : memref<128x128xf32, #tpu.memory_space<vmem>>, vector<1x16xf32>,
      %get3A_225 = arith.index_cast %add3A_190 : i32 to index
      %get3A_226 = arith.constant 48 : index
      %get3A_227 = tpu.vector_load %arg8[%get3A_225, %get3A_226] {strides = array<i32>} : memref<128x128xf32, #tpu.memory_space<vmem>>, vector<1x16xf32>,
      %get3A_228 = vector.shape_cast %get3A_227 : vector<1x16xf32> to vector<16xf32>
      %mul3A_229 = arith.constant 11.3137083 : f32
      %mul3A_230 = vector.broadcast %mul3A_229 : f32 to vector<16xf32>
      %mul3A_231 = arith.mulf %get3A_228, %mul3A_230 : vector<16xf32>
      %swap3A_232 = arith.index_cast %add3A_190 : i32 to index
      %swap3A_233 = arith.constant 48 : index
      %swap3A_234 = tpu.vector_load %arg8[%swap3A_232, %swap3A_233] {strides = array<i32>} : memref<128x128xf32, #tpu.memory_space<vmem>>, vector<1x16xf32>,
      %swap3A_235 = vector.shape_cast %swap3A_234 : vector<1x16xf32> to vector<16xf32>
      %swap3A_236 = vector.shape_cast %mul3A_231 : vector<16xf32> to vector<1x16xf32>
      tpu.vector_store %arg8[%swap3A_232, %swap3A_233], %swap3A_236 {strides = array<i32>} : memref<128x128xf32, #tpu.memory_space<vmem>>, vector<1x16xf32>,
      %get3A_237 = arith.index_cast %add3A_190 : i32 to index
      %get3A_238 = arith.constant 64 : index
      %get3A_239 = tpu.vector_load %arg8[%get3A_237, %get3A_238] {strides = array<i32>} : memref<128x128xf32, #tpu.memory_space<vmem>>, vector<1x16xf32>,
      %get3A_240 = vector.shape_cast %get3A_239 : vector<1x16xf32> to vector<16xf32>
      %mul3A_241 = arith.constant 11.3137083 : f32
      %mul3A_242 = vector.broadcast %mul3A_241 : f32 to vector<16xf32>
      %mul3A_243 = arith.mulf %get3A_240, %mul3A_242 : vector<16xf32>
      %swap3A_244 = arith.index_cast %add3A_190 : i32 to index
      %swap3A_245 = arith.constant 64 : index
      %swap3A_246 = tpu.vector_load %arg8[%swap3A_244, %swap3A_245] {strides = array<i32>} : memref<128x128xf32, #tpu.memory_space<vmem>>, vector<1x16xf32>,
      %swap3A_247 = vector.shape_cast %swap3A_246 : vector<1x16xf32> to vector<16xf32>
      %swap3A_248 = vector.shape_cast %mul3A_243 : vector<16xf32> to vector<1x16xf32>
      tpu.vector_store %arg8[%swap3A_244, %swap3A_245], %swap3A_248 {strides = array<i32>} : memref<128x128xf32, #tpu.memory_space<vmem>>, vector<1x16xf32>,
      %get3A_249 = arith.index_cast %add3A_190 : i32 to index
      %get3A_250 = arith.constant 80 : index
      %get3A_251 = tpu.vector_load %arg8[%get3A_249, %get3A_250] {strides = array<i32>} : memref<128x128xf32, #tpu.memory_space<vmem>>, vector<1x16xf32>,
      %get3A_252 = vector.shape_cast %get3A_251 : vector<1x16xf32> to vector<16xf32>
      %mul3A_253 = arith.constant 11.3137083 : f32
      %mul3A_254 = vector.broadcast %mul3A_253 : f32 to vector<16xf32>
      %mul3A_255 = arith.mulf %get3A_252, %mul3A_254 : vector<16xf32>
      %swap3A_256 = arith.index_cast %add3A_190 : i32 to index
      %swap3A_257 = arith.constant 80 : index
      %swap3A_258 = tpu.vector_load %arg8[%swap3A_256, %swap3A_257] {strides = array<i32>} : memref<128x128xf32, #tpu.memory_space<vmem>>, vector<1x16xf32>,
      %swap3A_259 = vector.shape_cast %swap3A_258 : vector<1x16xf32> to vector<16xf32>
      %swap3A_260 = vector.shape_cast %mul3A_255 : vector<16xf32> to vector<1x16xf32>
      tpu.vector_store %arg8[%swap3A_256, %swap3A_257], %swap3A_260 {strides = array<i32>} : memref<128x128xf32, #tpu.memory_space<vmem>>, vector<1x16xf32>,
      %get3A_261 = arith.index_cast %add3A_190 : i32 to index
      %get3A_262 = arith.constant 96 : index
      %get3A_263 = tpu.vector_load %arg8[%get3A_261, %get3A_262] {strides = array<i32>} : memref<128x128xf32, #tpu.memory_space<vmem>>, vector<1x16xf32>,
      %get3A_264 = vector.shape_cast %get3A_263 : vector<1x16xf32> to vector<16xf32>
      %mul3A_265 = arith.constant 11.3137083 : f32
      %mul3A_266 = vector.broadcast %mul3A_265 : f32 to vector<16xf32>
      %mul3A_267 = arith.mulf %get3A_264, %mul3A_266 : vector<16xf32>
      %swap3A_268 = arith.index_cast %add3A_190 : i32 to index
      %swap3A_269 = arith.constant 96 : index
      %swap3A_270 = tpu.vector_load %arg8[%swap3A_268, %swap3A_269] {strides = array<i32>} : memref<128x128xf32, #tpu.memory_space<vmem>>, vector<1x16xf32>,
      %swap3A_271 = vector.shape_cast %swap3A_270 : vector<1x16xf32> to vector<16xf32>
      %swap3A_272 = vector.shape_cast %mul3A_267 : vector<16xf32> to vector<1x16xf32>
      tpu.vector_store %arg8[%swap3A_268, %swap3A_269], %swap3A_272 {strides = array<i32>} : memref<128x128xf32, #tpu.memory_space<vmem>>, vector<1x16xf32>,
      %get3A_273 = arith.index_cast %add3A_190 : i32 to index
      %get3A_274 = arith.constant 112 : index
      %get3A_275 = tpu.vector_load %arg8[%get3A_273, %get3A_274] {strides = array<i32>} : memref<128x128xf32, #tpu.memory_space<vmem>>, vector<1x16xf32>,
      %get3A_276 = vector.shape_cast %get3A_275 : vector<1x16xf32> to vector<16xf32>
      %mul3A_277 = arith.constant 11.3137083 : f32
      %mul3A_278 = vector.broadcast %mul3A_277 : f32 to vector<16xf32>
      %mul3A_279 = arith.mulf %get3A_276, %mul3A_278 : vector<16xf32>
      %swap3A_280 = arith.index_cast %add3A_190 : i32 to index
      %swap3A_281 = arith.constant 112 : index
      %swap3A_282 = tpu.vector_load %arg8[%swap3A_280, %swap3A_281] {strides = array<i32>} : memref<128x128xf32, #tpu.memory_space<vmem>>, vector<1x16xf32>,
      %swap3A_283 = vector.shape_cast %swap3A_282 : vector<1x16xf32> to vector<16xf32>
      %swap3A_284 = vector.shape_cast %mul3A_279 : vector<16xf32> to vector<1x16xf32>
      tpu.vector_store %arg8[%swap3A_280, %swap3A_281], %swap3A_284 {strides = array<i32>} : memref<128x128xf32, #tpu.memory_space<vmem>>, vector<1x16xf32>,
      %mul3A_285 = arith.constant 4 : i32
      %mul3A_286 = arith.muli %scan3A_186, %mul3A_285 : i32
      %add3A_287 = arith.constant 1 : i32
      %add3A_288 = arith.addi %mul3A_286, %add3A_287 : i32
      %get3A_289 = arith.index_cast %add3A_288 : i32 to index
      %get3A_290 = arith.constant 0 : index
      %get3A_291 = tpu.vector_load %arg8[%get3A_289, %get3A_290] {strides = array<i32>} : memref<128x128xf32, #tpu.memory_space<vmem>>, vector<1x16xf32>,
      %get3A_292 = vector.shape_cast %get3A_291 : vector<1x16xf32> to vector<16xf32>
      %mul3A_293 = arith.constant 11.3137083 : f32
      %mul3A_294 = vector.broadcast %mul3A_293 : f32 to vector<16xf32>
      %mul3A_295 = arith.mulf %get3A_292, %mul3A_294 : vector<16xf32>
      %swap3A_296 = arith.index_cast %add3A_288 : i32 to index
      %swap3A_297 = arith.constant 0 : index
      %swap3A_298 = tpu.vector_load %arg8[%swap3A_296, %swap3A_297] {strides = array<i32>} : memref<128x128xf32, #tpu.memory_space<vmem>>, vector<1x16xf32>,
      %swap3A_299 = vector.shape_cast %swap3A_298 : vector<1x16xf32> to vector<16xf32>
      %swap3A_300 = vector.shape_cast %mul3A_295 : vector<16xf32> to vector<1x16xf32>
      tpu.vector_store %arg8[%swap3A_296, %swap3A_297], %swap3A_300 {strides = array<i32>} : memref<128x128xf32, #tpu.memory_space<vmem>>, vector<1x16xf32>,
      %get3A_301 = arith.index_cast %add3A_288 : i32 to index
      %get3A_302 = arith.constant 16 : index
      %get3A_303 = tpu.vector_load %arg8[%get3A_301, %get3A_302] {strides = array<i32>} : memref<128x128xf32, #tpu.memory_space<vmem>>, vector<1x16xf32>,
      %get3A_304 = vector.shape_cast %get3A_303 : vector<1x16xf32> to vector<16xf32>
      %mul3A_305 = arith.constant 11.3137083 : f32
      %mul3A_306 = vector.broadcast %mul3A_305 : f32 to vector<16xf32>
      %mul3A_307 = arith.mulf %get3A_304, %mul3A_306 : vector<16xf32>
      %swap3A_308 = arith.index_cast %add3A_288 : i32 to index
      %swap3A_309 = arith.constant 16 : index
      %swap3A_310 = tpu.vector_load %arg8[%swap3A_308, %swap3A_309] {strides = array<i32>} : memref<128x128xf32, #tpu.memory_space<vmem>>, vector<1x16xf32>,
      %swap3A_311 = vector.shape_cast %swap3A_310 : vector<1x16xf32> to vector<16xf32>
      %swap3A_312 = vector.shape_cast %mul3A_307 : vector<16xf32> to vector<1x16xf32>
      tpu.vector_store %arg8[%swap3A_308, %swap3A_309], %swap3A_312 {strides = array<i32>} : memref<128x128xf32, #tpu.memory_space<vmem>>, vector<1x16xf32>,
      %get3A_313 = arith.index_cast %add3A_288 : i32 to index
      %get3A_314 = arith.constant 32 : index
      %get3A_315 = tpu.vector_load %arg8[%get3A_313, %get3A_314] {strides = array<i32>} : memref<128x128xf32, #tpu.memory_space<vmem>>, vector<1x16xf32>,
      %get3A_316 = vector.shape_cast %get3A_315 : vector<1x16xf32> to vector<16xf32>
      %mul3A_317 = arith.constant 11.3137083 : f32
      %mul3A_318 = vector.broadcast %mul3A_317 : f32 to vector<16xf32>
      %mul3A_319 = arith.mulf %get3A_316, %mul3A_318 : vector<16xf32>
      %swap3A_320 = arith.index_cast %add3A_288 : i32 to index
      %swap3A_321 = arith.constant 32 : index
      %swap3A_322 = tpu.vector_load %arg8[%swap3A_320, %swap3A_321] {strides = array<i32>} : memref<128x128xf32, #tpu.memory_space<vmem>>, vector<1x16xf32>,
      %swap3A_323 = vector.shape_cast %swap3A_322 : vector<1x16xf32> to vector<16xf32>
      %swap3A_324 = vector.shape_cast %mul3A_319 : vector<16xf32> to vector<1x16xf32>
      tpu.vector_store %arg8[%swap3A_320, %swap3A_321], %swap3A_324 {strides = array<i32>} : memref<128x128xf32, #tpu.memory_space<vmem>>, vector<1x16xf32>,
      %get3A_325 = arith.index_cast %add3A_288 : i32 to index
      %get3A_326 = arith.constant 48 : index
      %get3A_327 = tpu.vector_load %arg8[%get3A_325, %get3A_326] {strides = array<i32>} : memref<128x128xf32, #tpu.memory_space<vmem>>, vector<1x16xf32>,
      %get3A_328 = vector.shape_cast %get3A_327 : vector<1x16xf32> to vector<16xf32>
      %mul3A_329 = arith.constant 11.3137083 : f32
      %mul3A_330 = vector.broadcast %mul3A_329 : f32 to vector<16xf32>
      %mul3A_331 = arith.mulf %get3A_328, %mul3A_330 : vector<16xf32>
      %swap3A_332 = arith.index_cast %add3A_288 : i32 to index
      %swap3A_333 = arith.constant 48 : index
      %swap3A_334 = tpu.vector_load %arg8[%swap3A_332, %swap3A_333] {strides = array<i32>} : memref<128x128xf32, #tpu.memory_space<vmem>>, vector<1x16xf32>,
      %swap3A_335 = vector.shape_cast %swap3A_334 : vector<1x16xf32> to vector<16xf32>
      %swap3A_336 = vector.shape_cast %mul3A_331 : vector<16xf32> to vector<1x16xf32>
      tpu.vector_store %arg8[%swap3A_332, %swap3A_333], %swap3A_336 {strides = array<i32>} : memref<128x128xf32, #tpu.memory_space<vmem>>, vector<1x16xf32>,
      %get3A_337 = arith.index_cast %add3A_288 : i32 to index
      %get3A_338 = arith.constant 64 : index
      %get3A_339 = tpu.vector_load %arg8[%get3A_337, %get3A_338] {strides = array<i32>} : memref<128x128xf32, #tpu.memory_space<vmem>>, vector<1x16xf32>,
      %get3A_340 = vector.shape_cast %get3A_339 : vector<1x16xf32> to vector<16xf32>
      %mul3A_341 = arith.constant 11.3137083 : f32
      %mul3A_342 = vector.broadcast %mul3A_341 : f32 to vector<16xf32>
      %mul3A_343 = arith.mulf %get3A_340, %mul3A_342 : vector<16xf32>
      %swap3A_344 = arith.index_cast %add3A_288 : i32 to index
      %swap3A_345 = arith.constant 64 : index
      %swap3A_346 = tpu.vector_load %arg8[%swap3A_344, %swap3A_345] {strides = array<i32>} : memref<128x128xf32, #tpu.memory_space<vmem>>, vector<1x16xf32>,
      %swap3A_347 = vector.shape_cast %swap3A_346 : vector<1x16xf32> to vector<16xf32>
      %swap3A_348 = vector.shape_cast %mul3A_343 : vector<16xf32> to vector<1x16xf32>
      tpu.vector_store %arg8[%swap3A_344, %swap3A_345], %swap3A_348 {strides = array<i32>} : memref<128x128xf32, #tpu.memory_space<vmem>>, vector<1x16xf32>,
      %get3A_349 = arith.index_cast %add3A_288 : i32 to index
      %get3A_350 = arith.constant 80 : index
      %get3A_351 = tpu.vector_load %arg8[%get3A_349, %get3A_350] {strides = array<i32>} : memref<128x128xf32, #tpu.memory_space<vmem>>, vector<1x16xf32>,
      %get3A_352 = vector.shape_cast %get3A_351 : vector<1x16xf32> to vector<16xf32>
      %mul3A_353 = arith.constant 11.3137083 : f32
      %mul3A_354 = vector.broadcast %mul3A_353 : f32 to vector<16xf32>
      %mul3A_355 = arith.mulf %get3A_352, %mul3A_354 : vector<16xf32>
      %swap3A_356 = arith.index_cast %add3A_288 : i32 to index
      %swap3A_357 = arith.constant 80 : index
      %swap3A_358 = tpu.vector_load %arg8[%swap3A_356, %swap3A_357] {strides = array<i32>} : memref<128x128xf32, #tpu.memory_space<vmem>>, vector<1x16xf32>,
      %swap3A_359 = vector.shape_cast %swap3A_358 : vector<1x16xf32> to vector<16xf32>
      %swap3A_360 = vector.shape_cast %mul3A_355 : vector<16xf32> to vector<1x16xf32>
      tpu.vector_store %arg8[%swap3A_356, %swap3A_357], %swap3A_360 {strides = array<i32>} : memref<128x128xf32, #tpu.memory_space<vmem>>, vector<1x16xf32>,
      %get3A_361 = arith.index_cast %add3A_288 : i32 to index
      %get3A_362 = arith.constant 96 : index
      %get3A_363 = tpu.vector_load %arg8[%get3A_361, %get3A_362] {strides = array<i32>} : memref<128x128xf32, #tpu.memory_space<vmem>>, vector<1x16xf32>,
      %get3A_364 = vector.shape_cast %get3A_363 : vector<1x16xf32> to vector<16xf32>
      %mul3A_365 = arith.constant 11.3137083 : f32
      %mul3A_366 = vector.broadcast %mul3A_365 : f32 to vector<16xf32>
      %mul3A_367 = arith.mulf %get3A_364, %mul3A_366 : vector<16xf32>
      %swap3A_368 = arith.index_cast %add3A_288 : i32 to index
      %swap3A_369 = arith.constant 96 : index
      %swap3A_370 = tpu.vector_load %arg8[%swap3A_368, %swap3A_369] {strides = array<i32>} : memref<128x128xf32, #tpu.memory_space<vmem>>, vector<1x16xf32>,
      %swap3A_371 = vector.shape_cast %swap3A_370 : vector<1x16xf32> to vector<16xf32>
      %swap3A_372 = vector.shape_cast %mul3A_367 : vector<16xf32> to vector<1x16xf32>
      tpu.vector_store %arg8[%swap3A_368, %swap3A_369], %swap3A_372 {strides = array<i32>} : memref<128x128xf32, #tpu.memory_space<vmem>>, vector<1x16xf32>,
      %get3A_373 = arith.index_cast %add3A_288 : i32 to index
      %get3A_374 = arith.constant 112 : index
      %get3A_375 = tpu.vector_load %arg8[%get3A_373, %get3A_374] {strides = array<i32>} : memref<128x128xf32, #tpu.memory_space<vmem>>, vector<1x16xf32>,
      %get3A_376 = vector.shape_cast %get3A_375 : vector<1x16xf32> to vector<16xf32>
      %mul3A_377 = arith.constant 11.3137083 : f32
      %mul3A_378 = vector.broadcast %mul3A_377 : f32 to vector<16xf32>
      %mul3A_379 = arith.mulf %get3A_376, %mul3A_378 : vector<16xf32>
      %swap3A_380 = arith.index_cast %add3A_288 : i32 to index
      %swap3A_381 = arith.constant 112 : index
      %swap3A_382 = tpu.vector_load %arg8[%swap3A_380, %swap3A_381] {strides = array<i32>} : memref<128x128xf32, #tpu.memory_space<vmem>>, vector<1x16xf32>,
      %swap3A_383 = vector.shape_cast %swap3A_382 : vector<1x16xf32> to vector<16xf32>
      %swap3A_384 = vector.shape_cast %mul3A_379 : vector<16xf32> to vector<1x16xf32>
      tpu.vector_store %arg8[%swap3A_380, %swap3A_381], %swap3A_384 {strides = array<i32>} : memref<128x128xf32, #tpu.memory_space<vmem>>, vector<1x16xf32>,
      %mul3A_385 = arith.constant 4 : i32
      %mul3A_386 = arith.muli %scan3A_186, %mul3A_385 : i32
      %add3A_387 = arith.constant 2 : i32
      %add3A_388 = arith.addi %mul3A_386, %add3A_387 : i32
      %get3A_389 = arith.index_cast %add3A_388 : i32 to index
      %get3A_390 = arith.constant 0 : index
      %get3A_391 = tpu.vector_load %arg8[%get3A_389, %get3A_390] {strides = array<i32>} : memref<128x128xf32, #tpu.memory_space<vmem>>, vector<1x16xf32>,
      %get3A_392 = vector.shape_cast %get3A_391 : vector<1x16xf32> to vector<16xf32>
      %mul3A_393 = arith.constant 11.3137083 : f32
      %mul3A_394 = vector.broadcast %mul3A_393 : f32 to vector<16xf32>
      %mul3A_395 = arith.mulf %get3A_392, %mul3A_394 : vector<16xf32>
      %swap3A_396 = arith.index_cast %add3A_388 : i32 to index
      %swap3A_397 = arith.constant 0 : index
      %swap3A_398 = tpu.vector_load %arg8[%swap3A_396, %swap3A_397] {strides = array<i32>} : memref<128x128xf32, #tpu.memory_space<vmem>>, vector<1x16xf32>,
      %swap3A_399 = vector.shape_cast %swap3A_398 : vector<1x16xf32> to vector<16xf32>
      %swap3A_400 = vector.shape_cast %mul3A_395 : vector<16xf32> to vector<1x16xf32>
      tpu.vector_store %arg8[%swap3A_396, %swap3A_397], %swap3A_400 {strides = array<i32>} : memref<128x128xf32, #tpu.memory_space<vmem>>, vector<1x16xf32>,
      %get3A_401 = arith.index_cast %add3A_388 : i32 to index
      %get3A_402 = arith.constant 16 : index
      %get3A_403 = tpu.vector_load %arg8[%get3A_401, %get3A_402] {strides = array<i32>} : memref<128x128xf32, #tpu.memory_space<vmem>>, vector<1x16xf32>,
      %get3A_404 = vector.shape_cast %get3A_403 : vector<1x16xf32> to vector<16xf32>
      %mul3A_405 = arith.constant 11.3137083 : f32
      %mul3A_406 = vector.broadcast %mul3A_405 : f32 to vector<16xf32>
      %mul3A_407 = arith.mulf %get3A_404, %mul3A_406 : vector<16xf32>
      %swap3A_408 = arith.index_cast %add3A_388 : i32 to index
      %swap3A_409 = arith.constant 16 : index
      %swap3A_410 = tpu.vector_load %arg8[%swap3A_408, %swap3A_409] {strides = array<i32>} : memref<128x128xf32, #tpu.memory_space<vmem>>, vector<1x16xf32>,
      %swap3A_411 = vector.shape_cast %swap3A_410 : vector<1x16xf32> to vector<16xf32>
      %swap3A_412 = vector.shape_cast %mul3A_407 : vector<16xf32> to vector<1x16xf32>
      tpu.vector_store %arg8[%swap3A_408, %swap3A_409], %swap3A_412 {strides = array<i32>} : memref<128x128xf32, #tpu.memory_space<vmem>>, vector<1x16xf32>,
      %get3A_413 = arith.index_cast %add3A_388 : i32 to index
      %get3A_414 = arith.constant 32 : index
      %get3A_415 = tpu.vector_load %arg8[%get3A_413, %get3A_414] {strides = array<i32>} : memref<128x128xf32, #tpu.memory_space<vmem>>, vector<1x16xf32>,
      %get3A_416 = vector.shape_cast %get3A_415 : vector<1x16xf32> to vector<16xf32>
      %mul3A_417 = arith.constant 11.3137083 : f32
      %mul3A_418 = vector.broadcast %mul3A_417 : f32 to vector<16xf32>
      %mul3A_419 = arith.mulf %get3A_416, %mul3A_418 : vector<16xf32>
      %swap3A_420 = arith.index_cast %add3A_388 : i32 to index
      %swap3A_421 = arith.constant 32 : index
      %swap3A_422 = tpu.vector_load %arg8[%swap3A_420, %swap3A_421] {strides = array<i32>} : memref<128x128xf32, #tpu.memory_space<vmem>>, vector<1x16xf32>,
      %swap3A_423 = vector.shape_cast %swap3A_422 : vector<1x16xf32> to vector<16xf32>
      %swap3A_424 = vector.shape_cast %mul3A_419 : vector<16xf32> to vector<1x16xf32>
      tpu.vector_store %arg8[%swap3A_420, %swap3A_421], %swap3A_424 {strides = array<i32>} : memref<128x128xf32, #tpu.memory_space<vmem>>, vector<1x16xf32>,
      %get3A_425 = arith.index_cast %add3A_388 : i32 to index
      %get3A_426 = arith.constant 48 : index
      %get3A_427 = tpu.vector_load %arg8[%get3A_425, %get3A_426] {strides = array<i32>} : memref<128x128xf32, #tpu.memory_space<vmem>>, vector<1x16xf32>,
      %get3A_428 = vector.shape_cast %get3A_427 : vector<1x16xf32> to vector<16xf32>
      %mul3A_429 = arith.constant 11.3137083 : f32
      %mul3A_430 = vector.broadcast %mul3A_429 : f32 to vector<16xf32>
      %mul3A_431 = arith.mulf %get3A_428, %mul3A_430 : vector<16xf32>
      %swap3A_432 = arith.index_cast %add3A_388 : i32 to index
      %swap3A_433 = arith.constant 48 : index
      %swap3A_434 = tpu.vector_load %arg8[%swap3A_432, %swap3A_433] {strides = array<i32>} : memref<128x128xf32, #tpu.memory_space<vmem>>, vector<1x16xf32>,
      %swap3A_435 = vector.shape_cast %swap3A_434 : vector<1x16xf32> to vector<16xf32>
      %swap3A_436 = vector.shape_cast %mul3A_431 : vector<16xf32> to vector<1x16xf32>
      tpu.vector_store %arg8[%swap3A_432, %swap3A_433], %swap3A_436 {strides = array<i32>} : memref<128x128xf32, #tpu.memory_space<vmem>>, vector<1x16xf32>,
      %get3A_437 = arith.index_cast %add3A_388 : i32 to index
      %get3A_438 = arith.constant 64 : index
      %get3A_439 = tpu.vector_load %arg8[%get3A_437, %get3A_438] {strides = array<i32>} : memref<128x128xf32, #tpu.memory_space<vmem>>, vector<1x16xf32>,
      %get3A_440 = vector.shape_cast %get3A_439 : vector<1x16xf32> to vector<16xf32>
      %mul3A_441 = arith.constant 11.3137083 : f32
      %mul3A_442 = vector.broadcast %mul3A_441 : f32 to vector<16xf32>
      %mul3A_443 = arith.mulf %get3A_440, %mul3A_442 : vector<16xf32>
      %swap3A_444 = arith.index_cast %add3A_388 : i32 to index
      %swap3A_445 = arith.constant 64 : index
      %swap3A_446 = tpu.vector_load %arg8[%swap3A_444, %swap3A_445] {strides = array<i32>} : memref<128x128xf32, #tpu.memory_space<vmem>>, vector<1x16xf32>,
      %swap3A_447 = vector.shape_cast %swap3A_446 : vector<1x16xf32> to vector<16xf32>
      %swap3A_448 = vector.shape_cast %mul3A_443 : vector<16xf32> to vector<1x16xf32>
      tpu.vector_store %arg8[%swap3A_444, %swap3A_445], %swap3A_448 {strides = array<i32>} : memref<128x128xf32, #tpu.memory_space<vmem>>, vector<1x16xf32>,
      %get3A_449 = arith.index_cast %add3A_388 : i32 to index
      %get3A_450 = arith.constant 80 : index
      %get3A_451 = tpu.vector_load %arg8[%get3A_449, %get3A_450] {strides = array<i32>} : memref<128x128xf32, #tpu.memory_space<vmem>>, vector<1x16xf32>,
      %get3A_452 = vector.shape_cast %get3A_451 : vector<1x16xf32> to vector<16xf32>
      %mul3A_453 = arith.constant 11.3137083 : f32
      %mul3A_454 = vector.broadcast %mul3A_453 : f32 to vector<16xf32>
      %mul3A_455 = arith.mulf %get3A_452, %mul3A_454 : vector<16xf32>
      %swap3A_456 = arith.index_cast %add3A_388 : i32 to index
      %swap3A_457 = arith.constant 80 : index
      %swap3A_458 = tpu.vector_load %arg8[%swap3A_456, %swap3A_457] {strides = array<i32>} : memref<128x128xf32, #tpu.memory_space<vmem>>, vector<1x16xf32>,
      %swap3A_459 = vector.shape_cast %swap3A_458 : vector<1x16xf32> to vector<16xf32>
      %swap3A_460 = vector.shape_cast %mul3A_455 : vector<16xf32> to vector<1x16xf32>
      tpu.vector_store %arg8[%swap3A_456, %swap3A_457], %swap3A_460 {strides = array<i32>} : memref<128x128xf32, #tpu.memory_space<vmem>>, vector<1x16xf32>,
      %get3A_461 = arith.index_cast %add3A_388 : i32 to index
      %get3A_462 = arith.constant 96 : index
      %get3A_463 = tpu.vector_load %arg8[%get3A_461, %get3A_462] {strides = array<i32>} : memref<128x128xf32, #tpu.memory_space<vmem>>, vector<1x16xf32>,
      %get3A_464 = vector.shape_cast %get3A_463 : vector<1x16xf32> to vector<16xf32>
      %mul3A_465 = arith.constant 11.3137083 : f32
      %mul3A_466 = vector.broadcast %mul3A_465 : f32 to vector<16xf32>
      %mul3A_467 = arith.mulf %get3A_464, %mul3A_466 : vector<16xf32>
      %swap3A_468 = arith.index_cast %add3A_388 : i32 to index
      %swap3A_469 = arith.constant 96 : index
      %swap3A_470 = tpu.vector_load %arg8[%swap3A_468, %swap3A_469] {strides = array<i32>} : memref<128x128xf32, #tpu.memory_space<vmem>>, vector<1x16xf32>,
      %swap3A_471 = vector.shape_cast %swap3A_470 : vector<1x16xf32> to vector<16xf32>
      %swap3A_472 = vector.shape_cast %mul3A_467 : vector<16xf32> to vector<1x16xf32>
      tpu.vector_store %arg8[%swap3A_468, %swap3A_469], %swap3A_472 {strides = array<i32>} : memref<128x128xf32, #tpu.memory_space<vmem>>, vector<1x16xf32>,
      %get3A_473 = arith.index_cast %add3A_388 : i32 to index
      %get3A_474 = arith.constant 112 : index
      %get3A_475 = tpu.vector_load %arg8[%get3A_473, %get3A_474] {strides = array<i32>} : memref<128x128xf32, #tpu.memory_space<vmem>>, vector<1x16xf32>,
      %get3A_476 = vector.shape_cast %get3A_475 : vector<1x16xf32> to vector<16xf32>
      %mul3A_477 = arith.constant 11.3137083 : f32
      %mul3A_478 = vector.broadcast %mul3A_477 : f32 to vector<16xf32>
      %mul3A_479 = arith.mulf %get3A_476, %mul3A_478 : vector<16xf32>
      %swap3A_480 = arith.index_cast %add3A_388 : i32 to index
      %swap3A_481 = arith.constant 112 : index
      %swap3A_482 = tpu.vector_load %arg8[%swap3A_480, %swap3A_481] {strides = array<i32>} : memref<128x128xf32, #tpu.memory_space<vmem>>, vector<1x16xf32>,
      %swap3A_483 = vector.shape_cast %swap3A_482 : vector<1x16xf32> to vector<16xf32>
      %swap3A_484 = vector.shape_cast %mul3A_479 : vector<16xf32> to vector<1x16xf32>
      tpu.vector_store %arg8[%swap3A_480, %swap3A_481], %swap3A_484 {strides = array<i32>} : memref<128x128xf32, #tpu.memory_space<vmem>>, vector<1x16xf32>,
      %mul3A_485 = arith.constant 4 : i32
      %mul3A_486 = arith.muli %scan3A_186, %mul3A_485 : i32
      %add3A_487 = arith.constant 3 : i32
      %add3A_488 = arith.addi %mul3A_486, %add3A_487 : i32
      %get3A_489 = arith.index_cast %add3A_488 : i32 to index
      %get3A_490 = arith.constant 0 : index
      %get3A_491 = tpu.vector_load %arg8[%get3A_489, %get3A_490] {strides = array<i32>} : memref<128x128xf32, #tpu.memory_space<vmem>>, vector<1x16xf32>,
      %get3A_492 = vector.shape_cast %get3A_491 : vector<1x16xf32> to vector<16xf32>
      %mul3A_493 = arith.constant 11.3137083 : f32
      %mul3A_494 = vector.broadcast %mul3A_493 : f32 to vector<16xf32>
      %mul3A_495 = arith.mulf %get3A_492, %mul3A_494 : vector<16xf32>
      %swap3A_496 = arith.index_cast %add3A_488 : i32 to index
      %swap3A_497 = arith.constant 0 : index
      %swap3A_498 = tpu.vector_load %arg8[%swap3A_496, %swap3A_497] {strides = array<i32>} : memref<128x128xf32, #tpu.memory_space<vmem>>, vector<1x16xf32>,
      %swap3A_499 = vector.shape_cast %swap3A_498 : vector<1x16xf32> to vector<16xf32>
      %swap3A_500 = vector.shape_cast %mul3A_495 : vector<16xf32> to vector<1x16xf32>
      tpu.vector_store %arg8[%swap3A_496, %swap3A_497], %swap3A_500 {strides = array<i32>} : memref<128x128xf32, #tpu.memory_space<vmem>>, vector<1x16xf32>,
      %get3A_501 = arith.index_cast %add3A_488 : i32 to index
      %get3A_502 = arith.constant 16 : index
      %get3A_503 = tpu.vector_load %arg8[%get3A_501, %get3A_502] {strides = array<i32>} : memref<128x128xf32, #tpu.memory_space<vmem>>, vector<1x16xf32>,
      %get3A_504 = vector.shape_cast %get3A_503 : vector<1x16xf32> to vector<16xf32>
      %mul3A_505 = arith.constant 11.3137083 : f32
      %mul3A_506 = vector.broadcast %mul3A_505 : f32 to vector<16xf32>
      %mul3A_507 = arith.mulf %get3A_504, %mul3A_506 : vector<16xf32>
      %swap3A_508 = arith.index_cast %add3A_488 : i32 to index
      %swap3A_509 = arith.constant 16 : index
      %swap3A_510 = tpu.vector_load %arg8[%swap3A_508, %swap3A_509] {strides = array<i32>} : memref<128x128xf32, #tpu.memory_space<vmem>>, vector<1x16xf32>,
      %swap3A_511 = vector.shape_cast %swap3A_510 : vector<1x16xf32> to vector<16xf32>
      %swap3A_512 = vector.shape_cast %mul3A_507 : vector<16xf32> to vector<1x16xf32>
      tpu.vector_store %arg8[%swap3A_508, %swap3A_509], %swap3A_512 {strides = array<i32>} : memref<128x128xf32, #tpu.memory_space<vmem>>, vector<1x16xf32>,
      %get3A_513 = arith.index_cast %add3A_488 : i32 to index
      %get3A_514 = arith.constant 32 : index
      %get3A_515 = tpu.vector_load %arg8[%get3A_513, %get3A_514] {strides = array<i32>} : memref<128x128xf32, #tpu.memory_space<vmem>>, vector<1x16xf32>,
      %get3A_516 = vector.shape_cast %get3A_515 : vector<1x16xf32> to vector<16xf32>
      %mul3A_517 = arith.constant 11.3137083 : f32
      %mul3A_518 = vector.broadcast %mul3A_517 : f32 to vector<16xf32>
      %mul3A_519 = arith.mulf %get3A_516, %mul3A_518 : vector<16xf32>
      %swap3A_520 = arith.index_cast %add3A_488 : i32 to index
      %swap3A_521 = arith.constant 32 : index
      %swap3A_522 = tpu.vector_load %arg8[%swap3A_520, %swap3A_521] {strides = array<i32>} : memref<128x128xf32, #tpu.memory_space<vmem>>, vector<1x16xf32>,
      %swap3A_523 = vector.shape_cast %swap3A_522 : vector<1x16xf32> to vector<16xf32>
      %swap3A_524 = vector.shape_cast %mul3A_519 : vector<16xf32> to vector<1x16xf32>
      tpu.vector_store %arg8[%swap3A_520, %swap3A_521], %swap3A_524 {strides = array<i32>} : memref<128x128xf32, #tpu.memory_space<vmem>>, vector<1x16xf32>,
      %get3A_525 = arith.index_cast %add3A_488 : i32 to index
      %get3A_526 = arith.constant 48 : index
      %get3A_527 = tpu.vector_load %arg8[%get3A_525, %get3A_526] {strides = array<i32>} : memref<128x128xf32, #tpu.memory_space<vmem>>, vector<1x16xf32>,
      %get3A_528 = vector.shape_cast %get3A_527 : vector<1x16xf32> to vector<16xf32>
      %mul3A_529 = arith.constant 11.3137083 : f32
      %mul3A_530 = vector.broadcast %mul3A_529 : f32 to vector<16xf32>
      %mul3A_531 = arith.mulf %get3A_528, %mul3A_530 : vector<16xf32>
      %swap3A_532 = arith.index_cast %add3A_488 : i32 to index
      %swap3A_533 = arith.constant 48 : index
      %swap3A_534 = tpu.vector_load %arg8[%swap3A_532, %swap3A_533] {strides = array<i32>} : memref<128x128xf32, #tpu.memory_space<vmem>>, vector<1x16xf32>,
      %swap3A_535 = vector.shape_cast %swap3A_534 : vector<1x16xf32> to vector<16xf32>
      %swap3A_536 = vector.shape_cast %mul3A_531 : vector<16xf32> to vector<1x16xf32>
      tpu.vector_store %arg8[%swap3A_532, %swap3A_533], %swap3A_536 {strides = array<i32>} : memref<128x128xf32, #tpu.memory_space<vmem>>, vector<1x16xf32>,
      %get3A_537 = arith.index_cast %add3A_488 : i32 to index
      %get3A_538 = arith.constant 64 : index
      %get3A_539 = tpu.vector_load %arg8[%get3A_537, %get3A_538] {strides = array<i32>} : memref<128x128xf32, #tpu.memory_space<vmem>>, vector<1x16xf32>,
      %get3A_540 = vector.shape_cast %get3A_539 : vector<1x16xf32> to vector<16xf32>
      %mul3A_541 = arith.constant 11.3137083 : f32
      %mul3A_542 = vector.broadcast %mul3A_541 : f32 to vector<16xf32>
      %mul3A_543 = arith.mulf %get3A_540, %mul3A_542 : vector<16xf32>
      %swap3A_544 = arith.index_cast %add3A_488 : i32 to index
      %swap3A_545 = arith.constant 64 : index
      %swap3A_546 = tpu.vector_load %arg8[%swap3A_544, %swap3A_545] {strides = array<i32>} : memref<128x128xf32, #tpu.memory_space<vmem>>, vector<1x16xf32>,
      %swap3A_547 = vector.shape_cast %swap3A_546 : vector<1x16xf32> to vector<16xf32>
      %swap3A_548 = vector.shape_cast %mul3A_543 : vector<16xf32> to vector<1x16xf32>
      tpu.vector_store %arg8[%swap3A_544, %swap3A_545], %swap3A_548 {strides = array<i32>} : memref<128x128xf32, #tpu.memory_space<vmem>>, vector<1x16xf32>,
      %get3A_549 = arith.index_cast %add3A_488 : i32 to index
      %get3A_550 = arith.constant 80 : index
      %get3A_551 = tpu.vector_load %arg8[%get3A_549, %get3A_550] {strides = array<i32>} : memref<128x128xf32, #tpu.memory_space<vmem>>, vector<1x16xf32>,
      %get3A_552 = vector.shape_cast %get3A_551 : vector<1x16xf32> to vector<16xf32>
      %mul3A_553 = arith.constant 11.3137083 : f32
      %mul3A_554 = vector.broadcast %mul3A_553 : f32 to vector<16xf32>
      %mul3A_555 = arith.mulf %get3A_552, %mul3A_554 : vector<16xf32>
      %swap3A_556 = arith.index_cast %add3A_488 : i32 to index
      %swap3A_557 = arith.constant 80 : index
      %swap3A_558 = tpu.vector_load %arg8[%swap3A_556, %swap3A_557] {strides = array<i32>} : memref<128x128xf32, #tpu.memory_space<vmem>>, vector<1x16xf32>,
      %swap3A_559 = vector.shape_cast %swap3A_558 : vector<1x16xf32> to vector<16xf32>
      %swap3A_560 = vector.shape_cast %mul3A_555 : vector<16xf32> to vector<1x16xf32>
      tpu.vector_store %arg8[%swap3A_556, %swap3A_557], %swap3A_560 {strides = array<i32>} : memref<128x128xf32, #tpu.memory_space<vmem>>, vector<1x16xf32>,
      %get3A_561 = arith.index_cast %add3A_488 : i32 to index
      %get3A_562 = arith.constant 96 : index
      %get3A_563 = tpu.vector_load %arg8[%get3A_561, %get3A_562] {strides = array<i32>} : memref<128x128xf32, #tpu.memory_space<vmem>>, vector<1x16xf32>,
      %get3A_564 = vector.shape_cast %get3A_563 : vector<1x16xf32> to vector<16xf32>
      %mul3A_565 = arith.constant 11.3137083 : f32
      %mul3A_566 = vector.broadcast %mul3A_565 : f32 to vector<16xf32>
      %mul3A_567 = arith.mulf %get3A_564, %mul3A_566 : vector<16xf32>
      %swap3A_568 = arith.index_cast %add3A_488 : i32 to index
      %swap3A_569 = arith.constant 96 : index
      %swap3A_570 = tpu.vector_load %arg8[%swap3A_568, %swap3A_569] {strides = array<i32>} : memref<128x128xf32, #tpu.memory_space<vmem>>, vector<1x16xf32>,
      %swap3A_571 = vector.shape_cast %swap3A_570 : vector<1x16xf32> to vector<16xf32>
      %swap3A_572 = vector.shape_cast %mul3A_567 : vector<16xf32> to vector<1x16xf32>
      tpu.vector_store %arg8[%swap3A_568, %swap3A_569], %swap3A_572 {strides = array<i32>} : memref<128x128xf32, #tpu.memory_space<vmem>>, vector<1x16xf32>,
      %get3A_573 = arith.index_cast %add3A_488 : i32 to index
      %get3A_574 = arith.constant 112 : index
      %get3A_575 = tpu.vector_load %arg8[%get3A_573, %get3A_574] {strides = array<i32>} : memref<128x128xf32, #tpu.memory_space<vmem>>, vector<1x16xf32>,
      %get3A_576 = vector.shape_cast %get3A_575 : vector<1x16xf32> to vector<16xf32>
      %mul3A_577 = arith.constant 11.3137083 : f32
      %mul3A_578 = vector.broadcast %mul3A_577 : f32 to vector<16xf32>
      %mul3A_579 = arith.mulf %get3A_576, %mul3A_578 : vector<16xf32>
      %swap3A_580 = arith.index_cast %add3A_488 : i32 to index
      %swap3A_581 = arith.constant 112 : index
      %swap3A_582 = tpu.vector_load %arg8[%swap3A_580, %swap3A_581] {strides = array<i32>} : memref<128x128xf32, #tpu.memory_space<vmem>>, vector<1x16xf32>,
      %swap3A_583 = vector.shape_cast %swap3A_582 : vector<1x16xf32> to vector<16xf32>
      %swap3A_584 = vector.shape_cast %mul3A_579 : vector<16xf32> to vector<1x16xf32>
      tpu.vector_store %arg8[%swap3A_580, %swap3A_581], %swap3A_584 {strides = array<i32>} : memref<128x128xf32, #tpu.memory_space<vmem>>, vector<1x16xf32>,
    }
    %scan3A_95 = arith.constant 32 : i32
    %add3A_96 = arith.constant 47 : i32
    %add3A_97 = arith.addi %mul3A_2, %add3A_96 : i32
    %mul3A_98 = arith.constant 128 : i32
    %mul3A_99 = arith.muli %add3A_97, %mul3A_98 : i32
    %dma_start3A_100 = arith.constant 0 : i32
    %dma_start3A_101 = tpu.memref_slice %arg4[%mul3A_99, %dma_start3A_100] : memref<204800x128xf32, #tpu.memory_space<hbm>> -> memref<128x128xf32, #tpu.memory_space<hbm>>
    %dma_start3A_102 = arith.constant 0 : i32
    %dma_start3A_103 = tpu.memref_slice %arg4[%mul3A_99, %dma_start3A_102] : memref<204800x128xf32, #tpu.memory_space<hbm>> -> memref<128x128xf32, #tpu.memory_space<hbm>>
    tpu.enqueue_dma source(%arg8 : memref<128x128xf32, #tpu.memory_space<vmem>>) target(%dma_start3A_103 : memref<128x128xf32, #tpu.memory_space<hbm>>) target_semaphore(%arg18 : memref<!tpu.dma_semaphore, #tpu.memory_space<semaphore_mem>>)
    %dma_wait3A_104 = arith.constant 48 : i32
    %dma_wait3A_105 = arith.constant 0 : i32
    %dma_wait3A_106 = tpu.memref_slice %arg5[%dma_wait3A_104, %dma_wait3A_105] : memref<50x128xi32, #tpu.memory_space<vmem>> -> memref<1x128xi32, #tpu.memory_space<vmem>>
    %dma_wait3A_107 = tpu.memref_squeeze %dma_wait3A_106 : memref<1x128xi32, #tpu.memory_space<vmem>> -> memref<128xi32, #tpu.memory_space<vmem>>
    %dma_wait3A_108 = arith.constant 0 : i32
    %dma_wait3A_109 = arith.constant 0 : i32
    %dma_wait3A_110 = tpu.memref_slice %arg3[%dma_wait3A_108, %dma_wait3A_109] : memref<100000x128xf32, #tpu.memory_space<hbm>> -> memref<100000x128xf32, #tpu.memory_space<hbm>>
    tpu.wait_indirect_dma semaphore(%arg14 : memref<!tpu.dma_semaphore, #tpu.memory_space<semaphore_mem>>) src(%dma_wait3A_110 : memref<100000x128xf32, #tpu.memory_space<hbm>>) dst(%arg9 : memref<128x128xf32, #tpu.memory_space<vmem>>)
    %scan3A_111 = arith.constant 0 : i32
    %scan3A_112 = arith.constant 0 : i32
    %scan3A_113 = arith.constant 32 : i32
    %scan3A_114 = arith.addi %scan3A_112, %scan3A_113 : i32
    %scan3A_115 = arith.constant 1 : i32
    scf.for %scan3A_186 = %scan3A_112 to %scan3A_114 step %scan3A_115  : i32 {
      %mul3A_187 = arith.constant 4 : i32
      %mul3A_188 = arith.muli %scan3A_186, %mul3A_187 : i32
      %add3A_189 = arith.constant 0 : i32
      %add3A_190 = arith.addi %mul3A_188, %add3A_189 : i32
      %get3A = arith.index_cast %add3A_190 : i32 to index
      %get3A_191 = arith.constant 0 : index
      %get3A_192 = tpu.vector_load %arg9[%get3A, %get3A_191] {strides = array<i32>} : memref<128x128xf32, #tpu.memory_space<vmem>>, vector<1x16xf32>,
      %get3A_193 = vector.shape_cast %get3A_192 : vector<1x16xf32> to vector<16xf32>
      %mul3A_194 = arith.constant 11.3137083 : f32
      %mul3A_195 = vector.broadcast %mul3A_194 : f32 to vector<16xf32>
      %mul3A_196 = arith.mulf %get3A_193, %mul3A_195 : vector<16xf32>
      %swap3A = arith.index_cast %add3A_190 : i32 to index
      %swap3A_197 = arith.constant 0 : index
      %swap3A_198 = tpu.vector_load %arg9[%swap3A, %swap3A_197] {strides = array<i32>} : memref<128x128xf32, #tpu.memory_space<vmem>>, vector<1x16xf32>,
      %swap3A_199 = vector.shape_cast %swap3A_198 : vector<1x16xf32> to vector<16xf32>
      %swap3A_200 = vector.shape_cast %mul3A_196 : vector<16xf32> to vector<1x16xf32>
      tpu.vector_store %arg9[%swap3A, %swap3A_197], %swap3A_200 {strides = array<i32>} : memref<128x128xf32, #tpu.memory_space<vmem>>, vector<1x16xf32>,
      %get3A_201 = arith.index_cast %add3A_190 : i32 to index
      %get3A_202 = arith.constant 16 : index
      %get3A_203 = tpu.vector_load %arg9[%get3A_201, %get3A_202] {strides = array<i32>} : memref<128x128xf32, #tpu.memory_space<vmem>>, vector<1x16xf32>,
      %get3A_204 = vector.shape_cast %get3A_203 : vector<1x16xf32> to vector<16xf32>
      %mul3A_205 = arith.constant 11.3137083 : f32
      %mul3A_206 = vector.broadcast %mul3A_205 : f32 to vector<16xf32>
      %mul3A_207 = arith.mulf %get3A_204, %mul3A_206 : vector<16xf32>
      %swap3A_208 = arith.index_cast %add3A_190 : i32 to index
      %swap3A_209 = arith.constant 16 : index
      %swap3A_210 = tpu.vector_load %arg9[%swap3A_208, %swap3A_209] {strides = array<i32>} : memref<128x128xf32, #tpu.memory_space<vmem>>, vector<1x16xf32>,
      %swap3A_211 = vector.shape_cast %swap3A_210 : vector<1x16xf32> to vector<16xf32>
      %swap3A_212 = vector.shape_cast %mul3A_207 : vector<16xf32> to vector<1x16xf32>
      tpu.vector_store %arg9[%swap3A_208, %swap3A_209], %swap3A_212 {strides = array<i32>} : memref<128x128xf32, #tpu.memory_space<vmem>>, vector<1x16xf32>,
      %get3A_213 = arith.index_cast %add3A_190 : i32 to index
      %get3A_214 = arith.constant 32 : index
      %get3A_215 = tpu.vector_load %arg9[%get3A_213, %get3A_214] {strides = array<i32>} : memref<128x128xf32, #tpu.memory_space<vmem>>, vector<1x16xf32>,
      %get3A_216 = vector.shape_cast %get3A_215 : vector<1x16xf32> to vector<16xf32>
      %mul3A_217 = arith.constant 11.3137083 : f32
      %mul3A_218 = vector.broadcast %mul3A_217 : f32 to vector<16xf32>
      %mul3A_219 = arith.mulf %get3A_216, %mul3A_218 : vector<16xf32>
      %swap3A_220 = arith.index_cast %add3A_190 : i32 to index
      %swap3A_221 = arith.constant 32 : index
      %swap3A_222 = tpu.vector_load %arg9[%swap3A_220, %swap3A_221] {strides = array<i32>} : memref<128x128xf32, #tpu.memory_space<vmem>>, vector<1x16xf32>,
      %swap3A_223 = vector.shape_cast %swap3A_222 : vector<1x16xf32> to vector<16xf32>
      %swap3A_224 = vector.shape_cast %mul3A_219 : vector<16xf32> to vector<1x16xf32>
      tpu.vector_store %arg9[%swap3A_220, %swap3A_221], %swap3A_224 {strides = array<i32>} : memref<128x128xf32, #tpu.memory_space<vmem>>, vector<1x16xf32>,
      %get3A_225 = arith.index_cast %add3A_190 : i32 to index
      %get3A_226 = arith.constant 48 : index
      %get3A_227 = tpu.vector_load %arg9[%get3A_225, %get3A_226] {strides = array<i32>} : memref<128x128xf32, #tpu.memory_space<vmem>>, vector<1x16xf32>,
      %get3A_228 = vector.shape_cast %get3A_227 : vector<1x16xf32> to vector<16xf32>
      %mul3A_229 = arith.constant 11.3137083 : f32
      %mul3A_230 = vector.broadcast %mul3A_229 : f32 to vector<16xf32>
      %mul3A_231 = arith.mulf %get3A_228, %mul3A_230 : vector<16xf32>
      %swap3A_232 = arith.index_cast %add3A_190 : i32 to index
      %swap3A_233 = arith.constant 48 : index
      %swap3A_234 = tpu.vector_load %arg9[%swap3A_232, %swap3A_233] {strides = array<i32>} : memref<128x128xf32, #tpu.memory_space<vmem>>, vector<1x16xf32>,
      %swap3A_235 = vector.shape_cast %swap3A_234 : vector<1x16xf32> to vector<16xf32>
      %swap3A_236 = vector.shape_cast %mul3A_231 : vector<16xf32> to vector<1x16xf32>
      tpu.vector_store %arg9[%swap3A_232, %swap3A_233], %swap3A_236 {strides = array<i32>} : memref<128x128xf32, #tpu.memory_space<vmem>>, vector<1x16xf32>,
      %get3A_237 = arith.index_cast %add3A_190 : i32 to index
      %get3A_238 = arith.constant 64 : index
      %get3A_239 = tpu.vector_load %arg9[%get3A_237, %get3A_238] {strides = array<i32>} : memref<128x128xf32, #tpu.memory_space<vmem>>, vector<1x16xf32>,
      %get3A_240 = vector.shape_cast %get3A_239 : vector<1x16xf32> to vector<16xf32>
      %mul3A_241 = arith.constant 11.3137083 : f32
      %mul3A_242 = vector.broadcast %mul3A_241 : f32 to vector<16xf32>
      %mul3A_243 = arith.mulf %get3A_240, %mul3A_242 : vector<16xf32>
      %swap3A_244 = arith.index_cast %add3A_190 : i32 to index
      %swap3A_245 = arith.constant 64 : index
      %swap3A_246 = tpu.vector_load %arg9[%swap3A_244, %swap3A_245] {strides = array<i32>} : memref<128x128xf32, #tpu.memory_space<vmem>>, vector<1x16xf32>,
      %swap3A_247 = vector.shape_cast %swap3A_246 : vector<1x16xf32> to vector<16xf32>
      %swap3A_248 = vector.shape_cast %mul3A_243 : vector<16xf32> to vector<1x16xf32>
      tpu.vector_store %arg9[%swap3A_244, %swap3A_245], %swap3A_248 {strides = array<i32>} : memref<128x128xf32, #tpu.memory_space<vmem>>, vector<1x16xf32>,
      %get3A_249 = arith.index_cast %add3A_190 : i32 to index
      %get3A_250 = arith.constant 80 : index
      %get3A_251 = tpu.vector_load %arg9[%get3A_249, %get3A_250] {strides = array<i32>} : memref<128x128xf32, #tpu.memory_space<vmem>>, vector<1x16xf32>,
      %get3A_252 = vector.shape_cast %get3A_251 : vector<1x16xf32> to vector<16xf32>
      %mul3A_253 = arith.constant 11.3137083 : f32
      %mul3A_254 = vector.broadcast %mul3A_253 : f32 to vector<16xf32>
      %mul3A_255 = arith.mulf %get3A_252, %mul3A_254 : vector<16xf32>
      %swap3A_256 = arith.index_cast %add3A_190 : i32 to index
      %swap3A_257 = arith.constant 80 : index
      %swap3A_258 = tpu.vector_load %arg9[%swap3A_256, %swap3A_257] {strides = array<i32>} : memref<128x128xf32, #tpu.memory_space<vmem>>, vector<1x16xf32>,
      %swap3A_259 = vector.shape_cast %swap3A_258 : vector<1x16xf32> to vector<16xf32>
      %swap3A_260 = vector.shape_cast %mul3A_255 : vector<16xf32> to vector<1x16xf32>
      tpu.vector_store %arg9[%swap3A_256, %swap3A_257], %swap3A_260 {strides = array<i32>} : memref<128x128xf32, #tpu.memory_space<vmem>>, vector<1x16xf32>,
      %get3A_261 = arith.index_cast %add3A_190 : i32 to index
      %get3A_262 = arith.constant 96 : index
      %get3A_263 = tpu.vector_load %arg9[%get3A_261, %get3A_262] {strides = array<i32>} : memref<128x128xf32, #tpu.memory_space<vmem>>, vector<1x16xf32>,
      %get3A_264 = vector.shape_cast %get3A_263 : vector<1x16xf32> to vector<16xf32>
      %mul3A_265 = arith.constant 11.3137083 : f32
      %mul3A_266 = vector.broadcast %mul3A_265 : f32 to vector<16xf32>
      %mul3A_267 = arith.mulf %get3A_264, %mul3A_266 : vector<16xf32>
      %swap3A_268 = arith.index_cast %add3A_190 : i32 to index
      %swap3A_269 = arith.constant 96 : index
      %swap3A_270 = tpu.vector_load %arg9[%swap3A_268, %swap3A_269] {strides = array<i32>} : memref<128x128xf32, #tpu.memory_space<vmem>>, vector<1x16xf32>,
      %swap3A_271 = vector.shape_cast %swap3A_270 : vector<1x16xf32> to vector<16xf32>
      %swap3A_272 = vector.shape_cast %mul3A_267 : vector<16xf32> to vector<1x16xf32>
      tpu.vector_store %arg9[%swap3A_268, %swap3A_269], %swap3A_272 {strides = array<i32>} : memref<128x128xf32, #tpu.memory_space<vmem>>, vector<1x16xf32>,
      %get3A_273 = arith.index_cast %add3A_190 : i32 to index
      %get3A_274 = arith.constant 112 : index
      %get3A_275 = tpu.vector_load %arg9[%get3A_273, %get3A_274] {strides = array<i32>} : memref<128x128xf32, #tpu.memory_space<vmem>>, vector<1x16xf32>,
      %get3A_276 = vector.shape_cast %get3A_275 : vector<1x16xf32> to vector<16xf32>
      %mul3A_277 = arith.constant 11.3137083 : f32
      %mul3A_278 = vector.broadcast %mul3A_277 : f32 to vector<16xf32>
      %mul3A_279 = arith.mulf %get3A_276, %mul3A_278 : vector<16xf32>
      %swap3A_280 = arith.index_cast %add3A_190 : i32 to index
      %swap3A_281 = arith.constant 112 : index
      %swap3A_282 = tpu.vector_load %arg9[%swap3A_280, %swap3A_281] {strides = array<i32>} : memref<128x128xf32, #tpu.memory_space<vmem>>, vector<1x16xf32>,
      %swap3A_283 = vector.shape_cast %swap3A_282 : vector<1x16xf32> to vector<16xf32>
      %swap3A_284 = vector.shape_cast %mul3A_279 : vector<16xf32> to vector<1x16xf32>
      tpu.vector_store %arg9[%swap3A_280, %swap3A_281], %swap3A_284 {strides = array<i32>} : memref<128x128xf32, #tpu.memory_space<vmem>>, vector<1x16xf32>,
      %mul3A_285 = arith.constant 4 : i32
      %mul3A_286 = arith.muli %scan3A_186, %mul3A_285 : i32
      %add3A_287 = arith.constant 1 : i32
      %add3A_288 = arith.addi %mul3A_286, %add3A_287 : i32
      %get3A_289 = arith.index_cast %add3A_288 : i32 to index
      %get3A_290 = arith.constant 0 : index
      %get3A_291 = tpu.vector_load %arg9[%get3A_289, %get3A_290] {strides = array<i32>} : memref<128x128xf32, #tpu.memory_space<vmem>>, vector<1x16xf32>,
      %get3A_292 = vector.shape_cast %get3A_291 : vector<1x16xf32> to vector<16xf32>
      %mul3A_293 = arith.constant 11.3137083 : f32
      %mul3A_294 = vector.broadcast %mul3A_293 : f32 to vector<16xf32>
      %mul3A_295 = arith.mulf %get3A_292, %mul3A_294 : vector<16xf32>
      %swap3A_296 = arith.index_cast %add3A_288 : i32 to index
      %swap3A_297 = arith.constant 0 : index
      %swap3A_298 = tpu.vector_load %arg9[%swap3A_296, %swap3A_297] {strides = array<i32>} : memref<128x128xf32, #tpu.memory_space<vmem>>, vector<1x16xf32>,
      %swap3A_299 = vector.shape_cast %swap3A_298 : vector<1x16xf32> to vector<16xf32>
      %swap3A_300 = vector.shape_cast %mul3A_295 : vector<16xf32> to vector<1x16xf32>
      tpu.vector_store %arg9[%swap3A_296, %swap3A_297], %swap3A_300 {strides = array<i32>} : memref<128x128xf32, #tpu.memory_space<vmem>>, vector<1x16xf32>,
      %get3A_301 = arith.index_cast %add3A_288 : i32 to index
      %get3A_302 = arith.constant 16 : index
      %get3A_303 = tpu.vector_load %arg9[%get3A_301, %get3A_302] {strides = array<i32>} : memref<128x128xf32, #tpu.memory_space<vmem>>, vector<1x16xf32>,
      %get3A_304 = vector.shape_cast %get3A_303 : vector<1x16xf32> to vector<16xf32>
      %mul3A_305 = arith.constant 11.3137083 : f32
      %mul3A_306 = vector.broadcast %mul3A_305 : f32 to vector<16xf32>
      %mul3A_307 = arith.mulf %get3A_304, %mul3A_306 : vector<16xf32>
      %swap3A_308 = arith.index_cast %add3A_288 : i32 to index
      %swap3A_309 = arith.constant 16 : index
      %swap3A_310 = tpu.vector_load %arg9[%swap3A_308, %swap3A_309] {strides = array<i32>} : memref<128x128xf32, #tpu.memory_space<vmem>>, vector<1x16xf32>,
      %swap3A_311 = vector.shape_cast %swap3A_310 : vector<1x16xf32> to vector<16xf32>
      %swap3A_312 = vector.shape_cast %mul3A_307 : vector<16xf32> to vector<1x16xf32>
      tpu.vector_store %arg9[%swap3A_308, %swap3A_309], %swap3A_312 {strides = array<i32>} : memref<128x128xf32, #tpu.memory_space<vmem>>, vector<1x16xf32>,
      %get3A_313 = arith.index_cast %add3A_288 : i32 to index
      %get3A_314 = arith.constant 32 : index
      %get3A_315 = tpu.vector_load %arg9[%get3A_313, %get3A_314] {strides = array<i32>} : memref<128x128xf32, #tpu.memory_space<vmem>>, vector<1x16xf32>,
      %get3A_316 = vector.shape_cast %get3A_315 : vector<1x16xf32> to vector<16xf32>
      %mul3A_317 = arith.constant 11.3137083 : f32
      %mul3A_318 = vector.broadcast %mul3A_317 : f32 to vector<16xf32>
      %mul3A_319 = arith.mulf %get3A_316, %mul3A_318 : vector<16xf32>
      %swap3A_320 = arith.index_cast %add3A_288 : i32 to index
      %swap3A_321 = arith.constant 32 : index
      %swap3A_322 = tpu.vector_load %arg9[%swap3A_320, %swap3A_321] {strides = array<i32>} : memref<128x128xf32, #tpu.memory_space<vmem>>, vector<1x16xf32>,
      %swap3A_323 = vector.shape_cast %swap3A_322 : vector<1x16xf32> to vector<16xf32>
      %swap3A_324 = vector.shape_cast %mul3A_319 : vector<16xf32> to vector<1x16xf32>
      tpu.vector_store %arg9[%swap3A_320, %swap3A_321], %swap3A_324 {strides = array<i32>} : memref<128x128xf32, #tpu.memory_space<vmem>>, vector<1x16xf32>,
      %get3A_325 = arith.index_cast %add3A_288 : i32 to index
      %get3A_326 = arith.constant 48 : index
      %get3A_327 = tpu.vector_load %arg9[%get3A_325, %get3A_326] {strides = array<i32>} : memref<128x128xf32, #tpu.memory_space<vmem>>, vector<1x16xf32>,
      %get3A_328 = vector.shape_cast %get3A_327 : vector<1x16xf32> to vector<16xf32>
      %mul3A_329 = arith.constant 11.3137083 : f32
      %mul3A_330 = vector.broadcast %mul3A_329 : f32 to vector<16xf32>
      %mul3A_331 = arith.mulf %get3A_328, %mul3A_330 : vector<16xf32>
      %swap3A_332 = arith.index_cast %add3A_288 : i32 to index
      %swap3A_333 = arith.constant 48 : index
      %swap3A_334 = tpu.vector_load %arg9[%swap3A_332, %swap3A_333] {strides = array<i32>} : memref<128x128xf32, #tpu.memory_space<vmem>>, vector<1x16xf32>,
      %swap3A_335 = vector.shape_cast %swap3A_334 : vector<1x16xf32> to vector<16xf32>
      %swap3A_336 = vector.shape_cast %mul3A_331 : vector<16xf32> to vector<1x16xf32>
      tpu.vector_store %arg9[%swap3A_332, %swap3A_333], %swap3A_336 {strides = array<i32>} : memref<128x128xf32, #tpu.memory_space<vmem>>, vector<1x16xf32>,
      %get3A_337 = arith.index_cast %add3A_288 : i32 to index
      %get3A_338 = arith.constant 64 : index
      %get3A_339 = tpu.vector_load %arg9[%get3A_337, %get3A_338] {strides = array<i32>} : memref<128x128xf32, #tpu.memory_space<vmem>>, vector<1x16xf32>,
      %get3A_340 = vector.shape_cast %get3A_339 : vector<1x16xf32> to vector<16xf32>
      %mul3A_341 = arith.constant 11.3137083 : f32
      %mul3A_342 = vector.broadcast %mul3A_341 : f32 to vector<16xf32>
      %mul3A_343 = arith.mulf %get3A_340, %mul3A_342 : vector<16xf32>
      %swap3A_344 = arith.index_cast %add3A_288 : i32 to index
      %swap3A_345 = arith.constant 64 : index
      %swap3A_346 = tpu.vector_load %arg9[%swap3A_344, %swap3A_345] {strides = array<i32>} : memref<128x128xf32, #tpu.memory_space<vmem>>, vector<1x16xf32>,
      %swap3A_347 = vector.shape_cast %swap3A_346 : vector<1x16xf32> to vector<16xf32>
      %swap3A_348 = vector.shape_cast %mul3A_343 : vector<16xf32> to vector<1x16xf32>
      tpu.vector_store %arg9[%swap3A_344, %swap3A_345], %swap3A_348 {strides = array<i32>} : memref<128x128xf32, #tpu.memory_space<vmem>>, vector<1x16xf32>,
      %get3A_349 = arith.index_cast %add3A_288 : i32 to index
      %get3A_350 = arith.constant 80 : index
      %get3A_351 = tpu.vector_load %arg9[%get3A_349, %get3A_350] {strides = array<i32>} : memref<128x128xf32, #tpu.memory_space<vmem>>, vector<1x16xf32>,
      %get3A_352 = vector.shape_cast %get3A_351 : vector<1x16xf32> to vector<16xf32>
      %mul3A_353 = arith.constant 11.3137083 : f32
      %mul3A_354 = vector.broadcast %mul3A_353 : f32 to vector<16xf32>
      %mul3A_355 = arith.mulf %get3A_352, %mul3A_354 : vector<16xf32>
      %swap3A_356 = arith.index_cast %add3A_288 : i32 to index
      %swap3A_357 = arith.constant 80 : index
      %swap3A_358 = tpu.vector_load %arg9[%swap3A_356, %swap3A_357] {strides = array<i32>} : memref<128x128xf32, #tpu.memory_space<vmem>>, vector<1x16xf32>,
      %swap3A_359 = vector.shape_cast %swap3A_358 : vector<1x16xf32> to vector<16xf32>
      %swap3A_360 = vector.shape_cast %mul3A_355 : vector<16xf32> to vector<1x16xf32>
      tpu.vector_store %arg9[%swap3A_356, %swap3A_357], %swap3A_360 {strides = array<i32>} : memref<128x128xf32, #tpu.memory_space<vmem>>, vector<1x16xf32>,
      %get3A_361 = arith.index_cast %add3A_288 : i32 to index
      %get3A_362 = arith.constant 96 : index
      %get3A_363 = tpu.vector_load %arg9[%get3A_361, %get3A_362] {strides = array<i32>} : memref<128x128xf32, #tpu.memory_space<vmem>>, vector<1x16xf32>,
      %get3A_364 = vector.shape_cast %get3A_363 : vector<1x16xf32> to vector<16xf32>
      %mul3A_365 = arith.constant 11.3137083 : f32
      %mul3A_366 = vector.broadcast %mul3A_365 : f32 to vector<16xf32>
      %mul3A_367 = arith.mulf %get3A_364, %mul3A_366 : vector<16xf32>
      %swap3A_368 = arith.index_cast %add3A_288 : i32 to index
      %swap3A_369 = arith.constant 96 : index
      %swap3A_370 = tpu.vector_load %arg9[%swap3A_368, %swap3A_369] {strides = array<i32>} : memref<128x128xf32, #tpu.memory_space<vmem>>, vector<1x16xf32>,
      %swap3A_371 = vector.shape_cast %swap3A_370 : vector<1x16xf32> to vector<16xf32>
      %swap3A_372 = vector.shape_cast %mul3A_367 : vector<16xf32> to vector<1x16xf32>
      tpu.vector_store %arg9[%swap3A_368, %swap3A_369], %swap3A_372 {strides = array<i32>} : memref<128x128xf32, #tpu.memory_space<vmem>>, vector<1x16xf32>,
      %get3A_373 = arith.index_cast %add3A_288 : i32 to index
      %get3A_374 = arith.constant 112 : index
      %get3A_375 = tpu.vector_load %arg9[%get3A_373, %get3A_374] {strides = array<i32>} : memref<128x128xf32, #tpu.memory_space<vmem>>, vector<1x16xf32>,
      %get3A_376 = vector.shape_cast %get3A_375 : vector<1x16xf32> to vector<16xf32>
      %mul3A_377 = arith.constant 11.3137083 : f32
      %mul3A_378 = vector.broadcast %mul3A_377 : f32 to vector<16xf32>
      %mul3A_379 = arith.mulf %get3A_376, %mul3A_378 : vector<16xf32>
      %swap3A_380 = arith.index_cast %add3A_288 : i32 to index
      %swap3A_381 = arith.constant 112 : index
      %swap3A_382 = tpu.vector_load %arg9[%swap3A_380, %swap3A_381] {strides = array<i32>} : memref<128x128xf32, #tpu.memory_space<vmem>>, vector<1x16xf32>,
      %swap3A_383 = vector.shape_cast %swap3A_382 : vector<1x16xf32> to vector<16xf32>
      %swap3A_384 = vector.shape_cast %mul3A_379 : vector<16xf32> to vector<1x16xf32>
      tpu.vector_store %arg9[%swap3A_380, %swap3A_381], %swap3A_384 {strides = array<i32>} : memref<128x128xf32, #tpu.memory_space<vmem>>, vector<1x16xf32>,
      %mul3A_385 = arith.constant 4 : i32
      %mul3A_386 = arith.muli %scan3A_186, %mul3A_385 : i32
      %add3A_387 = arith.constant 2 : i32
      %add3A_388 = arith.addi %mul3A_386, %add3A_387 : i32
      %get3A_389 = arith.index_cast %add3A_388 : i32 to index
      %get3A_390 = arith.constant 0 : index
      %get3A_391 = tpu.vector_load %arg9[%get3A_389, %get3A_390] {strides = array<i32>} : memref<128x128xf32, #tpu.memory_space<vmem>>, vector<1x16xf32>,
      %get3A_392 = vector.shape_cast %get3A_391 : vector<1x16xf32> to vector<16xf32>
      %mul3A_393 = arith.constant 11.3137083 : f32
      %mul3A_394 = vector.broadcast %mul3A_393 : f32 to vector<16xf32>
      %mul3A_395 = arith.mulf %get3A_392, %mul3A_394 : vector<16xf32>
      %swap3A_396 = arith.index_cast %add3A_388 : i32 to index
      %swap3A_397 = arith.constant 0 : index
      %swap3A_398 = tpu.vector_load %arg9[%swap3A_396, %swap3A_397] {strides = array<i32>} : memref<128x128xf32, #tpu.memory_space<vmem>>, vector<1x16xf32>,
      %swap3A_399 = vector.shape_cast %swap3A_398 : vector<1x16xf32> to vector<16xf32>
      %swap3A_400 = vector.shape_cast %mul3A_395 : vector<16xf32> to vector<1x16xf32>
      tpu.vector_store %arg9[%swap3A_396, %swap3A_397], %swap3A_400 {strides = array<i32>} : memref<128x128xf32, #tpu.memory_space<vmem>>, vector<1x16xf32>,
      %get3A_401 = arith.index_cast %add3A_388 : i32 to index
      %get3A_402 = arith.constant 16 : index
      %get3A_403 = tpu.vector_load %arg9[%get3A_401, %get3A_402] {strides = array<i32>} : memref<128x128xf32, #tpu.memory_space<vmem>>, vector<1x16xf32>,
      %get3A_404 = vector.shape_cast %get3A_403 : vector<1x16xf32> to vector<16xf32>
      %mul3A_405 = arith.constant 11.3137083 : f32
      %mul3A_406 = vector.broadcast %mul3A_405 : f32 to vector<16xf32>
      %mul3A_407 = arith.mulf %get3A_404, %mul3A_406 : vector<16xf32>
      %swap3A_408 = arith.index_cast %add3A_388 : i32 to index
      %swap3A_409 = arith.constant 16 : index
      %swap3A_410 = tpu.vector_load %arg9[%swap3A_408, %swap3A_409] {strides = array<i32>} : memref<128x128xf32, #tpu.memory_space<vmem>>, vector<1x16xf32>,
      %swap3A_411 = vector.shape_cast %swap3A_410 : vector<1x16xf32> to vector<16xf32>
      %swap3A_412 = vector.shape_cast %mul3A_407 : vector<16xf32> to vector<1x16xf32>
      tpu.vector_store %arg9[%swap3A_408, %swap3A_409], %swap3A_412 {strides = array<i32>} : memref<128x128xf32, #tpu.memory_space<vmem>>, vector<1x16xf32>,
      %get3A_413 = arith.index_cast %add3A_388 : i32 to index
      %get3A_414 = arith.constant 32 : index
      %get3A_415 = tpu.vector_load %arg9[%get3A_413, %get3A_414] {strides = array<i32>} : memref<128x128xf32, #tpu.memory_space<vmem>>, vector<1x16xf32>,
      %get3A_416 = vector.shape_cast %get3A_415 : vector<1x16xf32> to vector<16xf32>
      %mul3A_417 = arith.constant 11.3137083 : f32
      %mul3A_418 = vector.broadcast %mul3A_417 : f32 to vector<16xf32>
      %mul3A_419 = arith.mulf %get3A_416, %mul3A_418 : vector<16xf32>
      %swap3A_420 = arith.index_cast %add3A_388 : i32 to index
      %swap3A_421 = arith.constant 32 : index
      %swap3A_422 = tpu.vector_load %arg9[%swap3A_420, %swap3A_421] {strides = array<i32>} : memref<128x128xf32, #tpu.memory_space<vmem>>, vector<1x16xf32>,
      %swap3A_423 = vector.shape_cast %swap3A_422 : vector<1x16xf32> to vector<16xf32>
      %swap3A_424 = vector.shape_cast %mul3A_419 : vector<16xf32> to vector<1x16xf32>
      tpu.vector_store %arg9[%swap3A_420, %swap3A_421], %swap3A_424 {strides = array<i32>} : memref<128x128xf32, #tpu.memory_space<vmem>>, vector<1x16xf32>,
      %get3A_425 = arith.index_cast %add3A_388 : i32 to index
      %get3A_426 = arith.constant 48 : index
      %get3A_427 = tpu.vector_load %arg9[%get3A_425, %get3A_426] {strides = array<i32>} : memref<128x128xf32, #tpu.memory_space<vmem>>, vector<1x16xf32>,
      %get3A_428 = vector.shape_cast %get3A_427 : vector<1x16xf32> to vector<16xf32>
      %mul3A_429 = arith.constant 11.3137083 : f32
      %mul3A_430 = vector.broadcast %mul3A_429 : f32 to vector<16xf32>
      %mul3A_431 = arith.mulf %get3A_428, %mul3A_430 : vector<16xf32>
      %swap3A_432 = arith.index_cast %add3A_388 : i32 to index
      %swap3A_433 = arith.constant 48 : index
      %swap3A_434 = tpu.vector_load %arg9[%swap3A_432, %swap3A_433] {strides = array<i32>} : memref<128x128xf32, #tpu.memory_space<vmem>>, vector<1x16xf32>,
      %swap3A_435 = vector.shape_cast %swap3A_434 : vector<1x16xf32> to vector<16xf32>
      %swap3A_436 = vector.shape_cast %mul3A_431 : vector<16xf32> to vector<1x16xf32>
      tpu.vector_store %arg9[%swap3A_432, %swap3A_433], %swap3A_436 {strides = array<i32>} : memref<128x128xf32, #tpu.memory_space<vmem>>, vector<1x16xf32>,
      %get3A_437 = arith.index_cast %add3A_388 : i32 to index
      %get3A_438 = arith.constant 64 : index
      %get3A_439 = tpu.vector_load %arg9[%get3A_437, %get3A_438] {strides = array<i32>} : memref<128x128xf32, #tpu.memory_space<vmem>>, vector<1x16xf32>,
      %get3A_440 = vector.shape_cast %get3A_439 : vector<1x16xf32> to vector<16xf32>
      %mul3A_441 = arith.constant 11.3137083 : f32
      %mul3A_442 = vector.broadcast %mul3A_441 : f32 to vector<16xf32>
      %mul3A_443 = arith.mulf %get3A_440, %mul3A_442 : vector<16xf32>
      %swap3A_444 = arith.index_cast %add3A_388 : i32 to index
      %swap3A_445 = arith.constant 64 : index
      %swap3A_446 = tpu.vector_load %arg9[%swap3A_444, %swap3A_445] {strides = array<i32>} : memref<128x128xf32, #tpu.memory_space<vmem>>, vector<1x16xf32>,
      %swap3A_447 = vector.shape_cast %swap3A_446 : vector<1x16xf32> to vector<16xf32>
      %swap3A_448 = vector.shape_cast %mul3A_443 : vector<16xf32> to vector<1x16xf32>
      tpu.vector_store %arg9[%swap3A_444, %swap3A_445], %swap3A_448 {strides = array<i32>} : memref<128x128xf32, #tpu.memory_space<vmem>>, vector<1x16xf32>,
      %get3A_449 = arith.index_cast %add3A_388 : i32 to index
      %get3A_450 = arith.constant 80 : index
      %get3A_451 = tpu.vector_load %arg9[%get3A_449, %get3A_450] {strides = array<i32>} : memref<128x128xf32, #tpu.memory_space<vmem>>, vector<1x16xf32>,
      %get3A_452 = vector.shape_cast %get3A_451 : vector<1x16xf32> to vector<16xf32>
      %mul3A_453 = arith.constant 11.3137083 : f32
      %mul3A_454 = vector.broadcast %mul3A_453 : f32 to vector<16xf32>
      %mul3A_455 = arith.mulf %get3A_452, %mul3A_454 : vector<16xf32>
      %swap3A_456 = arith.index_cast %add3A_388 : i32 to index
      %swap3A_457 = arith.constant 80 : index
      %swap3A_458 = tpu.vector_load %arg9[%swap3A_456, %swap3A_457] {strides = array<i32>} : memref<128x128xf32, #tpu.memory_space<vmem>>, vector<1x16xf32>,
      %swap3A_459 = vector.shape_cast %swap3A_458 : vector<1x16xf32> to vector<16xf32>
      %swap3A_460 = vector.shape_cast %mul3A_455 : vector<16xf32> to vector<1x16xf32>
      tpu.vector_store %arg9[%swap3A_456, %swap3A_457], %swap3A_460 {strides = array<i32>} : memref<128x128xf32, #tpu.memory_space<vmem>>, vector<1x16xf32>,
      %get3A_461 = arith.index_cast %add3A_388 : i32 to index
      %get3A_462 = arith.constant 96 : index
      %get3A_463 = tpu.vector_load %arg9[%get3A_461, %get3A_462] {strides = array<i32>} : memref<128x128xf32, #tpu.memory_space<vmem>>, vector<1x16xf32>,
      %get3A_464 = vector.shape_cast %get3A_463 : vector<1x16xf32> to vector<16xf32>
      %mul3A_465 = arith.constant 11.3137083 : f32
      %mul3A_466 = vector.broadcast %mul3A_465 : f32 to vector<16xf32>
      %mul3A_467 = arith.mulf %get3A_464, %mul3A_466 : vector<16xf32>
      %swap3A_468 = arith.index_cast %add3A_388 : i32 to index
      %swap3A_469 = arith.constant 96 : index
      %swap3A_470 = tpu.vector_load %arg9[%swap3A_468, %swap3A_469] {strides = array<i32>} : memref<128x128xf32, #tpu.memory_space<vmem>>, vector<1x16xf32>,
      %swap3A_471 = vector.shape_cast %swap3A_470 : vector<1x16xf32> to vector<16xf32>
      %swap3A_472 = vector.shape_cast %mul3A_467 : vector<16xf32> to vector<1x16xf32>
      tpu.vector_store %arg9[%swap3A_468, %swap3A_469], %swap3A_472 {strides = array<i32>} : memref<128x128xf32, #tpu.memory_space<vmem>>, vector<1x16xf32>,
      %get3A_473 = arith.index_cast %add3A_388 : i32 to index
      %get3A_474 = arith.constant 112 : index
      %get3A_475 = tpu.vector_load %arg9[%get3A_473, %get3A_474] {strides = array<i32>} : memref<128x128xf32, #tpu.memory_space<vmem>>, vector<1x16xf32>,
      %get3A_476 = vector.shape_cast %get3A_475 : vector<1x16xf32> to vector<16xf32>
      %mul3A_477 = arith.constant 11.3137083 : f32
      %mul3A_478 = vector.broadcast %mul3A_477 : f32 to vector<16xf32>
      %mul3A_479 = arith.mulf %get3A_476, %mul3A_478 : vector<16xf32>
      %swap3A_480 = arith.index_cast %add3A_388 : i32 to index
      %swap3A_481 = arith.constant 112 : index
      %swap3A_482 = tpu.vector_load %arg9[%swap3A_480, %swap3A_481] {strides = array<i32>} : memref<128x128xf32, #tpu.memory_space<vmem>>, vector<1x16xf32>,
      %swap3A_483 = vector.shape_cast %swap3A_482 : vector<1x16xf32> to vector<16xf32>
      %swap3A_484 = vector.shape_cast %mul3A_479 : vector<16xf32> to vector<1x16xf32>
      tpu.vector_store %arg9[%swap3A_480, %swap3A_481], %swap3A_484 {strides = array<i32>} : memref<128x128xf32, #tpu.memory_space<vmem>>, vector<1x16xf32>,
      %mul3A_485 = arith.constant 4 : i32
      %mul3A_486 = arith.muli %scan3A_186, %mul3A_485 : i32
      %add3A_487 = arith.constant 3 : i32
      %add3A_488 = arith.addi %mul3A_486, %add3A_487 : i32
      %get3A_489 = arith.index_cast %add3A_488 : i32 to index
      %get3A_490 = arith.constant 0 : index
      %get3A_491 = tpu.vector_load %arg9[%get3A_489, %get3A_490] {strides = array<i32>} : memref<128x128xf32, #tpu.memory_space<vmem>>, vector<1x16xf32>,
      %get3A_492 = vector.shape_cast %get3A_491 : vector<1x16xf32> to vector<16xf32>
      %mul3A_493 = arith.constant 11.3137083 : f32
      %mul3A_494 = vector.broadcast %mul3A_493 : f32 to vector<16xf32>
      %mul3A_495 = arith.mulf %get3A_492, %mul3A_494 : vector<16xf32>
      %swap3A_496 = arith.index_cast %add3A_488 : i32 to index
      %swap3A_497 = arith.constant 0 : index
      %swap3A_498 = tpu.vector_load %arg9[%swap3A_496, %swap3A_497] {strides = array<i32>} : memref<128x128xf32, #tpu.memory_space<vmem>>, vector<1x16xf32>,
      %swap3A_499 = vector.shape_cast %swap3A_498 : vector<1x16xf32> to vector<16xf32>
      %swap3A_500 = vector.shape_cast %mul3A_495 : vector<16xf32> to vector<1x16xf32>
      tpu.vector_store %arg9[%swap3A_496, %swap3A_497], %swap3A_500 {strides = array<i32>} : memref<128x128xf32, #tpu.memory_space<vmem>>, vector<1x16xf32>,
      %get3A_501 = arith.index_cast %add3A_488 : i32 to index
      %get3A_502 = arith.constant 16 : index
      %get3A_503 = tpu.vector_load %arg9[%get3A_501, %get3A_502] {strides = array<i32>} : memref<128x128xf32, #tpu.memory_space<vmem>>, vector<1x16xf32>,
      %get3A_504 = vector.shape_cast %get3A_503 : vector<1x16xf32> to vector<16xf32>
      %mul3A_505 = arith.constant 11.3137083 : f32
      %mul3A_506 = vector.broadcast %mul3A_505 : f32 to vector<16xf32>
      %mul3A_507 = arith.mulf %get3A_504, %mul3A_506 : vector<16xf32>
      %swap3A_508 = arith.index_cast %add3A_488 : i32 to index
      %swap3A_509 = arith.constant 16 : index
      %swap3A_510 = tpu.vector_load %arg9[%swap3A_508, %swap3A_509] {strides = array<i32>} : memref<128x128xf32, #tpu.memory_space<vmem>>, vector<1x16xf32>,
      %swap3A_511 = vector.shape_cast %swap3A_510 : vector<1x16xf32> to vector<16xf32>
      %swap3A_512 = vector.shape_cast %mul3A_507 : vector<16xf32> to vector<1x16xf32>
      tpu.vector_store %arg9[%swap3A_508, %swap3A_509], %swap3A_512 {strides = array<i32>} : memref<128x128xf32, #tpu.memory_space<vmem>>, vector<1x16xf32>,
      %get3A_513 = arith.index_cast %add3A_488 : i32 to index
      %get3A_514 = arith.constant 32 : index
      %get3A_515 = tpu.vector_load %arg9[%get3A_513, %get3A_514] {strides = array<i32>} : memref<128x128xf32, #tpu.memory_space<vmem>>, vector<1x16xf32>,
      %get3A_516 = vector.shape_cast %get3A_515 : vector<1x16xf32> to vector<16xf32>
      %mul3A_517 = arith.constant 11.3137083 : f32
      %mul3A_518 = vector.broadcast %mul3A_517 : f32 to vector<16xf32>
      %mul3A_519 = arith.mulf %get3A_516, %mul3A_518 : vector<16xf32>
      %swap3A_520 = arith.index_cast %add3A_488 : i32 to index
      %swap3A_521 = arith.constant 32 : index
      %swap3A_522 = tpu.vector_load %arg9[%swap3A_520, %swap3A_521] {strides = array<i32>} : memref<128x128xf32, #tpu.memory_space<vmem>>, vector<1x16xf32>,
      %swap3A_523 = vector.shape_cast %swap3A_522 : vector<1x16xf32> to vector<16xf32>
      %swap3A_524 = vector.shape_cast %mul3A_519 : vector<16xf32> to vector<1x16xf32>
      tpu.vector_store %arg9[%swap3A_520, %swap3A_521], %swap3A_524 {strides = array<i32>} : memref<128x128xf32, #tpu.memory_space<vmem>>, vector<1x16xf32>,
      %get3A_525 = arith.index_cast %add3A_488 : i32 to index
      %get3A_526 = arith.constant 48 : index
      %get3A_527 = tpu.vector_load %arg9[%get3A_525, %get3A_526] {strides = array<i32>} : memref<128x128xf32, #tpu.memory_space<vmem>>, vector<1x16xf32>,
      %get3A_528 = vector.shape_cast %get3A_527 : vector<1x16xf32> to vector<16xf32>
      %mul3A_529 = arith.constant 11.3137083 : f32
      %mul3A_530 = vector.broadcast %mul3A_529 : f32 to vector<16xf32>
      %mul3A_531 = arith.mulf %get3A_528, %mul3A_530 : vector<16xf32>
      %swap3A_532 = arith.index_cast %add3A_488 : i32 to index
      %swap3A_533 = arith.constant 48 : index
      %swap3A_534 = tpu.vector_load %arg9[%swap3A_532, %swap3A_533] {strides = array<i32>} : memref<128x128xf32, #tpu.memory_space<vmem>>, vector<1x16xf32>,
      %swap3A_535 = vector.shape_cast %swap3A_534 : vector<1x16xf32> to vector<16xf32>
      %swap3A_536 = vector.shape_cast %mul3A_531 : vector<16xf32> to vector<1x16xf32>
      tpu.vector_store %arg9[%swap3A_532, %swap3A_533], %swap3A_536 {strides = array<i32>} : memref<128x128xf32, #tpu.memory_space<vmem>>, vector<1x16xf32>,
      %get3A_537 = arith.index_cast %add3A_488 : i32 to index
      %get3A_538 = arith.constant 64 : index
      %get3A_539 = tpu.vector_load %arg9[%get3A_537, %get3A_538] {strides = array<i32>} : memref<128x128xf32, #tpu.memory_space<vmem>>, vector<1x16xf32>,
      %get3A_540 = vector.shape_cast %get3A_539 : vector<1x16xf32> to vector<16xf32>
      %mul3A_541 = arith.constant 11.3137083 : f32
      %mul3A_542 = vector.broadcast %mul3A_541 : f32 to vector<16xf32>
      %mul3A_543 = arith.mulf %get3A_540, %mul3A_542 : vector<16xf32>
      %swap3A_544 = arith.index_cast %add3A_488 : i32 to index
      %swap3A_545 = arith.constant 64 : index
      %swap3A_546 = tpu.vector_load %arg9[%swap3A_544, %swap3A_545] {strides = array<i32>} : memref<128x128xf32, #tpu.memory_space<vmem>>, vector<1x16xf32>,
      %swap3A_547 = vector.shape_cast %swap3A_546 : vector<1x16xf32> to vector<16xf32>
      %swap3A_548 = vector.shape_cast %mul3A_543 : vector<16xf32> to vector<1x16xf32>
      tpu.vector_store %arg9[%swap3A_544, %swap3A_545], %swap3A_548 {strides = array<i32>} : memref<128x128xf32, #tpu.memory_space<vmem>>, vector<1x16xf32>,
      %get3A_549 = arith.index_cast %add3A_488 : i32 to index
      %get3A_550 = arith.constant 80 : index
      %get3A_551 = tpu.vector_load %arg9[%get3A_549, %get3A_550] {strides = array<i32>} : memref<128x128xf32, #tpu.memory_space<vmem>>, vector<1x16xf32>,
      %get3A_552 = vector.shape_cast %get3A_551 : vector<1x16xf32> to vector<16xf32>
      %mul3A_553 = arith.constant 11.3137083 : f32
      %mul3A_554 = vector.broadcast %mul3A_553 : f32 to vector<16xf32>
      %mul3A_555 = arith.mulf %get3A_552, %mul3A_554 : vector<16xf32>
      %swap3A_556 = arith.index_cast %add3A_488 : i32 to index
      %swap3A_557 = arith.constant 80 : index
      %swap3A_558 = tpu.vector_load %arg9[%swap3A_556, %swap3A_557] {strides = array<i32>} : memref<128x128xf32, #tpu.memory_space<vmem>>, vector<1x16xf32>,
      %swap3A_559 = vector.shape_cast %swap3A_558 : vector<1x16xf32> to vector<16xf32>
      %swap3A_560 = vector.shape_cast %mul3A_555 : vector<16xf32> to vector<1x16xf32>
      tpu.vector_store %arg9[%swap3A_556, %swap3A_557], %swap3A_560 {strides = array<i32>} : memref<128x128xf32, #tpu.memory_space<vmem>>, vector<1x16xf32>,
      %get3A_561 = arith.index_cast %add3A_488 : i32 to index
      %get3A_562 = arith.constant 96 : index
      %get3A_563 = tpu.vector_load %arg9[%get3A_561, %get3A_562] {strides = array<i32>} : memref<128x128xf32, #tpu.memory_space<vmem>>, vector<1x16xf32>,
      %get3A_564 = vector.shape_cast %get3A_563 : vector<1x16xf32> to vector<16xf32>
      %mul3A_565 = arith.constant 11.3137083 : f32
      %mul3A_566 = vector.broadcast %mul3A_565 : f32 to vector<16xf32>
      %mul3A_567 = arith.mulf %get3A_564, %mul3A_566 : vector<16xf32>
      %swap3A_568 = arith.index_cast %add3A_488 : i32 to index
      %swap3A_569 = arith.constant 96 : index
      %swap3A_570 = tpu.vector_load %arg9[%swap3A_568, %swap3A_569] {strides = array<i32>} : memref<128x128xf32, #tpu.memory_space<vmem>>, vector<1x16xf32>,
      %swap3A_571 = vector.shape_cast %swap3A_570 : vector<1x16xf32> to vector<16xf32>
      %swap3A_572 = vector.shape_cast %mul3A_567 : vector<16xf32> to vector<1x16xf32>
      tpu.vector_store %arg9[%swap3A_568, %swap3A_569], %swap3A_572 {strides = array<i32>} : memref<128x128xf32, #tpu.memory_space<vmem>>, vector<1x16xf32>,
      %get3A_573 = arith.index_cast %add3A_488 : i32 to index
      %get3A_574 = arith.constant 112 : index
      %get3A_575 = tpu.vector_load %arg9[%get3A_573, %get3A_574] {strides = array<i32>} : memref<128x128xf32, #tpu.memory_space<vmem>>, vector<1x16xf32>,
      %get3A_576 = vector.shape_cast %get3A_575 : vector<1x16xf32> to vector<16xf32>
      %mul3A_577 = arith.constant 11.3137083 : f32
      %mul3A_578 = vector.broadcast %mul3A_577 : f32 to vector<16xf32>
      %mul3A_579 = arith.mulf %get3A_576, %mul3A_578 : vector<16xf32>
      %swap3A_580 = arith.index_cast %add3A_488 : i32 to index
      %swap3A_581 = arith.constant 112 : index
      %swap3A_582 = tpu.vector_load %arg9[%swap3A_580, %swap3A_581] {strides = array<i32>} : memref<128x128xf32, #tpu.memory_space<vmem>>, vector<1x16xf32>,
      %swap3A_583 = vector.shape_cast %swap3A_582 : vector<1x16xf32> to vector<16xf32>
      %swap3A_584 = vector.shape_cast %mul3A_579 : vector<16xf32> to vector<1x16xf32>
      tpu.vector_store %arg9[%swap3A_580, %swap3A_581], %swap3A_584 {strides = array<i32>} : memref<128x128xf32, #tpu.memory_space<vmem>>, vector<1x16xf32>,
    }
    %scan3A_116 = arith.constant 32 : i32
    %add3A_117 = arith.constant 48 : i32
    %add3A_118 = arith.addi %mul3A_2, %add3A_117 : i32
    %mul3A_119 = arith.constant 128 : i32
    %mul3A_120 = arith.muli %add3A_118, %mul3A_119 : i32
    %dma_start3A_121 = arith.constant 0 : i32
    %dma_start3A_122 = tpu.memref_slice %arg4[%mul3A_120, %dma_start3A_121] : memref<204800x128xf32, #tpu.memory_space<hbm>> -> memref<128x128xf32, #tpu.memory_space<hbm>>
    %dma_start3A_123 = arith.constant 0 : i32
    %dma_start3A_124 = tpu.memref_slice %arg4[%mul3A_120, %dma_start3A_123] : memref<204800x128xf32, #tpu.memory_space<hbm>> -> memref<128x128xf32, #tpu.memory_space<hbm>>
    tpu.enqueue_dma source(%arg9 : memref<128x128xf32, #tpu.memory_space<vmem>>) target(%dma_start3A_124 : memref<128x128xf32, #tpu.memory_space<hbm>>) target_semaphore(%arg19 : memref<!tpu.dma_semaphore, #tpu.memory_space<semaphore_mem>>)
    %dma_wait3A_125 = arith.constant 49 : i32
    %dma_wait3A_126 = arith.constant 0 : i32
    %dma_wait3A_127 = tpu.memref_slice %arg5[%dma_wait3A_125, %dma_wait3A_126] : memref<50x128xi32, #tpu.memory_space<vmem>> -> memref<1x128xi32, #tpu.memory_space<vmem>>
    %dma_wait3A_128 = tpu.memref_squeeze %dma_wait3A_127 : memref<1x128xi32, #tpu.memory_space<vmem>> -> memref<128xi32, #tpu.memory_space<vmem>>
    %dma_wait3A_129 = arith.constant 0 : i32
    %dma_wait3A_130 = arith.constant 0 : i32
    %dma_wait3A_131 = tpu.memref_slice %arg3[%dma_wait3A_129, %dma_wait3A_130] : memref<100000x128xf32, #tpu.memory_space<hbm>> -> memref<100000x128xf32, #tpu.memory_space<hbm>>
    tpu.wait_indirect_dma semaphore(%arg15 : memref<!tpu.dma_semaphore, #tpu.memory_space<semaphore_mem>>) src(%dma_wait3A_131 : memref<100000x128xf32, #tpu.memory_space<hbm>>) dst(%arg10 : memref<128x128xf32, #tpu.memory_space<vmem>>)
    %scan3A_132 = arith.constant 0 : i32
    %scan3A_133 = arith.constant 0 : i32
    %scan3A_134 = arith.constant 32 : i32
    %scan3A_135 = arith.addi %scan3A_133, %scan3A_134 : i32
    %scan3A_136 = arith.constant 1 : i32
    scf.for %scan3A_186 = %scan3A_133 to %scan3A_135 step %scan3A_136  : i32 {
      %mul3A_187 = arith.constant 4 : i32
      %mul3A_188 = arith.muli %scan3A_186, %mul3A_187 : i32
      %add3A_189 = arith.constant 0 : i32
      %add3A_190 = arith.addi %mul3A_188, %add3A_189 : i32
      %get3A = arith.index_cast %add3A_190 : i32 to index
      %get3A_191 = arith.constant 0 : index
      %get3A_192 = tpu.vector_load %arg10[%get3A, %get3A_191] {strides = array<i32>} : memref<128x128xf32, #tpu.memory_space<vmem>>, vector<1x16xf32>,
      %get3A_193 = vector.shape_cast %get3A_192 : vector<1x16xf32> to vector<16xf32>
      %mul3A_194 = arith.constant 11.3137083 : f32
      %mul3A_195 = vector.broadcast %mul3A_194 : f32 to vector<16xf32>
      %mul3A_196 = arith.mulf %get3A_193, %mul3A_195 : vector<16xf32>
      %swap3A = arith.index_cast %add3A_190 : i32 to index
      %swap3A_197 = arith.constant 0 : index
      %swap3A_198 = tpu.vector_load %arg10[%swap3A, %swap3A_197] {strides = array<i32>} : memref<128x128xf32, #tpu.memory_space<vmem>>, vector<1x16xf32>,
      %swap3A_199 = vector.shape_cast %swap3A_198 : vector<1x16xf32> to vector<16xf32>
      %swap3A_200 = vector.shape_cast %mul3A_196 : vector<16xf32> to vector<1x16xf32>
      tpu.vector_store %arg10[%swap3A, %swap3A_197], %swap3A_200 {strides = array<i32>} : memref<128x128xf32, #tpu.memory_space<vmem>>, vector<1x16xf32>,
      %get3A_201 = arith.index_cast %add3A_190 : i32 to index
      %get3A_202 = arith.constant 16 : index
      %get3A_203 = tpu.vector_load %arg10[%get3A_201, %get3A_202] {strides = array<i32>} : memref<128x128xf32, #tpu.memory_space<vmem>>, vector<1x16xf32>,
      %get3A_204 = vector.shape_cast %get3A_203 : vector<1x16xf32> to vector<16xf32>
      %mul3A_205 = arith.constant 11.3137083 : f32
      %mul3A_206 = vector.broadcast %mul3A_205 : f32 to vector<16xf32>
      %mul3A_207 = arith.mulf %get3A_204, %mul3A_206 : vector<16xf32>
      %swap3A_208 = arith.index_cast %add3A_190 : i32 to index
      %swap3A_209 = arith.constant 16 : index
      %swap3A_210 = tpu.vector_load %arg10[%swap3A_208, %swap3A_209] {strides = array<i32>} : memref<128x128xf32, #tpu.memory_space<vmem>>, vector<1x16xf32>,
      %swap3A_211 = vector.shape_cast %swap3A_210 : vector<1x16xf32> to vector<16xf32>
      %swap3A_212 = vector.shape_cast %mul3A_207 : vector<16xf32> to vector<1x16xf32>
      tpu.vector_store %arg10[%swap3A_208, %swap3A_209], %swap3A_212 {strides = array<i32>} : memref<128x128xf32, #tpu.memory_space<vmem>>, vector<1x16xf32>,
      %get3A_213 = arith.index_cast %add3A_190 : i32 to index
      %get3A_214 = arith.constant 32 : index
      %get3A_215 = tpu.vector_load %arg10[%get3A_213, %get3A_214] {strides = array<i32>} : memref<128x128xf32, #tpu.memory_space<vmem>>, vector<1x16xf32>,
      %get3A_216 = vector.shape_cast %get3A_215 : vector<1x16xf32> to vector<16xf32>
      %mul3A_217 = arith.constant 11.3137083 : f32
      %mul3A_218 = vector.broadcast %mul3A_217 : f32 to vector<16xf32>
      %mul3A_219 = arith.mulf %get3A_216, %mul3A_218 : vector<16xf32>
      %swap3A_220 = arith.index_cast %add3A_190 : i32 to index
      %swap3A_221 = arith.constant 32 : index
      %swap3A_222 = tpu.vector_load %arg10[%swap3A_220, %swap3A_221] {strides = array<i32>} : memref<128x128xf32, #tpu.memory_space<vmem>>, vector<1x16xf32>,
      %swap3A_223 = vector.shape_cast %swap3A_222 : vector<1x16xf32> to vector<16xf32>
      %swap3A_224 = vector.shape_cast %mul3A_219 : vector<16xf32> to vector<1x16xf32>
      tpu.vector_store %arg10[%swap3A_220, %swap3A_221], %swap3A_224 {strides = array<i32>} : memref<128x128xf32, #tpu.memory_space<vmem>>, vector<1x16xf32>,
      %get3A_225 = arith.index_cast %add3A_190 : i32 to index
      %get3A_226 = arith.constant 48 : index
      %get3A_227 = tpu.vector_load %arg10[%get3A_225, %get3A_226] {strides = array<i32>} : memref<128x128xf32, #tpu.memory_space<vmem>>, vector<1x16xf32>,
      %get3A_228 = vector.shape_cast %get3A_227 : vector<1x16xf32> to vector<16xf32>
      %mul3A_229 = arith.constant 11.3137083 : f32
      %mul3A_230 = vector.broadcast %mul3A_229 : f32 to vector<16xf32>
      %mul3A_231 = arith.mulf %get3A_228, %mul3A_230 : vector<16xf32>
      %swap3A_232 = arith.index_cast %add3A_190 : i32 to index
      %swap3A_233 = arith.constant 48 : index
      %swap3A_234 = tpu.vector_load %arg10[%swap3A_232, %swap3A_233] {strides = array<i32>} : memref<128x128xf32, #tpu.memory_space<vmem>>, vector<1x16xf32>,
      %swap3A_235 = vector.shape_cast %swap3A_234 : vector<1x16xf32> to vector<16xf32>
      %swap3A_236 = vector.shape_cast %mul3A_231 : vector<16xf32> to vector<1x16xf32>
      tpu.vector_store %arg10[%swap3A_232, %swap3A_233], %swap3A_236 {strides = array<i32>} : memref<128x128xf32, #tpu.memory_space<vmem>>, vector<1x16xf32>,
      %get3A_237 = arith.index_cast %add3A_190 : i32 to index
      %get3A_238 = arith.constant 64 : index
      %get3A_239 = tpu.vector_load %arg10[%get3A_237, %get3A_238] {strides = array<i32>} : memref<128x128xf32, #tpu.memory_space<vmem>>, vector<1x16xf32>,
      %get3A_240 = vector.shape_cast %get3A_239 : vector<1x16xf32> to vector<16xf32>
      %mul3A_241 = arith.constant 11.3137083 : f32
      %mul3A_242 = vector.broadcast %mul3A_241 : f32 to vector<16xf32>
      %mul3A_243 = arith.mulf %get3A_240, %mul3A_242 : vector<16xf32>
      %swap3A_244 = arith.index_cast %add3A_190 : i32 to index
      %swap3A_245 = arith.constant 64 : index
      %swap3A_246 = tpu.vector_load %arg10[%swap3A_244, %swap3A_245] {strides = array<i32>} : memref<128x128xf32, #tpu.memory_space<vmem>>, vector<1x16xf32>,
      %swap3A_247 = vector.shape_cast %swap3A_246 : vector<1x16xf32> to vector<16xf32>
      %swap3A_248 = vector.shape_cast %mul3A_243 : vector<16xf32> to vector<1x16xf32>
      tpu.vector_store %arg10[%swap3A_244, %swap3A_245], %swap3A_248 {strides = array<i32>} : memref<128x128xf32, #tpu.memory_space<vmem>>, vector<1x16xf32>,
      %get3A_249 = arith.index_cast %add3A_190 : i32 to index
      %get3A_250 = arith.constant 80 : index
      %get3A_251 = tpu.vector_load %arg10[%get3A_249, %get3A_250] {strides = array<i32>} : memref<128x128xf32, #tpu.memory_space<vmem>>, vector<1x16xf32>,
      %get3A_252 = vector.shape_cast %get3A_251 : vector<1x16xf32> to vector<16xf32>
      %mul3A_253 = arith.constant 11.3137083 : f32
      %mul3A_254 = vector.broadcast %mul3A_253 : f32 to vector<16xf32>
      %mul3A_255 = arith.mulf %get3A_252, %mul3A_254 : vector<16xf32>
      %swap3A_256 = arith.index_cast %add3A_190 : i32 to index
      %swap3A_257 = arith.constant 80 : index
      %swap3A_258 = tpu.vector_load %arg10[%swap3A_256, %swap3A_257] {strides = array<i32>} : memref<128x128xf32, #tpu.memory_space<vmem>>, vector<1x16xf32>,
      %swap3A_259 = vector.shape_cast %swap3A_258 : vector<1x16xf32> to vector<16xf32>
      %swap3A_260 = vector.shape_cast %mul3A_255 : vector<16xf32> to vector<1x16xf32>
      tpu.vector_store %arg10[%swap3A_256, %swap3A_257], %swap3A_260 {strides = array<i32>} : memref<128x128xf32, #tpu.memory_space<vmem>>, vector<1x16xf32>,
      %get3A_261 = arith.index_cast %add3A_190 : i32 to index
      %get3A_262 = arith.constant 96 : index
      %get3A_263 = tpu.vector_load %arg10[%get3A_261, %get3A_262] {strides = array<i32>} : memref<128x128xf32, #tpu.memory_space<vmem>>, vector<1x16xf32>,
      %get3A_264 = vector.shape_cast %get3A_263 : vector<1x16xf32> to vector<16xf32>
      %mul3A_265 = arith.constant 11.3137083 : f32
      %mul3A_266 = vector.broadcast %mul3A_265 : f32 to vector<16xf32>
      %mul3A_267 = arith.mulf %get3A_264, %mul3A_266 : vector<16xf32>
      %swap3A_268 = arith.index_cast %add3A_190 : i32 to index
      %swap3A_269 = arith.constant 96 : index
      %swap3A_270 = tpu.vector_load %arg10[%swap3A_268, %swap3A_269] {strides = array<i32>} : memref<128x128xf32, #tpu.memory_space<vmem>>, vector<1x16xf32>,
      %swap3A_271 = vector.shape_cast %swap3A_270 : vector<1x16xf32> to vector<16xf32>
      %swap3A_272 = vector.shape_cast %mul3A_267 : vector<16xf32> to vector<1x16xf32>
      tpu.vector_store %arg10[%swap3A_268, %swap3A_269], %swap3A_272 {strides = array<i32>} : memref<128x128xf32, #tpu.memory_space<vmem>>, vector<1x16xf32>,
      %get3A_273 = arith.index_cast %add3A_190 : i32 to index
      %get3A_274 = arith.constant 112 : index
      %get3A_275 = tpu.vector_load %arg10[%get3A_273, %get3A_274] {strides = array<i32>} : memref<128x128xf32, #tpu.memory_space<vmem>>, vector<1x16xf32>,
      %get3A_276 = vector.shape_cast %get3A_275 : vector<1x16xf32> to vector<16xf32>
      %mul3A_277 = arith.constant 11.3137083 : f32
      %mul3A_278 = vector.broadcast %mul3A_277 : f32 to vector<16xf32>
      %mul3A_279 = arith.mulf %get3A_276, %mul3A_278 : vector<16xf32>
      %swap3A_280 = arith.index_cast %add3A_190 : i32 to index
      %swap3A_281 = arith.constant 112 : index
      %swap3A_282 = tpu.vector_load %arg10[%swap3A_280, %swap3A_281] {strides = array<i32>} : memref<128x128xf32, #tpu.memory_space<vmem>>, vector<1x16xf32>,
      %swap3A_283 = vector.shape_cast %swap3A_282 : vector<1x16xf32> to vector<16xf32>
      %swap3A_284 = vector.shape_cast %mul3A_279 : vector<16xf32> to vector<1x16xf32>
      tpu.vector_store %arg10[%swap3A_280, %swap3A_281], %swap3A_284 {strides = array<i32>} : memref<128x128xf32, #tpu.memory_space<vmem>>, vector<1x16xf32>,
      %mul3A_285 = arith.constant 4 : i32
      %mul3A_286 = arith.muli %scan3A_186, %mul3A_285 : i32
      %add3A_287 = arith.constant 1 : i32
      %add3A_288 = arith.addi %mul3A_286, %add3A_287 : i32
      %get3A_289 = arith.index_cast %add3A_288 : i32 to index
      %get3A_290 = arith.constant 0 : index
      %get3A_291 = tpu.vector_load %arg10[%get3A_289, %get3A_290] {strides = array<i32>} : memref<128x128xf32, #tpu.memory_space<vmem>>, vector<1x16xf32>,
      %get3A_292 = vector.shape_cast %get3A_291 : vector<1x16xf32> to vector<16xf32>
      %mul3A_293 = arith.constant 11.3137083 : f32
      %mul3A_294 = vector.broadcast %mul3A_293 : f32 to vector<16xf32>
      %mul3A_295 = arith.mulf %get3A_292, %mul3A_294 : vector<16xf32>
      %swap3A_296 = arith.index_cast %add3A_288 : i32 to index
      %swap3A_297 = arith.constant 0 : index
      %swap3A_298 = tpu.vector_load %arg10[%swap3A_296, %swap3A_297] {strides = array<i32>} : memref<128x128xf32, #tpu.memory_space<vmem>>, vector<1x16xf32>,
      %swap3A_299 = vector.shape_cast %swap3A_298 : vector<1x16xf32> to vector<16xf32>
      %swap3A_300 = vector.shape_cast %mul3A_295 : vector<16xf32> to vector<1x16xf32>
      tpu.vector_store %arg10[%swap3A_296, %swap3A_297], %swap3A_300 {strides = array<i32>} : memref<128x128xf32, #tpu.memory_space<vmem>>, vector<1x16xf32>,
      %get3A_301 = arith.index_cast %add3A_288 : i32 to index
      %get3A_302 = arith.constant 16 : index
      %get3A_303 = tpu.vector_load %arg10[%get3A_301, %get3A_302] {strides = array<i32>} : memref<128x128xf32, #tpu.memory_space<vmem>>, vector<1x16xf32>,
      %get3A_304 = vector.shape_cast %get3A_303 : vector<1x16xf32> to vector<16xf32>
      %mul3A_305 = arith.constant 11.3137083 : f32
      %mul3A_306 = vector.broadcast %mul3A_305 : f32 to vector<16xf32>
      %mul3A_307 = arith.mulf %get3A_304, %mul3A_306 : vector<16xf32>
      %swap3A_308 = arith.index_cast %add3A_288 : i32 to index
      %swap3A_309 = arith.constant 16 : index
      %swap3A_310 = tpu.vector_load %arg10[%swap3A_308, %swap3A_309] {strides = array<i32>} : memref<128x128xf32, #tpu.memory_space<vmem>>, vector<1x16xf32>,
      %swap3A_311 = vector.shape_cast %swap3A_310 : vector<1x16xf32> to vector<16xf32>
      %swap3A_312 = vector.shape_cast %mul3A_307 : vector<16xf32> to vector<1x16xf32>
      tpu.vector_store %arg10[%swap3A_308, %swap3A_309], %swap3A_312 {strides = array<i32>} : memref<128x128xf32, #tpu.memory_space<vmem>>, vector<1x16xf32>,
      %get3A_313 = arith.index_cast %add3A_288 : i32 to index
      %get3A_314 = arith.constant 32 : index
      %get3A_315 = tpu.vector_load %arg10[%get3A_313, %get3A_314] {strides = array<i32>} : memref<128x128xf32, #tpu.memory_space<vmem>>, vector<1x16xf32>,
      %get3A_316 = vector.shape_cast %get3A_315 : vector<1x16xf32> to vector<16xf32>
      %mul3A_317 = arith.constant 11.3137083 : f32
      %mul3A_318 = vector.broadcast %mul3A_317 : f32 to vector<16xf32>
      %mul3A_319 = arith.mulf %get3A_316, %mul3A_318 : vector<16xf32>
      %swap3A_320 = arith.index_cast %add3A_288 : i32 to index
      %swap3A_321 = arith.constant 32 : index
      %swap3A_322 = tpu.vector_load %arg10[%swap3A_320, %swap3A_321] {strides = array<i32>} : memref<128x128xf32, #tpu.memory_space<vmem>>, vector<1x16xf32>,
      %swap3A_323 = vector.shape_cast %swap3A_322 : vector<1x16xf32> to vector<16xf32>
      %swap3A_324 = vector.shape_cast %mul3A_319 : vector<16xf32> to vector<1x16xf32>
      tpu.vector_store %arg10[%swap3A_320, %swap3A_321], %swap3A_324 {strides = array<i32>} : memref<128x128xf32, #tpu.memory_space<vmem>>, vector<1x16xf32>,
      %get3A_325 = arith.index_cast %add3A_288 : i32 to index
      %get3A_326 = arith.constant 48 : index
      %get3A_327 = tpu.vector_load %arg10[%get3A_325, %get3A_326] {strides = array<i32>} : memref<128x128xf32, #tpu.memory_space<vmem>>, vector<1x16xf32>,
      %get3A_328 = vector.shape_cast %get3A_327 : vector<1x16xf32> to vector<16xf32>
      %mul3A_329 = arith.constant 11.3137083 : f32
      %mul3A_330 = vector.broadcast %mul3A_329 : f32 to vector<16xf32>
      %mul3A_331 = arith.mulf %get3A_328, %mul3A_330 : vector<16xf32>
      %swap3A_332 = arith.index_cast %add3A_288 : i32 to index
      %swap3A_333 = arith.constant 48 : index
      %swap3A_334 = tpu.vector_load %arg10[%swap3A_332, %swap3A_333] {strides = array<i32>} : memref<128x128xf32, #tpu.memory_space<vmem>>, vector<1x16xf32>,
      %swap3A_335 = vector.shape_cast %swap3A_334 : vector<1x16xf32> to vector<16xf32>
      %swap3A_336 = vector.shape_cast %mul3A_331 : vector<16xf32> to vector<1x16xf32>
      tpu.vector_store %arg10[%swap3A_332, %swap3A_333], %swap3A_336 {strides = array<i32>} : memref<128x128xf32, #tpu.memory_space<vmem>>, vector<1x16xf32>,
      %get3A_337 = arith.index_cast %add3A_288 : i32 to index
      %get3A_338 = arith.constant 64 : index
      %get3A_339 = tpu.vector_load %arg10[%get3A_337, %get3A_338] {strides = array<i32>} : memref<128x128xf32, #tpu.memory_space<vmem>>, vector<1x16xf32>,
      %get3A_340 = vector.shape_cast %get3A_339 : vector<1x16xf32> to vector<16xf32>
      %mul3A_341 = arith.constant 11.3137083 : f32
      %mul3A_342 = vector.broadcast %mul3A_341 : f32 to vector<16xf32>
      %mul3A_343 = arith.mulf %get3A_340, %mul3A_342 : vector<16xf32>
      %swap3A_344 = arith.index_cast %add3A_288 : i32 to index
      %swap3A_345 = arith.constant 64 : index
      %swap3A_346 = tpu.vector_load %arg10[%swap3A_344, %swap3A_345] {strides = array<i32>} : memref<128x128xf32, #tpu.memory_space<vmem>>, vector<1x16xf32>,
      %swap3A_347 = vector.shape_cast %swap3A_346 : vector<1x16xf32> to vector<16xf32>
      %swap3A_348 = vector.shape_cast %mul3A_343 : vector<16xf32> to vector<1x16xf32>
      tpu.vector_store %arg10[%swap3A_344, %swap3A_345], %swap3A_348 {strides = array<i32>} : memref<128x128xf32, #tpu.memory_space<vmem>>, vector<1x16xf32>,
      %get3A_349 = arith.index_cast %add3A_288 : i32 to index
      %get3A_350 = arith.constant 80 : index
      %get3A_351 = tpu.vector_load %arg10[%get3A_349, %get3A_350] {strides = array<i32>} : memref<128x128xf32, #tpu.memory_space<vmem>>, vector<1x16xf32>,
      %get3A_352 = vector.shape_cast %get3A_351 : vector<1x16xf32> to vector<16xf32>
      %mul3A_353 = arith.constant 11.3137083 : f32
      %mul3A_354 = vector.broadcast %mul3A_353 : f32 to vector<16xf32>
      %mul3A_355 = arith.mulf %get3A_352, %mul3A_354 : vector<16xf32>
      %swap3A_356 = arith.index_cast %add3A_288 : i32 to index
      %swap3A_357 = arith.constant 80 : index
      %swap3A_358 = tpu.vector_load %arg10[%swap3A_356, %swap3A_357] {strides = array<i32>} : memref<128x128xf32, #tpu.memory_space<vmem>>, vector<1x16xf32>,
      %swap3A_359 = vector.shape_cast %swap3A_358 : vector<1x16xf32> to vector<16xf32>
      %swap3A_360 = vector.shape_cast %mul3A_355 : vector<16xf32> to vector<1x16xf32>
      tpu.vector_store %arg10[%swap3A_356, %swap3A_357], %swap3A_360 {strides = array<i32>} : memref<128x128xf32, #tpu.memory_space<vmem>>, vector<1x16xf32>,
      %get3A_361 = arith.index_cast %add3A_288 : i32 to index
      %get3A_362 = arith.constant 96 : index
      %get3A_363 = tpu.vector_load %arg10[%get3A_361, %get3A_362] {strides = array<i32>} : memref<128x128xf32, #tpu.memory_space<vmem>>, vector<1x16xf32>,
      %get3A_364 = vector.shape_cast %get3A_363 : vector<1x16xf32> to vector<16xf32>
      %mul3A_365 = arith.constant 11.3137083 : f32
      %mul3A_366 = vector.broadcast %mul3A_365 : f32 to vector<16xf32>
      %mul3A_367 = arith.mulf %get3A_364, %mul3A_366 : vector<16xf32>
      %swap3A_368 = arith.index_cast %add3A_288 : i32 to index
      %swap3A_369 = arith.constant 96 : index
      %swap3A_370 = tpu.vector_load %arg10[%swap3A_368, %swap3A_369] {strides = array<i32>} : memref<128x128xf32, #tpu.memory_space<vmem>>, vector<1x16xf32>,
      %swap3A_371 = vector.shape_cast %swap3A_370 : vector<1x16xf32> to vector<16xf32>
      %swap3A_372 = vector.shape_cast %mul3A_367 : vector<16xf32> to vector<1x16xf32>
      tpu.vector_store %arg10[%swap3A_368, %swap3A_369], %swap3A_372 {strides = array<i32>} : memref<128x128xf32, #tpu.memory_space<vmem>>, vector<1x16xf32>,
      %get3A_373 = arith.index_cast %add3A_288 : i32 to index
      %get3A_374 = arith.constant 112 : index
      %get3A_375 = tpu.vector_load %arg10[%get3A_373, %get3A_374] {strides = array<i32>} : memref<128x128xf32, #tpu.memory_space<vmem>>, vector<1x16xf32>,
      %get3A_376 = vector.shape_cast %get3A_375 : vector<1x16xf32> to vector<16xf32>
      %mul3A_377 = arith.constant 11.3137083 : f32
      %mul3A_378 = vector.broadcast %mul3A_377 : f32 to vector<16xf32>
      %mul3A_379 = arith.mulf %get3A_376, %mul3A_378 : vector<16xf32>
      %swap3A_380 = arith.index_cast %add3A_288 : i32 to index
      %swap3A_381 = arith.constant 112 : index
      %swap3A_382 = tpu.vector_load %arg10[%swap3A_380, %swap3A_381] {strides = array<i32>} : memref<128x128xf32, #tpu.memory_space<vmem>>, vector<1x16xf32>,
      %swap3A_383 = vector.shape_cast %swap3A_382 : vector<1x16xf32> to vector<16xf32>
      %swap3A_384 = vector.shape_cast %mul3A_379 : vector<16xf32> to vector<1x16xf32>
      tpu.vector_store %arg10[%swap3A_380, %swap3A_381], %swap3A_384 {strides = array<i32>} : memref<128x128xf32, #tpu.memory_space<vmem>>, vector<1x16xf32>,
      %mul3A_385 = arith.constant 4 : i32
      %mul3A_386 = arith.muli %scan3A_186, %mul3A_385 : i32
      %add3A_387 = arith.constant 2 : i32
      %add3A_388 = arith.addi %mul3A_386, %add3A_387 : i32
      %get3A_389 = arith.index_cast %add3A_388 : i32 to index
      %get3A_390 = arith.constant 0 : index
      %get3A_391 = tpu.vector_load %arg10[%get3A_389, %get3A_390] {strides = array<i32>} : memref<128x128xf32, #tpu.memory_space<vmem>>, vector<1x16xf32>,
      %get3A_392 = vector.shape_cast %get3A_391 : vector<1x16xf32> to vector<16xf32>
      %mul3A_393 = arith.constant 11.3137083 : f32
      %mul3A_394 = vector.broadcast %mul3A_393 : f32 to vector<16xf32>
      %mul3A_395 = arith.mulf %get3A_392, %mul3A_394 : vector<16xf32>
      %swap3A_396 = arith.index_cast %add3A_388 : i32 to index
      %swap3A_397 = arith.constant 0 : index
      %swap3A_398 = tpu.vector_load %arg10[%swap3A_396, %swap3A_397] {strides = array<i32>} : memref<128x128xf32, #tpu.memory_space<vmem>>, vector<1x16xf32>,
      %swap3A_399 = vector.shape_cast %swap3A_398 : vector<1x16xf32> to vector<16xf32>
      %swap3A_400 = vector.shape_cast %mul3A_395 : vector<16xf32> to vector<1x16xf32>
      tpu.vector_store %arg10[%swap3A_396, %swap3A_397], %swap3A_400 {strides = array<i32>} : memref<128x128xf32, #tpu.memory_space<vmem>>, vector<1x16xf32>,
      %get3A_401 = arith.index_cast %add3A_388 : i32 to index
      %get3A_402 = arith.constant 16 : index
      %get3A_403 = tpu.vector_load %arg10[%get3A_401, %get3A_402] {strides = array<i32>} : memref<128x128xf32, #tpu.memory_space<vmem>>, vector<1x16xf32>,
      %get3A_404 = vector.shape_cast %get3A_403 : vector<1x16xf32> to vector<16xf32>
      %mul3A_405 = arith.constant 11.3137083 : f32
      %mul3A_406 = vector.broadcast %mul3A_405 : f32 to vector<16xf32>
      %mul3A_407 = arith.mulf %get3A_404, %mul3A_406 : vector<16xf32>
      %swap3A_408 = arith.index_cast %add3A_388 : i32 to index
      %swap3A_409 = arith.constant 16 : index
      %swap3A_410 = tpu.vector_load %arg10[%swap3A_408, %swap3A_409] {strides = array<i32>} : memref<128x128xf32, #tpu.memory_space<vmem>>, vector<1x16xf32>,
      %swap3A_411 = vector.shape_cast %swap3A_410 : vector<1x16xf32> to vector<16xf32>
      %swap3A_412 = vector.shape_cast %mul3A_407 : vector<16xf32> to vector<1x16xf32>
      tpu.vector_store %arg10[%swap3A_408, %swap3A_409], %swap3A_412 {strides = array<i32>} : memref<128x128xf32, #tpu.memory_space<vmem>>, vector<1x16xf32>,
      %get3A_413 = arith.index_cast %add3A_388 : i32 to index
      %get3A_414 = arith.constant 32 : index
      %get3A_415 = tpu.vector_load %arg10[%get3A_413, %get3A_414] {strides = array<i32>} : memref<128x128xf32, #tpu.memory_space<vmem>>, vector<1x16xf32>,
      %get3A_416 = vector.shape_cast %get3A_415 : vector<1x16xf32> to vector<16xf32>
      %mul3A_417 = arith.constant 11.3137083 : f32
      %mul3A_418 = vector.broadcast %mul3A_417 : f32 to vector<16xf32>
      %mul3A_419 = arith.mulf %get3A_416, %mul3A_418 : vector<16xf32>
      %swap3A_420 = arith.index_cast %add3A_388 : i32 to index
      %swap3A_421 = arith.constant 32 : index
      %swap3A_422 = tpu.vector_load %arg10[%swap3A_420, %swap3A_421] {strides = array<i32>} : memref<128x128xf32, #tpu.memory_space<vmem>>, vector<1x16xf32>,
      %swap3A_423 = vector.shape_cast %swap3A_422 : vector<1x16xf32> to vector<16xf32>
      %swap3A_424 = vector.shape_cast %mul3A_419 : vector<16xf32> to vector<1x16xf32>
      tpu.vector_store %arg10[%swap3A_420, %swap3A_421], %swap3A_424 {strides = array<i32>} : memref<128x128xf32, #tpu.memory_space<vmem>>, vector<1x16xf32>,
      %get3A_425 = arith.index_cast %add3A_388 : i32 to index
      %get3A_426 = arith.constant 48 : index
      %get3A_427 = tpu.vector_load %arg10[%get3A_425, %get3A_426] {strides = array<i32>} : memref<128x128xf32, #tpu.memory_space<vmem>>, vector<1x16xf32>,
      %get3A_428 = vector.shape_cast %get3A_427 : vector<1x16xf32> to vector<16xf32>
      %mul3A_429 = arith.constant 11.3137083 : f32
      %mul3A_430 = vector.broadcast %mul3A_429 : f32 to vector<16xf32>
      %mul3A_431 = arith.mulf %get3A_428, %mul3A_430 : vector<16xf32>
      %swap3A_432 = arith.index_cast %add3A_388 : i32 to index
      %swap3A_433 = arith.constant 48 : index
      %swap3A_434 = tpu.vector_load %arg10[%swap3A_432, %swap3A_433] {strides = array<i32>} : memref<128x128xf32, #tpu.memory_space<vmem>>, vector<1x16xf32>,
      %swap3A_435 = vector.shape_cast %swap3A_434 : vector<1x16xf32> to vector<16xf32>
      %swap3A_436 = vector.shape_cast %mul3A_431 : vector<16xf32> to vector<1x16xf32>
      tpu.vector_store %arg10[%swap3A_432, %swap3A_433], %swap3A_436 {strides = array<i32>} : memref<128x128xf32, #tpu.memory_space<vmem>>, vector<1x16xf32>,
      %get3A_437 = arith.index_cast %add3A_388 : i32 to index
      %get3A_438 = arith.constant 64 : index
      %get3A_439 = tpu.vector_load %arg10[%get3A_437, %get3A_438] {strides = array<i32>} : memref<128x128xf32, #tpu.memory_space<vmem>>, vector<1x16xf32>,
      %get3A_440 = vector.shape_cast %get3A_439 : vector<1x16xf32> to vector<16xf32>
      %mul3A_441 = arith.constant 11.3137083 : f32
      %mul3A_442 = vector.broadcast %mul3A_441 : f32 to vector<16xf32>
      %mul3A_443 = arith.mulf %get3A_440, %mul3A_442 : vector<16xf32>
      %swap3A_444 = arith.index_cast %add3A_388 : i32 to index
      %swap3A_445 = arith.constant 64 : index
      %swap3A_446 = tpu.vector_load %arg10[%swap3A_444, %swap3A_445] {strides = array<i32>} : memref<128x128xf32, #tpu.memory_space<vmem>>, vector<1x16xf32>,
      %swap3A_447 = vector.shape_cast %swap3A_446 : vector<1x16xf32> to vector<16xf32>
      %swap3A_448 = vector.shape_cast %mul3A_443 : vector<16xf32> to vector<1x16xf32>
      tpu.vector_store %arg10[%swap3A_444, %swap3A_445], %swap3A_448 {strides = array<i32>} : memref<128x128xf32, #tpu.memory_space<vmem>>, vector<1x16xf32>,
      %get3A_449 = arith.index_cast %add3A_388 : i32 to index
      %get3A_450 = arith.constant 80 : index
      %get3A_451 = tpu.vector_load %arg10[%get3A_449, %get3A_450] {strides = array<i32>} : memref<128x128xf32, #tpu.memory_space<vmem>>, vector<1x16xf32>,
      %get3A_452 = vector.shape_cast %get3A_451 : vector<1x16xf32> to vector<16xf32>
      %mul3A_453 = arith.constant 11.3137083 : f32
      %mul3A_454 = vector.broadcast %mul3A_453 : f32 to vector<16xf32>
      %mul3A_455 = arith.mulf %get3A_452, %mul3A_454 : vector<16xf32>
      %swap3A_456 = arith.index_cast %add3A_388 : i32 to index
      %swap3A_457 = arith.constant 80 : index
      %swap3A_458 = tpu.vector_load %arg10[%swap3A_456, %swap3A_457] {strides = array<i32>} : memref<128x128xf32, #tpu.memory_space<vmem>>, vector<1x16xf32>,
      %swap3A_459 = vector.shape_cast %swap3A_458 : vector<1x16xf32> to vector<16xf32>
      %swap3A_460 = vector.shape_cast %mul3A_455 : vector<16xf32> to vector<1x16xf32>
      tpu.vector_store %arg10[%swap3A_456, %swap3A_457], %swap3A_460 {strides = array<i32>} : memref<128x128xf32, #tpu.memory_space<vmem>>, vector<1x16xf32>,
      %get3A_461 = arith.index_cast %add3A_388 : i32 to index
      %get3A_462 = arith.constant 96 : index
      %get3A_463 = tpu.vector_load %arg10[%get3A_461, %get3A_462] {strides = array<i32>} : memref<128x128xf32, #tpu.memory_space<vmem>>, vector<1x16xf32>,
      %get3A_464 = vector.shape_cast %get3A_463 : vector<1x16xf32> to vector<16xf32>
      %mul3A_465 = arith.constant 11.3137083 : f32
      %mul3A_466 = vector.broadcast %mul3A_465 : f32 to vector<16xf32>
      %mul3A_467 = arith.mulf %get3A_464, %mul3A_466 : vector<16xf32>
      %swap3A_468 = arith.index_cast %add3A_388 : i32 to index
      %swap3A_469 = arith.constant 96 : index
      %swap3A_470 = tpu.vector_load %arg10[%swap3A_468, %swap3A_469] {strides = array<i32>} : memref<128x128xf32, #tpu.memory_space<vmem>>, vector<1x16xf32>,
      %swap3A_471 = vector.shape_cast %swap3A_470 : vector<1x16xf32> to vector<16xf32>
      %swap3A_472 = vector.shape_cast %mul3A_467 : vector<16xf32> to vector<1x16xf32>
      tpu.vector_store %arg10[%swap3A_468, %swap3A_469], %swap3A_472 {strides = array<i32>} : memref<128x128xf32, #tpu.memory_space<vmem>>, vector<1x16xf32>,
      %get3A_473 = arith.index_cast %add3A_388 : i32 to index
      %get3A_474 = arith.constant 112 : index
      %get3A_475 = tpu.vector_load %arg10[%get3A_473, %get3A_474] {strides = array<i32>} : memref<128x128xf32, #tpu.memory_space<vmem>>, vector<1x16xf32>,
      %get3A_476 = vector.shape_cast %get3A_475 : vector<1x16xf32> to vector<16xf32>
      %mul3A_477 = arith.constant 11.3137083 : f32
      %mul3A_478 = vector.broadcast %mul3A_477 : f32 to vector<16xf32>
      %mul3A_479 = arith.mulf %get3A_476, %mul3A_478 : vector<16xf32>
      %swap3A_480 = arith.index_cast %add3A_388 : i32 to index
      %swap3A_481 = arith.constant 112 : index
      %swap3A_482 = tpu.vector_load %arg10[%swap3A_480, %swap3A_481] {strides = array<i32>} : memref<128x128xf32, #tpu.memory_space<vmem>>, vector<1x16xf32>,
      %swap3A_483 = vector.shape_cast %swap3A_482 : vector<1x16xf32> to vector<16xf32>
      %swap3A_484 = vector.shape_cast %mul3A_479 : vector<16xf32> to vector<1x16xf32>
      tpu.vector_store %arg10[%swap3A_480, %swap3A_481], %swap3A_484 {strides = array<i32>} : memref<128x128xf32, #tpu.memory_space<vmem>>, vector<1x16xf32>,
      %mul3A_485 = arith.constant 4 : i32
      %mul3A_486 = arith.muli %scan3A_186, %mul3A_485 : i32
      %add3A_487 = arith.constant 3 : i32
      %add3A_488 = arith.addi %mul3A_486, %add3A_487 : i32
      %get3A_489 = arith.index_cast %add3A_488 : i32 to index
      %get3A_490 = arith.constant 0 : index
      %get3A_491 = tpu.vector_load %arg10[%get3A_489, %get3A_490] {strides = array<i32>} : memref<128x128xf32, #tpu.memory_space<vmem>>, vector<1x16xf32>,
      %get3A_492 = vector.shape_cast %get3A_491 : vector<1x16xf32> to vector<16xf32>
      %mul3A_493 = arith.constant 11.3137083 : f32
      %mul3A_494 = vector.broadcast %mul3A_493 : f32 to vector<16xf32>
      %mul3A_495 = arith.mulf %get3A_492, %mul3A_494 : vector<16xf32>
      %swap3A_496 = arith.index_cast %add3A_488 : i32 to index
      %swap3A_497 = arith.constant 0 : index
      %swap3A_498 = tpu.vector_load %arg10[%swap3A_496, %swap3A_497] {strides = array<i32>} : memref<128x128xf32, #tpu.memory_space<vmem>>, vector<1x16xf32>,
      %swap3A_499 = vector.shape_cast %swap3A_498 : vector<1x16xf32> to vector<16xf32>
      %swap3A_500 = vector.shape_cast %mul3A_495 : vector<16xf32> to vector<1x16xf32>
      tpu.vector_store %arg10[%swap3A_496, %swap3A_497], %swap3A_500 {strides = array<i32>} : memref<128x128xf32, #tpu.memory_space<vmem>>, vector<1x16xf32>,
      %get3A_501 = arith.index_cast %add3A_488 : i32 to index
      %get3A_502 = arith.constant 16 : index
      %get3A_503 = tpu.vector_load %arg10[%get3A_501, %get3A_502] {strides = array<i32>} : memref<128x128xf32, #tpu.memory_space<vmem>>, vector<1x16xf32>,
      %get3A_504 = vector.shape_cast %get3A_503 : vector<1x16xf32> to vector<16xf32>
      %mul3A_505 = arith.constant 11.3137083 : f32
      %mul3A_506 = vector.broadcast %mul3A_505 : f32 to vector<16xf32>
      %mul3A_507 = arith.mulf %get3A_504, %mul3A_506 : vector<16xf32>
      %swap3A_508 = arith.index_cast %add3A_488 : i32 to index
      %swap3A_509 = arith.constant 16 : index
      %swap3A_510 = tpu.vector_load %arg10[%swap3A_508, %swap3A_509] {strides = array<i32>} : memref<128x128xf32, #tpu.memory_space<vmem>>, vector<1x16xf32>,
      %swap3A_511 = vector.shape_cast %swap3A_510 : vector<1x16xf32> to vector<16xf32>
      %swap3A_512 = vector.shape_cast %mul3A_507 : vector<16xf32> to vector<1x16xf32>
      tpu.vector_store %arg10[%swap3A_508, %swap3A_509], %swap3A_512 {strides = array<i32>} : memref<128x128xf32, #tpu.memory_space<vmem>>, vector<1x16xf32>,
      %get3A_513 = arith.index_cast %add3A_488 : i32 to index
      %get3A_514 = arith.constant 32 : index
      %get3A_515 = tpu.vector_load %arg10[%get3A_513, %get3A_514] {strides = array<i32>} : memref<128x128xf32, #tpu.memory_space<vmem>>, vector<1x16xf32>,
      %get3A_516 = vector.shape_cast %get3A_515 : vector<1x16xf32> to vector<16xf32>
      %mul3A_517 = arith.constant 11.3137083 : f32
      %mul3A_518 = vector.broadcast %mul3A_517 : f32 to vector<16xf32>
      %mul3A_519 = arith.mulf %get3A_516, %mul3A_518 : vector<16xf32>
      %swap3A_520 = arith.index_cast %add3A_488 : i32 to index
      %swap3A_521 = arith.constant 32 : index
      %swap3A_522 = tpu.vector_load %arg10[%swap3A_520, %swap3A_521] {strides = array<i32>} : memref<128x128xf32, #tpu.memory_space<vmem>>, vector<1x16xf32>,
      %swap3A_523 = vector.shape_cast %swap3A_522 : vector<1x16xf32> to vector<16xf32>
      %swap3A_524 = vector.shape_cast %mul3A_519 : vector<16xf32> to vector<1x16xf32>
      tpu.vector_store %arg10[%swap3A_520, %swap3A_521], %swap3A_524 {strides = array<i32>} : memref<128x128xf32, #tpu.memory_space<vmem>>, vector<1x16xf32>,
      %get3A_525 = arith.index_cast %add3A_488 : i32 to index
      %get3A_526 = arith.constant 48 : index
      %get3A_527 = tpu.vector_load %arg10[%get3A_525, %get3A_526] {strides = array<i32>} : memref<128x128xf32, #tpu.memory_space<vmem>>, vector<1x16xf32>,
      %get3A_528 = vector.shape_cast %get3A_527 : vector<1x16xf32> to vector<16xf32>
      %mul3A_529 = arith.constant 11.3137083 : f32
      %mul3A_530 = vector.broadcast %mul3A_529 : f32 to vector<16xf32>
      %mul3A_531 = arith.mulf %get3A_528, %mul3A_530 : vector<16xf32>
      %swap3A_532 = arith.index_cast %add3A_488 : i32 to index
      %swap3A_533 = arith.constant 48 : index
      %swap3A_534 = tpu.vector_load %arg10[%swap3A_532, %swap3A_533] {strides = array<i32>} : memref<128x128xf32, #tpu.memory_space<vmem>>, vector<1x16xf32>,
      %swap3A_535 = vector.shape_cast %swap3A_534 : vector<1x16xf32> to vector<16xf32>
      %swap3A_536 = vector.shape_cast %mul3A_531 : vector<16xf32> to vector<1x16xf32>
      tpu.vector_store %arg10[%swap3A_532, %swap3A_533], %swap3A_536 {strides = array<i32>} : memref<128x128xf32, #tpu.memory_space<vmem>>, vector<1x16xf32>,
      %get3A_537 = arith.index_cast %add3A_488 : i32 to index
      %get3A_538 = arith.constant 64 : index
      %get3A_539 = tpu.vector_load %arg10[%get3A_537, %get3A_538] {strides = array<i32>} : memref<128x128xf32, #tpu.memory_space<vmem>>, vector<1x16xf32>,
      %get3A_540 = vector.shape_cast %get3A_539 : vector<1x16xf32> to vector<16xf32>
      %mul3A_541 = arith.constant 11.3137083 : f32
      %mul3A_542 = vector.broadcast %mul3A_541 : f32 to vector<16xf32>
      %mul3A_543 = arith.mulf %get3A_540, %mul3A_542 : vector<16xf32>
      %swap3A_544 = arith.index_cast %add3A_488 : i32 to index
      %swap3A_545 = arith.constant 64 : index
      %swap3A_546 = tpu.vector_load %arg10[%swap3A_544, %swap3A_545] {strides = array<i32>} : memref<128x128xf32, #tpu.memory_space<vmem>>, vector<1x16xf32>,
      %swap3A_547 = vector.shape_cast %swap3A_546 : vector<1x16xf32> to vector<16xf32>
      %swap3A_548 = vector.shape_cast %mul3A_543 : vector<16xf32> to vector<1x16xf32>
      tpu.vector_store %arg10[%swap3A_544, %swap3A_545], %swap3A_548 {strides = array<i32>} : memref<128x128xf32, #tpu.memory_space<vmem>>, vector<1x16xf32>,
      %get3A_549 = arith.index_cast %add3A_488 : i32 to index
      %get3A_550 = arith.constant 80 : index
      %get3A_551 = tpu.vector_load %arg10[%get3A_549, %get3A_550] {strides = array<i32>} : memref<128x128xf32, #tpu.memory_space<vmem>>, vector<1x16xf32>,
      %get3A_552 = vector.shape_cast %get3A_551 : vector<1x16xf32> to vector<16xf32>
      %mul3A_553 = arith.constant 11.3137083 : f32
      %mul3A_554 = vector.broadcast %mul3A_553 : f32 to vector<16xf32>
      %mul3A_555 = arith.mulf %get3A_552, %mul3A_554 : vector<16xf32>
      %swap3A_556 = arith.index_cast %add3A_488 : i32 to index
      %swap3A_557 = arith.constant 80 : index
      %swap3A_558 = tpu.vector_load %arg10[%swap3A_556, %swap3A_557] {strides = array<i32>} : memref<128x128xf32, #tpu.memory_space<vmem>>, vector<1x16xf32>,
      %swap3A_559 = vector.shape_cast %swap3A_558 : vector<1x16xf32> to vector<16xf32>
      %swap3A_560 = vector.shape_cast %mul3A_555 : vector<16xf32> to vector<1x16xf32>
      tpu.vector_store %arg10[%swap3A_556, %swap3A_557], %swap3A_560 {strides = array<i32>} : memref<128x128xf32, #tpu.memory_space<vmem>>, vector<1x16xf32>,
      %get3A_561 = arith.index_cast %add3A_488 : i32 to index
      %get3A_562 = arith.constant 96 : index
      %get3A_563 = tpu.vector_load %arg10[%get3A_561, %get3A_562] {strides = array<i32>} : memref<128x128xf32, #tpu.memory_space<vmem>>, vector<1x16xf32>,
      %get3A_564 = vector.shape_cast %get3A_563 : vector<1x16xf32> to vector<16xf32>
      %mul3A_565 = arith.constant 11.3137083 : f32
      %mul3A_566 = vector.broadcast %mul3A_565 : f32 to vector<16xf32>
      %mul3A_567 = arith.mulf %get3A_564, %mul3A_566 : vector<16xf32>
      %swap3A_568 = arith.index_cast %add3A_488 : i32 to index
      %swap3A_569 = arith.constant 96 : index
      %swap3A_570 = tpu.vector_load %arg10[%swap3A_568, %swap3A_569] {strides = array<i32>} : memref<128x128xf32, #tpu.memory_space<vmem>>, vector<1x16xf32>,
      %swap3A_571 = vector.shape_cast %swap3A_570 : vector<1x16xf32> to vector<16xf32>
      %swap3A_572 = vector.shape_cast %mul3A_567 : vector<16xf32> to vector<1x16xf32>
      tpu.vector_store %arg10[%swap3A_568, %swap3A_569], %swap3A_572 {strides = array<i32>} : memref<128x128xf32, #tpu.memory_space<vmem>>, vector<1x16xf32>,
      %get3A_573 = arith.index_cast %add3A_488 : i32 to index
      %get3A_574 = arith.constant 112 : index
      %get3A_575 = tpu.vector_load %arg10[%get3A_573, %get3A_574] {strides = array<i32>} : memref<128x128xf32, #tpu.memory_space<vmem>>, vector<1x16xf32>,
      %get3A_576 = vector.shape_cast %get3A_575 : vector<1x16xf32> to vector<16xf32>
      %mul3A_577 = arith.constant 11.3137083 : f32
      %mul3A_578 = vector.broadcast %mul3A_577 : f32 to vector<16xf32>
      %mul3A_579 = arith.mulf %get3A_576, %mul3A_578 : vector<16xf32>
      %swap3A_580 = arith.index_cast %add3A_488 : i32 to index
      %swap3A_581 = arith.constant 112 : index
      %swap3A_582 = tpu.vector_load %arg10[%swap3A_580, %swap3A_581] {strides = array<i32>} : memref<128x128xf32, #tpu.memory_space<vmem>>, vector<1x16xf32>,
      %swap3A_583 = vector.shape_cast %swap3A_582 : vector<1x16xf32> to vector<16xf32>
      %swap3A_584 = vector.shape_cast %mul3A_579 : vector<16xf32> to vector<1x16xf32>
      tpu.vector_store %arg10[%swap3A_580, %swap3A_581], %swap3A_584 {strides = array<i32>} : memref<128x128xf32, #tpu.memory_space<vmem>>, vector<1x16xf32>,
    }
    %scan3A_137 = arith.constant 32 : i32
    %add3A_138 = arith.constant 49 : i32
    %add3A_139 = arith.addi %mul3A_2, %add3A_138 : i32
    %mul3A_140 = arith.constant 128 : i32
    %mul3A_141 = arith.muli %add3A_139, %mul3A_140 : i32
    %dma_start3A_142 = arith.constant 0 : i32
    %dma_start3A_143 = tpu.memref_slice %arg4[%mul3A_141, %dma_start3A_142] : memref<204800x128xf32, #tpu.memory_space<hbm>> -> memref<128x128xf32, #tpu.memory_space<hbm>>
    %dma_start3A_144 = arith.constant 0 : i32
    %dma_start3A_145 = tpu.memref_slice %arg4[%mul3A_141, %dma_start3A_144] : memref<204800x128xf32, #tpu.memory_space<hbm>> -> memref<128x128xf32, #tpu.memory_space<hbm>>
    tpu.enqueue_dma source(%arg10 : memref<128x128xf32, #tpu.memory_space<vmem>>) target(%dma_start3A_145 : memref<128x128xf32, #tpu.memory_space<hbm>>) target_semaphore(%arg20 : memref<!tpu.dma_semaphore, #tpu.memory_space<semaphore_mem>>)
    %add3A_146 = arith.constant 45 : i32
    %add3A_147 = arith.addi %mul3A_2, %add3A_146 : i32
    %mul3A_148 = arith.constant 128 : i32
    %mul3A_149 = arith.muli %add3A_147, %mul3A_148 : i32
    %dma_wait3A_150 = arith.constant 0 : i32
    %dma_wait3A_151 = tpu.memref_slice %arg4[%mul3A_149, %dma_wait3A_150] : memref<204800x128xf32, #tpu.memory_space<hbm>> -> memref<128x128xf32, #tpu.memory_space<hbm>>
    %dma_wait3A_152 = arith.constant 0 : i32
    %dma_wait3A_153 = tpu.memref_slice %arg4[%mul3A_149, %dma_wait3A_152] : memref<204800x128xf32, #tpu.memory_space<hbm>> -> memref<128x128xf32, #tpu.memory_space<hbm>>
    tpu.wait_dma2 semaphore(%arg16 : memref<!tpu.dma_semaphore, #tpu.memory_space<semaphore_mem>>) src(%arg6 : memref<128x128xf32, #tpu.memory_space<vmem>>) dst(%dma_wait3A_153 : memref<128x128xf32, #tpu.memory_space<hbm>>)
    %add3A_154 = arith.constant 46 : i32
    %add3A_155 = arith.addi %mul3A_2, %add3A_154 : i32
    %mul3A_156 = arith.constant 128 : i32
    %mul3A_157 = arith.muli %add3A_155, %mul3A_156 : i32
    %dma_wait3A_158 = arith.constant 0 : i32
    %dma_wait3A_159 = tpu.memref_slice %arg4[%mul3A_157, %dma_wait3A_158] : memref<204800x128xf32, #tpu.memory_space<hbm>> -> memref<128x128xf32, #tpu.memory_space<hbm>>
    %dma_wait3A_160 = arith.constant 0 : i32
    %dma_wait3A_161 = tpu.memref_slice %arg4[%mul3A_157, %dma_wait3A_160] : memref<204800x128xf32, #tpu.memory_space<hbm>> -> memref<128x128xf32, #tpu.memory_space<hbm>>
    tpu.wait_dma2 semaphore(%arg17 : memref<!tpu.dma_semaphore, #tpu.memory_space<semaphore_mem>>) src(%arg7 : memref<128x128xf32, #tpu.memory_space<vmem>>) dst(%dma_wait3A_161 : memref<128x128xf32, #tpu.memory_space<hbm>>)
    %add3A_162 = arith.constant 47 : i32
    %add3A_163 = arith.addi %mul3A_2, %add3A_162 : i32
    %mul3A_164 = arith.constant 128 : i32
    %mul3A_165 = arith.muli %add3A_163, %mul3A_164 : i32
    %dma_wait3A_166 = arith.constant 0 : i32
    %dma_wait3A_167 = tpu.memref_slice %arg4[%mul3A_165, %dma_wait3A_166] : memref<204800x128xf32, #tpu.memory_space<hbm>> -> memref<128x128xf32, #tpu.memory_space<hbm>>
    %dma_wait3A_168 = arith.constant 0 : i32
    %dma_wait3A_169 = tpu.memref_slice %arg4[%mul3A_165, %dma_wait3A_168] : memref<204800x128xf32, #tpu.memory_space<hbm>> -> memref<128x128xf32, #tpu.memory_space<hbm>>
    tpu.wait_dma2 semaphore(%arg18 : memref<!tpu.dma_semaphore, #tpu.memory_space<semaphore_mem>>) src(%arg8 : memref<128x128xf32, #tpu.memory_space<vmem>>) dst(%dma_wait3A_169 : memref<128x128xf32, #tpu.memory_space<hbm>>)
    %add3A_170 = arith.constant 48 : i32
    %add3A_171 = arith.addi %mul3A_2, %add3A_170 : i32
    %mul3A_172 = arith.constant 128 : i32
    %mul3A_173 = arith.muli %add3A_171, %mul3A_172 : i32
    %dma_wait3A_174 = arith.constant 0 : i32
    %dma_wait3A_175 = tpu.memref_slice %arg4[%mul3A_173, %dma_wait3A_174] : memref<204800x128xf32, #tpu.memory_space<hbm>> -> memref<128x128xf32, #tpu.memory_space<hbm>>
    %dma_wait3A_176 = arith.constant 0 : i32
    %dma_wait3A_177 = tpu.memref_slice %arg4[%mul3A_173, %dma_wait3A_176] : memref<204800x128xf32, #tpu.memory_space<hbm>> -> memref<128x128xf32, #tpu.memory_space<hbm>>
    tpu.wait_dma2 semaphore(%arg19 : memref<!tpu.dma_semaphore, #tpu.memory_space<semaphore_mem>>) src(%arg9 : memref<128x128xf32, #tpu.memory_space<vmem>>) dst(%dma_wait3A_177 : memref<128x128xf32, #tpu.memory_space<hbm>>)
    %add3A_178 = arith.constant 49 : i32
    %add3A_179 = arith.addi %mul3A_2, %add3A_178 : i32
    %mul3A_180 = arith.constant 128 : i32
    %mul3A_181 = arith.muli %add3A_179, %mul3A_180 : i32
    %dma_wait3A_182 = arith.constant 0 : i32
    %dma_wait3A_183 = tpu.memref_slice %arg4[%mul3A_181, %dma_wait3A_182] : memref<204800x128xf32, #tpu.memory_space<hbm>> -> memref<128x128xf32, #tpu.memory_space<hbm>>
    %dma_wait3A_184 = arith.constant 0 : i32
    %dma_wait3A_185 = tpu.memref_slice %arg4[%mul3A_181, %dma_wait3A_184] : memref<204800x128xf32, #tpu.memory_space<hbm>> -> memref<128x128xf32, #tpu.memory_space<hbm>>
    tpu.wait_dma2 semaphore(%arg20 : memref<!tpu.dma_semaphore, #tpu.memory_space<semaphore_mem>>) src(%arg10 : memref<128x128xf32, #tpu.memory_space<vmem>>) dst(%dma_wait3A_185 : memref<128x128xf32, #tpu.memory_space<hbm>>)
    return
  }
}

</mosaic_0001>

<sc_bundles>
// kernel: kernel.3.cloned.1.call-start
scs
__scs_entry_jumppad:
0x0: {  	(pc) =	sbr.rel $0x88, $3  }
0x1: {  	(tag) =	ssettag $0x0;
	lr =	simm.s32 $0x1  }
0x2: {  	[smem:$0x3F9F] =	sst lr;
	_ =	strace $0xD0000000  }
0x3: {  	_ = 	snop  }
0x4: {  	_ = 	snop  }
0x5: {  	_ = 	snop  }
0x6: {  	_ = 	snop  }
0x7: {  	_ = 	snop  }
__scs_overlays_trampoline_lowered:
0x8: {  	[smem:$0x3FAE] =	sst s0  }
0x9: {  	[smem:$0x3FAF] =	sst s1  }
0xa: {  	[smem:$0x3FB0] =	sst s2  }
0xb: {  	[smem:$0x3FB1] =	sst s3  }
0xc: {  	[smem:$0x3FB2] =	sst s4  }
0xd: {  	[smem:$0x3FB3] =	sst s5  }
0xe: {  	[smem:$0x3FB4] =	sst s6  }
0xf: {  	[smem:$0x3FB5] =	sst s7  }
0x10: {  	[smem:$0x3FB6] =	sst s8  }
0x11: {  	[smem:$0x3FB7] =	sst s9;
	s0 =	simm.s32 @!p0 $0x0  }
0x12: {  	s1 =	sld [smem:$0x3F9D];
	s0 =	simm.s32 @p0 $0x1  }
0x13: {  	[smem:$0x3FB8] =	sst s0;
	s0 =	simm.s32 @!p1 $0x0  }
0x14: {  	s2 =	sld [smem:$0x3F9C];
	s0 =	simm.s32 @p1 $0x1  }
0x15: {  	[smem:$0x3FB9] =	sst s0;
	s0 =	simm.s32 @!p2 $0x0  }
0x16: {  	s3 =	sld [smem:$0x3FDB];
	s0 =	simm.s32 @p2 $0x1  }
0x17: {  	s4 =	simm.s32 $0x1BF5;
	[smem:$0x3FBB] =	sst s0  }
0x18: {  	s0 =	sld [smem:$0x3F9E];
	_ =	swait.ge [sflag:s4], $0x0  }
0x19: {  	s7 =	sld [smem:$0x3F9F]  }
0x1a: {  	s8 =	sadd.s32 $0xFFFFE003, lr  }
0x1b: {  	s9 =	sadd.s32 $0xFFFFFEF7, lr;
	s5 =	simm.s32 $0xFFFFFFFF;
	p2 =	slt.u32 s8, $0xFFFFF086  }
0x1c: {  	p1 =	slt.u32 s9, $0xF7A;
	s5 =	simm.s32 @!p2 $0x0  }
0x1d: {  	s5 =	simm.s32 @p1 $0x1;
	p0 =	seq.s32 s7, s2  }
0x1e: {  	s7 =	smul.u32 @!p0 $0xF7A, s2;
	p2 =	seq.s32 @!p0 s5, $0x0  }
0x1f: {  	s9 =	smul.u32 $0xF7A, s1;
	s8 =	simm.s32 @!p0 $0x1BF5;
	p2 =	por !p2, p0  }
0x20: {  	[sflag:s8] =	ssyncset.s32 @!p0 $0xFFFFF086;
	s6 =	sadd.s32 @!p0 s3, s7;
	s7 =	simm.s32 @!p0 $0x108  }
0x21: {  	s3 =	sadd.s32 s3, s9;
	s6 =	sadd.s32 @!p0 $0x88, s6;
	s7 =	simm.s32 @p2 $0x1082  }
0x22: {  	[simem:s7], [sflag:s8] =	dma.local @!p0 [hbm:s6], $0xF7A  }
0x23: {  	s9 =	sor.u32 $0xD0000000, s2;
	s6 =	simm.s32 $0x108;
	_ =	swait.ge @!p0 [sflag:s8], $0x0  }
0x24: {  	s3 =	sadd.s32 $0x88, s3;
	s6 =	simm.s32 @!p1 $0x1082;
	[sflag:s4] =	ssyncset.s32 $0xFFFFF086  }
0x25: {  	[simem:s6], [sflag:s4] =	dma.local [hbm:s3], $0xF7A  }
0x26: {  	[smem:$0x3F9F] =	sst s1;
	(tag) =	ssettag s2;
	_ =	strace s9  }
0x27: {  	s1 =	sld [smem:$0x3FAF]  }
0x28: {  	s2 =	sld [smem:$0x3FB0]  }
0x29: {  	s4 =	sld [smem:$0x3FB2]  }
0x2a: {  	p0 =	seq.s32 s5, $0x0;
	s5 =	sld [smem:$0x3FB3]  }
0x2b: {  	s6 =	sld [smem:$0x3FB4]  }
0x2c: {  	s7 =	sld [smem:$0x3FB5]  }
0x2d: {  	s3 =	simm.s32 $0x108;
	s8 =	sld [smem:$0x3FB6]  }
0x2e: {  	s3 =	simm.s32 @!p0 $0x1082;
	s9 =	sld [smem:$0x3FB7]  }
0x2f: {  	lr =	sadd.s32 s0, s3;
	s0 =	sld [smem:$0x3FAE]  }
0x30: {  	s3 =	sld [smem:$0x3FB1]  }
0x31: {  	[smem:$0x3FBA] =	sst s10  }
0x32: {  	s10 =	sld [smem:$0x3FB8];
	_ =	sdelay $0x3  }
0x33: {  	p0 =	seq.s32 s10, $0x1;
	s10 =	sld [smem:$0x3FBA];
	_ =	sdelay $0x3  }
0x34: {  	[smem:$0x3FBA] =	sst s10  }
0x35: {  	s10 =	sld [smem:$0x3FB9];
	_ =	sdelay $0x3  }
0x36: {  	p1 =	seq.s32 s10, $0x1;
	s10 =	sld [smem:$0x3FBA];
	_ =	sdelay $0x3  }
0x37: {  	[smem:$0x3FBA] =	sst s10  }
0x38: {  	s10 =	sld [smem:$0x3FBB]  }
0x39: {  	_ = 	snop;
	(pc) =	sbr.ind lr, $3  }
0x3a: {  	_ = 	snop  }
0x3b: {  	_ = 	snop  }
0x3c: {  	p2 =	seq.s32 s10, $0x1;
	s10 =	sld [smem:$0x3FBA]  }
0x3d: {  	_ =	shalt  }
0x3e: {  	_ =	shalt  }
0x3f: {  	_ =	shalt  }
0x40: {  	_ =	shalt  }
0x41: {  	_ =	shalt  }
0x42: {  	_ =	shalt  }
0x43: {  	_ =	shalt  }
0x44: {  	_ =	shalt  }
0x45: {  	_ =	shalt  }
0x46: {  	_ =	shalt  }
0x47: {  	_ =	shalt  }
0x48: {  	_ =	shalt  }
0x49: {  	_ =	shalt  }
0x4a: {  	_ =	shalt  }
0x4b: {  	_ =	shalt  }
0x4c: {  	_ =	shalt  }
0x4d: {  	_ =	shalt  }
0x4e: {  	_ =	shalt  }
0x4f: {  	_ =	shalt  }
0x50: {  	_ =	shalt  }
0x51: {  	_ =	shalt  }
0x52: {  	_ =	shalt  }
0x53: {  	_ =	shalt  }
0x54: {  	_ =	shalt  }
0x55: {  	_ =	shalt  }
0x56: {  	_ =	shalt  }
0x57: {  	_ =	shalt  }
0x58: {  	_ =	shalt  }
0x59: {  	_ =	shalt  }
0x5a: {  	_ =	shalt  }
0x5b: {  	_ =	shalt  }
0x5c: {  	_ =	shalt  }
0x5d: {  	_ =	shalt  }
0x5e: {  	_ =	shalt  }
0x5f: {  	_ =	shalt  }
0x60: {  	_ =	shalt  }
0x61: {  	_ =	shalt  }
0x62: {  	_ =	shalt  }
0x63: {  	_ =	shalt  }
0x64: {  	_ =	shalt  }
0x65: {  	_ =	shalt  }
0x66: {  	_ =	shalt  }
0x67: {  	_ =	shalt  }
0x68: {  	_ =	shalt  }
0x69: {  	_ =	shalt  }
0x6a: {  	_ =	shalt  }
0x6b: {  	_ =	shalt  }
0x6c: {  	_ =	shalt  }
0x6d: {  	_ =	shalt  }
0x6e: {  	_ =	shalt  }
0x6f: {  	_ =	shalt  }
0x70: {  	_ =	shalt  }
0x71: {  	_ =	shalt  }
0x72: {  	_ =	shalt  }
0x73: {  	_ =	shalt  }
0x74: {  	_ =	shalt  }
0x75: {  	_ =	shalt  }
0x76: {  	_ =	shalt  }
0x77: {  	_ =	shalt  }
0x78: {  	_ =	shalt  }
0x79: {  	_ =	shalt  }
0x7a: {  	_ =	shalt  }
0x7b: {  	_ =	shalt  }
0x7c: {  	_ =	shalt  }
0x7d: {  	_ =	shalt  }
0x7e: {  	_ =	shalt  }
0x7f: {  	_ =	shalt  }
0x80: {  	_ =	shalt  }
0x81: {  	_ =	shalt  }
0x82: {  	_ =	shalt  }
0x83: {  	_ =	shalt  }
0x84: {  	_ =	shalt  }
0x85: {  	_ =	shalt  }
0x86: {  	_ =	shalt  }
0x87: {  	_ =	shalt  }
.Lfunc_end0:
.L_simem_size_0:
called_computation_lowered:
.L_overlay_start_0:
0x88: {  	s2 =	sld [smem:$0x3FD9]  }
0x89: {  	s3 =	sld [smem:$0x3FFE];
	_ =	sdelay $0x1  }
0x8a: {  	s1 =	srdreg.scid  }
0x8b: {  	s0 =	sand.u32 $0x1, s1  }
0x8c: {  	s17 =	sshll.u32 s0, $0xA;
	s2 =	sadd.s32 s3, s2  }
0x8d: {  	s2 =	sadd.s32 s2, s17  }
0x8e: {  	[smem:$0x3FC6] =	sst s2  }
0x8f: {  	_ = 	snop  }
0x90: {  	s2 =	sld [smem:$0x3FC8]  }
0x91: {  	s18 =	sld [smem:$0x3FD0];
	(tm) =	ssettm $0x1  }
0x92: {  	s4 =	sld [smem:$0x3FFB];
	_ =	sdelay $0x3  }
0x93: {  	_ =	strace s4  }
0x94: {  	s4 =	sld [smem:$0x3FFC];
	_ =	sdelay $0x3  }
0x95: {  	_ =	strace s4  }
0x96: {  	s4 =	sld [smem:$0x3FFD];
	_ =	sdelay $0x3  }
0x97: {  	_ =	strace s4  }
0x98: {  	_ =	strace $0x8FFFFFFF  }
0x99: {  	s19 =	sld [smem:$0x3FDB];
	_ =	sdelay $0x1  }
0x9a: {  	s5 =	simm.s32 $_scs_section_size  }
0x9b: {  	s6 =	simm.s32 $_size__tile_overlayer_lowered;
	s7 =	simm.s32 $_tile_overlayer_lowered  }
0x9c: {  	s22 =	simm.s32 $0x1BFF;
	s21 =	sshll.u32 s7, $0x1;
	s4 =	sadd.s32 s5, s19  }
0x9d: {  	s8 =	simm.s32 $0x0;
	s20 =	sshll.u32 s6, $0x1;
	s6 =	sadd.s32 s21, s4  }
0x9e: {  	[timem:s8], [sflag:s22] =	dma.local [hbm:s6], s20  }
0x9f: {  	_ =	swait.ge [sflag:s22], s20  }
0xa0: {  	s5 =	ssub.s32 $0x0, s20;
	[sflag:s22] =	ssyncset.done $0x0  }
0xa1: {  	[sflag:s22] =	ssyncadd.s32 s5;
	_ =	sdelay $0x1  }
0xa2: {  	s23 =	simm.s32 $0x1B8B  }
0xa3: {  	_ =	swait.ge [sflag:s23], $0x1  }
0xa4: {  	[sflag:s23] =	ssyncset.done $0x0  }
0xa5: {  	s25 =	simm.s32 $0x1B8E;
	s24 =	sld [smem:$0x3FFE];
	[sflag:s23] =	ssyncadd.s32 $0xFFFFFFFF  }
0xa6: {  	s26 =	simm.s32 $execute0_lowered;
	[smem:$0x3FD2] =	sst s25  }
0xa7: {  	s6 =	sshll.u32 s26, $0x1;
	_ =	strace $0x80000046;
	[dreg:$0x1] =	wrdreg $0xFFFFFFFF  }
0xa8: {  	s28 =	simm.s32 $_size_execute0_lowered;
	s4 =	sadd.s32 s4, s6;
	[dreg:$0x0] =	wrdreg $0x0  }
0xa9: {  	s6 =	sshll.u32 s28, $0x1;
	[dreg:$0x2] =	wrdreg s4  }
0xaa: {  	[dreg:$0x3] =	wrdreg s6  }
0xab: {  	[dreg:$0x4] =	wrdreg $0xC0  }
0xac: {  	_ =	task [dreg:s8], $0x5FFFF  }
0xad: {  	[dreg:$0x1] =	wrdreg $0xFFFFFFFF  }
0xae: {  	[dreg:$0x0] =	wrdreg $0x60  }
0xaf: {  	[dreg:$0x2] =	wrdreg s24  }
0xb0: {  	[dreg:$0x3] =	wrdreg s2  }
0xb1: {  	[dreg:$0x4] =	wrdreg s18  }
0xb2: {  	[dreg:$0x5] =	wrdreg $0x9  }
0xb3: {  	_ =	task.clear_ibuf [dreg:s8], $0x6FFFF;
	_ =	strace $0x90000046  }
0xb4: {  	s29 =	simm.s32 $0x9;
	_ =	strace $0x80000048  }
0xb5: {  	_ =	swait.ge [sflag:s29], $0x1  }
0xb6: {  	[sflag:s29] =	ssyncadd.s32 $0xFFFFFFFF  }
0xb7: {  	_ =	strace $0x90000048  }
0xb8: {  	_ =	sfence  }
0xb9: {  	s30 =	sld [smem:$0x0];
	_ =	sdelay $0x2  }
0xba: {  	s31 =	sshll.u32 s1, $0xD;
	s1 =	sshrl.u32 s1, $0x2  }
0xbb: {  	s3 =	sand.u32 $0x4000, s31;
	s1 =	sadd.s32 s1, s30  }
0xbc: {  	s0 =	sor.u32 s3, s0;
	s1 =	sshll.u32 s1, $0x11  }
0xbd: {  	s0 =	sor.u32 s1, s0  }
0xbe: {  	s0 =	sadd.s32 $0x8F2B, s0  }
0xbf: {  	[sflag:s0] =	ssyncadd.remote.s32 $0x1  }
0xc0: {  	_ =	sfence.sel $0xFFFF  }
0xc1: {  	[dreg:$0x0] =	wrdreg $0xFFFFFFFF;
	(pc) =	sbr.abs _section_cstart, $3  }
0xc2: {  	[dreg:$0x1] =	wrdreg $0xFFFFFFFF  }
0xc3: {  	_ =	task.clear_ibuf [dreg:s8], $0x2FFFF;
	_ =	strace $0x9FFFFFFF  }
0xc4: {  	(tm) =	ssettm $0x7FFFFFFF  }
0xc5: {  	_ =	shalt  }
tec
execute0_lowered:
.L_overlay_start_1:
0x0: {  	(tag) =	ssettag $0x1  }
0x1: {  	s0 =	rddreg [dreg:$0x0];
	s1 =	srdreg.scid  }
0x2: {  	s3 =	stileid.u32;
	s2 =	rddreg [dreg:$0x1]  }
0x3: {  	s17 =	simm.s32 $0x80;
	s18 =	simm.s32 $0x1C00;
	s19 =	simm.s32 $0x5C00  }
0x4: {  	s21 =	simm.s32 $0x9C00;
	s1 =	sand.u32 $0x1, s1;
	s4 =	sshll.u32 s3, $0x1  }
0x5: {  	s28 =	simm.s32 $0x2;
	s29 =	simm.s32 $0x6;
	s5 =	sor.u32 s1, s4  }
0x6: {  	s30 =	simm.s32 $0x3;
	s31 =	simm.s32 $0x7;
	s6 =	smul.u32 $0x380, s5  }
0x7: {  	s20 =	simm.s32 $0x5;
	s3 =	rddreg [dreg:$0x2];
	s7 =	smul.u32 $0x19000, s5  }
0x8: {  	s4 =	simm.s32 $0x0;
	s1 =	ssub.s32 $0x2, s1;
	s9 =	smul.u32 $0xC8000, s5  }
0x9: {  	[smem:$0x7FF] =	sst s4;
	s8 =	sshrl.u32 s1, $0x1;
	s5 =	smul.u32 $0x32, s5  }
0xa: {  	_ =	strace $0x80000047;
	s1 =	ssub.s32 s1, s8;
	s0 =	sadd.s32 s6, s0  }
0xb: {  	s22 =	sadd.s32 s3, s7;
	s23 =	sshrl.u32 s9, $0x3;
	s9 =	sadd.s32 $0x2, s5  }
0xc: {  	s10 =	sadd.s32 $0x3, s5;
	s26 =	smax.u32 s1, $0x1;
	[dreg:$0x5] =	wrdreg s22  }
0xd: {  	s11 =	sadd.s32 $0x4, s5;
	s0 =	sadd.s32 $0x400, s0;
	[dreg:$0xa] =	wrdreg s26  }
0xe: {  	s6 =	sadd.s32 $0x800, s22;
	[dreg:$0x4] =	wrdreg s0;
	s0 =	sadd.s32 s3, s23  }
0xf: {  	s1 =	simm.s32 $0x4;
	[dreg:$0x6] =	wrdreg s6;
	s24 =	sadd.s32 $0x17800, s0  }
0x10: {  	s7 =	simm.s32 $0x0;
	s25 =	sadd.s32 $0x18000, s0;
	[dreg:$0x7] =	wrdreg s24  }
0x11: {  	s26 =	simm.s32 $0x11C00;
	s0 =	sadd.s32 $0x18800, s0;
	[dreg:$0x8] =	wrdreg s25  }
0x12: {  	s22 =	simm.s32 $0x9;
	s23 =	simm.s32 $0xDC00;
	[dreg:$0x9] =	wrdreg s0  }
0x13: {  	s24 =	simm.s32 $0x1;
	s0 =	simm.s32 $0x8;
	s25 =	simm.s32 $0xA  }
.LBB2_1:
0x14: {  	[dreg:$0xb] =	wrdreg s7  }
0x15: {  	s6 =	rddreg [dreg:$0x4];
	s14 =	simm.s32 $0xB  }
0x16: {  	[tilespmem:s4], [sflag:$0xB] =	stream.linear.gather [hbm4b:s6+s4], $0x1900, $0x38;
	[tilespmem:$0x15C00] =	vst v63  }
0x17: {  	_ =	swait.ge [sflag:s14], $0x1900  }
0x18: {  	[sflag:s14] =	ssyncset.done $0x0  }
0x19: {  	[sflag:s14] =	ssyncadd.s32 $0xFFFFE700  }
0x1a: {  	[tilespmem:s18], [sflag:$0x1] =	stream.indirect.gather [hbm4b:s2+s17], $0x80, s4, s17, $0xb8;
	[tilespmem:$0x15C00] =	vst v63  }
0x1b: {  	_ = 	snop  }
0x1c: {  	[tilespmem:s19], [sflag:$0x2] =	stream.indirect.gather [hbm4b:s2+s17], $0x80, s17, s17, $0xb8;
	[tilespmem:$0x15C00] =	vst v63  }
0x1d: {  	s15 =	simm.s32 $0x100  }
0x1e: {  	[tilespmem:s21], [sflag:$0x3] =	stream.indirect.gather [hbm4b:s2+s17], $0x80, s15, s17, $0xb8;
	[tilespmem:$0x15C00] =	vst v63  }
0x1f: {  	s16 =	simm.s32 $0x180  }
0x20: {  	[tilespmem:s23], [sflag:$0x4] =	stream.indirect.gather [hbm4b:s2+s17], $0x80, s16, s17, $0xb8;
	[tilespmem:$0x15C00] =	vst v63  }
0x21: {  	_ =	swait.ge [sflag:s24], $0x4000  }
0x22: {  	[sflag:s24] =	ssyncset.done $0x0  }
0x23: {  	s7 =	simm.s32 $0x0;
	[sflag:s24] =	ssyncadd.s32 $0xFFFFC000  }
0x24: {  	v0 =	vld [tilespmem:s7+$0x1C00]  }
0x25: {  	v1 =	vld [tilespmem:s7+$0x1C10]  }
0x26: {  	v2 =	vld [tilespmem:s7+$0x1C20]  }
0x27: {  	v3 =	vld [tilespmem:s7+$0x1C30]  }
0x28: {  	v4 =	vld [tilespmem:s7+$0x1C40]  }
0x29: {  	v5 =	vld [tilespmem:s7+$0x1C50];
	v0 =	vmul.f32 $1.131370830e+01, v0  }
0x2a: {  	v6 =	vld [tilespmem:s7+$0x1C60];
	v1 =	vmul.f32 $1.131370830e+01, v1  }
0x2b: {  	v2 =	vmul.f32 $1.131370830e+01, v2;
	[tilespmem:s7+$0x1C00] =	vst v0;
	v0 =	vld [tilespmem:s7+$0x1C70]  }
0x2c: {  	v3 =	vmul.f32 $1.131370830e+01, v3;
	[tilespmem:s7+$0x1C10] =	vst v1;
	v1 =	vld [tilespmem:s7+$0x1C80]  }
0x2d: {  	v4 =	vmul.f32 $1.131370830e+01, v4;
	[tilespmem:s7+$0x1C20] =	vst v2;
	v2 =	vld [tilespmem:s7+$0x1C90]  }
0x2e: {  	v5 =	vmul.f32 $1.131370830e+01, v5;
	[tilespmem:s7+$0x1C30] =	vst v3;
	v3 =	vld [tilespmem:s7+$0x1CA0]  }
0x2f: {  	v6 =	vmul.f32 $1.131370830e+01, v6;
	[tilespmem:s7+$0x1C40] =	vst v4;
	v4 =	vld [tilespmem:s7+$0x1CB0]  }
0x30: {  	[tilespmem:s7+$0x1C50] =	vst v5;
	v5 =	vld [tilespmem:s7+$0x1CC0];
	v0 =	vmul.f32 $1.131370830e+01, v0  }
0x31: {  	[tilespmem:s7+$0x1C60] =	vst v6;
	v6 =	vld [tilespmem:s7+$0x1CD0];
	v1 =	vmul.f32 $1.131370830e+01, v1  }
0x32: {  	v2 =	vmul.f32 $1.131370830e+01, v2;
	[tilespmem:s7+$0x1C70] =	vst v0;
	v0 =	vld [tilespmem:s7+$0x1CE0]  }
0x33: {  	v3 =	vmul.f32 $1.131370830e+01, v3;
	[tilespmem:s7+$0x1C80] =	vst v1;
	v1 =	vld [tilespmem:s7+$0x1CF0]  }
0x34: {  	v4 =	vmul.f32 $1.131370830e+01, v4;
	[tilespmem:s7+$0x1C90] =	vst v2;
	v2 =	vld [tilespmem:s7+$0x1D00]  }
0x35: {  	v5 =	vmul.f32 $1.131370830e+01, v5;
	[tilespmem:s7+$0x1CA0] =	vst v3;
	v3 =	vld [tilespmem:s7+$0x1D10]  }
0x36: {  	v6 =	vmul.f32 $1.131370830e+01, v6;
	[tilespmem:s7+$0x1CB0] =	vst v4;
	v4 =	vld [tilespmem:s7+$0x1D20]  }
0x37: {  	[tilespmem:s7+$0x1CC0] =	vst v5;
	v5 =	vld [tilespmem:s7+$0x1D30];
	v0 =	vmul.f32 $1.131370830e+01, v0  }
0x38: {  	[tilespmem:s7+$0x1CD0] =	vst v6;
	v6 =	vld [tilespmem:s7+$0x1D40]  }
0x39: {  	v1 =	vmul.f32 $1.131370830e+01, v1;
	[tilespmem:s7+$0x1CE0] =	vst v0;
	v0 =	vld [tilespmem:s7+$0x1D50]  }
0x3a: {  	v2 =	vmul.f32 $1.131370830e+01, v2  }
0x3b: {  	[tilespmem:s7+$0x1CF0] =	vst v1;
	v1 =	vmul.f32 $1.131370830e+01, v3;
	v3 =	vld [tilespmem:s7+$0x1D70]  }
0x3c: {  	v7 =	vld [tilespmem:s7+$0x1D60];
	[tilespmem:s7+$0x1D00] =	vst v2;
	v2 =	vmul.f32 $1.131370830e+01, v4  }
0x3d: {  	v4 =	vld [tilespmem:s7+$0x1D80];
	[tilespmem:s7+$0x1D10] =	vst v1;
	v1 =	vmul.f32 $1.131370830e+01, v5  }
0x3e: {  	[tilespmem:s7+$0x1D20] =	vst v2;
	v5 =	vld [tilespmem:s7+$0x1D90];
	v2 =	vmul.f32 $1.131370830e+01, v6;
	v6 =	vmul.f32 $1.131370830e+01, v0  }
0x3f: {  	[tilespmem:s7+$0x1D30] =	vst v1;
	v1 =	vld [tilespmem:s7+$0x1DA0]  }
0x40: {  	v0 =	vld [tilespmem:s7+$0x1DB0];
	[tilespmem:s7+$0x1D50] =	vst v6;
	v6 =	vmul.f32 $1.131370830e+01, v3  }
0x41: {  	v7 =	vmul.f32 $1.131370830e+01, v7;
	[tilespmem:s7+$0x1D40] =	vst v2;
	v2 =	vld [tilespmem:s7+$0x1DC0]  }
0x42: {  	v3 =	vld [tilespmem:s7+$0x1DD0];
	[tilespmem:s7+$0x1D70] =	vst v6;
	v6 =	vmul.f32 $1.131370830e+01, v4  }
0x43: {  	s8 =	simm.s32 $0x800;
	[tilespmem:s7+$0x1D60] =	vst v7;
	v5 =	vmul.f32 $1.131370830e+01, v5;
	v4 =	vld [tilespmem:s7+$0x1DE0]  }
.LBB2_2:
0x44: {  	s12 =	sshra.s32 s8, $0x2;
	p0 =	sne.s32 s8, $0xF800;
	[tilespmem:s7+$0x1D80] =	vst v6;
	v1 =	vmul.f32 $1.131370830e+01, v1;
	v6 =	vld [tilespmem:s7+$0x1DF0]  }
0x45: {  	v7 =	vld [tilespmem:s12+$0x1C00];
	[tilespmem:s7+$0x1D90] =	vst v5;
	v0 =	vmul.f32 $1.131370830e+01, v0  }
0x46: {  	v5 =	vld [tilespmem:s12+$0x1C10];
	[tilespmem:s7+$0x1DA0] =	vst v1;
	v1 =	vmul.f32 $1.131370830e+01, v2  }
0x47: {  	v2 =	vld [tilespmem:s12+$0x1C20];
	[tilespmem:s7+$0x1DB0] =	vst v0;
	v0 =	vmul.f32 $1.131370830e+01, v3  }
0x48: {  	v3 =	vld [tilespmem:s12+$0x1C30];
	[tilespmem:s7+$0x1DC0] =	vst v1;
	v1 =	vmul.f32 $1.131370830e+01, v4  }
0x49: {  	v4 =	vld [tilespmem:s12+$0x1C40];
	[tilespmem:s7+$0x1DD0] =	vst v0;
	v0 =	vmul.f32 $1.131370830e+01, v6  }
0x4a: {  	v6 =	vmul.f32 $1.131370830e+01, v7;
	v7 =	vld [tilespmem:s12+$0x1C50];
	[tilespmem:s7+$0x1DE0] =	vst v1  }
0x4b: {  	v1 =	vmul.f32 $1.131370830e+01, v5;
	v5 =	vld [tilespmem:s12+$0x1C60];
	[tilespmem:s7+$0x1DF0] =	vst v0;
	s7 =	smov.u32 s12  }
0x4c: {  	[tilespmem:s7+$0x1C00] =	vst v6;
	v0 =	vmul.f32 $1.131370830e+01, v2;
	v2 =	vld [tilespmem:s7+$0x1C70]  }
0x4d: {  	[tilespmem:s7+$0x1C10] =	vst v1;
	v1 =	vmul.f32 $1.131370830e+01, v3;
	v3 =	vld [tilespmem:s7+$0x1C80]  }
0x4e: {  	[tilespmem:s7+$0x1C20] =	vst v0;
	v0 =	vmul.f32 $1.131370830e+01, v4;
	v4 =	vld [tilespmem:s7+$0x1C90]  }
0x4f: {  	[tilespmem:s7+$0x1C30] =	vst v1;
	v1 =	vmul.f32 $1.131370830e+01, v7;
	v6 =	vld [tilespmem:s7+$0x1CA0]  }
0x50: {  	[tilespmem:s7+$0x1C40] =	vst v0;
	v0 =	vmul.f32 $1.131370830e+01, v5;
	v5 =	vld [tilespmem:s7+$0x1CB0]  }
0x51: {  	[tilespmem:s7+$0x1C50] =	vst v1;
	v1 =	vmul.f32 $1.131370830e+01, v2;
	v2 =	vld [tilespmem:s7+$0x1CC0]  }
0x52: {  	[tilespmem:s7+$0x1C60] =	vst v0;
	v0 =	vmul.f32 $1.131370830e+01, v3;
	v3 =	vld [tilespmem:s7+$0x1CD0]  }
0x53: {  	[tilespmem:s7+$0x1C70] =	vst v1;
	v1 =	vmul.f32 $1.131370830e+01, v4;
	v4 =	vld [tilespmem:s7+$0x1CE0]  }
0x54: {  	[tilespmem:s7+$0x1C80] =	vst v0;
	v0 =	vmul.f32 $1.131370830e+01, v6;
	v6 =	vld [tilespmem:s7+$0x1CF0]  }
0x55: {  	[tilespmem:s7+$0x1C90] =	vst v1;
	v1 =	vmul.f32 $1.131370830e+01, v5;
	v5 =	vld [tilespmem:s7+$0x1D00]  }
0x56: {  	[tilespmem:s7+$0x1CA0] =	vst v0;
	v0 =	vmul.f32 $1.131370830e+01, v2;
	v2 =	vld [tilespmem:s7+$0x1D10]  }
0x57: {  	[tilespmem:s7+$0x1CB0] =	vst v1;
	v1 =	vmul.f32 $1.131370830e+01, v3;
	v3 =	vld [tilespmem:s7+$0x1D20]  }
0x58: {  	[tilespmem:s7+$0x1CC0] =	vst v0;
	v0 =	vmul.f32 $1.131370830e+01, v4;
	v4 =	vld [tilespmem:s7+$0x1D30]  }
0x59: {  	[tilespmem:s7+$0x1CD0] =	vst v1;
	v1 =	vmul.f32 $1.131370830e+01, v6;
	v6 =	vld [tilespmem:s7+$0x1D40]  }
0x5a: {  	[tilespmem:s7+$0x1CE0] =	vst v0;
	v0 =	vmul.f32 $1.131370830e+01, v5;
	v5 =	vld [tilespmem:s7+$0x1D50]  }
0x5b: {  	[tilespmem:s7+$0x1CF0] =	vst v1;
	v1 =	vmul.f32 $1.131370830e+01, v2;
	v2 =	vld [tilespmem:s7+$0x1D60]  }
0x5c: {  	[tilespmem:s7+$0x1D00] =	vst v0;
	v0 =	vmul.f32 $1.131370830e+01, v3;
	v3 =	vld [tilespmem:s7+$0x1D70]  }
0x5d: {  	[tilespmem:s7+$0x1D10] =	vst v1;
	v1 =	vmul.f32 $1.131370830e+01, v4;
	v4 =	vld [tilespmem:s7+$0x1D80]  }
0x5e: {  	[tilespmem:s7+$0x1D20] =	vst v0;
	v0 =	vmul.f32 $1.131370830e+01, v6;
	v7 =	vld [tilespmem:s7+$0x1D90]  }
.Ltmp0:
0x5f: {  	[tilespmem:s7+$0x1D30] =	vst v1;
	v5 =	vmul.f32 $1.131370830e+01, v5;
	v1 =	vld [tilespmem:s7+$0x1DA0];
	(pc) =	sbr.rel @p0 .LBB2_2-.Ltmp0, $4  }
0x60: {  	[tilespmem:s7+$0x1D40] =	vst v0;
	v6 =	vmul.f32 $1.131370830e+01, v2;
	v0 =	vld [tilespmem:s7+$0x1DB0]  }
0x61: {  	[tilespmem:s7+$0x1D50] =	vst v5;
	v5 =	vmul.f32 $1.131370830e+01, v3;
	v2 =	vld [tilespmem:s7+$0x1DC0]  }
0x62: {  	[tilespmem:s7+$0x1D60] =	vst v6;
	v6 =	vmul.f32 $1.131370830e+01, v4;
	v3 =	vld [tilespmem:s7+$0x1DD0]  }
0x63: {  	s8 =	sadd.s32 $0x800, s8;
	[tilespmem:s7+$0x1D70] =	vst v5;
	v5 =	vmul.f32 $1.131370830e+01, v7;
	v4 =	vld [tilespmem:s7+$0x1DE0]  }
0x64: {  	[tilespmem:s7+$0x1D80] =	vst v6;
	v1 =	vmul.f32 $1.131370830e+01, v1;
	v6 =	vld [tilespmem:s7+$0x1DF0]  }
0x65: {  	[tilespmem:s7+$0x1D90] =	vst v5;
	v0 =	vmul.f32 $1.131370830e+01, v0  }
0x66: {  	[tilespmem:s7+$0x1DA0] =	vst v1;
	v1 =	vmul.f32 $1.131370830e+01, v2  }
0x67: {  	[tilespmem:s7+$0x1DB0] =	vst v0;
	v0 =	vmul.f32 $1.131370830e+01, v3  }
0x68: {  	[tilespmem:s7+$0x1DC0] =	vst v1;
	v1 =	vmul.f32 $1.131370830e+01, v4  }
0x69: {  	[tilespmem:s7+$0x1DD0] =	vst v0;
	v0 =	vmul.f32 $1.131370830e+01, v6  }
0x6a: {  	[tilespmem:s7+$0x1DE0] =	vst v1  }
0x6b: {  	s15 =	simm.s32 $0x0;
	s6 =	rddreg [dreg:$0x5];
	[tilespmem:s7+$0x1DF0] =	vst v0  }
0x6c: {  	[hbm4b:s6+s15] =	stream.linear.scatter [tilespmem:s18], [sflag:$0x6], $0x4000, $0x38;
	[tilespmem:$0x15C00] =	vst v63  }
0x6d: {  	s16 =	simm.s32 $0x200  }
0x6e: {  	[tilespmem:s26], [sflag:$0x5] =	stream.indirect.gather [hbm4b:s2+s17], $0x80, s16, s17, $0xb8;
	[tilespmem:$0x15C00] =	vst v63  }
0x6f: {  	_ =	swait.ge [sflag:s28], $0x4000  }
0x70: {  	[sflag:s28] =	ssyncset.done $0x0  }
0x71: {  	s7 =	simm.s32 $0x0;
	[sflag:s28] =	ssyncadd.s32 $0xFFFFC000  }
0x72: {  	v0 =	vld [tilespmem:s7+$0x5C00]  }
0x73: {  	v1 =	vld [tilespmem:s7+$0x5C10]  }
0x74: {  	v2 =	vld [tilespmem:s7+$0x5C20]  }
0x75: {  	v3 =	vld [tilespmem:s7+$0x5C30]  }
0x76: {  	v4 =	vld [tilespmem:s7+$0x5C40]  }
0x77: {  	v5 =	vld [tilespmem:s7+$0x5C50];
	v0 =	vmul.f32 $1.131370830e+01, v0  }
0x78: {  	v6 =	vld [tilespmem:s7+$0x5C60];
	v1 =	vmul.f32 $1.131370830e+01, v1  }
0x79: {  	v2 =	vmul.f32 $1.131370830e+01, v2;
	[tilespmem:s7+$0x5C00] =	vst v0;
	v0 =	vld [tilespmem:s7+$0x5C70]  }
0x7a: {  	v3 =	vmul.f32 $1.131370830e+01, v3;
	[tilespmem:s7+$0x5C10] =	vst v1;
	v1 =	vld [tilespmem:s7+$0x5C80]  }
0x7b: {  	v4 =	vmul.f32 $1.131370830e+01, v4;
	[tilespmem:s7+$0x5C20] =	vst v2;
	v2 =	vld [tilespmem:s7+$0x5C90]  }
0x7c: {  	v5 =	vmul.f32 $1.131370830e+01, v5;
	[tilespmem:s7+$0x5C30] =	vst v3;
	v3 =	vld [tilespmem:s7+$0x5CA0]  }
0x7d: {  	v6 =	vmul.f32 $1.131370830e+01, v6;
	[tilespmem:s7+$0x5C40] =	vst v4;
	v4 =	vld [tilespmem:s7+$0x5CB0]  }
0x7e: {  	[tilespmem:s7+$0x5C50] =	vst v5;
	v5 =	vld [tilespmem:s7+$0x5CC0];
	v0 =	vmul.f32 $1.131370830e+01, v0  }
0x7f: {  	[tilespmem:s7+$0x5C60] =	vst v6;
	v6 =	vld [tilespmem:s7+$0x5CD0];
	v1 =	vmul.f32 $1.131370830e+01, v1  }
0x80: {  	v2 =	vmul.f32 $1.131370830e+01, v2;
	[tilespmem:s7+$0x5C70] =	vst v0;
	v0 =	vld [tilespmem:s7+$0x5CE0]  }
0x81: {  	v3 =	vmul.f32 $1.131370830e+01, v3;
	[tilespmem:s7+$0x5C80] =	vst v1;
	v1 =	vld [tilespmem:s7+$0x5CF0]  }
0x82: {  	v4 =	vmul.f32 $1.131370830e+01, v4;
	[tilespmem:s7+$0x5C90] =	vst v2;
	v2 =	vld [tilespmem:s7+$0x5D00]  }
0x83: {  	v5 =	vmul.f32 $1.131370830e+01, v5;
	[tilespmem:s7+$0x5CA0] =	vst v3;
	v3 =	vld [tilespmem:s7+$0x5D10]  }
0x84: {  	v6 =	vmul.f32 $1.131370830e+01, v6;
	[tilespmem:s7+$0x5CB0] =	vst v4;
	v4 =	vld [tilespmem:s7+$0x5D20]  }
0x85: {  	[tilespmem:s7+$0x5CC0] =	vst v5;
	v5 =	vld [tilespmem:s7+$0x5D30];
	v0 =	vmul.f32 $1.131370830e+01, v0  }
0x86: {  	[tilespmem:s7+$0x5CD0] =	vst v6;
	v6 =	vld [tilespmem:s7+$0x5D40]  }
0x87: {  	v1 =	vmul.f32 $1.131370830e+01, v1;
	[tilespmem:s7+$0x5CE0] =	vst v0;
	v0 =	vld [tilespmem:s7+$0x5D50]  }
0x88: {  	v2 =	vmul.f32 $1.131370830e+01, v2  }
0x89: {  	[tilespmem:s7+$0x5CF0] =	vst v1;
	v1 =	vmul.f32 $1.131370830e+01, v3;
	v3 =	vld [tilespmem:s7+$0x5D70]  }
0x8a: {  	v7 =	vld [tilespmem:s7+$0x5D60];
	[tilespmem:s7+$0x5D00] =	vst v2;
	v2 =	vmul.f32 $1.131370830e+01, v4  }
0x8b: {  	v4 =	vld [tilespmem:s7+$0x5D80];
	[tilespmem:s7+$0x5D10] =	vst v1;
	v1 =	vmul.f32 $1.131370830e+01, v5  }
0x8c: {  	[tilespmem:s7+$0x5D20] =	vst v2;
	v5 =	vld [tilespmem:s7+$0x5D90];
	v2 =	vmul.f32 $1.131370830e+01, v6;
	v6 =	vmul.f32 $1.131370830e+01, v0  }
0x8d: {  	[tilespmem:s7+$0x5D30] =	vst v1;
	v1 =	vld [tilespmem:s7+$0x5DA0]  }
0x8e: {  	v0 =	vld [tilespmem:s7+$0x5DB0];
	[tilespmem:s7+$0x5D50] =	vst v6;
	v6 =	vmul.f32 $1.131370830e+01, v3  }
0x8f: {  	v7 =	vmul.f32 $1.131370830e+01, v7;
	[tilespmem:s7+$0x5D40] =	vst v2;
	v2 =	vld [tilespmem:s7+$0x5DC0]  }
0x90: {  	v3 =	vld [tilespmem:s7+$0x5DD0];
	[tilespmem:s7+$0x5D70] =	vst v6;
	v6 =	vmul.f32 $1.131370830e+01, v4  }
0x91: {  	s8 =	simm.s32 $0x800;
	[tilespmem:s7+$0x5D60] =	vst v7;
	v5 =	vmul.f32 $1.131370830e+01, v5;
	v4 =	vld [tilespmem:s7+$0x5DE0]  }
.LBB2_4:
0x92: {  	s12 =	sshra.s32 s8, $0x2;
	p0 =	sne.s32 s8, $0xF800;
	[tilespmem:s7+$0x5D80] =	vst v6;
	v1 =	vmul.f32 $1.131370830e+01, v1;
	v6 =	vld [tilespmem:s7+$0x5DF0]  }
0x93: {  	v7 =	vld [tilespmem:s12+$0x5C00];
	[tilespmem:s7+$0x5D90] =	vst v5;
	v0 =	vmul.f32 $1.131370830e+01, v0  }
0x94: {  	v5 =	vld [tilespmem:s12+$0x5C10];
	[tilespmem:s7+$0x5DA0] =	vst v1;
	v1 =	vmul.f32 $1.131370830e+01, v2  }
0x95: {  	v2 =	vld [tilespmem:s12+$0x5C20];
	[tilespmem:s7+$0x5DB0] =	vst v0;
	v0 =	vmul.f32 $1.131370830e+01, v3  }
0x96: {  	v3 =	vld [tilespmem:s12+$0x5C30];
	[tilespmem:s7+$0x5DC0] =	vst v1;
	v1 =	vmul.f32 $1.131370830e+01, v4  }
0x97: {  	v4 =	vld [tilespmem:s12+$0x5C40];
	[tilespmem:s7+$0x5DD0] =	vst v0;
	v0 =	vmul.f32 $1.131370830e+01, v6  }
0x98: {  	v6 =	vmul.f32 $1.131370830e+01, v7;
	v7 =	vld [tilespmem:s12+$0x5C50];
	[tilespmem:s7+$0x5DE0] =	vst v1  }
0x99: {  	v1 =	vmul.f32 $1.131370830e+01, v5;
	v5 =	vld [tilespmem:s12+$0x5C60];
	[tilespmem:s7+$0x5DF0] =	vst v0;
	s7 =	smov.u32 s12  }
0x9a: {  	[tilespmem:s7+$0x5C00] =	vst v6;
	v0 =	vmul.f32 $1.131370830e+01, v2;
	v2 =	vld [tilespmem:s7+$0x5C70]  }
0x9b: {  	[tilespmem:s7+$0x5C10] =	vst v1;
	v1 =	vmul.f32 $1.131370830e+01, v3;
	v3 =	vld [tilespmem:s7+$0x5C80]  }
0x9c: {  	[tilespmem:s7+$0x5C20] =	vst v0;
	v0 =	vmul.f32 $1.131370830e+01, v4;
	v4 =	vld [tilespmem:s7+$0x5C90]  }
0x9d: {  	[tilespmem:s7+$0x5C30] =	vst v1;
	v1 =	vmul.f32 $1.131370830e+01, v7;
	v6 =	vld [tilespmem:s7+$0x5CA0]  }
0x9e: {  	[tilespmem:s7+$0x5C40] =	vst v0;
	v0 =	vmul.f32 $1.131370830e+01, v5;
	v5 =	vld [tilespmem:s7+$0x5CB0]  }
0x9f: {  	[tilespmem:s7+$0x5C50] =	vst v1;
	v1 =	vmul.f32 $1.131370830e+01, v2;
	v2 =	vld [tilespmem:s7+$0x5CC0]  }
0xa0: {  	[tilespmem:s7+$0x5C60] =	vst v0;
	v0 =	vmul.f32 $1.131370830e+01, v3;
	v3 =	vld [tilespmem:s7+$0x5CD0]  }
0xa1: {  	[tilespmem:s7+$0x5C70] =	vst v1;
	v1 =	vmul.f32 $1.131370830e+01, v4;
	v4 =	vld [tilespmem:s7+$0x5CE0]  }
0xa2: {  	[tilespmem:s7+$0x5C80] =	vst v0;
	v0 =	vmul.f32 $1.131370830e+01, v6;
	v6 =	vld [tilespmem:s7+$0x5CF0]  }
0xa3: {  	[tilespmem:s7+$0x5C90] =	vst v1;
	v1 =	vmul.f32 $1.131370830e+01, v5;
	v5 =	vld [tilespmem:s7+$0x5D00]  }
0xa4: {  	[tilespmem:s7+$0x5CA0] =	vst v0;
	v0 =	vmul.f32 $1.131370830e+01, v2;
	v2 =	vld [tilespmem:s7+$0x5D10]  }
0xa5: {  	[tilespmem:s7+$0x5CB0] =	vst v1;
	v1 =	vmul.f32 $1.131370830e+01, v3;
	v3 =	vld [tilespmem:s7+$0x5D20]  }
0xa6: {  	[tilespmem:s7+$0x5CC0] =	vst v0;
	v0 =	vmul.f32 $1.131370830e+01, v4;
	v4 =	vld [tilespmem:s7+$0x5D30]  }
0xa7: {  	[tilespmem:s7+$0x5CD0] =	vst v1;
	v1 =	vmul.f32 $1.131370830e+01, v6;
	v6 =	vld [tilespmem:s7+$0x5D40]  }
0xa8: {  	[tilespmem:s7+$0x5CE0] =	vst v0;
	v0 =	vmul.f32 $1.131370830e+01, v5;
	v5 =	vld [tilespmem:s7+$0x5D50]  }
0xa9: {  	[tilespmem:s7+$0x5CF0] =	vst v1;
	v1 =	vmul.f32 $1.131370830e+01, v2;
	v2 =	vld [tilespmem:s7+$0x5D60]  }
0xaa: {  	[tilespmem:s7+$0x5D00] =	vst v0;
	v0 =	vmul.f32 $1.131370830e+01, v3;
	v3 =	vld [tilespmem:s7+$0x5D70]  }
0xab: {  	[tilespmem:s7+$0x5D10] =	vst v1;
	v1 =	vmul.f32 $1.131370830e+01, v4;
	v4 =	vld [tilespmem:s7+$0x5D80]  }
0xac: {  	[tilespmem:s7+$0x5D20] =	vst v0;
	v0 =	vmul.f32 $1.131370830e+01, v6;
	v7 =	vld [tilespmem:s7+$0x5D90]  }
.Ltmp1:
0xad: {  	[tilespmem:s7+$0x5D30] =	vst v1;
	v5 =	vmul.f32 $1.131370830e+01, v5;
	v1 =	vld [tilespmem:s7+$0x5DA0];
	(pc) =	sbr.rel @p0 .LBB2_4-.Ltmp1, $4  }
0xae: {  	[tilespmem:s7+$0x5D40] =	vst v0;
	v6 =	vmul.f32 $1.131370830e+01, v2;
	v0 =	vld [tilespmem:s7+$0x5DB0]  }
0xaf: {  	[tilespmem:s7+$0x5D50] =	vst v5;
	v5 =	vmul.f32 $1.131370830e+01, v3;
	v2 =	vld [tilespmem:s7+$0x5DC0]  }
0xb0: {  	[tilespmem:s7+$0x5D60] =	vst v6;
	v6 =	vmul.f32 $1.131370830e+01, v4;
	v3 =	vld [tilespmem:s7+$0x5DD0]  }
0xb1: {  	s8 =	sadd.s32 $0x800, s8;
	[tilespmem:s7+$0x5D70] =	vst v5;
	v5 =	vmul.f32 $1.131370830e+01, v7;
	v4 =	vld [tilespmem:s7+$0x5DE0]  }
0xb2: {  	[tilespmem:s7+$0x5D80] =	vst v6;
	v1 =	vmul.f32 $1.131370830e+01, v1;
	v59 =	vld [tilespmem:s7+$0x5DF0]  }
0xb3: {  	[tilespmem:s7+$0x5D90] =	vst v5;
	v0 =	vmul.f32 $1.131370830e+01, v0  }
0xb4: {  	[tilespmem:s7+$0x5DA0] =	vst v1;
	v60 =	vmul.f32 $1.131370830e+01, v2  }
0xb5: {  	[tilespmem:s7+$0x5DB0] =	vst v0;
	v61 =	vmul.f32 $1.131370830e+01, v3  }
0xb6: {  	[tilespmem:s7+$0x5DC0] =	vst v60;
	v62 =	vmul.f32 $1.131370830e+01, v4  }
0xb7: {  	[tilespmem:s7+$0x5DD0] =	vst v61;
	v63 =	vmul.f32 $1.131370830e+01, v59  }
0xb8: {  	[tilespmem:s7+$0x5DE0] =	vst v62  }
0xb9: {  	s8 =	simm.s32 $0x0;
	s6 =	rddreg [dreg:$0x6];
	[tilespmem:s7+$0x5DF0] =	vst v63  }
0xba: {  	[hbm4b:s6+s8] =	stream.linear.scatter [tilespmem:s19], [sflag:$0x7], $0x4000, $0x38;
	[tilespmem:$0x15C00] =	vst v63  }
.LBB2_6:
0xbb: {  	s14 =	smul.u32 $0x5, s8;
	_ =	sdelay $0x1  }
0xbc: {  	_ =	swait.ge [sflag:s29], $0x4000;
	s12 =	sadd.s32 $0x5, s14  }
0xbd: {  	[sflag:s29] =	ssyncset.done $0x0;
	s7 =	sshll.u32 s12, $0x7  }
0xbe: {  	[sflag:s29] =	ssyncadd.s32 $0xFFFFC000;
	s7 =	sand.u32 $0x3FFFFF80, s7  }
0xbf: {  	[tilespmem:s18], [sflag:$0x1] =	stream.indirect.gather [hbm4b:s2+s17], $0x80, s7, s17, $0xb8;
	[tilespmem:$0x15C00] =	vst v63  }
0xc0: {  	_ =	swait.ge [sflag:s30], $0x4000  }
0xc1: {  	[sflag:s30] =	ssyncset.done $0x0  }
0xc2: {  	s13 =	simm.s32 $0x0;
	[sflag:s30] =	ssyncadd.s32 $0xFFFFC000  }
0xc3: {  	v0 =	vld [tilespmem:s13+$0x9C00]  }
0xc4: {  	v1 =	vld [tilespmem:s13+$0x9C10]  }
0xc5: {  	v2 =	vld [tilespmem:s13+$0x9C20]  }
0xc6: {  	v3 =	vld [tilespmem:s13+$0x9C30]  }
0xc7: {  	v4 =	vld [tilespmem:s13+$0x9C40]  }
0xc8: {  	v5 =	vld [tilespmem:s13+$0x9C50];
	v0 =	vmul.f32 $1.131370830e+01, v0  }
0xc9: {  	v6 =	vld [tilespmem:s13+$0x9C60];
	v1 =	vmul.f32 $1.131370830e+01, v1  }
0xca: {  	v2 =	vmul.f32 $1.131370830e+01, v2;
	[tilespmem:s13+$0x9C00] =	vst v0;
	v0 =	vld [tilespmem:s13+$0x9C70]  }
0xcb: {  	v3 =	vmul.f32 $1.131370830e+01, v3;
	[tilespmem:s13+$0x9C10] =	vst v1;
	v1 =	vld [tilespmem:s13+$0x9C80]  }
0xcc: {  	v4 =	vmul.f32 $1.131370830e+01, v4;
	[tilespmem:s13+$0x9C20] =	vst v2;
	v2 =	vld [tilespmem:s13+$0x9C90]  }
0xcd: {  	v5 =	vmul.f32 $1.131370830e+01, v5;
	[tilespmem:s13+$0x9C30] =	vst v3;
	v3 =	vld [tilespmem:s13+$0x9CA0]  }
0xce: {  	v6 =	vmul.f32 $1.131370830e+01, v6;
	[tilespmem:s13+$0x9C40] =	vst v4;
	v4 =	vld [tilespmem:s13+$0x9CB0]  }
0xcf: {  	[tilespmem:s13+$0x9C50] =	vst v5;
	v5 =	vld [tilespmem:s13+$0x9CC0];
	v0 =	vmul.f32 $1.131370830e+01, v0  }
0xd0: {  	[tilespmem:s13+$0x9C60] =	vst v6;
	v6 =	vld [tilespmem:s13+$0x9CD0];
	v1 =	vmul.f32 $1.131370830e+01, v1  }
0xd1: {  	v2 =	vmul.f32 $1.131370830e+01, v2;
	[tilespmem:s13+$0x9C70] =	vst v0;
	v0 =	vld [tilespmem:s13+$0x9CE0]  }
0xd2: {  	v3 =	vmul.f32 $1.131370830e+01, v3;
	[tilespmem:s13+$0x9C80] =	vst v1;
	v1 =	vld [tilespmem:s13+$0x9CF0]  }
0xd3: {  	v4 =	vmul.f32 $1.131370830e+01, v4;
	[tilespmem:s13+$0x9C90] =	vst v2;
	v2 =	vld [tilespmem:s13+$0x9D00]  }
0xd4: {  	v5 =	vmul.f32 $1.131370830e+01, v5;
	[tilespmem:s13+$0x9CA0] =	vst v3;
	v3 =	vld [tilespmem:s13+$0x9D10]  }
0xd5: {  	v6 =	vmul.f32 $1.131370830e+01, v6;
	[tilespmem:s13+$0x9CB0] =	vst v4;
	v4 =	vld [tilespmem:s13+$0x9D20]  }
0xd6: {  	[tilespmem:s13+$0x9CC0] =	vst v5;
	v5 =	vld [tilespmem:s13+$0x9D30];
	v0 =	vmul.f32 $1.131370830e+01, v0  }
0xd7: {  	[tilespmem:s13+$0x9CD0] =	vst v6;
	v6 =	vld [tilespmem:s13+$0x9D40]  }
0xd8: {  	v1 =	vmul.f32 $1.131370830e+01, v1;
	[tilespmem:s13+$0x9CE0] =	vst v0;
	v0 =	vld [tilespmem:s13+$0x9D50]  }
0xd9: {  	v2 =	vmul.f32 $1.131370830e+01, v2  }
0xda: {  	[tilespmem:s13+$0x9CF0] =	vst v1;
	v1 =	vmul.f32 $1.131370830e+01, v3;
	v3 =	vld [tilespmem:s13+$0x9D70]  }
0xdb: {  	v7 =	vld [tilespmem:s13+$0x9D60];
	[tilespmem:s13+$0x9D00] =	vst v2;
	v2 =	vmul.f32 $1.131370830e+01, v4  }
0xdc: {  	v4 =	vld [tilespmem:s13+$0x9D80];
	[tilespmem:s13+$0x9D10] =	vst v1;
	v1 =	vmul.f32 $1.131370830e+01, v5  }
0xdd: {  	[tilespmem:s13+$0x9D20] =	vst v2;
	v5 =	vld [tilespmem:s13+$0x9D90];
	v2 =	vmul.f32 $1.131370830e+01, v6;
	v6 =	vmul.f32 $1.131370830e+01, v0  }
0xde: {  	[tilespmem:s13+$0x9D30] =	vst v1;
	v1 =	vld [tilespmem:s13+$0x9DA0]  }
0xdf: {  	v0 =	vld [tilespmem:s13+$0x9DB0];
	[tilespmem:s13+$0x9D50] =	vst v6;
	v6 =	vmul.f32 $1.131370830e+01, v3  }
0xe0: {  	v7 =	vmul.f32 $1.131370830e+01, v7;
	[tilespmem:s13+$0x9D40] =	vst v2;
	v2 =	vld [tilespmem:s13+$0x9DC0]  }
0xe1: {  	v3 =	vld [tilespmem:s13+$0x9DD0];
	[tilespmem:s13+$0x9D70] =	vst v6;
	v6 =	vmul.f32 $1.131370830e+01, v4  }
0xe2: {  	s7 =	simm.s32 $0x800;
	[tilespmem:s13+$0x9D60] =	vst v7;
	v5 =	vmul.f32 $1.131370830e+01, v5;
	v4 =	vld [tilespmem:s13+$0x9DE0]  }
.LBB2_7:
0xe3: {  	s15 =	sshra.s32 s7, $0x2;
	p0 =	sne.s32 s7, $0xF800;
	[tilespmem:s13+$0x9D80] =	vst v6;
	v1 =	vmul.f32 $1.131370830e+01, v1;
	v6 =	vld [tilespmem:s13+$0x9DF0]  }
0xe4: {  	v7 =	vld [tilespmem:s15+$0x9C00];
	[tilespmem:s13+$0x9D90] =	vst v5;
	v0 =	vmul.f32 $1.131370830e+01, v0  }
0xe5: {  	v5 =	vld [tilespmem:s15+$0x9C10];
	[tilespmem:s13+$0x9DA0] =	vst v1;
	v1 =	vmul.f32 $1.131370830e+01, v2  }
0xe6: {  	v2 =	vld [tilespmem:s15+$0x9C20];
	[tilespmem:s13+$0x9DB0] =	vst v0;
	v0 =	vmul.f32 $1.131370830e+01, v3  }
0xe7: {  	v3 =	vld [tilespmem:s15+$0x9C30];
	[tilespmem:s13+$0x9DC0] =	vst v1;
	v1 =	vmul.f32 $1.131370830e+01, v4  }
0xe8: {  	v4 =	vld [tilespmem:s15+$0x9C40];
	[tilespmem:s13+$0x9DD0] =	vst v0;
	v0 =	vmul.f32 $1.131370830e+01, v6  }
0xe9: {  	v6 =	vmul.f32 $1.131370830e+01, v7;
	v7 =	vld [tilespmem:s15+$0x9C50];
	[tilespmem:s13+$0x9DE0] =	vst v1  }
0xea: {  	v1 =	vmul.f32 $1.131370830e+01, v5;
	v5 =	vld [tilespmem:s15+$0x9C60];
	[tilespmem:s13+$0x9DF0] =	vst v0;
	s13 =	smov.u32 s15  }
0xeb: {  	[tilespmem:s13+$0x9C00] =	vst v6;
	v0 =	vmul.f32 $1.131370830e+01, v2;
	v2 =	vld [tilespmem:s13+$0x9C70]  }
0xec: {  	[tilespmem:s13+$0x9C10] =	vst v1;
	v1 =	vmul.f32 $1.131370830e+01, v3;
	v3 =	vld [tilespmem:s13+$0x9C80]  }
0xed: {  	[tilespmem:s13+$0x9C20] =	vst v0;
	v0 =	vmul.f32 $1.131370830e+01, v4;
	v4 =	vld [tilespmem:s13+$0x9C90]  }
0xee: {  	[tilespmem:s13+$0x9C30] =	vst v1;
	v1 =	vmul.f32 $1.131370830e+01, v7;
	v6 =	vld [tilespmem:s13+$0x9CA0]  }
0xef: {  	[tilespmem:s13+$0x9C40] =	vst v0;
	v0 =	vmul.f32 $1.131370830e+01, v5;
	v5 =	vld [tilespmem:s13+$0x9CB0]  }
0xf0: {  	[tilespmem:s13+$0x9C50] =	vst v1;
	v1 =	vmul.f32 $1.131370830e+01, v2;
	v2 =	vld [tilespmem:s13+$0x9CC0]  }
0xf1: {  	[tilespmem:s13+$0x9C60] =	vst v0;
	v0 =	vmul.f32 $1.131370830e+01, v3;
	v3 =	vld [tilespmem:s13+$0x9CD0]  }
0xf2: {  	[tilespmem:s13+$0x9C70] =	vst v1;
	v1 =	vmul.f32 $1.131370830e+01, v4;
	v4 =	vld [tilespmem:s13+$0x9CE0]  }
0xf3: {  	[tilespmem:s13+$0x9C80] =	vst v0;
	v0 =	vmul.f32 $1.131370830e+01, v6;
	v6 =	vld [tilespmem:s13+$0x9CF0]  }
0xf4: {  	[tilespmem:s13+$0x9C90] =	vst v1;
	v1 =	vmul.f32 $1.131370830e+01, v5;
	v5 =	vld [tilespmem:s13+$0x9D00]  }
0xf5: {  	[tilespmem:s13+$0x9CA0] =	vst v0;
	v0 =	vmul.f32 $1.131370830e+01, v2;
	v2 =	vld [tilespmem:s13+$0x9D10]  }
0xf6: {  	[tilespmem:s13+$0x9CB0] =	vst v1;
	v1 =	vmul.f32 $1.131370830e+01, v3;
	v3 =	vld [tilespmem:s13+$0x9D20]  }
0xf7: {  	[tilespmem:s13+$0x9CC0] =	vst v0;
	v0 =	vmul.f32 $1.131370830e+01, v4;
	v4 =	vld [tilespmem:s13+$0x9D30]  }
0xf8: {  	[tilespmem:s13+$0x9CD0] =	vst v1;
	v1 =	vmul.f32 $1.131370830e+01, v6;
	v6 =	vld [tilespmem:s13+$0x9D40]  }
0xf9: {  	[tilespmem:s13+$0x9CE0] =	vst v0;
	v0 =	vmul.f32 $1.131370830e+01, v5;
	v5 =	vld [tilespmem:s13+$0x9D50]  }
0xfa: {  	[tilespmem:s13+$0x9CF0] =	vst v1;
	v1 =	vmul.f32 $1.131370830e+01, v2;
	v2 =	vld [tilespmem:s13+$0x9D60]  }
0xfb: {  	[tilespmem:s13+$0x9D00] =	vst v0;
	v0 =	vmul.f32 $1.131370830e+01, v3;
	v3 =	vld [tilespmem:s13+$0x9D70]  }
0xfc: {  	[tilespmem:s13+$0x9D10] =	vst v1;
	v1 =	vmul.f32 $1.131370830e+01, v4;
	v4 =	vld [tilespmem:s13+$0x9D80]  }
0xfd: {  	[tilespmem:s13+$0x9D20] =	vst v0;
	v0 =	vmul.f32 $1.131370830e+01, v6;
	v7 =	vld [tilespmem:s13+$0x9D90]  }
.Ltmp2:
0xfe: {  	[tilespmem:s13+$0x9D30] =	vst v1;
	v5 =	vmul.f32 $1.131370830e+01, v5;
	v1 =	vld [tilespmem:s13+$0x9DA0];
	(pc) =	sbr.rel @p0 .LBB2_7-.Ltmp2, $4  }
0xff: {  	[tilespmem:s13+$0x9D40] =	vst v0;
	v6 =	vmul.f32 $1.131370830e+01, v2;
	v0 =	vld [tilespmem:s13+$0x9DB0]  }
0x100: {  	[tilespmem:s13+$0x9D50] =	vst v5;
	v5 =	vmul.f32 $1.131370830e+01, v3;
	v2 =	vld [tilespmem:s13+$0x9DC0]  }
0x101: {  	[tilespmem:s13+$0x9D60] =	vst v6;
	v6 =	vmul.f32 $1.131370830e+01, v4;
	v3 =	vld [tilespmem:s13+$0x9DD0]  }
0x102: {  	s7 =	sadd.s32 $0x800, s7;
	[tilespmem:s13+$0x9D70] =	vst v5;
	v5 =	vmul.f32 $1.131370830e+01, v7;
	v4 =	vld [tilespmem:s13+$0x9DE0]  }
0x103: {  	[tilespmem:s13+$0x9D80] =	vst v6;
	v1 =	vmul.f32 $1.131370830e+01, v1;
	v6 =	vld [tilespmem:s13+$0x9DF0]  }
0x104: {  	[tilespmem:s13+$0x9D90] =	vst v5;
	v0 =	vmul.f32 $1.131370830e+01, v0  }
0x105: {  	[tilespmem:s13+$0x9DA0] =	vst v1;
	v1 =	vmul.f32 $1.131370830e+01, v2  }
0x106: {  	[tilespmem:s13+$0x9DB0] =	vst v0;
	v0 =	vmul.f32 $1.131370830e+01, v3  }
0x107: {  	s7 =	sadd.s32 s14, s9;
	[tilespmem:s13+$0x9DC0] =	vst v1;
	v1 =	vmul.f32 $1.131370830e+01, v4  }
0x108: {  	s7 =	sshll.u32 s7, $0xB;
	[tilespmem:s13+$0x9DD0] =	vst v0;
	v0 =	vmul.f32 $1.131370830e+01, v6  }
0x109: {  	s7 =	sand.u32 $0x1FFFF800, s7;
	[tilespmem:s13+$0x9DE0] =	vst v1  }
0x10a: {  	s15 =	simm.s32 $0x0;
	s7 =	sadd.s32 s3, s7;
	[tilespmem:s13+$0x9DF0] =	vst v0  }
0x10b: {  	[hbm4b:s7+s15] =	stream.linear.scatter [tilespmem:s21], [sflag:$0x8], $0x4000, $0x38;
	[tilespmem:$0x15C00] =	vst v63  }
0x10c: {  	s13 =	sadd.s32 $0x6, s14;
	_ =	swait.ge [sflag:s31], $0x4000  }
0x10d: {  	s16 =	sshll.u32 s13, $0x7;
	[sflag:s31] =	ssyncset.done $0x0  }
0x10e: {  	s7 =	sand.u32 $0x3FFFFF80, s16;
	[sflag:s31] =	ssyncadd.s32 $0xFFFFC000  }
0x10f: {  	[tilespmem:s19], [sflag:$0x2] =	stream.indirect.gather [hbm4b:s2+s17], $0x80, s7, s17, $0xb8;
	[tilespmem:$0x15C00] =	vst v63  }
0x110: {  	_ =	swait.ge [sflag:s1], $0x4000  }
0x111: {  	[sflag:s1] =	ssyncset.done $0x0  }
0x112: {  	s15 =	simm.s32 $0x0;
	[sflag:s1] =	ssyncadd.s32 $0xFFFFC000  }
0x113: {  	v0 =	vld [tilespmem:s15+$0xDC00]  }
0x114: {  	v1 =	vld [tilespmem:s15+$0xDC10]  }
0x115: {  	v2 =	vld [tilespmem:s15+$0xDC20]  }
0x116: {  	v3 =	vld [tilespmem:s15+$0xDC30]  }
0x117: {  	v4 =	vld [tilespmem:s15+$0xDC40]  }
0x118: {  	v5 =	vld [tilespmem:s15+$0xDC50];
	v0 =	vmul.f32 $1.131370830e+01, v0  }
0x119: {  	v6 =	vld [tilespmem:s15+$0xDC60];
	v1 =	vmul.f32 $1.131370830e+01, v1  }
0x11a: {  	v2 =	vmul.f32 $1.131370830e+01, v2;
	[tilespmem:s15+$0xDC00] =	vst v0;
	v0 =	vld [tilespmem:s15+$0xDC70]  }
0x11b: {  	v3 =	vmul.f32 $1.131370830e+01, v3;
	[tilespmem:s15+$0xDC10] =	vst v1;
	v1 =	vld [tilespmem:s15+$0xDC80]  }
0x11c: {  	v4 =	vmul.f32 $1.131370830e+01, v4;
	[tilespmem:s15+$0xDC20] =	vst v2;
	v2 =	vld [tilespmem:s15+$0xDC90]  }
0x11d: {  	v5 =	vmul.f32 $1.131370830e+01, v5;
	[tilespmem:s15+$0xDC30] =	vst v3;
	v3 =	vld [tilespmem:s15+$0xDCA0]  }
0x11e: {  	v6 =	vmul.f32 $1.131370830e+01, v6;
	[tilespmem:s15+$0xDC40] =	vst v4;
	v4 =	vld [tilespmem:s15+$0xDCB0]  }
0x11f: {  	[tilespmem:s15+$0xDC50] =	vst v5;
	v5 =	vld [tilespmem:s15+$0xDCC0];
	v0 =	vmul.f32 $1.131370830e+01, v0  }
0x120: {  	[tilespmem:s15+$0xDC60] =	vst v6;
	v6 =	vld [tilespmem:s15+$0xDCD0];
	v1 =	vmul.f32 $1.131370830e+01, v1  }
0x121: {  	v2 =	vmul.f32 $1.131370830e+01, v2;
	[tilespmem:s15+$0xDC70] =	vst v0;
	v0 =	vld [tilespmem:s15+$0xDCE0]  }
0x122: {  	v3 =	vmul.f32 $1.131370830e+01, v3;
	[tilespmem:s15+$0xDC80] =	vst v1;
	v1 =	vld [tilespmem:s15+$0xDCF0]  }
0x123: {  	v4 =	vmul.f32 $1.131370830e+01, v4;
	[tilespmem:s15+$0xDC90] =	vst v2;
	v2 =	vld [tilespmem:s15+$0xDD00]  }
0x124: {  	v5 =	vmul.f32 $1.131370830e+01, v5;
	[tilespmem:s15+$0xDCA0] =	vst v3;
	v3 =	vld [tilespmem:s15+$0xDD10]  }
0x125: {  	v6 =	vmul.f32 $1.131370830e+01, v6;
	[tilespmem:s15+$0xDCB0] =	vst v4;
	v4 =	vld [tilespmem:s15+$0xDD20]  }
0x126: {  	[tilespmem:s15+$0xDCC0] =	vst v5;
	v5 =	vld [tilespmem:s15+$0xDD30];
	v0 =	vmul.f32 $1.131370830e+01, v0  }
0x127: {  	[tilespmem:s15+$0xDCD0] =	vst v6;
	v6 =	vld [tilespmem:s15+$0xDD40]  }
0x128: {  	v1 =	vmul.f32 $1.131370830e+01, v1;
	[tilespmem:s15+$0xDCE0] =	vst v0;
	v0 =	vld [tilespmem:s15+$0xDD50]  }
0x129: {  	v2 =	vmul.f32 $1.131370830e+01, v2  }
0x12a: {  	[tilespmem:s15+$0xDCF0] =	vst v1;
	v1 =	vmul.f32 $1.131370830e+01, v3;
	v3 =	vld [tilespmem:s15+$0xDD70]  }
0x12b: {  	v7 =	vld [tilespmem:s15+$0xDD60];
	[tilespmem:s15+$0xDD00] =	vst v2;
	v2 =	vmul.f32 $1.131370830e+01, v4  }
0x12c: {  	v4 =	vld [tilespmem:s15+$0xDD80];
	[tilespmem:s15+$0xDD10] =	vst v1;
	v1 =	vmul.f32 $1.131370830e+01, v5  }
0x12d: {  	[tilespmem:s15+$0xDD20] =	vst v2;
	v5 =	vld [tilespmem:s15+$0xDD90];
	v2 =	vmul.f32 $1.131370830e+01, v6;
	v6 =	vmul.f32 $1.131370830e+01, v0  }
0x12e: {  	[tilespmem:s15+$0xDD30] =	vst v1;
	v1 =	vld [tilespmem:s15+$0xDDA0]  }
0x12f: {  	v0 =	vld [tilespmem:s15+$0xDDB0];
	[tilespmem:s15+$0xDD50] =	vst v6;
	v6 =	vmul.f32 $1.131370830e+01, v3  }
0x130: {  	v7 =	vmul.f32 $1.131370830e+01, v7;
	[tilespmem:s15+$0xDD40] =	vst v2;
	v2 =	vld [tilespmem:s15+$0xDDC0]  }
0x131: {  	v3 =	vld [tilespmem:s15+$0xDDD0];
	[tilespmem:s15+$0xDD70] =	vst v6;
	v6 =	vmul.f32 $1.131370830e+01, v4  }
0x132: {  	s7 =	simm.s32 $0x800;
	[tilespmem:s15+$0xDD60] =	vst v7;
	v5 =	vmul.f32 $1.131370830e+01, v5;
	v4 =	vld [tilespmem:s15+$0xDDE0]  }
.LBB2_9:
0x133: {  	s16 =	sshra.s32 s7, $0x2;
	p0 =	sne.s32 s7, $0xF800;
	[tilespmem:s15+$0xDD80] =	vst v6;
	v1 =	vmul.f32 $1.131370830e+01, v1;
	v6 =	vld [tilespmem:s15+$0xDDF0]  }
0x134: {  	v7 =	vld [tilespmem:s16+$0xDC00];
	[tilespmem:s15+$0xDD90] =	vst v5;
	v0 =	vmul.f32 $1.131370830e+01, v0  }
0x135: {  	v5 =	vld [tilespmem:s16+$0xDC10];
	[tilespmem:s15+$0xDDA0] =	vst v1;
	v1 =	vmul.f32 $1.131370830e+01, v2  }
0x136: {  	v2 =	vld [tilespmem:s16+$0xDC20];
	[tilespmem:s15+$0xDDB0] =	vst v0;
	v0 =	vmul.f32 $1.131370830e+01, v3  }
0x137: {  	v3 =	vld [tilespmem:s16+$0xDC30];
	[tilespmem:s15+$0xDDC0] =	vst v1;
	v1 =	vmul.f32 $1.131370830e+01, v4  }
0x138: {  	v4 =	vld [tilespmem:s16+$0xDC40];
	[tilespmem:s15+$0xDDD0] =	vst v0;
	v0 =	vmul.f32 $1.131370830e+01, v6  }
0x139: {  	v6 =	vmul.f32 $1.131370830e+01, v7;
	v7 =	vld [tilespmem:s16+$0xDC50];
	[tilespmem:s15+$0xDDE0] =	vst v1  }
0x13a: {  	v1 =	vmul.f32 $1.131370830e+01, v5;
	v5 =	vld [tilespmem:s16+$0xDC60];
	[tilespmem:s15+$0xDDF0] =	vst v0;
	s15 =	smov.u32 s16  }
0x13b: {  	[tilespmem:s15+$0xDC00] =	vst v6;
	v0 =	vmul.f32 $1.131370830e+01, v2;
	v2 =	vld [tilespmem:s15+$0xDC70]  }
0x13c: {  	[tilespmem:s15+$0xDC10] =	vst v1;
	v1 =	vmul.f32 $1.131370830e+01, v3;
	v3 =	vld [tilespmem:s15+$0xDC80]  }
0x13d: {  	[tilespmem:s15+$0xDC20] =	vst v0;
	v0 =	vmul.f32 $1.131370830e+01, v4;
	v4 =	vld [tilespmem:s15+$0xDC90]  }
0x13e: {  	[tilespmem:s15+$0xDC30] =	vst v1;
	v1 =	vmul.f32 $1.131370830e+01, v7;
	v6 =	vld [tilespmem:s15+$0xDCA0]  }
0x13f: {  	[tilespmem:s15+$0xDC40] =	vst v0;
	v0 =	vmul.f32 $1.131370830e+01, v5;
	v5 =	vld [tilespmem:s15+$0xDCB0]  }
0x140: {  	[tilespmem:s15+$0xDC50] =	vst v1;
	v1 =	vmul.f32 $1.131370830e+01, v2;
	v2 =	vld [tilespmem:s15+$0xDCC0]  }
0x141: {  	[tilespmem:s15+$0xDC60] =	vst v0;
	v0 =	vmul.f32 $1.131370830e+01, v3;
	v3 =	vld [tilespmem:s15+$0xDCD0]  }
0x142: {  	[tilespmem:s15+$0xDC70] =	vst v1;
	v1 =	vmul.f32 $1.131370830e+01, v4;
	v4 =	vld [tilespmem:s15+$0xDCE0]  }
0x143: {  	[tilespmem:s15+$0xDC80] =	vst v0;
	v0 =	vmul.f32 $1.131370830e+01, v6;
	v6 =	vld [tilespmem:s15+$0xDCF0]  }
0x144: {  	[tilespmem:s15+$0xDC90] =	vst v1;
	v1 =	vmul.f32 $1.131370830e+01, v5;
	v5 =	vld [tilespmem:s15+$0xDD00]  }
0x145: {  	[tilespmem:s15+$0xDCA0] =	vst v0;
	v0 =	vmul.f32 $1.131370830e+01, v2;
	v2 =	vld [tilespmem:s15+$0xDD10]  }
0x146: {  	[tilespmem:s15+$0xDCB0] =	vst v1;
	v1 =	vmul.f32 $1.131370830e+01, v3;
	v3 =	vld [tilespmem:s15+$0xDD20]  }
0x147: {  	[tilespmem:s15+$0xDCC0] =	vst v0;
	v0 =	vmul.f32 $1.131370830e+01, v4;
	v4 =	vld [tilespmem:s15+$0xDD30]  }
0x148: {  	[tilespmem:s15+$0xDCD0] =	vst v1;
	v1 =	vmul.f32 $1.131370830e+01, v6;
	v6 =	vld [tilespmem:s15+$0xDD40]  }
0x149: {  	[tilespmem:s15+$0xDCE0] =	vst v0;
	v0 =	vmul.f32 $1.131370830e+01, v5;
	v5 =	vld [tilespmem:s15+$0xDD50]  }
0x14a: {  	[tilespmem:s15+$0xDCF0] =	vst v1;
	v1 =	vmul.f32 $1.131370830e+01, v2;
	v2 =	vld [tilespmem:s15+$0xDD60]  }
0x14b: {  	[tilespmem:s15+$0xDD00] =	vst v0;
	v0 =	vmul.f32 $1.131370830e+01, v3;
	v3 =	vld [tilespmem:s15+$0xDD70]  }
0x14c: {  	[tilespmem:s15+$0xDD10] =	vst v1;
	v1 =	vmul.f32 $1.131370830e+01, v4;
	v4 =	vld [tilespmem:s15+$0xDD80]  }
0x14d: {  	[tilespmem:s15+$0xDD20] =	vst v0;
	v0 =	vmul.f32 $1.131370830e+01, v6;
	v7 =	vld [tilespmem:s15+$0xDD90]  }
.Ltmp3:
0x14e: {  	[tilespmem:s15+$0xDD30] =	vst v1;
	v5 =	vmul.f32 $1.131370830e+01, v5;
	v1 =	vld [tilespmem:s15+$0xDDA0];
	(pc) =	sbr.rel @p0 .LBB2_9-.Ltmp3, $4  }
0x14f: {  	[tilespmem:s15+$0xDD40] =	vst v0;
	v6 =	vmul.f32 $1.131370830e+01, v2;
	v0 =	vld [tilespmem:s15+$0xDDB0]  }
0x150: {  	[tilespmem:s15+$0xDD50] =	vst v5;
	v5 =	vmul.f32 $1.131370830e+01, v3;
	v2 =	vld [tilespmem:s15+$0xDDC0]  }
0x151: {  	[tilespmem:s15+$0xDD60] =	vst v6;
	v6 =	vmul.f32 $1.131370830e+01, v4;
	v3 =	vld [tilespmem:s15+$0xDDD0]  }
0x152: {  	s7 =	sadd.s32 $0x800, s7;
	[tilespmem:s15+$0xDD70] =	vst v5;
	v5 =	vmul.f32 $1.131370830e+01, v7;
	v4 =	vld [tilespmem:s15+$0xDDE0]  }
0x153: {  	[tilespmem:s15+$0xDD80] =	vst v6;
	v1 =	vmul.f32 $1.131370830e+01, v1;
	v6 =	vld [tilespmem:s15+$0xDDF0]  }
0x154: {  	[tilespmem:s15+$0xDD90] =	vst v5;
	v0 =	vmul.f32 $1.131370830e+01, v0  }
0x155: {  	[tilespmem:s15+$0xDDA0] =	vst v1;
	v1 =	vmul.f32 $1.131370830e+01, v2  }
0x156: {  	[tilespmem:s15+$0xDDB0] =	vst v0;
	v0 =	vmul.f32 $1.131370830e+01, v3  }
0x157: {  	s7 =	sadd.s32 s14, s10;
	[tilespmem:s15+$0xDDC0] =	vst v1;
	v1 =	vmul.f32 $1.131370830e+01, v4  }
0x158: {  	s7 =	sshll.u32 s7, $0xB;
	[tilespmem:s15+$0xDDD0] =	vst v0;
	v0 =	vmul.f32 $1.131370830e+01, v6  }
0x159: {  	s7 =	sand.u32 $0x1FFFF800, s7;
	[tilespmem:s15+$0xDDE0] =	vst v1  }
0x15a: {  	s6 =	simm.s32 $0x0;
	s16 =	smul.u32 $0xA00, s8;
	s7 =	sadd.s32 s3, s7;
	[tilespmem:s15+$0xDDF0] =	vst v0  }
0x15b: {  	[hbm4b:s7+s6] =	stream.linear.scatter [tilespmem:s23], [sflag:$0x9], $0x4000, $0x38;
	[tilespmem:$0x15C00] =	vst v63  }
0x15c: {  	_ =	swait.ge [sflag:s0], $0x4000  }
0x15d: {  	s15 =	sshra.s32 s16, $0x2;
	[sflag:s0] =	ssyncset.done $0x0  }
0x15e: {  	s7 =	sadd.s32 $0x380, s15;
	[sflag:s0] =	ssyncadd.s32 $0xFFFFC000  }
0x15f: {  	[tilespmem:s21], [sflag:$0x3] =	stream.indirect.gather [hbm4b:s2+s17], $0x80, s7, s17, $0xb8;
	[tilespmem:$0x15C00] =	vst v63  }
0x160: {  	_ =	swait.ge [sflag:s20], $0x4000  }
0x161: {  	[sflag:s20] =	ssyncset.done $0x0  }
0x162: {  	s7 =	simm.s32 $0x0;
	[sflag:s20] =	ssyncadd.s32 $0xFFFFC000  }
0x163: {  	v0 =	vld [tilespmem:s7+$0x11C00]  }
0x164: {  	v1 =	vld [tilespmem:s7+$0x11C10]  }
0x165: {  	v2 =	vld [tilespmem:s7+$0x11C20]  }
0x166: {  	v3 =	vld [tilespmem:s7+$0x11C30]  }
0x167: {  	v4 =	vld [tilespmem:s7+$0x11C40]  }
0x168: {  	v5 =	vld [tilespmem:s7+$0x11C50];
	v0 =	vmul.f32 $1.131370830e+01, v0  }
0x169: {  	v6 =	vld [tilespmem:s7+$0x11C60];
	v1 =	vmul.f32 $1.131370830e+01, v1  }
0x16a: {  	v2 =	vmul.f32 $1.131370830e+01, v2;
	[tilespmem:s7+$0x11C00] =	vst v0;
	v0 =	vld [tilespmem:s7+$0x11C70]  }
0x16b: {  	v3 =	vmul.f32 $1.131370830e+01, v3;
	[tilespmem:s7+$0x11C10] =	vst v1;
	v1 =	vld [tilespmem:s7+$0x11C80]  }
0x16c: {  	v4 =	vmul.f32 $1.131370830e+01, v4;
	[tilespmem:s7+$0x11C20] =	vst v2;
	v2 =	vld [tilespmem:s7+$0x11C90]  }
0x16d: {  	v5 =	vmul.f32 $1.131370830e+01, v5;
	[tilespmem:s7+$0x11C30] =	vst v3;
	v3 =	vld [tilespmem:s7+$0x11CA0]  }
0x16e: {  	v6 =	vmul.f32 $1.131370830e+01, v6;
	[tilespmem:s7+$0x11C40] =	vst v4;
	v4 =	vld [tilespmem:s7+$0x11CB0]  }
0x16f: {  	[tilespmem:s7+$0x11C50] =	vst v5;
	v5 =	vld [tilespmem:s7+$0x11CC0];
	v0 =	vmul.f32 $1.131370830e+01, v0  }
0x170: {  	[tilespmem:s7+$0x11C60] =	vst v6;
	v6 =	vld [tilespmem:s7+$0x11CD0];
	v1 =	vmul.f32 $1.131370830e+01, v1  }
0x171: {  	v2 =	vmul.f32 $1.131370830e+01, v2;
	[tilespmem:s7+$0x11C70] =	vst v0;
	v0 =	vld [tilespmem:s7+$0x11CE0]  }
0x172: {  	v3 =	vmul.f32 $1.131370830e+01, v3;
	[tilespmem:s7+$0x11C80] =	vst v1;
	v1 =	vld [tilespmem:s7+$0x11CF0]  }
0x173: {  	v4 =	vmul.f32 $1.131370830e+01, v4;
	[tilespmem:s7+$0x11C90] =	vst v2;
	v2 =	vld [tilespmem:s7+$0x11D00]  }
0x174: {  	v5 =	vmul.f32 $1.131370830e+01, v5;
	[tilespmem:s7+$0x11CA0] =	vst v3;
	v3 =	vld [tilespmem:s7+$0x11D10]  }
0x175: {  	v6 =	vmul.f32 $1.131370830e+01, v6;
	[tilespmem:s7+$0x11CB0] =	vst v4;
	v4 =	vld [tilespmem:s7+$0x11D20]  }
0x176: {  	[tilespmem:s7+$0x11CC0] =	vst v5;
	v5 =	vld [tilespmem:s7+$0x11D30];
	v0 =	vmul.f32 $1.131370830e+01, v0  }
0x177: {  	[tilespmem:s7+$0x11CD0] =	vst v6;
	v6 =	vld [tilespmem:s7+$0x11D40]  }
0x178: {  	v1 =	vmul.f32 $1.131370830e+01, v1;
	[tilespmem:s7+$0x11CE0] =	vst v0;
	v0 =	vld [tilespmem:s7+$0x11D50]  }
0x179: {  	v2 =	vmul.f32 $1.131370830e+01, v2  }
0x17a: {  	[tilespmem:s7+$0x11CF0] =	vst v1;
	v1 =	vmul.f32 $1.131370830e+01, v3;
	v3 =	vld [tilespmem:s7+$0x11D70]  }
0x17b: {  	v7 =	vld [tilespmem:s7+$0x11D60];
	[tilespmem:s7+$0x11D00] =	vst v2;
	v2 =	vmul.f32 $1.131370830e+01, v4  }
0x17c: {  	v4 =	vld [tilespmem:s7+$0x11D80];
	[tilespmem:s7+$0x11D10] =	vst v1;
	v1 =	vmul.f32 $1.131370830e+01, v5  }
0x17d: {  	[tilespmem:s7+$0x11D20] =	vst v2;
	v5 =	vld [tilespmem:s7+$0x11D90];
	v2 =	vmul.f32 $1.131370830e+01, v6;
	v6 =	vmul.f32 $1.131370830e+01, v0  }
0x17e: {  	[tilespmem:s7+$0x11D30] =	vst v1;
	v1 =	vld [tilespmem:s7+$0x11DA0]  }
0x17f: {  	v0 =	vld [tilespmem:s7+$0x11DB0];
	[tilespmem:s7+$0x11D50] =	vst v6;
	v6 =	vmul.f32 $1.131370830e+01, v3  }
0x180: {  	v7 =	vmul.f32 $1.131370830e+01, v7;
	[tilespmem:s7+$0x11D40] =	vst v2;
	v2 =	vld [tilespmem:s7+$0x11DC0]  }
0x181: {  	v3 =	vld [tilespmem:s7+$0x11DD0];
	[tilespmem:s7+$0x11D70] =	vst v6;
	v6 =	vmul.f32 $1.131370830e+01, v4  }
0x182: {  	s16 =	simm.s32 $0x800;
	[tilespmem:s7+$0x11D60] =	vst v7;
	v5 =	vmul.f32 $1.131370830e+01, v5;
	v4 =	vld [tilespmem:s7+$0x11DE0]  }
.LBB2_11:
0x183: {  	s6 =	sshra.s32 s16, $0x2;
	p0 =	sne.s32 s16, $0xF800;
	[tilespmem:s7+$0x11D80] =	vst v6;
	v1 =	vmul.f32 $1.131370830e+01, v1;
	v6 =	vld [tilespmem:s7+$0x11DF0]  }
0x184: {  	v7 =	vld [tilespmem:s6+$0x11C00];
	[tilespmem:s7+$0x11D90] =	vst v5;
	v0 =	vmul.f32 $1.131370830e+01, v0  }
0x185: {  	v5 =	vld [tilespmem:s6+$0x11C10];
	[tilespmem:s7+$0x11DA0] =	vst v1;
	v1 =	vmul.f32 $1.131370830e+01, v2  }
0x186: {  	v2 =	vld [tilespmem:s6+$0x11C20];
	[tilespmem:s7+$0x11DB0] =	vst v0;
	v0 =	vmul.f32 $1.131370830e+01, v3  }
0x187: {  	v3 =	vld [tilespmem:s6+$0x11C30];
	[tilespmem:s7+$0x11DC0] =	vst v1;
	v1 =	vmul.f32 $1.131370830e+01, v4  }
0x188: {  	v4 =	vld [tilespmem:s6+$0x11C40];
	[tilespmem:s7+$0x11DD0] =	vst v0;
	v0 =	vmul.f32 $1.131370830e+01, v6  }
0x189: {  	v6 =	vmul.f32 $1.131370830e+01, v7;
	v7 =	vld [tilespmem:s6+$0x11C50];
	[tilespmem:s7+$0x11DE0] =	vst v1  }
0x18a: {  	v1 =	vmul.f32 $1.131370830e+01, v5;
	v5 =	vld [tilespmem:s6+$0x11C60];
	[tilespmem:s7+$0x11DF0] =	vst v0;
	s7 =	smov.u32 s6  }
0x18b: {  	[tilespmem:s7+$0x11C00] =	vst v6;
	v0 =	vmul.f32 $1.131370830e+01, v2;
	v2 =	vld [tilespmem:s7+$0x11C70]  }
0x18c: {  	[tilespmem:s7+$0x11C10] =	vst v1;
	v1 =	vmul.f32 $1.131370830e+01, v3;
	v3 =	vld [tilespmem:s7+$0x11C80]  }
0x18d: {  	[tilespmem:s7+$0x11C20] =	vst v0;
	v0 =	vmul.f32 $1.131370830e+01, v4;
	v4 =	vld [tilespmem:s7+$0x11C90]  }
0x18e: {  	[tilespmem:s7+$0x11C30] =	vst v1;
	v1 =	vmul.f32 $1.131370830e+01, v7;
	v6 =	vld [tilespmem:s7+$0x11CA0]  }
0x18f: {  	[tilespmem:s7+$0x11C40] =	vst v0;
	v0 =	vmul.f32 $1.131370830e+01, v5;
	v5 =	vld [tilespmem:s7+$0x11CB0]  }
0x190: {  	[tilespmem:s7+$0x11C50] =	vst v1;
	v1 =	vmul.f32 $1.131370830e+01, v2;
	v2 =	vld [tilespmem:s7+$0x11CC0]  }
0x191: {  	[tilespmem:s7+$0x11C60] =	vst v0;
	v0 =	vmul.f32 $1.131370830e+01, v3;
	v3 =	vld [tilespmem:s7+$0x11CD0]  }
0x192: {  	[tilespmem:s7+$0x11C70] =	vst v1;
	v1 =	vmul.f32 $1.131370830e+01, v4;
	v4 =	vld [tilespmem:s7+$0x11CE0]  }
0x193: {  	[tilespmem:s7+$0x11C80] =	vst v0;
	v0 =	vmul.f32 $1.131370830e+01, v6;
	v6 =	vld [tilespmem:s7+$0x11CF0]  }
0x194: {  	[tilespmem:s7+$0x11C90] =	vst v1;
	v1 =	vmul.f32 $1.131370830e+01, v5;
	v5 =	vld [tilespmem:s7+$0x11D00]  }
0x195: {  	[tilespmem:s7+$0x11CA0] =	vst v0;
	v0 =	vmul.f32 $1.131370830e+01, v2;
	v2 =	vld [tilespmem:s7+$0x11D10]  }
0x196: {  	[tilespmem:s7+$0x11CB0] =	vst v1;
	v1 =	vmul.f32 $1.131370830e+01, v3;
	v3 =	vld [tilespmem:s7+$0x11D20]  }
0x197: {  	[tilespmem:s7+$0x11CC0] =	vst v0;
	v0 =	vmul.f32 $1.131370830e+01, v4;
	v4 =	vld [tilespmem:s7+$0x11D30]  }
0x198: {  	[tilespmem:s7+$0x11CD0] =	vst v1;
	v1 =	vmul.f32 $1.131370830e+01, v6;
	v6 =	vld [tilespmem:s7+$0x11D40]  }
0x199: {  	[tilespmem:s7+$0x11CE0] =	vst v0;
	v0 =	vmul.f32 $1.131370830e+01, v5;
	v5 =	vld [tilespmem:s7+$0x11D50]  }
0x19a: {  	[tilespmem:s7+$0x11CF0] =	vst v1;
	v1 =	vmul.f32 $1.131370830e+01, v2;
	v2 =	vld [tilespmem:s7+$0x11D60]  }
0x19b: {  	[tilespmem:s7+$0x11D00] =	vst v0;
	v0 =	vmul.f32 $1.131370830e+01, v3;
	v3 =	vld [tilespmem:s7+$0x11D70]  }
0x19c: {  	[tilespmem:s7+$0x11D10] =	vst v1;
	v1 =	vmul.f32 $1.131370830e+01, v4;
	v4 =	vld [tilespmem:s7+$0x11D80]  }
0x19d: {  	[tilespmem:s7+$0x11D20] =	vst v0;
	v0 =	vmul.f32 $1.131370830e+01, v6;
	v7 =	vld [tilespmem:s7+$0x11D90]  }
.Ltmp4:
0x19e: {  	[tilespmem:s7+$0x11D30] =	vst v1;
	v5 =	vmul.f32 $1.131370830e+01, v5;
	v1 =	vld [tilespmem:s7+$0x11DA0];
	(pc) =	sbr.rel @p0 .LBB2_11-.Ltmp4, $4  }
0x19f: {  	[tilespmem:s7+$0x11D40] =	vst v0;
	v6 =	vmul.f32 $1.131370830e+01, v2;
	v0 =	vld [tilespmem:s7+$0x11DB0]  }
0x1a0: {  	[tilespmem:s7+$0x11D50] =	vst v5;
	v5 =	vmul.f32 $1.131370830e+01, v3;
	v2 =	vld [tilespmem:s7+$0x11DC0]  }
0x1a1: {  	[tilespmem:s7+$0x11D60] =	vst v6;
	v6 =	vmul.f32 $1.131370830e+01, v4;
	v3 =	vld [tilespmem:s7+$0x11DD0]  }
0x1a2: {  	s16 =	sadd.s32 $0x800, s16;
	[tilespmem:s7+$0x11D70] =	vst v5;
	v5 =	vmul.f32 $1.131370830e+01, v7;
	v4 =	vld [tilespmem:s7+$0x11DE0]  }
0x1a3: {  	[tilespmem:s7+$0x11D80] =	vst v6;
	v1 =	vmul.f32 $1.131370830e+01, v1;
	v6 =	vld [tilespmem:s7+$0x11DF0]  }
0x1a4: {  	[tilespmem:s7+$0x11D90] =	vst v5;
	v0 =	vmul.f32 $1.131370830e+01, v0  }
0x1a5: {  	[tilespmem:s7+$0x11DA0] =	vst v1;
	v1 =	vmul.f32 $1.131370830e+01, v2  }
0x1a6: {  	[tilespmem:s7+$0x11DB0] =	vst v0;
	v0 =	vmul.f32 $1.131370830e+01, v3  }
0x1a7: {  	s6 =	sadd.s32 s14, s11;
	[tilespmem:s7+$0x11DC0] =	vst v1;
	v1 =	vmul.f32 $1.131370830e+01, v4  }
0x1a8: {  	s6 =	sshll.u32 s6, $0xB;
	[tilespmem:s7+$0x11DD0] =	vst v0;
	v0 =	vmul.f32 $1.131370830e+01, v6  }
0x1a9: {  	s6 =	sand.u32 $0x1FFFF800, s6;
	[tilespmem:s7+$0x11DE0] =	vst v1  }
0x1aa: {  	s14 =	simm.s32 $0x0;
	s6 =	sadd.s32 s3, s6;
	[tilespmem:s7+$0x11DF0] =	vst v0  }
0x1ab: {  	[hbm4b:s6+s14] =	stream.linear.scatter [tilespmem:s26], [sflag:$0xA], $0x4000, $0x38;
	[tilespmem:$0x15C00] =	vst v63  }
0x1ac: {  	_ =	swait.ge [sflag:s22], $0x4000  }
0x1ad: {  	[sflag:s22] =	ssyncset.done $0x0  }
0x1ae: {  	s16 =	sadd.s32 $0x400, s15;
	[sflag:s22] =	ssyncadd.s32 $0xFFFFC000  }
0x1af: {  	[tilespmem:s23], [sflag:$0x4] =	stream.indirect.gather [hbm4b:s2+s17], $0x80, s16, s17, $0xb8;
	[tilespmem:$0x15C00] =	vst v63  }
0x1b0: {  	_ =	swait.ge [sflag:s24], $0x4000  }
0x1b1: {  	[sflag:s24] =	ssyncset.done $0x0  }
0x1b2: {  	s7 =	simm.s32 $0x0;
	[sflag:s24] =	ssyncadd.s32 $0xFFFFC000  }
0x1b3: {  	v0 =	vld [tilespmem:s7+$0x1C00]  }
0x1b4: {  	v1 =	vld [tilespmem:s7+$0x1C10]  }
0x1b5: {  	v2 =	vld [tilespmem:s7+$0x1C20]  }
0x1b6: {  	v3 =	vld [tilespmem:s7+$0x1C30]  }
0x1b7: {  	v4 =	vld [tilespmem:s7+$0x1C40]  }
0x1b8: {  	v5 =	vld [tilespmem:s7+$0x1C50];
	v0 =	vmul.f32 $1.131370830e+01, v0  }
0x1b9: {  	v6 =	vld [tilespmem:s7+$0x1C60];
	v1 =	vmul.f32 $1.131370830e+01, v1  }
0x1ba: {  	v2 =	vmul.f32 $1.131370830e+01, v2;
	[tilespmem:s7+$0x1C00] =	vst v0;
	v0 =	vld [tilespmem:s7+$0x1C70]  }
0x1bb: {  	v3 =	vmul.f32 $1.131370830e+01, v3;
	[tilespmem:s7+$0x1C10] =	vst v1;
	v1 =	vld [tilespmem:s7+$0x1C80]  }
0x1bc: {  	v4 =	vmul.f32 $1.131370830e+01, v4;
	[tilespmem:s7+$0x1C20] =	vst v2;
	v2 =	vld [tilespmem:s7+$0x1C90]  }
0x1bd: {  	v5 =	vmul.f32 $1.131370830e+01, v5;
	[tilespmem:s7+$0x1C30] =	vst v3;
	v3 =	vld [tilespmem:s7+$0x1CA0]  }
0x1be: {  	v6 =	vmul.f32 $1.131370830e+01, v6;
	[tilespmem:s7+$0x1C40] =	vst v4;
	v4 =	vld [tilespmem:s7+$0x1CB0]  }
0x1bf: {  	[tilespmem:s7+$0x1C50] =	vst v5;
	v5 =	vld [tilespmem:s7+$0x1CC0];
	v0 =	vmul.f32 $1.131370830e+01, v0  }
0x1c0: {  	[tilespmem:s7+$0x1C60] =	vst v6;
	v6 =	vld [tilespmem:s7+$0x1CD0];
	v1 =	vmul.f32 $1.131370830e+01, v1  }
0x1c1: {  	v2 =	vmul.f32 $1.131370830e+01, v2;
	[tilespmem:s7+$0x1C70] =	vst v0;
	v0 =	vld [tilespmem:s7+$0x1CE0]  }
0x1c2: {  	v3 =	vmul.f32 $1.131370830e+01, v3;
	[tilespmem:s7+$0x1C80] =	vst v1;
	v1 =	vld [tilespmem:s7+$0x1CF0]  }
0x1c3: {  	v4 =	vmul.f32 $1.131370830e+01, v4;
	[tilespmem:s7+$0x1C90] =	vst v2;
	v2 =	vld [tilespmem:s7+$0x1D00]  }
0x1c4: {  	v5 =	vmul.f32 $1.131370830e+01, v5;
	[tilespmem:s7+$0x1CA0] =	vst v3;
	v3 =	vld [tilespmem:s7+$0x1D10]  }
0x1c5: {  	v6 =	vmul.f32 $1.131370830e+01, v6;
	[tilespmem:s7+$0x1CB0] =	vst v4;
	v4 =	vld [tilespmem:s7+$0x1D20]  }
0x1c6: {  	[tilespmem:s7+$0x1CC0] =	vst v5;
	v5 =	vld [tilespmem:s7+$0x1D30];
	v0 =	vmul.f32 $1.131370830e+01, v0  }
0x1c7: {  	[tilespmem:s7+$0x1CD0] =	vst v6;
	v6 =	vld [tilespmem:s7+$0x1D40]  }
0x1c8: {  	v1 =	vmul.f32 $1.131370830e+01, v1;
	[tilespmem:s7+$0x1CE0] =	vst v0;
	v0 =	vld [tilespmem:s7+$0x1D50]  }
0x1c9: {  	v2 =	vmul.f32 $1.131370830e+01, v2  }
0x1ca: {  	[tilespmem:s7+$0x1CF0] =	vst v1;
	v1 =	vmul.f32 $1.131370830e+01, v3;
	v3 =	vld [tilespmem:s7+$0x1D70]  }
0x1cb: {  	v7 =	vld [tilespmem:s7+$0x1D60];
	[tilespmem:s7+$0x1D00] =	vst v2;
	v2 =	vmul.f32 $1.131370830e+01, v4  }
0x1cc: {  	v4 =	vld [tilespmem:s7+$0x1D80];
	[tilespmem:s7+$0x1D10] =	vst v1;
	v1 =	vmul.f32 $1.131370830e+01, v5  }
0x1cd: {  	[tilespmem:s7+$0x1D20] =	vst v2;
	v5 =	vld [tilespmem:s7+$0x1D90];
	v2 =	vmul.f32 $1.131370830e+01, v6;
	v6 =	vmul.f32 $1.131370830e+01, v0  }
0x1ce: {  	[tilespmem:s7+$0x1D30] =	vst v1;
	v1 =	vld [tilespmem:s7+$0x1DA0]  }
0x1cf: {  	v0 =	vld [tilespmem:s7+$0x1DB0];
	[tilespmem:s7+$0x1D50] =	vst v6;
	v6 =	vmul.f32 $1.131370830e+01, v3  }
0x1d0: {  	v7 =	vmul.f32 $1.131370830e+01, v7;
	[tilespmem:s7+$0x1D40] =	vst v2;
	v2 =	vld [tilespmem:s7+$0x1DC0]  }
0x1d1: {  	v3 =	vld [tilespmem:s7+$0x1DD0];
	[tilespmem:s7+$0x1D70] =	vst v6;
	v6 =	vmul.f32 $1.131370830e+01, v4  }
0x1d2: {  	s14 =	simm.s32 $0x800;
	[tilespmem:s7+$0x1D60] =	vst v7;
	v5 =	vmul.f32 $1.131370830e+01, v5;
	v4 =	vld [tilespmem:s7+$0x1DE0]  }
.LBB2_13:
0x1d3: {  	s6 =	sshra.s32 s14, $0x2;
	p0 =	sne.s32 s14, $0xF800;
	[tilespmem:s7+$0x1D80] =	vst v6;
	v1 =	vmul.f32 $1.131370830e+01, v1;
	v6 =	vld [tilespmem:s7+$0x1DF0]  }
0x1d4: {  	v7 =	vld [tilespmem:s6+$0x1C00];
	[tilespmem:s7+$0x1D90] =	vst v5;
	v0 =	vmul.f32 $1.131370830e+01, v0  }
0x1d5: {  	v5 =	vld [tilespmem:s6+$0x1C10];
	[tilespmem:s7+$0x1DA0] =	vst v1;
	v1 =	vmul.f32 $1.131370830e+01, v2  }
0x1d6: {  	v2 =	vld [tilespmem:s6+$0x1C20];
	[tilespmem:s7+$0x1DB0] =	vst v0;
	v0 =	vmul.f32 $1.131370830e+01, v3  }
0x1d7: {  	v3 =	vld [tilespmem:s6+$0x1C30];
	[tilespmem:s7+$0x1DC0] =	vst v1;
	v1 =	vmul.f32 $1.131370830e+01, v4  }
0x1d8: {  	v4 =	vld [tilespmem:s6+$0x1C40];
	[tilespmem:s7+$0x1DD0] =	vst v0;
	v0 =	vmul.f32 $1.131370830e+01, v6  }
0x1d9: {  	v6 =	vmul.f32 $1.131370830e+01, v7;
	v7 =	vld [tilespmem:s6+$0x1C50];
	[tilespmem:s7+$0x1DE0] =	vst v1  }
0x1da: {  	v1 =	vmul.f32 $1.131370830e+01, v5;
	v5 =	vld [tilespmem:s6+$0x1C60];
	[tilespmem:s7+$0x1DF0] =	vst v0;
	s7 =	smov.u32 s6  }
0x1db: {  	[tilespmem:s7+$0x1C00] =	vst v6;
	v0 =	vmul.f32 $1.131370830e+01, v2;
	v2 =	vld [tilespmem:s7+$0x1C70]  }
0x1dc: {  	[tilespmem:s7+$0x1C10] =	vst v1;
	v1 =	vmul.f32 $1.131370830e+01, v3;
	v3 =	vld [tilespmem:s7+$0x1C80]  }
0x1dd: {  	[tilespmem:s7+$0x1C20] =	vst v0;
	v0 =	vmul.f32 $1.131370830e+01, v4;
	v4 =	vld [tilespmem:s7+$0x1C90]  }
0x1de: {  	[tilespmem:s7+$0x1C30] =	vst v1;
	v1 =	vmul.f32 $1.131370830e+01, v7;
	v6 =	vld [tilespmem:s7+$0x1CA0]  }
0x1df: {  	[tilespmem:s7+$0x1C40] =	vst v0;
	v0 =	vmul.f32 $1.131370830e+01, v5;
	v5 =	vld [tilespmem:s7+$0x1CB0]  }
0x1e0: {  	[tilespmem:s7+$0x1C50] =	vst v1;
	v1 =	vmul.f32 $1.131370830e+01, v2;
	v2 =	vld [tilespmem:s7+$0x1CC0]  }
0x1e1: {  	[tilespmem:s7+$0x1C60] =	vst v0;
	v0 =	vmul.f32 $1.131370830e+01, v3;
	v3 =	vld [tilespmem:s7+$0x1CD0]  }
0x1e2: {  	[tilespmem:s7+$0x1C70] =	vst v1;
	v1 =	vmul.f32 $1.131370830e+01, v4;
	v4 =	vld [tilespmem:s7+$0x1CE0]  }
0x1e3: {  	[tilespmem:s7+$0x1C80] =	vst v0;
	v0 =	vmul.f32 $1.131370830e+01, v6;
	v6 =	vld [tilespmem:s7+$0x1CF0]  }
0x1e4: {  	[tilespmem:s7+$0x1C90] =	vst v1;
	v1 =	vmul.f32 $1.131370830e+01, v5;
	v5 =	vld [tilespmem:s7+$0x1D00]  }
0x1e5: {  	[tilespmem:s7+$0x1CA0] =	vst v0;
	v0 =	vmul.f32 $1.131370830e+01, v2;
	v2 =	vld [tilespmem:s7+$0x1D10]  }
0x1e6: {  	[tilespmem:s7+$0x1CB0] =	vst v1;
	v1 =	vmul.f32 $1.131370830e+01, v3;
	v3 =	vld [tilespmem:s7+$0x1D20]  }
0x1e7: {  	[tilespmem:s7+$0x1CC0] =	vst v0;
	v0 =	vmul.f32 $1.131370830e+01, v4;
	v4 =	vld [tilespmem:s7+$0x1D30]  }
0x1e8: {  	[tilespmem:s7+$0x1CD0] =	vst v1;
	v1 =	vmul.f32 $1.131370830e+01, v6;
	v6 =	vld [tilespmem:s7+$0x1D40]  }
0x1e9: {  	[tilespmem:s7+$0x1CE0] =	vst v0;
	v0 =	vmul.f32 $1.131370830e+01, v5;
	v5 =	vld [tilespmem:s7+$0x1D50]  }
0x1ea: {  	[tilespmem:s7+$0x1CF0] =	vst v1;
	v1 =	vmul.f32 $1.131370830e+01, v2;
	v2 =	vld [tilespmem:s7+$0x1D60]  }
0x1eb: {  	[tilespmem:s7+$0x1D00] =	vst v0;
	v0 =	vmul.f32 $1.131370830e+01, v3;
	v3 =	vld [tilespmem:s7+$0x1D70]  }
0x1ec: {  	[tilespmem:s7+$0x1D10] =	vst v1;
	v1 =	vmul.f32 $1.131370830e+01, v4;
	v4 =	vld [tilespmem:s7+$0x1D80]  }
0x1ed: {  	[tilespmem:s7+$0x1D20] =	vst v0;
	v0 =	vmul.f32 $1.131370830e+01, v6;
	v7 =	vld [tilespmem:s7+$0x1D90]  }
.Ltmp5:
0x1ee: {  	[tilespmem:s7+$0x1D30] =	vst v1;
	v5 =	vmul.f32 $1.131370830e+01, v5;
	v1 =	vld [tilespmem:s7+$0x1DA0];
	(pc) =	sbr.rel @p0 .LBB2_13-.Ltmp5, $4  }
0x1ef: {  	[tilespmem:s7+$0x1D40] =	vst v0;
	v6 =	vmul.f32 $1.131370830e+01, v2;
	v0 =	vld [tilespmem:s7+$0x1DB0]  }
0x1f0: {  	[tilespmem:s7+$0x1D50] =	vst v5;
	v5 =	vmul.f32 $1.131370830e+01, v3;
	v2 =	vld [tilespmem:s7+$0x1DC0]  }
0x1f1: {  	[tilespmem:s7+$0x1D60] =	vst v6;
	v6 =	vmul.f32 $1.131370830e+01, v4;
	v3 =	vld [tilespmem:s7+$0x1DD0]  }
0x1f2: {  	s14 =	sadd.s32 $0x800, s14;
	[tilespmem:s7+$0x1D70] =	vst v5;
	v5 =	vmul.f32 $1.131370830e+01, v7;
	v4 =	vld [tilespmem:s7+$0x1DE0]  }
0x1f3: {  	[tilespmem:s7+$0x1D80] =	vst v6;
	v1 =	vmul.f32 $1.131370830e+01, v1;
	v6 =	vld [tilespmem:s7+$0x1DF0]  }
0x1f4: {  	[tilespmem:s7+$0x1D90] =	vst v5;
	v0 =	vmul.f32 $1.131370830e+01, v0  }
0x1f5: {  	[tilespmem:s7+$0x1DA0] =	vst v1;
	v1 =	vmul.f32 $1.131370830e+01, v2  }
0x1f6: {  	[tilespmem:s7+$0x1DB0] =	vst v0;
	v0 =	vmul.f32 $1.131370830e+01, v3  }
0x1f7: {  	s6 =	sadd.s32 s5, s12;
	[tilespmem:s7+$0x1DC0] =	vst v1;
	v1 =	vmul.f32 $1.131370830e+01, v4  }
0x1f8: {  	s6 =	sshll.u32 s6, $0xB;
	[tilespmem:s7+$0x1DD0] =	vst v0;
	v0 =	vmul.f32 $1.131370830e+01, v6  }
0x1f9: {  	s6 =	sand.u32 $0x1FFFF800, s6;
	[tilespmem:s7+$0x1DE0] =	vst v1  }
0x1fa: {  	s14 =	simm.s32 $0x0;
	s6 =	sadd.s32 s3, s6;
	[tilespmem:s7+$0x1DF0] =	vst v0  }
0x1fb: {  	[hbm4b:s6+s14] =	stream.linear.scatter [tilespmem:s18], [sflag:$0x6], $0x4000, $0x38;
	[tilespmem:$0x15C00] =	vst v63  }
0x1fc: {  	_ =	swait.ge [sflag:s25], $0x4000  }
0x1fd: {  	[sflag:s25] =	ssyncset.done $0x0  }
0x1fe: {  	s16 =	sadd.s32 $0x480, s15;
	[sflag:s25] =	ssyncadd.s32 $0xFFFFC000  }
0x1ff: {  	[tilespmem:s26], [sflag:$0x5] =	stream.indirect.gather [hbm4b:s2+s17], $0x80, s16, s17, $0xb8;
	[tilespmem:$0x15C00] =	vst v63  }
0x200: {  	_ =	swait.ge [sflag:s28], $0x4000  }
0x201: {  	[sflag:s28] =	ssyncset.done $0x0  }
0x202: {  	s7 =	simm.s32 $0x0;
	[sflag:s28] =	ssyncadd.s32 $0xFFFFC000  }
0x203: {  	v0 =	vld [tilespmem:s7+$0x5C00]  }
0x204: {  	v1 =	vld [tilespmem:s7+$0x5C10]  }
0x205: {  	v2 =	vld [tilespmem:s7+$0x5C20]  }
0x206: {  	v3 =	vld [tilespmem:s7+$0x5C30]  }
0x207: {  	v4 =	vld [tilespmem:s7+$0x5C40]  }
0x208: {  	v5 =	vld [tilespmem:s7+$0x5C50];
	v0 =	vmul.f32 $1.131370830e+01, v0  }
0x209: {  	v6 =	vld [tilespmem:s7+$0x5C60];
	v1 =	vmul.f32 $1.131370830e+01, v1  }
0x20a: {  	v2 =	vmul.f32 $1.131370830e+01, v2;
	[tilespmem:s7+$0x5C00] =	vst v0;
	v0 =	vld [tilespmem:s7+$0x5C70]  }
0x20b: {  	v3 =	vmul.f32 $1.131370830e+01, v3;
	[tilespmem:s7+$0x5C10] =	vst v1;
	v1 =	vld [tilespmem:s7+$0x5C80]  }
0x20c: {  	v4 =	vmul.f32 $1.131370830e+01, v4;
	[tilespmem:s7+$0x5C20] =	vst v2;
	v2 =	vld [tilespmem:s7+$0x5C90]  }
0x20d: {  	v5 =	vmul.f32 $1.131370830e+01, v5;
	[tilespmem:s7+$0x5C30] =	vst v3;
	v3 =	vld [tilespmem:s7+$0x5CA0]  }
0x20e: {  	v6 =	vmul.f32 $1.131370830e+01, v6;
	[tilespmem:s7+$0x5C40] =	vst v4;
	v4 =	vld [tilespmem:s7+$0x5CB0]  }
0x20f: {  	[tilespmem:s7+$0x5C50] =	vst v5;
	v5 =	vld [tilespmem:s7+$0x5CC0];
	v0 =	vmul.f32 $1.131370830e+01, v0  }
0x210: {  	[tilespmem:s7+$0x5C60] =	vst v6;
	v6 =	vld [tilespmem:s7+$0x5CD0];
	v1 =	vmul.f32 $1.131370830e+01, v1  }
0x211: {  	v2 =	vmul.f32 $1.131370830e+01, v2;
	[tilespmem:s7+$0x5C70] =	vst v0;
	v0 =	vld [tilespmem:s7+$0x5CE0]  }
0x212: {  	v3 =	vmul.f32 $1.131370830e+01, v3;
	[tilespmem:s7+$0x5C80] =	vst v1;
	v1 =	vld [tilespmem:s7+$0x5CF0]  }
0x213: {  	v4 =	vmul.f32 $1.131370830e+01, v4;
	[tilespmem:s7+$0x5C90] =	vst v2;
	v2 =	vld [tilespmem:s7+$0x5D00]  }
0x214: {  	v5 =	vmul.f32 $1.131370830e+01, v5;
	[tilespmem:s7+$0x5CA0] =	vst v3;
	v3 =	vld [tilespmem:s7+$0x5D10]  }
0x215: {  	v6 =	vmul.f32 $1.131370830e+01, v6;
	[tilespmem:s7+$0x5CB0] =	vst v4;
	v4 =	vld [tilespmem:s7+$0x5D20]  }
0x216: {  	[tilespmem:s7+$0x5CC0] =	vst v5;
	v5 =	vld [tilespmem:s7+$0x5D30];
	v0 =	vmul.f32 $1.131370830e+01, v0  }
0x217: {  	[tilespmem:s7+$0x5CD0] =	vst v6;
	v6 =	vld [tilespmem:s7+$0x5D40]  }
0x218: {  	v1 =	vmul.f32 $1.131370830e+01, v1;
	[tilespmem:s7+$0x5CE0] =	vst v0;
	v0 =	vld [tilespmem:s7+$0x5D50]  }
0x219: {  	v2 =	vmul.f32 $1.131370830e+01, v2  }
0x21a: {  	[tilespmem:s7+$0x5CF0] =	vst v1;
	v1 =	vmul.f32 $1.131370830e+01, v3;
	v3 =	vld [tilespmem:s7+$0x5D70]  }
0x21b: {  	v7 =	vld [tilespmem:s7+$0x5D60];
	[tilespmem:s7+$0x5D00] =	vst v2;
	v2 =	vmul.f32 $1.131370830e+01, v4  }
0x21c: {  	v4 =	vld [tilespmem:s7+$0x5D80];
	[tilespmem:s7+$0x5D10] =	vst v1;
	v1 =	vmul.f32 $1.131370830e+01, v5  }
0x21d: {  	[tilespmem:s7+$0x5D20] =	vst v2;
	v5 =	vld [tilespmem:s7+$0x5D90];
	v2 =	vmul.f32 $1.131370830e+01, v6;
	v6 =	vmul.f32 $1.131370830e+01, v0  }
0x21e: {  	[tilespmem:s7+$0x5D30] =	vst v1;
	v1 =	vld [tilespmem:s7+$0x5DA0]  }
0x21f: {  	v0 =	vld [tilespmem:s7+$0x5DB0];
	[tilespmem:s7+$0x5D50] =	vst v6;
	v6 =	vmul.f32 $1.131370830e+01, v3  }
0x220: {  	v7 =	vmul.f32 $1.131370830e+01, v7;
	[tilespmem:s7+$0x5D40] =	vst v2;
	v2 =	vld [tilespmem:s7+$0x5DC0]  }
0x221: {  	v3 =	vld [tilespmem:s7+$0x5DD0];
	[tilespmem:s7+$0x5D70] =	vst v6;
	v6 =	vmul.f32 $1.131370830e+01, v4  }
0x222: {  	s12 =	simm.s32 $0x800;
	[tilespmem:s7+$0x5D60] =	vst v7;
	v5 =	vmul.f32 $1.131370830e+01, v5;
	v4 =	vld [tilespmem:s7+$0x5DE0]  }
.LBB2_15:
0x223: {  	s6 =	sshra.s32 s12, $0x2;
	p0 =	sne.s32 s12, $0xF800;
	[tilespmem:s7+$0x5D80] =	vst v6;
	v1 =	vmul.f32 $1.131370830e+01, v1;
	v6 =	vld [tilespmem:s7+$0x5DF0]  }
0x224: {  	v7 =	vld [tilespmem:s6+$0x5C00];
	[tilespmem:s7+$0x5D90] =	vst v5;
	v0 =	vmul.f32 $1.131370830e+01, v0  }
0x225: {  	v5 =	vld [tilespmem:s6+$0x5C10];
	[tilespmem:s7+$0x5DA0] =	vst v1;
	v1 =	vmul.f32 $1.131370830e+01, v2  }
0x226: {  	v2 =	vld [tilespmem:s6+$0x5C20];
	[tilespmem:s7+$0x5DB0] =	vst v0;
	v0 =	vmul.f32 $1.131370830e+01, v3  }
0x227: {  	v3 =	vld [tilespmem:s6+$0x5C30];
	[tilespmem:s7+$0x5DC0] =	vst v1;
	v1 =	vmul.f32 $1.131370830e+01, v4  }
0x228: {  	v4 =	vld [tilespmem:s6+$0x5C40];
	[tilespmem:s7+$0x5DD0] =	vst v0;
	v0 =	vmul.f32 $1.131370830e+01, v6  }
0x229: {  	v6 =	vmul.f32 $1.131370830e+01, v7;
	v7 =	vld [tilespmem:s6+$0x5C50];
	[tilespmem:s7+$0x5DE0] =	vst v1  }
0x22a: {  	v1 =	vmul.f32 $1.131370830e+01, v5;
	v5 =	vld [tilespmem:s6+$0x5C60];
	[tilespmem:s7+$0x5DF0] =	vst v0;
	s7 =	smov.u32 s6  }
0x22b: {  	[tilespmem:s7+$0x5C00] =	vst v6;
	v0 =	vmul.f32 $1.131370830e+01, v2;
	v2 =	vld [tilespmem:s7+$0x5C70]  }
0x22c: {  	[tilespmem:s7+$0x5C10] =	vst v1;
	v1 =	vmul.f32 $1.131370830e+01, v3;
	v3 =	vld [tilespmem:s7+$0x5C80]  }
0x22d: {  	[tilespmem:s7+$0x5C20] =	vst v0;
	v0 =	vmul.f32 $1.131370830e+01, v4;
	v4 =	vld [tilespmem:s7+$0x5C90]  }
0x22e: {  	[tilespmem:s7+$0x5C30] =	vst v1;
	v1 =	vmul.f32 $1.131370830e+01, v7;
	v6 =	vld [tilespmem:s7+$0x5CA0]  }
0x22f: {  	[tilespmem:s7+$0x5C40] =	vst v0;
	v0 =	vmul.f32 $1.131370830e+01, v5;
	v5 =	vld [tilespmem:s7+$0x5CB0]  }
0x230: {  	[tilespmem:s7+$0x5C50] =	vst v1;
	v1 =	vmul.f32 $1.131370830e+01, v2;
	v2 =	vld [tilespmem:s7+$0x5CC0]  }
0x231: {  	[tilespmem:s7+$0x5C60] =	vst v0;
	v0 =	vmul.f32 $1.131370830e+01, v3;
	v3 =	vld [tilespmem:s7+$0x5CD0]  }
0x232: {  	[tilespmem:s7+$0x5C70] =	vst v1;
	v1 =	vmul.f32 $1.131370830e+01, v4;
	v4 =	vld [tilespmem:s7+$0x5CE0]  }
0x233: {  	[tilespmem:s7+$0x5C80] =	vst v0;
	v0 =	vmul.f32 $1.131370830e+01, v6;
	v6 =	vld [tilespmem:s7+$0x5CF0]  }
0x234: {  	[tilespmem:s7+$0x5C90] =	vst v1;
	v1 =	vmul.f32 $1.131370830e+01, v5;
	v5 =	vld [tilespmem:s7+$0x5D00]  }
0x235: {  	[tilespmem:s7+$0x5CA0] =	vst v0;
	v0 =	vmul.f32 $1.131370830e+01, v2;
	v2 =	vld [tilespmem:s7+$0x5D10]  }
0x236: {  	[tilespmem:s7+$0x5CB0] =	vst v1;
	v1 =	vmul.f32 $1.131370830e+01, v3;
	v3 =	vld [tilespmem:s7+$0x5D20]  }
0x237: {  	[tilespmem:s7+$0x5CC0] =	vst v0;
	v0 =	vmul.f32 $1.131370830e+01, v4;
	v4 =	vld [tilespmem:s7+$0x5D30]  }
0x238: {  	[tilespmem:s7+$0x5CD0] =	vst v1;
	v1 =	vmul.f32 $1.131370830e+01, v6;
	v6 =	vld [tilespmem:s7+$0x5D40]  }
0x239: {  	[tilespmem:s7+$0x5CE0] =	vst v0;
	v0 =	vmul.f32 $1.131370830e+01, v5;
	v5 =	vld [tilespmem:s7+$0x5D50]  }
0x23a: {  	[tilespmem:s7+$0x5CF0] =	vst v1;
	v1 =	vmul.f32 $1.131370830e+01, v2;
	v2 =	vld [tilespmem:s7+$0x5D60]  }
0x23b: {  	[tilespmem:s7+$0x5D00] =	vst v0;
	v0 =	vmul.f32 $1.131370830e+01, v3;
	v3 =	vld [tilespmem:s7+$0x5D70]  }
0x23c: {  	[tilespmem:s7+$0x5D10] =	vst v1;
	v1 =	vmul.f32 $1.131370830e+01, v4;
	v4 =	vld [tilespmem:s7+$0x5D80]  }
0x23d: {  	[tilespmem:s7+$0x5D20] =	vst v0;
	v0 =	vmul.f32 $1.131370830e+01, v6;
	v7 =	vld [tilespmem:s7+$0x5D90]  }
.Ltmp6:
0x23e: {  	[tilespmem:s7+$0x5D30] =	vst v1;
	v5 =	vmul.f32 $1.131370830e+01, v5;
	v1 =	vld [tilespmem:s7+$0x5DA0];
	(pc) =	sbr.rel @p0 .LBB2_15-.Ltmp6, $4  }
0x23f: {  	[tilespmem:s7+$0x5D40] =	vst v0;
	v6 =	vmul.f32 $1.131370830e+01, v2;
	v0 =	vld [tilespmem:s7+$0x5DB0]  }
0x240: {  	[tilespmem:s7+$0x5D50] =	vst v5;
	v5 =	vmul.f32 $1.131370830e+01, v3;
	v2 =	vld [tilespmem:s7+$0x5DC0]  }
0x241: {  	[tilespmem:s7+$0x5D60] =	vst v6;
	v6 =	vmul.f32 $1.131370830e+01, v4;
	v3 =	vld [tilespmem:s7+$0x5DD0]  }
0x242: {  	s12 =	sadd.s32 $0x800, s12;
	[tilespmem:s7+$0x5D70] =	vst v5;
	v5 =	vmul.f32 $1.131370830e+01, v7;
	v4 =	vld [tilespmem:s7+$0x5DE0]  }
0x243: {  	[tilespmem:s7+$0x5D80] =	vst v6;
	v1 =	vmul.f32 $1.131370830e+01, v1;
	v59 =	vld [tilespmem:s7+$0x5DF0]  }
0x244: {  	[tilespmem:s7+$0x5D90] =	vst v5;
	v0 =	vmul.f32 $1.131370830e+01, v0  }
0x245: {  	s8 =	sadd.s32 $0x1, s8;
	[tilespmem:s7+$0x5DA0] =	vst v1;
	v60 =	vmul.f32 $1.131370830e+01, v2  }
0x246: {  	p0 =	sne.s32 s8, $0x9;
	[tilespmem:s7+$0x5DB0] =	vst v0;
	v61 =	vmul.f32 $1.131370830e+01, v3  }
.Ltmp7:
0x247: {  	s6 =	sadd.s32 s5, s13;
	[tilespmem:s7+$0x5DC0] =	vst v60;
	v62 =	vmul.f32 $1.131370830e+01, v4;
	(pc) =	sbr.rel @p0 .LBB2_6-.Ltmp7, $4  }
0x248: {  	s6 =	sshll.u32 s6, $0xB;
	[tilespmem:s7+$0x5DD0] =	vst v61;
	v63 =	vmul.f32 $1.131370830e+01, v59  }
0x249: {  	s6 =	sand.u32 $0x1FFFF800, s6;
	[tilespmem:s7+$0x5DE0] =	vst v62  }
0x24a: {  	s6 =	sadd.s32 s3, s6;
	[tilespmem:s7+$0x5DF0] =	vst v63  }
0x24b: {  	[hbm4b:s6+s4] =	stream.linear.scatter [tilespmem:s19], [sflag:$0x7], $0x4000, $0x38;
	[tilespmem:$0x15C00] =	vst v63  }
0x24c: {  	_ =	swait.ge [sflag:s30], $0x4000  }
0x24d: {  	[sflag:s30] =	ssyncset.done $0x0  }
0x24e: {  	s7 =	simm.s32 $0x0;
	[sflag:s30] =	ssyncadd.s32 $0xFFFFC000  }
0x24f: {  	v0 =	vld [tilespmem:s7+$0x9C00]  }
0x250: {  	v1 =	vld [tilespmem:s7+$0x9C10]  }
0x251: {  	v2 =	vld [tilespmem:s7+$0x9C20]  }
0x252: {  	v3 =	vld [tilespmem:s7+$0x9C30]  }
0x253: {  	v4 =	vld [tilespmem:s7+$0x9C40]  }
0x254: {  	v5 =	vld [tilespmem:s7+$0x9C50];
	v0 =	vmul.f32 $1.131370830e+01, v0  }
0x255: {  	v6 =	vld [tilespmem:s7+$0x9C60];
	v1 =	vmul.f32 $1.131370830e+01, v1  }
0x256: {  	v2 =	vmul.f32 $1.131370830e+01, v2;
	[tilespmem:s7+$0x9C00] =	vst v0;
	v0 =	vld [tilespmem:s7+$0x9C70]  }
0x257: {  	v3 =	vmul.f32 $1.131370830e+01, v3;
	[tilespmem:s7+$0x9C10] =	vst v1;
	v1 =	vld [tilespmem:s7+$0x9C80]  }
0x258: {  	v4 =	vmul.f32 $1.131370830e+01, v4;
	[tilespmem:s7+$0x9C20] =	vst v2;
	v2 =	vld [tilespmem:s7+$0x9C90]  }
0x259: {  	v5 =	vmul.f32 $1.131370830e+01, v5;
	[tilespmem:s7+$0x9C30] =	vst v3;
	v3 =	vld [tilespmem:s7+$0x9CA0]  }
0x25a: {  	v6 =	vmul.f32 $1.131370830e+01, v6;
	[tilespmem:s7+$0x9C40] =	vst v4;
	v4 =	vld [tilespmem:s7+$0x9CB0]  }
0x25b: {  	[tilespmem:s7+$0x9C50] =	vst v5;
	v5 =	vld [tilespmem:s7+$0x9CC0];
	v0 =	vmul.f32 $1.131370830e+01, v0  }
0x25c: {  	[tilespmem:s7+$0x9C60] =	vst v6;
	v6 =	vld [tilespmem:s7+$0x9CD0];
	v1 =	vmul.f32 $1.131370830e+01, v1  }
0x25d: {  	v2 =	vmul.f32 $1.131370830e+01, v2;
	[tilespmem:s7+$0x9C70] =	vst v0;
	v0 =	vld [tilespmem:s7+$0x9CE0]  }
0x25e: {  	v3 =	vmul.f32 $1.131370830e+01, v3;
	[tilespmem:s7+$0x9C80] =	vst v1;
	v1 =	vld [tilespmem:s7+$0x9CF0]  }
0x25f: {  	v4 =	vmul.f32 $1.131370830e+01, v4;
	[tilespmem:s7+$0x9C90] =	vst v2;
	v2 =	vld [tilespmem:s7+$0x9D00]  }
0x260: {  	v5 =	vmul.f32 $1.131370830e+01, v5;
	[tilespmem:s7+$0x9CA0] =	vst v3;
	v3 =	vld [tilespmem:s7+$0x9D10]  }
0x261: {  	v6 =	vmul.f32 $1.131370830e+01, v6;
	[tilespmem:s7+$0x9CB0] =	vst v4;
	v4 =	vld [tilespmem:s7+$0x9D20]  }
0x262: {  	[tilespmem:s7+$0x9CC0] =	vst v5;
	v5 =	vld [tilespmem:s7+$0x9D30];
	v0 =	vmul.f32 $1.131370830e+01, v0  }
0x263: {  	[tilespmem:s7+$0x9CD0] =	vst v6;
	v6 =	vld [tilespmem:s7+$0x9D40]  }
0x264: {  	v1 =	vmul.f32 $1.131370830e+01, v1;
	[tilespmem:s7+$0x9CE0] =	vst v0;
	v0 =	vld [tilespmem:s7+$0x9D50]  }
0x265: {  	v2 =	vmul.f32 $1.131370830e+01, v2  }
0x266: {  	[tilespmem:s7+$0x9CF0] =	vst v1;
	v1 =	vmul.f32 $1.131370830e+01, v3;
	v3 =	vld [tilespmem:s7+$0x9D70]  }
0x267: {  	v7 =	vld [tilespmem:s7+$0x9D60];
	[tilespmem:s7+$0x9D00] =	vst v2;
	v2 =	vmul.f32 $1.131370830e+01, v4  }
0x268: {  	v4 =	vld [tilespmem:s7+$0x9D80];
	[tilespmem:s7+$0x9D10] =	vst v1;
	v1 =	vmul.f32 $1.131370830e+01, v5  }
0x269: {  	[tilespmem:s7+$0x9D20] =	vst v2;
	v5 =	vld [tilespmem:s7+$0x9D90];
	v2 =	vmul.f32 $1.131370830e+01, v6;
	v6 =	vmul.f32 $1.131370830e+01, v0  }
0x26a: {  	[tilespmem:s7+$0x9D30] =	vst v1;
	v1 =	vld [tilespmem:s7+$0x9DA0]  }
0x26b: {  	v0 =	vld [tilespmem:s7+$0x9DB0];
	[tilespmem:s7+$0x9D50] =	vst v6;
	v6 =	vmul.f32 $1.131370830e+01, v3  }
0x26c: {  	v7 =	vmul.f32 $1.131370830e+01, v7;
	[tilespmem:s7+$0x9D40] =	vst v2;
	v2 =	vld [tilespmem:s7+$0x9DC0]  }
0x26d: {  	v3 =	vld [tilespmem:s7+$0x9DD0];
	[tilespmem:s7+$0x9D70] =	vst v6;
	v6 =	vmul.f32 $1.131370830e+01, v4  }
0x26e: {  	s8 =	simm.s32 $0x800;
	[tilespmem:s7+$0x9D60] =	vst v7;
	v5 =	vmul.f32 $1.131370830e+01, v5;
	v4 =	vld [tilespmem:s7+$0x9DE0]  }
.LBB2_18:
0x26f: {  	s6 =	sshra.s32 s8, $0x2;
	p0 =	sne.s32 s8, $0xF800;
	[tilespmem:s7+$0x9D80] =	vst v6;
	v1 =	vmul.f32 $1.131370830e+01, v1;
	v6 =	vld [tilespmem:s7+$0x9DF0]  }
0x270: {  	v7 =	vld [tilespmem:s6+$0x9C00];
	[tilespmem:s7+$0x9D90] =	vst v5;
	v0 =	vmul.f32 $1.131370830e+01, v0  }
0x271: {  	v5 =	vld [tilespmem:s6+$0x9C10];
	[tilespmem:s7+$0x9DA0] =	vst v1;
	v1 =	vmul.f32 $1.131370830e+01, v2  }
0x272: {  	v2 =	vld [tilespmem:s6+$0x9C20];
	[tilespmem:s7+$0x9DB0] =	vst v0;
	v0 =	vmul.f32 $1.131370830e+01, v3  }
0x273: {  	v3 =	vld [tilespmem:s6+$0x9C30];
	[tilespmem:s7+$0x9DC0] =	vst v1;
	v1 =	vmul.f32 $1.131370830e+01, v4  }
0x274: {  	v4 =	vld [tilespmem:s6+$0x9C40];
	[tilespmem:s7+$0x9DD0] =	vst v0;
	v0 =	vmul.f32 $1.131370830e+01, v6  }
0x275: {  	v6 =	vmul.f32 $1.131370830e+01, v7;
	v7 =	vld [tilespmem:s6+$0x9C50];
	[tilespmem:s7+$0x9DE0] =	vst v1  }
0x276: {  	v1 =	vmul.f32 $1.131370830e+01, v5;
	v5 =	vld [tilespmem:s6+$0x9C60];
	[tilespmem:s7+$0x9DF0] =	vst v0;
	s7 =	smov.u32 s6  }
0x277: {  	[tilespmem:s7+$0x9C00] =	vst v6;
	v0 =	vmul.f32 $1.131370830e+01, v2;
	v2 =	vld [tilespmem:s7+$0x9C70]  }
0x278: {  	[tilespmem:s7+$0x9C10] =	vst v1;
	v1 =	vmul.f32 $1.131370830e+01, v3;
	v3 =	vld [tilespmem:s7+$0x9C80]  }
0x279: {  	[tilespmem:s7+$0x9C20] =	vst v0;
	v0 =	vmul.f32 $1.131370830e+01, v4;
	v4 =	vld [tilespmem:s7+$0x9C90]  }
0x27a: {  	[tilespmem:s7+$0x9C30] =	vst v1;
	v1 =	vmul.f32 $1.131370830e+01, v7;
	v6 =	vld [tilespmem:s7+$0x9CA0]  }
0x27b: {  	[tilespmem:s7+$0x9C40] =	vst v0;
	v0 =	vmul.f32 $1.131370830e+01, v5;
	v5 =	vld [tilespmem:s7+$0x9CB0]  }
0x27c: {  	[tilespmem:s7+$0x9C50] =	vst v1;
	v1 =	vmul.f32 $1.131370830e+01, v2;
	v2 =	vld [tilespmem:s7+$0x9CC0]  }
0x27d: {  	[tilespmem:s7+$0x9C60] =	vst v0;
	v0 =	vmul.f32 $1.131370830e+01, v3;
	v3 =	vld [tilespmem:s7+$0x9CD0]  }
0x27e: {  	[tilespmem:s7+$0x9C70] =	vst v1;
	v1 =	vmul.f32 $1.131370830e+01, v4;
	v4 =	vld [tilespmem:s7+$0x9CE0]  }
0x27f: {  	[tilespmem:s7+$0x9C80] =	vst v0;
	v0 =	vmul.f32 $1.131370830e+01, v6;
	v6 =	vld [tilespmem:s7+$0x9CF0]  }
0x280: {  	[tilespmem:s7+$0x9C90] =	vst v1;
	v1 =	vmul.f32 $1.131370830e+01, v5;
	v5 =	vld [tilespmem:s7+$0x9D00]  }
0x281: {  	[tilespmem:s7+$0x9CA0] =	vst v0;
	v0 =	vmul.f32 $1.131370830e+01, v2;
	v2 =	vld [tilespmem:s7+$0x9D10]  }
0x282: {  	[tilespmem:s7+$0x9CB0] =	vst v1;
	v1 =	vmul.f32 $1.131370830e+01, v3;
	v3 =	vld [tilespmem:s7+$0x9D20]  }
0x283: {  	[tilespmem:s7+$0x9CC0] =	vst v0;
	v0 =	vmul.f32 $1.131370830e+01, v4;
	v4 =	vld [tilespmem:s7+$0x9D30]  }
0x284: {  	[tilespmem:s7+$0x9CD0] =	vst v1;
	v1 =	vmul.f32 $1.131370830e+01, v6;
	v6 =	vld [tilespmem:s7+$0x9D40]  }
0x285: {  	[tilespmem:s7+$0x9CE0] =	vst v0;
	v0 =	vmul.f32 $1.131370830e+01, v5;
	v5 =	vld [tilespmem:s7+$0x9D50]  }
0x286: {  	[tilespmem:s7+$0x9CF0] =	vst v1;
	v1 =	vmul.f32 $1.131370830e+01, v2;
	v2 =	vld [tilespmem:s7+$0x9D60]  }
0x287: {  	[tilespmem:s7+$0x9D00] =	vst v0;
	v0 =	vmul.f32 $1.131370830e+01, v3;
	v3 =	vld [tilespmem:s7+$0x9D70]  }
0x288: {  	[tilespmem:s7+$0x9D10] =	vst v1;
	v1 =	vmul.f32 $1.131370830e+01, v4;
	v4 =	vld [tilespmem:s7+$0x9D80]  }
0x289: {  	[tilespmem:s7+$0x9D20] =	vst v0;
	v0 =	vmul.f32 $1.131370830e+01, v6;
	v7 =	vld [tilespmem:s7+$0x9D90]  }
.Ltmp8:
0x28a: {  	[tilespmem:s7+$0x9D30] =	vst v1;
	v5 =	vmul.f32 $1.131370830e+01, v5;
	v1 =	vld [tilespmem:s7+$0x9DA0];
	(pc) =	sbr.rel @p0 .LBB2_18-.Ltmp8, $4  }
0x28b: {  	[tilespmem:s7+$0x9D40] =	vst v0;
	v6 =	vmul.f32 $1.131370830e+01, v2;
	v0 =	vld [tilespmem:s7+$0x9DB0]  }
0x28c: {  	[tilespmem:s7+$0x9D50] =	vst v5;
	v5 =	vmul.f32 $1.131370830e+01, v3;
	v2 =	vld [tilespmem:s7+$0x9DC0]  }
0x28d: {  	[tilespmem:s7+$0x9D60] =	vst v6;
	v6 =	vmul.f32 $1.131370830e+01, v4;
	v3 =	vld [tilespmem:s7+$0x9DD0]  }
0x28e: {  	s8 =	sadd.s32 $0x800, s8;
	[tilespmem:s7+$0x9D70] =	vst v5;
	v5 =	vmul.f32 $1.131370830e+01, v7;
	v4 =	vld [tilespmem:s7+$0x9DE0]  }
0x28f: {  	[tilespmem:s7+$0x9D80] =	vst v6;
	v1 =	vmul.f32 $1.131370830e+01, v1;
	v6 =	vld [tilespmem:s7+$0x9DF0]  }
0x290: {  	[tilespmem:s7+$0x9D90] =	vst v5;
	v0 =	vmul.f32 $1.131370830e+01, v0  }
0x291: {  	[tilespmem:s7+$0x9DA0] =	vst v1;
	v1 =	vmul.f32 $1.131370830e+01, v2  }
0x292: {  	[tilespmem:s7+$0x9DB0] =	vst v0;
	v0 =	vmul.f32 $1.131370830e+01, v3  }
0x293: {  	[tilespmem:s7+$0x9DC0] =	vst v1;
	v1 =	vmul.f32 $1.131370830e+01, v4  }
0x294: {  	[tilespmem:s7+$0x9DD0] =	vst v0;
	v0 =	vmul.f32 $1.131370830e+01, v6  }
0x295: {  	[tilespmem:s7+$0x9DE0] =	vst v1  }
0x296: {  	s6 =	simm.s32 $0x0;
	s16 =	rddreg [dreg:$0x7];
	[tilespmem:s7+$0x9DF0] =	vst v0  }
0x297: {  	[hbm4b:s16+s6] =	stream.linear.scatter [tilespmem:s21], [sflag:$0x8], $0x4000, $0x38;
	[tilespmem:$0x15C00] =	vst v63  }
0x298: {  	_ =	swait.ge [sflag:s1], $0x4000  }
0x299: {  	[sflag:s1] =	ssyncset.done $0x0  }
0x29a: {  	s7 =	simm.s32 $0x0;
	[sflag:s1] =	ssyncadd.s32 $0xFFFFC000  }
0x29b: {  	v0 =	vld [tilespmem:s7+$0xDC00]  }
0x29c: {  	v1 =	vld [tilespmem:s7+$0xDC10]  }
0x29d: {  	v2 =	vld [tilespmem:s7+$0xDC20]  }
0x29e: {  	v3 =	vld [tilespmem:s7+$0xDC30]  }
0x29f: {  	v4 =	vld [tilespmem:s7+$0xDC40]  }
0x2a0: {  	v5 =	vld [tilespmem:s7+$0xDC50];
	v0 =	vmul.f32 $1.131370830e+01, v0  }
0x2a1: {  	v6 =	vld [tilespmem:s7+$0xDC60];
	v1 =	vmul.f32 $1.131370830e+01, v1  }
0x2a2: {  	v2 =	vmul.f32 $1.131370830e+01, v2;
	[tilespmem:s7+$0xDC00] =	vst v0;
	v0 =	vld [tilespmem:s7+$0xDC70]  }
0x2a3: {  	v3 =	vmul.f32 $1.131370830e+01, v3;
	[tilespmem:s7+$0xDC10] =	vst v1;
	v1 =	vld [tilespmem:s7+$0xDC80]  }
0x2a4: {  	v4 =	vmul.f32 $1.131370830e+01, v4;
	[tilespmem:s7+$0xDC20] =	vst v2;
	v2 =	vld [tilespmem:s7+$0xDC90]  }
0x2a5: {  	v5 =	vmul.f32 $1.131370830e+01, v5;
	[tilespmem:s7+$0xDC30] =	vst v3;
	v3 =	vld [tilespmem:s7+$0xDCA0]  }
0x2a6: {  	v6 =	vmul.f32 $1.131370830e+01, v6;
	[tilespmem:s7+$0xDC40] =	vst v4;
	v4 =	vld [tilespmem:s7+$0xDCB0]  }
0x2a7: {  	[tilespmem:s7+$0xDC50] =	vst v5;
	v5 =	vld [tilespmem:s7+$0xDCC0];
	v0 =	vmul.f32 $1.131370830e+01, v0  }
0x2a8: {  	[tilespmem:s7+$0xDC60] =	vst v6;
	v6 =	vld [tilespmem:s7+$0xDCD0];
	v1 =	vmul.f32 $1.131370830e+01, v1  }
0x2a9: {  	v2 =	vmul.f32 $1.131370830e+01, v2;
	[tilespmem:s7+$0xDC70] =	vst v0;
	v0 =	vld [tilespmem:s7+$0xDCE0]  }
0x2aa: {  	v3 =	vmul.f32 $1.131370830e+01, v3;
	[tilespmem:s7+$0xDC80] =	vst v1;
	v1 =	vld [tilespmem:s7+$0xDCF0]  }
0x2ab: {  	v4 =	vmul.f32 $1.131370830e+01, v4;
	[tilespmem:s7+$0xDC90] =	vst v2;
	v2 =	vld [tilespmem:s7+$0xDD00]  }
0x2ac: {  	v5 =	vmul.f32 $1.131370830e+01, v5;
	[tilespmem:s7+$0xDCA0] =	vst v3;
	v3 =	vld [tilespmem:s7+$0xDD10]  }
0x2ad: {  	v6 =	vmul.f32 $1.131370830e+01, v6;
	[tilespmem:s7+$0xDCB0] =	vst v4;
	v4 =	vld [tilespmem:s7+$0xDD20]  }
0x2ae: {  	[tilespmem:s7+$0xDCC0] =	vst v5;
	v5 =	vld [tilespmem:s7+$0xDD30];
	v0 =	vmul.f32 $1.131370830e+01, v0  }
0x2af: {  	[tilespmem:s7+$0xDCD0] =	vst v6;
	v6 =	vld [tilespmem:s7+$0xDD40]  }
0x2b0: {  	v1 =	vmul.f32 $1.131370830e+01, v1;
	[tilespmem:s7+$0xDCE0] =	vst v0;
	v0 =	vld [tilespmem:s7+$0xDD50]  }
0x2b1: {  	v2 =	vmul.f32 $1.131370830e+01, v2  }
0x2b2: {  	[tilespmem:s7+$0xDCF0] =	vst v1;
	v1 =	vmul.f32 $1.131370830e+01, v3;
	v3 =	vld [tilespmem:s7+$0xDD70]  }
0x2b3: {  	v7 =	vld [tilespmem:s7+$0xDD60];
	[tilespmem:s7+$0xDD00] =	vst v2;
	v2 =	vmul.f32 $1.131370830e+01, v4  }
0x2b4: {  	v4 =	vld [tilespmem:s7+$0xDD80];
	[tilespmem:s7+$0xDD10] =	vst v1;
	v1 =	vmul.f32 $1.131370830e+01, v5  }
0x2b5: {  	[tilespmem:s7+$0xDD20] =	vst v2;
	v5 =	vld [tilespmem:s7+$0xDD90];
	v2 =	vmul.f32 $1.131370830e+01, v6;
	v6 =	vmul.f32 $1.131370830e+01, v0  }
0x2b6: {  	[tilespmem:s7+$0xDD30] =	vst v1;
	v1 =	vld [tilespmem:s7+$0xDDA0]  }
0x2b7: {  	v0 =	vld [tilespmem:s7+$0xDDB0];
	[tilespmem:s7+$0xDD50] =	vst v6;
	v6 =	vmul.f32 $1.131370830e+01, v3  }
0x2b8: {  	v7 =	vmul.f32 $1.131370830e+01, v7;
	[tilespmem:s7+$0xDD40] =	vst v2;
	v2 =	vld [tilespmem:s7+$0xDDC0]  }
0x2b9: {  	v3 =	vld [tilespmem:s7+$0xDDD0];
	[tilespmem:s7+$0xDD70] =	vst v6;
	v6 =	vmul.f32 $1.131370830e+01, v4  }
0x2ba: {  	s8 =	simm.s32 $0x800;
	[tilespmem:s7+$0xDD60] =	vst v7;
	v5 =	vmul.f32 $1.131370830e+01, v5;
	v4 =	vld [tilespmem:s7+$0xDDE0]  }
.LBB2_20:
0x2bb: {  	s6 =	sshra.s32 s8, $0x2;
	p0 =	sne.s32 s8, $0xF800;
	[tilespmem:s7+$0xDD80] =	vst v6;
	v1 =	vmul.f32 $1.131370830e+01, v1;
	v6 =	vld [tilespmem:s7+$0xDDF0]  }
0x2bc: {  	v7 =	vld [tilespmem:s6+$0xDC00];
	[tilespmem:s7+$0xDD90] =	vst v5;
	v0 =	vmul.f32 $1.131370830e+01, v0  }
0x2bd: {  	v5 =	vld [tilespmem:s6+$0xDC10];
	[tilespmem:s7+$0xDDA0] =	vst v1;
	v1 =	vmul.f32 $1.131370830e+01, v2  }
0x2be: {  	v2 =	vld [tilespmem:s6+$0xDC20];
	[tilespmem:s7+$0xDDB0] =	vst v0;
	v0 =	vmul.f32 $1.131370830e+01, v3  }
0x2bf: {  	v3 =	vld [tilespmem:s6+$0xDC30];
	[tilespmem:s7+$0xDDC0] =	vst v1;
	v1 =	vmul.f32 $1.131370830e+01, v4  }
0x2c0: {  	v4 =	vld [tilespmem:s6+$0xDC40];
	[tilespmem:s7+$0xDDD0] =	vst v0;
	v0 =	vmul.f32 $1.131370830e+01, v6  }
0x2c1: {  	v6 =	vmul.f32 $1.131370830e+01, v7;
	v7 =	vld [tilespmem:s6+$0xDC50];
	[tilespmem:s7+$0xDDE0] =	vst v1  }
0x2c2: {  	v1 =	vmul.f32 $1.131370830e+01, v5;
	v5 =	vld [tilespmem:s6+$0xDC60];
	[tilespmem:s7+$0xDDF0] =	vst v0;
	s7 =	smov.u32 s6  }
0x2c3: {  	[tilespmem:s7+$0xDC00] =	vst v6;
	v0 =	vmul.f32 $1.131370830e+01, v2;
	v2 =	vld [tilespmem:s7+$0xDC70]  }
0x2c4: {  	[tilespmem:s7+$0xDC10] =	vst v1;
	v1 =	vmul.f32 $1.131370830e+01, v3;
	v3 =	vld [tilespmem:s7+$0xDC80]  }
0x2c5: {  	[tilespmem:s7+$0xDC20] =	vst v0;
	v0 =	vmul.f32 $1.131370830e+01, v4;
	v4 =	vld [tilespmem:s7+$0xDC90]  }
0x2c6: {  	[tilespmem:s7+$0xDC30] =	vst v1;
	v1 =	vmul.f32 $1.131370830e+01, v7;
	v6 =	vld [tilespmem:s7+$0xDCA0]  }
0x2c7: {  	[tilespmem:s7+$0xDC40] =	vst v0;
	v0 =	vmul.f32 $1.131370830e+01, v5;
	v5 =	vld [tilespmem:s7+$0xDCB0]  }
0x2c8: {  	[tilespmem:s7+$0xDC50] =	vst v1;
	v1 =	vmul.f32 $1.131370830e+01, v2;
	v2 =	vld [tilespmem:s7+$0xDCC0]  }
0x2c9: {  	[tilespmem:s7+$0xDC60] =	vst v0;
	v0 =	vmul.f32 $1.131370830e+01, v3;
	v3 =	vld [tilespmem:s7+$0xDCD0]  }
0x2ca: {  	[tilespmem:s7+$0xDC70] =	vst v1;
	v1 =	vmul.f32 $1.131370830e+01, v4;
	v4 =	vld [tilespmem:s7+$0xDCE0]  }
0x2cb: {  	[tilespmem:s7+$0xDC80] =	vst v0;
	v0 =	vmul.f32 $1.131370830e+01, v6;
	v6 =	vld [tilespmem:s7+$0xDCF0]  }
0x2cc: {  	[tilespmem:s7+$0xDC90] =	vst v1;
	v1 =	vmul.f32 $1.131370830e+01, v5;
	v5 =	vld [tilespmem:s7+$0xDD00]  }
0x2cd: {  	[tilespmem:s7+$0xDCA0] =	vst v0;
	v0 =	vmul.f32 $1.131370830e+01, v2;
	v2 =	vld [tilespmem:s7+$0xDD10]  }
0x2ce: {  	[tilespmem:s7+$0xDCB0] =	vst v1;
	v1 =	vmul.f32 $1.131370830e+01, v3;
	v3 =	vld [tilespmem:s7+$0xDD20]  }
0x2cf: {  	[tilespmem:s7+$0xDCC0] =	vst v0;
	v0 =	vmul.f32 $1.131370830e+01, v4;
	v4 =	vld [tilespmem:s7+$0xDD30]  }
0x2d0: {  	[tilespmem:s7+$0xDCD0] =	vst v1;
	v1 =	vmul.f32 $1.131370830e+01, v6;
	v6 =	vld [tilespmem:s7+$0xDD40]  }
0x2d1: {  	[tilespmem:s7+$0xDCE0] =	vst v0;
	v0 =	vmul.f32 $1.131370830e+01, v5;
	v5 =	vld [tilespmem:s7+$0xDD50]  }
0x2d2: {  	[tilespmem:s7+$0xDCF0] =	vst v1;
	v1 =	vmul.f32 $1.131370830e+01, v2;
	v2 =	vld [tilespmem:s7+$0xDD60]  }
0x2d3: {  	[tilespmem:s7+$0xDD00] =	vst v0;
	v0 =	vmul.f32 $1.131370830e+01, v3;
	v3 =	vld [tilespmem:s7+$0xDD70]  }
0x2d4: {  	[tilespmem:s7+$0xDD10] =	vst v1;
	v1 =	vmul.f32 $1.131370830e+01, v4;
	v4 =	vld [tilespmem:s7+$0xDD80]  }
0x2d5: {  	[tilespmem:s7+$0xDD20] =	vst v0;
	v0 =	vmul.f32 $1.131370830e+01, v6;
	v7 =	vld [tilespmem:s7+$0xDD90]  }
.Ltmp9:
0x2d6: {  	[tilespmem:s7+$0xDD30] =	vst v1;
	v5 =	vmul.f32 $1.131370830e+01, v5;
	v1 =	vld [tilespmem:s7+$0xDDA0];
	(pc) =	sbr.rel @p0 .LBB2_20-.Ltmp9, $4  }
0x2d7: {  	[tilespmem:s7+$0xDD40] =	vst v0;
	v6 =	vmul.f32 $1.131370830e+01, v2;
	v0 =	vld [tilespmem:s7+$0xDDB0]  }
0x2d8: {  	[tilespmem:s7+$0xDD50] =	vst v5;
	v5 =	vmul.f32 $1.131370830e+01, v3;
	v2 =	vld [tilespmem:s7+$0xDDC0]  }
0x2d9: {  	[tilespmem:s7+$0xDD60] =	vst v6;
	v6 =	vmul.f32 $1.131370830e+01, v4;
	v3 =	vld [tilespmem:s7+$0xDDD0]  }
0x2da: {  	s8 =	sadd.s32 $0x800, s8;
	[tilespmem:s7+$0xDD70] =	vst v5;
	v5 =	vmul.f32 $1.131370830e+01, v7;
	v4 =	vld [tilespmem:s7+$0xDDE0]  }
0x2db: {  	[tilespmem:s7+$0xDD80] =	vst v6;
	v1 =	vmul.f32 $1.131370830e+01, v1;
	v6 =	vld [tilespmem:s7+$0xDDF0]  }
0x2dc: {  	[tilespmem:s7+$0xDD90] =	vst v5;
	v0 =	vmul.f32 $1.131370830e+01, v0  }
0x2dd: {  	[tilespmem:s7+$0xDDA0] =	vst v1;
	v1 =	vmul.f32 $1.131370830e+01, v2  }
0x2de: {  	[tilespmem:s7+$0xDDB0] =	vst v0;
	v0 =	vmul.f32 $1.131370830e+01, v3  }
0x2df: {  	[tilespmem:s7+$0xDDC0] =	vst v1;
	v1 =	vmul.f32 $1.131370830e+01, v4  }
0x2e0: {  	[tilespmem:s7+$0xDDD0] =	vst v0;
	v0 =	vmul.f32 $1.131370830e+01, v6  }
0x2e1: {  	[tilespmem:s7+$0xDDE0] =	vst v1  }
0x2e2: {  	s6 =	simm.s32 $0x0;
	s16 =	rddreg [dreg:$0x8];
	[tilespmem:s7+$0xDDF0] =	vst v0  }
0x2e3: {  	[hbm4b:s16+s6] =	stream.linear.scatter [tilespmem:s23], [sflag:$0x9], $0x4000, $0x38;
	[tilespmem:$0x15C00] =	vst v63  }
0x2e4: {  	_ =	swait.ge [sflag:s20], $0x4000  }
0x2e5: {  	[sflag:s20] =	ssyncset.done $0x0  }
0x2e6: {  	s7 =	simm.s32 $0x0;
	[sflag:s20] =	ssyncadd.s32 $0xFFFFC000  }
0x2e7: {  	v0 =	vld [tilespmem:s7+$0x11C00]  }
0x2e8: {  	v1 =	vld [tilespmem:s7+$0x11C10]  }
0x2e9: {  	v2 =	vld [tilespmem:s7+$0x11C20]  }
0x2ea: {  	v3 =	vld [tilespmem:s7+$0x11C30]  }
0x2eb: {  	v4 =	vld [tilespmem:s7+$0x11C40]  }
0x2ec: {  	v5 =	vld [tilespmem:s7+$0x11C50];
	v0 =	vmul.f32 $1.131370830e+01, v0  }
0x2ed: {  	v6 =	vld [tilespmem:s7+$0x11C60];
	v1 =	vmul.f32 $1.131370830e+01, v1  }
0x2ee: {  	v2 =	vmul.f32 $1.131370830e+01, v2;
	[tilespmem:s7+$0x11C00] =	vst v0;
	v0 =	vld [tilespmem:s7+$0x11C70]  }
0x2ef: {  	v3 =	vmul.f32 $1.131370830e+01, v3;
	[tilespmem:s7+$0x11C10] =	vst v1;
	v1 =	vld [tilespmem:s7+$0x11C80]  }
0x2f0: {  	v4 =	vmul.f32 $1.131370830e+01, v4;
	[tilespmem:s7+$0x11C20] =	vst v2;
	v2 =	vld [tilespmem:s7+$0x11C90]  }
0x2f1: {  	v5 =	vmul.f32 $1.131370830e+01, v5;
	[tilespmem:s7+$0x11C30] =	vst v3;
	v3 =	vld [tilespmem:s7+$0x11CA0]  }
0x2f2: {  	v6 =	vmul.f32 $1.131370830e+01, v6;
	[tilespmem:s7+$0x11C40] =	vst v4;
	v4 =	vld [tilespmem:s7+$0x11CB0]  }
0x2f3: {  	[tilespmem:s7+$0x11C50] =	vst v5;
	v5 =	vld [tilespmem:s7+$0x11CC0];
	v0 =	vmul.f32 $1.131370830e+01, v0  }
0x2f4: {  	[tilespmem:s7+$0x11C60] =	vst v6;
	v6 =	vld [tilespmem:s7+$0x11CD0];
	v1 =	vmul.f32 $1.131370830e+01, v1  }
0x2f5: {  	v2 =	vmul.f32 $1.131370830e+01, v2;
	[tilespmem:s7+$0x11C70] =	vst v0;
	v0 =	vld [tilespmem:s7+$0x11CE0]  }
0x2f6: {  	v3 =	vmul.f32 $1.131370830e+01, v3;
	[tilespmem:s7+$0x11C80] =	vst v1;
	v1 =	vld [tilespmem:s7+$0x11CF0]  }
0x2f7: {  	v4 =	vmul.f32 $1.131370830e+01, v4;
	[tilespmem:s7+$0x11C90] =	vst v2;
	v2 =	vld [tilespmem:s7+$0x11D00]  }
0x2f8: {  	v5 =	vmul.f32 $1.131370830e+01, v5;
	[tilespmem:s7+$0x11CA0] =	vst v3;
	v3 =	vld [tilespmem:s7+$0x11D10]  }
0x2f9: {  	v6 =	vmul.f32 $1.131370830e+01, v6;
	[tilespmem:s7+$0x11CB0] =	vst v4;
	v4 =	vld [tilespmem:s7+$0x11D20]  }
0x2fa: {  	[tilespmem:s7+$0x11CC0] =	vst v5;
	v5 =	vld [tilespmem:s7+$0x11D30];
	v0 =	vmul.f32 $1.131370830e+01, v0  }
0x2fb: {  	[tilespmem:s7+$0x11CD0] =	vst v6;
	v6 =	vld [tilespmem:s7+$0x11D40]  }
0x2fc: {  	v1 =	vmul.f32 $1.131370830e+01, v1;
	[tilespmem:s7+$0x11CE0] =	vst v0;
	v0 =	vld [tilespmem:s7+$0x11D50]  }
0x2fd: {  	v2 =	vmul.f32 $1.131370830e+01, v2  }
0x2fe: {  	[tilespmem:s7+$0x11CF0] =	vst v1;
	v1 =	vmul.f32 $1.131370830e+01, v3;
	v3 =	vld [tilespmem:s7+$0x11D70]  }
0x2ff: {  	v7 =	vld [tilespmem:s7+$0x11D60];
	[tilespmem:s7+$0x11D00] =	vst v2;
	v2 =	vmul.f32 $1.131370830e+01, v4  }
0x300: {  	v4 =	vld [tilespmem:s7+$0x11D80];
	[tilespmem:s7+$0x11D10] =	vst v1;
	v1 =	vmul.f32 $1.131370830e+01, v5  }
0x301: {  	[tilespmem:s7+$0x11D20] =	vst v2;
	v5 =	vld [tilespmem:s7+$0x11D90];
	v2 =	vmul.f32 $1.131370830e+01, v6;
	v6 =	vmul.f32 $1.131370830e+01, v0  }
0x302: {  	[tilespmem:s7+$0x11D30] =	vst v1;
	v1 =	vld [tilespmem:s7+$0x11DA0]  }
0x303: {  	v0 =	vld [tilespmem:s7+$0x11DB0];
	[tilespmem:s7+$0x11D50] =	vst v6;
	v6 =	vmul.f32 $1.131370830e+01, v3  }
0x304: {  	v7 =	vmul.f32 $1.131370830e+01, v7;
	[tilespmem:s7+$0x11D40] =	vst v2;
	v2 =	vld [tilespmem:s7+$0x11DC0]  }
0x305: {  	v3 =	vld [tilespmem:s7+$0x11DD0];
	[tilespmem:s7+$0x11D70] =	vst v6;
	v6 =	vmul.f32 $1.131370830e+01, v4  }
0x306: {  	s8 =	simm.s32 $0x800;
	[tilespmem:s7+$0x11D60] =	vst v7;
	v5 =	vmul.f32 $1.131370830e+01, v5;
	v4 =	vld [tilespmem:s7+$0x11DE0]  }
.LBB2_22:
0x307: {  	s6 =	sshra.s32 s8, $0x2;
	p0 =	sne.s32 s8, $0xF800;
	[tilespmem:s7+$0x11D80] =	vst v6;
	v1 =	vmul.f32 $1.131370830e+01, v1;
	v6 =	vld [tilespmem:s7+$0x11DF0]  }
0x308: {  	v7 =	vld [tilespmem:s6+$0x11C00];
	[tilespmem:s7+$0x11D90] =	vst v5;
	v0 =	vmul.f32 $1.131370830e+01, v0  }
0x309: {  	v5 =	vld [tilespmem:s6+$0x11C10];
	[tilespmem:s7+$0x11DA0] =	vst v1;
	v1 =	vmul.f32 $1.131370830e+01, v2  }
0x30a: {  	v2 =	vld [tilespmem:s6+$0x11C20];
	[tilespmem:s7+$0x11DB0] =	vst v0;
	v0 =	vmul.f32 $1.131370830e+01, v3  }
0x30b: {  	v3 =	vld [tilespmem:s6+$0x11C30];
	[tilespmem:s7+$0x11DC0] =	vst v1;
	v1 =	vmul.f32 $1.131370830e+01, v4  }
0x30c: {  	v4 =	vld [tilespmem:s6+$0x11C40];
	[tilespmem:s7+$0x11DD0] =	vst v0;
	v0 =	vmul.f32 $1.131370830e+01, v6  }
0x30d: {  	v6 =	vmul.f32 $1.131370830e+01, v7;
	v7 =	vld [tilespmem:s6+$0x11C50];
	[tilespmem:s7+$0x11DE0] =	vst v1  }
0x30e: {  	v1 =	vmul.f32 $1.131370830e+01, v5;
	v5 =	vld [tilespmem:s6+$0x11C60];
	[tilespmem:s7+$0x11DF0] =	vst v0;
	s7 =	smov.u32 s6  }
0x30f: {  	[tilespmem:s7+$0x11C00] =	vst v6;
	v0 =	vmul.f32 $1.131370830e+01, v2;
	v2 =	vld [tilespmem:s7+$0x11C70]  }
0x310: {  	[tilespmem:s7+$0x11C10] =	vst v1;
	v1 =	vmul.f32 $1.131370830e+01, v3;
	v3 =	vld [tilespmem:s7+$0x11C80]  }
0x311: {  	[tilespmem:s7+$0x11C20] =	vst v0;
	v0 =	vmul.f32 $1.131370830e+01, v4;
	v4 =	vld [tilespmem:s7+$0x11C90]  }
0x312: {  	[tilespmem:s7+$0x11C30] =	vst v1;
	v1 =	vmul.f32 $1.131370830e+01, v7;
	v6 =	vld [tilespmem:s7+$0x11CA0]  }
0x313: {  	[tilespmem:s7+$0x11C40] =	vst v0;
	v0 =	vmul.f32 $1.131370830e+01, v5;
	v5 =	vld [tilespmem:s7+$0x11CB0]  }
0x314: {  	[tilespmem:s7+$0x11C50] =	vst v1;
	v1 =	vmul.f32 $1.131370830e+01, v2;
	v2 =	vld [tilespmem:s7+$0x11CC0]  }
0x315: {  	[tilespmem:s7+$0x11C60] =	vst v0;
	v0 =	vmul.f32 $1.131370830e+01, v3;
	v3 =	vld [tilespmem:s7+$0x11CD0]  }
0x316: {  	[tilespmem:s7+$0x11C70] =	vst v1;
	v1 =	vmul.f32 $1.131370830e+01, v4;
	v4 =	vld [tilespmem:s7+$0x11CE0]  }
0x317: {  	[tilespmem:s7+$0x11C80] =	vst v0;
	v0 =	vmul.f32 $1.131370830e+01, v6;
	v6 =	vld [tilespmem:s7+$0x11CF0]  }
0x318: {  	[tilespmem:s7+$0x11C90] =	vst v1;
	v1 =	vmul.f32 $1.131370830e+01, v5;
	v5 =	vld [tilespmem:s7+$0x11D00]  }
0x319: {  	[tilespmem:s7+$0x11CA0] =	vst v0;
	v0 =	vmul.f32 $1.131370830e+01, v2;
	v2 =	vld [tilespmem:s7+$0x11D10]  }
0x31a: {  	[tilespmem:s7+$0x11CB0] =	vst v1;
	v1 =	vmul.f32 $1.131370830e+01, v3;
	v3 =	vld [tilespmem:s7+$0x11D20]  }
0x31b: {  	[tilespmem:s7+$0x11CC0] =	vst v0;
	v0 =	vmul.f32 $1.131370830e+01, v4;
	v4 =	vld [tilespmem:s7+$0x11D30]  }
0x31c: {  	[tilespmem:s7+$0x11CD0] =	vst v1;
	v1 =	vmul.f32 $1.131370830e+01, v6;
	v6 =	vld [tilespmem:s7+$0x11D40]  }
0x31d: {  	[tilespmem:s7+$0x11CE0] =	vst v0;
	v0 =	vmul.f32 $1.131370830e+01, v5;
	v5 =	vld [tilespmem:s7+$0x11D50]  }
0x31e: {  	[tilespmem:s7+$0x11CF0] =	vst v1;
	v1 =	vmul.f32 $1.131370830e+01, v2;
	v2 =	vld [tilespmem:s7+$0x11D60]  }
0x31f: {  	[tilespmem:s7+$0x11D00] =	vst v0;
	v0 =	vmul.f32 $1.131370830e+01, v3;
	v3 =	vld [tilespmem:s7+$0x11D70]  }
0x320: {  	[tilespmem:s7+$0x11D10] =	vst v1;
	v1 =	vmul.f32 $1.131370830e+01, v4;
	v4 =	vld [tilespmem:s7+$0x11D80]  }
0x321: {  	[tilespmem:s7+$0x11D20] =	vst v0;
	v0 =	vmul.f32 $1.131370830e+01, v6;
	v7 =	vld [tilespmem:s7+$0x11D90]  }
.Ltmp10:
0x322: {  	[tilespmem:s7+$0x11D30] =	vst v1;
	v5 =	vmul.f32 $1.131370830e+01, v5;
	v1 =	vld [tilespmem:s7+$0x11DA0];
	(pc) =	sbr.rel @p0 .LBB2_22-.Ltmp10, $4  }
0x323: {  	[tilespmem:s7+$0x11D40] =	vst v0;
	v6 =	vmul.f32 $1.131370830e+01, v2;
	v0 =	vld [tilespmem:s7+$0x11DB0]  }
0x324: {  	[tilespmem:s7+$0x11D50] =	vst v5;
	v5 =	vmul.f32 $1.131370830e+01, v3;
	v2 =	vld [tilespmem:s7+$0x11DC0]  }
0x325: {  	[tilespmem:s7+$0x11D60] =	vst v6;
	v6 =	vmul.f32 $1.131370830e+01, v4;
	v3 =	vld [tilespmem:s7+$0x11DD0]  }
0x326: {  	s8 =	sadd.s32 $0x800, s8;
	[tilespmem:s7+$0x11D70] =	vst v5;
	v5 =	vmul.f32 $1.131370830e+01, v7;
	v4 =	vld [tilespmem:s7+$0x11DE0]  }
0x327: {  	[tilespmem:s7+$0x11D80] =	vst v6;
	v1 =	vmul.f32 $1.131370830e+01, v1;
	v59 =	vld [tilespmem:s7+$0x11DF0]  }
0x328: {  	[tilespmem:s7+$0x11D90] =	vst v5;
	v0 =	vmul.f32 $1.131370830e+01, v0  }
0x329: {  	[tilespmem:s7+$0x11DA0] =	vst v1;
	v60 =	vmul.f32 $1.131370830e+01, v2  }
0x32a: {  	[tilespmem:s7+$0x11DB0] =	vst v0;
	v61 =	vmul.f32 $1.131370830e+01, v3  }
0x32b: {  	[tilespmem:s7+$0x11DC0] =	vst v60;
	v62 =	vmul.f32 $1.131370830e+01, v4  }
0x32c: {  	[tilespmem:s7+$0x11DD0] =	vst v61;
	v63 =	vmul.f32 $1.131370830e+01, v59  }
0x32d: {  	[tilespmem:s7+$0x11DE0] =	vst v62  }
0x32e: {  	s6 =	rddreg [dreg:$0x9];
	[tilespmem:s7+$0x11DF0] =	vst v63  }
0x32f: {  	[hbm4b:s6+s4] =	stream.linear.scatter [tilespmem:s26], [sflag:$0xA], $0x4000, $0x38;
	[tilespmem:$0x15C00] =	vst v63  }
0x330: {  	_ =	swait.ge [sflag:s29], $0x4000  }
0x331: {  	[sflag:s29] =	ssyncset.done $0x0  }
0x332: {  	[sflag:s29] =	ssyncadd.s32 $0xFFFFC000  }
0x333: {  	_ =	swait.ge [sflag:s31], $0x4000  }
0x334: {  	[sflag:s31] =	ssyncset.done $0x0  }
0x335: {  	[sflag:s31] =	ssyncadd.s32 $0xFFFFC000  }
0x336: {  	_ =	swait.ge [sflag:s0], $0x4000  }
0x337: {  	[sflag:s0] =	ssyncset.done $0x0  }
0x338: {  	[sflag:s0] =	ssyncadd.s32 $0xFFFFC000  }
0x339: {  	_ =	swait.ge [sflag:s22], $0x4000  }
0x33a: {  	[sflag:s22] =	ssyncset.done $0x0  }
0x33b: {  	[sflag:s22] =	ssyncadd.s32 $0xFFFFC000  }
0x33c: {  	_ =	swait.ge [sflag:s25], $0x4000  }
0x33d: {  	s15 =	rddreg [dreg:$0xb]  }
0x33e: {  	s16 =	rddreg [dreg:$0xa];
	s7 =	sadd.s32 $0x1, s15  }
0x33f: {  	p0 =	sne.s32 s7, s16  }
.Ltmp11:
0x340: {  	_ = 	snop;
	(pc) =	sbr.rel @p0 .LBB2_1-.Ltmp11, $3  }
0x341: {  	_ =	sdelay $0x1  }
0x342: {  	[sflag:s25] =	ssyncset.done $0x0  }
0x343: {  	[sflag:s25] =	ssyncadd.s32 $0xFFFFC000  }
0x344: {  	_ =	sfence.sel $0x180000  }
0x345: {  	[bflag:$0x0] =	sbarrier.arrive $0xFFFF  }
0x346: {  	_ =	strace $0x90000047  }
0x347: {  	s0 =	stileid.u32;
	[bflag:$0x2] =	sbarrier.arrive $0xFFFF  }
0x348: {  	p0 =	sne.s32 s0, $0x0;
	s0 =	rddreg [dreg:$0x3]  }
0x349: {  	s0 =	sadd.s32 @!p0 $0x100000, s0  }
0x34a: {  	[sflag:s0] =	ssyncadd.tile.s32 @!p0 $0x1;
	_ =	shalt  }
.Lfunc_end2:
_tile_overlayer_lowered:
.L_overlay_start_2:
0x34b: {  	(tag) =	ssettag $0x2  }
0x34c: {  	s0 =	rddreg [dreg:$0x0];
	s2 =	stileid.u32  }
0x34d: {  	s1 =	rddreg [dreg:$0x1];
	p0 =	sne.s32 s2, $0x0  }
0x34e: {  	s3 =	rddreg [dreg:$0x2];
	[bflag:$0x3] =	sbarrier.arrive $0xFFFF;
	s2 =	simm.s32 @!p0 $0x1C0B  }
0x34f: {  	[timem:s3], [sflag:s2] =	dma.local @!p0 [hbm:s0], s1  }
0x350: {  	s0 =	simm.s32 @!p0 $0xB  }
0x351: {  	_ =	swait.ge @!p0 [sflag:s0], s1  }
0x352: {  	s1 =	ssub.s32 @!p0 $0x0, s1;
	[sflag:s0] =	ssyncset.done @!p0 $0x0  }
0x353: {  	[sflag:s0] =	ssyncadd.s32 @!p0 s1  }
0x354: {  	[bflag:$0x3] =	sbarrier.arrive $0xFFFF  }
0x355: {  	_ =	shalt  }

</sc_bundles>
